<compile_context>
chip_gen: v7x
topology: tpu7x:2x2x1
jax: 0.10.2.dev20260603
libtpu: 0.0.44.dev20260713+nightly
codegen_flags: <defaults>
</compile_context>

<pallas_src>
import functools

import jax
import jax.numpy as jnp
from jax import lax
from jax.experimental import pallas as pl
from jax.experimental.pallas import tpu as pltpu
from jax.experimental.pallas import tpu_sc as plsc

_INFO = plsc.get_sparse_core_info()
_NC = _INFO.num_cores
_NS = _INFO.num_subcores
_NW = _NC * _NS


@functools.lru_cache(maxsize=None)
def _make_emb(batch: int, seq: int, vocab: int, dim: int):
    assert batch % _NW == 0
    bpw = batch // _NW
    half = 256
    while bpw % half:
        half //= 2
    nh = bpw // half
    mesh = plsc.VectorSubcoreMesh(core_axis_name="c", subcore_axis_name="s")

    @functools.partial(
        pl.kernel,
        mesh=mesh,
        out_type=jax.ShapeDtypeStruct((seq, dim, batch), jnp.float32),
        scratch_types=[
            pltpu.VMEM((seq, bpw), jnp.int32),
            pltpu.VMEM((vocab * (dim + 1),), jnp.float32),
            pltpu.VMEM((3, dim, half), jnp.float32),
            pltpu.SemaphoreType.DMA((3,)),
        ],
        compiler_params=pltpu.CompilerParams(
            use_tc_tiling_on_sc=True, needs_layout_passes=False
        ),
    )
    def emb(idx_hbm, table_hbm, out_hbm, idx_v, tab_v, plane_v, osem):
        wid = lax.axis_index("s") * _NC + lax.axis_index("c")
        wb = wid * bpw
        pltpu.sync_copy(idx_hbm.at[:, pl.ds(wb, bpw)], idx_v)
        pltpu.sync_copy(table_hbm, tab_v)

        def put(u):
            s, h = divmod(u, nh)
            return pltpu.make_async_copy(
                plane_v.at[u % 3],
                out_hbm.at[s, :, pl.ds(wb + h * half, half)],
                osem.at[u % 3],
            )

        for u in range(seq * nh):
            s, h = divmod(u, nh)
            if u >= 3:
                put(u - 3).wait()
            plane = plane_v.at[u % 3]

            @pl.loop(0, half // 16)
            def _bg(g):
                b0 = g * 16
                idx16 = idx_v[s, pl.ds(h * half + b0, 16)]
                addr = idx16 * (dim + 1)

                @plsc.parallel_loop(0, dim, unroll=8)
                def _d(d):
                    vec = plsc.load_gather(tab_v, [addr + d])
                    plane[d, pl.ds(b0, 16)] = vec

            put(u).start()

        for u in range(max(0, seq * nh - 3), seq * nh):
            put(u).wait()

    return emb


def kernel(inputs, table):
    b, s = inputs.shape
    vocab, dim = table.shape
    idx_t = inputs.T.astype(jnp.int32)
    tab1 = jnp.pad(table.astype(jnp.float32), ((0, 0), (0, 1))).reshape(-1)
    out_t = _make_emb(b, s, vocab, dim)(idx_t, tab1)
    return jnp.transpose(out_t, (2, 0, 1))

# --- scband reference (transcript-rebuilt; emitter-appended) ---
"""Pipeline reference for scband-my-model-87522843559651 (READ-ONLY COPY).

The authoritative reference and input builder live on the scoring server;
editing this copy changes nothing except your own understanding.
"""

import jax, jax.numpy as jnp
import numpy as np

VOCAB = 1000
EMBED_DIM = 64
BATCH = 16384
SEQ = 10

def setup_inputs(seed: int = 0) -> dict:
    key = jax.random.key(seed)
    k_idx, k_tab = jax.random.split(key)
    inputs = jax.random.randint(k_idx, (BATCH, SEQ), 0, VOCAB, dtype=jnp.int64 if jax.config.jax_enable_x64 else jnp.int32)
    table = jax.random.normal(k_tab, (VOCAB, EMBED_DIM), dtype=jnp.float32) * 0.05
    return {"inputs": inputs, "table": table}

def reference(inputs, table):
    # Faithful translation of tf.keras.layers.Embedding: gather rows of the table.
    return jnp.take(table, inputs, axis=0)

if __name__ == "__main__":
    import jax
    _d = setup_inputs()
    print(jax.jit(kernel)(*tuple(_d.values())))

</pallas_src>

<mosaic_0001>
#map = affine_map<(d0, d1) -> (0, 0)>
#map1 = affine_map<(d0, d1) -> (0)>
#map2 = affine_map<(d0, d1) -> (0, 0, 0)>
module attributes {stable_mosaic.version = 14 : i64} {
  func.func @emb(%arg0: i32, %arg1: i32, %arg2: memref<10x16384xi32, #tpu.memory_space<hbm>>, %arg3: memref<65000xf32, #tpu.memory_space<hbm>>, %arg4: memref<10x64x16384xf32, #tpu.memory_space<hbm>>, %arg5: memref<10x512xi32, #tpu.memory_space<vmem>>, %arg6: memref<65000xf32, #tpu.memory_space<vmem>>, %arg7: memref<3x64x256xf32, #tpu.memory_space<vmem>>, %arg8: memref<3x!tpu.dma_semaphore, #tpu.memory_space<semaphore_mem>>) attributes {dimension_semantics = [#tpu.dimension_semantics<core_parallel>, #tpu.dimension_semantics<subcore_parallel>], iteration_bounds = array<i64: 2, 16>, scalar_prefetch = 0 : i64, scratch_operands = 4 : i64, tpu.core_type = #tpu.core_type<sc_vector_subcore>, window_params = [{transform_indices = #map}, {transform_indices = #map1}, {transform_indices = #map2}]} {
    %mul3A = arith.constant 2 : i32
    %mul3A_0 = arith.muli %arg1, %mul3A : i32
    %add3A = arith.addi %mul3A_0, %arg0 : i32
    %mul3A_1 = arith.constant 512 : i32
    %mul3A_2 = arith.muli %add3A, %mul3A_1 : i32
    "tpu.region"() ({
      %run_scoped3A = tpu.sem_alloc : memref<!tpu.dma_semaphore, #tpu.memory_space<semaphore_mem>>
      %dma_start3A_960 = arith.constant 0 : i32
      %dma_start3A_961 = tpu.memref_slice %arg2[%dma_start3A_960, %mul3A_2] : memref<10x16384xi32, #tpu.memory_space<hbm>> -> memref<10x512xi32, #tpu.memory_space<hbm>>
      %dma_start3A_962 = arith.constant 0 : i32
      %dma_start3A_963 = tpu.memref_slice %arg2[%dma_start3A_962, %mul3A_2] : memref<10x16384xi32, #tpu.memory_space<hbm>> -> memref<10x512xi32, #tpu.memory_space<hbm>>
      tpu.enqueue_dma source(%dma_start3A_963 : memref<10x512xi32, #tpu.memory_space<hbm>>) target(%arg5 : memref<10x512xi32, #tpu.memory_space<vmem>>) target_semaphore(%run_scoped3A : memref<!tpu.dma_semaphore, #tpu.memory_space<semaphore_mem>>)
      %dma_wait3A_964 = arith.constant 0 : i32
      %dma_wait3A_965 = tpu.memref_slice %arg2[%dma_wait3A_964, %mul3A_2] : memref<10x16384xi32, #tpu.memory_space<hbm>> -> memref<10x512xi32, #tpu.memory_space<hbm>>
      %dma_wait3A_966 = arith.constant 0 : i32
      %dma_wait3A_967 = tpu.memref_slice %arg2[%dma_wait3A_966, %mul3A_2] : memref<10x16384xi32, #tpu.memory_space<hbm>> -> memref<10x512xi32, #tpu.memory_space<hbm>>
      tpu.wait_dma2 semaphore(%run_scoped3A : memref<!tpu.dma_semaphore, #tpu.memory_space<semaphore_mem>>) src(%dma_wait3A_967 : memref<10x512xi32, #tpu.memory_space<hbm>>) dst(%arg5 : memref<10x512xi32, #tpu.memory_space<vmem>>)
      tpu.yield
    }) : () -> ()
    "tpu.region"() ({
      %run_scoped3A = tpu.sem_alloc : memref<!tpu.dma_semaphore, #tpu.memory_space<semaphore_mem>>
      tpu.enqueue_dma source(%arg3 : memref<65000xf32, #tpu.memory_space<hbm>>) target(%arg6 : memref<65000xf32, #tpu.memory_space<vmem>>) target_semaphore(%run_scoped3A : memref<!tpu.dma_semaphore, #tpu.memory_space<semaphore_mem>>)
      tpu.wait_dma2 semaphore(%run_scoped3A : memref<!tpu.dma_semaphore, #tpu.memory_space<semaphore_mem>>) src(%arg3 : memref<65000xf32, #tpu.memory_space<hbm>>) dst(%arg6 : memref<65000xf32, #tpu.memory_space<vmem>>)
      tpu.yield
    }) : () -> ()
    %scan3A = arith.constant 0 : i32
    %scan3A_3 = arith.constant 0 : i32
    %scan3A_4 = arith.constant 16 : i32
    %scan3A_5 = arith.addi %scan3A_3, %scan3A_4 : i32
    %scan3A_6 = arith.constant 1 : i32
    scf.for %scan3A_960 = %scan3A_3 to %scan3A_5 step %scan3A_6  : i32 {
      %mul3A_961 = arith.constant 1 : i32
      %mul3A_962 = arith.muli %scan3A_960, %mul3A_961 : i32
      %add3A_963 = arith.constant 0 : i32
      %add3A_964 = arith.addi %add3A_963, %mul3A_962 : i32
      %mul3A_965 = arith.constant 16 : i32
      %mul3A_966 = arith.muli %add3A_964, %mul3A_965 : i32
      %add3A_967 = arith.constant 0 : i32
      %add3A_968 = arith.addi %add3A_967, %mul3A_966 : i32
      %get3A = arith.constant 0 : i32
      %get3A_969 = arith.index_cast %get3A : i32 to index
      %get3A_970 = arith.index_cast %add3A_968 : i32 to index
      %get3A_971 = tpu.vector_load %arg5[%get3A_969, %get3A_970] {strides = array<i32>} : memref<10x512xi32, #tpu.memory_space<vmem>>, vector<16xi32>,
      %mul3A_972 = arith.constant 65 : i32
      %mul3A_973 = vector.broadcast %mul3A_972 : i32 to vector<16xi32>
      %mul3A_974 = arith.muli %get3A_971, %mul3A_973 : vector<16xi32>
      %parallel_loop3A = arith.constant 0 : i32
      %parallel_loop3A_975 = arith.constant 64 : i32
      %parallel_loop3A_976 = arith.constant 1 : i32
      scf.for %parallel_loop3A_977 = %parallel_loop3A to %parallel_loop3A_975 step %parallel_loop3A_976  : i32 {
        %parallel_loop3A_978 = vector.broadcast %parallel_loop3A_977 : i32 to vector<16xi32>
        %parallel_loop3A_979 = arith.addi %mul3A_974, %parallel_loop3A_978 : vector<16xi32>
        %parallel_loop3A_980 = tpu.vector_load_idx %arg6[%parallel_loop3A_979] : memref<65000xf32, #tpu.memory_space<vmem>>[vector<16xi32>], vector<16xf32>,
        %parallel_loop3A_981 = arith.constant 0 : i32
        %parallel_loop3A_982 = arith.constant 0 : i32
        %parallel_loop3A_983 = tpu.memref_slice %arg7[%scan3A, %parallel_loop3A_981, %parallel_loop3A_982] : memref<3x64x256xf32, #tpu.memory_space<vmem>> -> memref<1x64x256xf32, #tpu.memory_space<vmem>>
        %parallel_loop3A_984 = tpu.memref_squeeze %parallel_loop3A_983 : memref<1x64x256xf32, #tpu.memory_space<vmem>> -> memref<64x256xf32, #tpu.memory_space<vmem>>
        %parallel_loop3A_985 = arith.index_cast %parallel_loop3A_977 : i32 to index
        %parallel_loop3A_986 = arith.index_cast %mul3A_966 : i32 to index
        %parallel_loop3A_987 = tpu.vector_load %parallel_loop3A_984[%parallel_loop3A_985, %parallel_loop3A_986] {strides = array<i32>} : memref<64x256xf32, #tpu.memory_space<vmem>>, vector<16xf32>,
        tpu.vector_store %parallel_loop3A_984[%parallel_loop3A_985, %parallel_loop3A_986], %parallel_loop3A_980 {strides = array<i32>} : memref<64x256xf32, #tpu.memory_space<vmem>>, vector<16xf32>,
      } {sc.loop_unroll_factor = 8 : i64, sc.parallel_access}
    }
    %scan3A_7 = arith.constant 16 : i32
    %add3A_8 = arith.constant 0 : i32
    %add3A_9 = arith.addi %mul3A_2, %add3A_8 : i32
    %dma_start3A = arith.constant 0 : i32
    %dma_start3A_10 = arith.constant 0 : i32
    %dma_start3A_11 = arith.constant 0 : i32
    %dma_start3A_12 = arith.constant 0 : i32
    %dma_start3A_13 = arith.constant 0 : i32
    %dma_start3A_14 = tpu.memref_slice %arg7[%dma_start3A, %dma_start3A_12, %dma_start3A_13] : memref<3x64x256xf32, #tpu.memory_space<vmem>> -> memref<1x64x256xf32, #tpu.memory_space<vmem>>
    %dma_start3A_15 = tpu.memref_squeeze %dma_start3A_14 : memref<1x64x256xf32, #tpu.memory_space<vmem>> -> memref<64x256xf32, #tpu.memory_space<vmem>>
    %dma_start3A_16 = arith.constant 0 : i32
    %dma_start3A_17 = tpu.memref_slice %arg4[%dma_start3A_10, %dma_start3A_16, %add3A_9] : memref<10x64x16384xf32, #tpu.memory_space<hbm>> -> memref<1x64x256xf32, #tpu.memory_space<hbm>>
    %dma_start3A_18 = tpu.memref_squeeze %dma_start3A_17 : memref<1x64x256xf32, #tpu.memory_space<hbm>> -> memref<64x256xf32, #tpu.memory_space<hbm>>
    %dma_start3A_19 = tpu.memref_slice %arg8[%dma_start3A_11] : memref<3x!tpu.dma_semaphore, #tpu.memory_space<semaphore_mem>> -> memref<1x!tpu.dma_semaphore, #tpu.memory_space<semaphore_mem>>
    %dma_start3A_20 = tpu.memref_squeeze %dma_start3A_19 : memref<1x!tpu.dma_semaphore, #tpu.memory_space<semaphore_mem>> -> memref<!tpu.dma_semaphore, #tpu.memory_space<semaphore_mem>>
    %dma_start3A_21 = arith.constant 0 : i32
    %dma_start3A_22 = tpu.memref_slice %arg4[%dma_start3A_10, %dma_start3A_21, %add3A_9] : memref<10x64x16384xf32, #tpu.memory_space<hbm>> -> memref<1x64x256xf32, #tpu.memory_space<hbm>>
    %dma_start3A_23 = tpu.memref_squeeze %dma_start3A_22 : memref<1x64x256xf32, #tpu.memory_space<hbm>> -> memref<64x256xf32, #tpu.memory_space<hbm>>
    %dma_start3A_24 = arith.constant 0 : i32
    %dma_start3A_25 = arith.constant 0 : i32
    %dma_start3A_26 = tpu.memref_slice %arg7[%dma_start3A, %dma_start3A_24, %dma_start3A_25] : memref<3x64x256xf32, #tpu.memory_space<vmem>> -> memref<1x64x256xf32, #tpu.memory_space<vmem>>
    %dma_start3A_27 = tpu.memref_squeeze %dma_start3A_26 : memref<1x64x256xf32, #tpu.memory_space<vmem>> -> memref<64x256xf32, #tpu.memory_space<vmem>>
    tpu.enqueue_dma source(%dma_start3A_27 : memref<64x256xf32, #tpu.memory_space<vmem>>) target(%dma_start3A_23 : memref<64x256xf32, #tpu.memory_space<hbm>>) target_semaphore(%dma_start3A_20 : memref<!tpu.dma_semaphore, #tpu.memory_space<semaphore_mem>>)
    %scan3A_28 = arith.constant 1 : i32
    %scan3A_29 = arith.constant 0 : i32
    %scan3A_30 = arith.constant 16 : i32
    %scan3A_31 = arith.addi %scan3A_29, %scan3A_30 : i32
    %scan3A_32 = arith.constant 1 : i32
    scf.for %scan3A_960 = %scan3A_29 to %scan3A_31 step %scan3A_32  : i32 {
      %mul3A_961 = arith.constant 1 : i32
      %mul3A_962 = arith.muli %scan3A_960, %mul3A_961 : i32
      %add3A_963 = arith.constant 0 : i32
      %add3A_964 = arith.addi %add3A_963, %mul3A_962 : i32
      %mul3A_965 = arith.constant 16 : i32
      %mul3A_966 = arith.muli %add3A_964, %mul3A_965 : i32
      %add3A_967 = arith.constant 256 : i32
      %add3A_968 = arith.addi %add3A_967, %mul3A_966 : i32
      %get3A = arith.constant 0 : i32
      %get3A_969 = arith.index_cast %get3A : i32 to index
      %get3A_970 = arith.index_cast %add3A_968 : i32 to index
      %get3A_971 = tpu.vector_load %arg5[%get3A_969, %get3A_970] {strides = array<i32>} : memref<10x512xi32, #tpu.memory_space<vmem>>, vector<16xi32>,
      %mul3A_972 = arith.constant 65 : i32
      %mul3A_973 = vector.broadcast %mul3A_972 : i32 to vector<16xi32>
      %mul3A_974 = arith.muli %get3A_971, %mul3A_973 : vector<16xi32>
      %parallel_loop3A = arith.constant 0 : i32
      %parallel_loop3A_975 = arith.constant 64 : i32
      %parallel_loop3A_976 = arith.constant 1 : i32
      scf.for %parallel_loop3A_977 = %parallel_loop3A to %parallel_loop3A_975 step %parallel_loop3A_976  : i32 {
        %parallel_loop3A_978 = vector.broadcast %parallel_loop3A_977 : i32 to vector<16xi32>
        %parallel_loop3A_979 = arith.addi %mul3A_974, %parallel_loop3A_978 : vector<16xi32>
        %parallel_loop3A_980 = tpu.vector_load_idx %arg6[%parallel_loop3A_979] : memref<65000xf32, #tpu.memory_space<vmem>>[vector<16xi32>], vector<16xf32>,
        %parallel_loop3A_981 = arith.constant 0 : i32
        %parallel_loop3A_982 = arith.constant 0 : i32
        %parallel_loop3A_983 = tpu.memref_slice %arg7[%scan3A_28, %parallel_loop3A_981, %parallel_loop3A_982] : memref<3x64x256xf32, #tpu.memory_space<vmem>> -> memref<1x64x256xf32, #tpu.memory_space<vmem>>
        %parallel_loop3A_984 = tpu.memref_squeeze %parallel_loop3A_983 : memref<1x64x256xf32, #tpu.memory_space<vmem>> -> memref<64x256xf32, #tpu.memory_space<vmem>>
        %parallel_loop3A_985 = arith.index_cast %parallel_loop3A_977 : i32 to index
        %parallel_loop3A_986 = arith.index_cast %mul3A_966 : i32 to index
        %parallel_loop3A_987 = tpu.vector_load %parallel_loop3A_984[%parallel_loop3A_985, %parallel_loop3A_986] {strides = array<i32>} : memref<64x256xf32, #tpu.memory_space<vmem>>, vector<16xf32>,
        tpu.vector_store %parallel_loop3A_984[%parallel_loop3A_985, %parallel_loop3A_986], %parallel_loop3A_980 {strides = array<i32>} : memref<64x256xf32, #tpu.memory_space<vmem>>, vector<16xf32>,
      } {sc.loop_unroll_factor = 8 : i64, sc.parallel_access}
    }
    %scan3A_33 = arith.constant 16 : i32
    %add3A_34 = arith.constant 256 : i32
    %add3A_35 = arith.addi %mul3A_2, %add3A_34 : i32
    %dma_start3A_36 = arith.constant 1 : i32
    %dma_start3A_37 = arith.constant 0 : i32
    %dma_start3A_38 = arith.constant 1 : i32
    %dma_start3A_39 = arith.constant 0 : i32
    %dma_start3A_40 = arith.constant 0 : i32
    %dma_start3A_41 = tpu.memref_slice %arg7[%dma_start3A_36, %dma_start3A_39, %dma_start3A_40] : memref<3x64x256xf32, #tpu.memory_space<vmem>> -> memref<1x64x256xf32, #tpu.memory_space<vmem>>
    %dma_start3A_42 = tpu.memref_squeeze %dma_start3A_41 : memref<1x64x256xf32, #tpu.memory_space<vmem>> -> memref<64x256xf32, #tpu.memory_space<vmem>>
    %dma_start3A_43 = arith.constant 0 : i32
    %dma_start3A_44 = tpu.memref_slice %arg4[%dma_start3A_37, %dma_start3A_43, %add3A_35] : memref<10x64x16384xf32, #tpu.memory_space<hbm>> -> memref<1x64x256xf32, #tpu.memory_space<hbm>>
    %dma_start3A_45 = tpu.memref_squeeze %dma_start3A_44 : memref<1x64x256xf32, #tpu.memory_space<hbm>> -> memref<64x256xf32, #tpu.memory_space<hbm>>
    %dma_start3A_46 = tpu.memref_slice %arg8[%dma_start3A_38] : memref<3x!tpu.dma_semaphore, #tpu.memory_space<semaphore_mem>> -> memref<1x!tpu.dma_semaphore, #tpu.memory_space<semaphore_mem>>
    %dma_start3A_47 = tpu.memref_squeeze %dma_start3A_46 : memref<1x!tpu.dma_semaphore, #tpu.memory_space<semaphore_mem>> -> memref<!tpu.dma_semaphore, #tpu.memory_space<semaphore_mem>>
    %dma_start3A_48 = arith.constant 0 : i32
    %dma_start3A_49 = tpu.memref_slice %arg4[%dma_start3A_37, %dma_start3A_48, %add3A_35] : memref<10x64x16384xf32, #tpu.memory_space<hbm>> -> memref<1x64x256xf32, #tpu.memory_space<hbm>>
    %dma_start3A_50 = tpu.memref_squeeze %dma_start3A_49 : memref<1x64x256xf32, #tpu.memory_space<hbm>> -> memref<64x256xf32, #tpu.memory_space<hbm>>
    %dma_start3A_51 = arith.constant 0 : i32
    %dma_start3A_52 = arith.constant 0 : i32
    %dma_start3A_53 = tpu.memref_slice %arg7[%dma_start3A_36, %dma_start3A_51, %dma_start3A_52] : memref<3x64x256xf32, #tpu.memory_space<vmem>> -> memref<1x64x256xf32, #tpu.memory_space<vmem>>
    %dma_start3A_54 = tpu.memref_squeeze %dma_start3A_53 : memref<1x64x256xf32, #tpu.memory_space<vmem>> -> memref<64x256xf32, #tpu.memory_space<vmem>>
    tpu.enqueue_dma source(%dma_start3A_54 : memref<64x256xf32, #tpu.memory_space<vmem>>) target(%dma_start3A_50 : memref<64x256xf32, #tpu.memory_space<hbm>>) target_semaphore(%dma_start3A_47 : memref<!tpu.dma_semaphore, #tpu.memory_space<semaphore_mem>>)
    %scan3A_55 = arith.constant 2 : i32
    %scan3A_56 = arith.constant 0 : i32
    %scan3A_57 = arith.constant 16 : i32
    %scan3A_58 = arith.addi %scan3A_56, %scan3A_57 : i32
    %scan3A_59 = arith.constant 1 : i32
    scf.for %scan3A_960 = %scan3A_56 to %scan3A_58 step %scan3A_59  : i32 {
      %mul3A_961 = arith.constant 1 : i32
      %mul3A_962 = arith.muli %scan3A_960, %mul3A_961 : i32
      %add3A_963 = arith.constant 0 : i32
      %add3A_964 = arith.addi %add3A_963, %mul3A_962 : i32
      %mul3A_965 = arith.constant 16 : i32
      %mul3A_966 = arith.muli %add3A_964, %mul3A_965 : i32
      %add3A_967 = arith.constant 0 : i32
      %add3A_968 = arith.addi %add3A_967, %mul3A_966 : i32
      %get3A = arith.constant 1 : i32
      %get3A_969 = arith.index_cast %get3A : i32 to index
      %get3A_970 = arith.index_cast %add3A_968 : i32 to index
      %get3A_971 = tpu.vector_load %arg5[%get3A_969, %get3A_970] {strides = array<i32>} : memref<10x512xi32, #tpu.memory_space<vmem>>, vector<16xi32>,
      %mul3A_972 = arith.constant 65 : i32
      %mul3A_973 = vector.broadcast %mul3A_972 : i32 to vector<16xi32>
      %mul3A_974 = arith.muli %get3A_971, %mul3A_973 : vector<16xi32>
      %parallel_loop3A = arith.constant 0 : i32
      %parallel_loop3A_975 = arith.constant 64 : i32
      %parallel_loop3A_976 = arith.constant 1 : i32
      scf.for %parallel_loop3A_977 = %parallel_loop3A to %parallel_loop3A_975 step %parallel_loop3A_976  : i32 {
        %parallel_loop3A_978 = vector.broadcast %parallel_loop3A_977 : i32 to vector<16xi32>
        %parallel_loop3A_979 = arith.addi %mul3A_974, %parallel_loop3A_978 : vector<16xi32>
        %parallel_loop3A_980 = tpu.vector_load_idx %arg6[%parallel_loop3A_979] : memref<65000xf32, #tpu.memory_space<vmem>>[vector<16xi32>], vector<16xf32>,
        %parallel_loop3A_981 = arith.constant 0 : i32
        %parallel_loop3A_982 = arith.constant 0 : i32
        %parallel_loop3A_983 = tpu.memref_slice %arg7[%scan3A_55, %parallel_loop3A_981, %parallel_loop3A_982] : memref<3x64x256xf32, #tpu.memory_space<vmem>> -> memref<1x64x256xf32, #tpu.memory_space<vmem>>
        %parallel_loop3A_984 = tpu.memref_squeeze %parallel_loop3A_983 : memref<1x64x256xf32, #tpu.memory_space<vmem>> -> memref<64x256xf32, #tpu.memory_space<vmem>>
        %parallel_loop3A_985 = arith.index_cast %parallel_loop3A_977 : i32 to index
        %parallel_loop3A_986 = arith.index_cast %mul3A_966 : i32 to index
        %parallel_loop3A_987 = tpu.vector_load %parallel_loop3A_984[%parallel_loop3A_985, %parallel_loop3A_986] {strides = array<i32>} : memref<64x256xf32, #tpu.memory_space<vmem>>, vector<16xf32>,
        tpu.vector_store %parallel_loop3A_984[%parallel_loop3A_985, %parallel_loop3A_986], %parallel_loop3A_980 {strides = array<i32>} : memref<64x256xf32, #tpu.memory_space<vmem>>, vector<16xf32>,
      } {sc.loop_unroll_factor = 8 : i64, sc.parallel_access}
    }
    %scan3A_60 = arith.constant 16 : i32
    %add3A_61 = arith.constant 0 : i32
    %add3A_62 = arith.addi %mul3A_2, %add3A_61 : i32
    %dma_start3A_63 = arith.constant 2 : i32
    %dma_start3A_64 = arith.constant 1 : i32
    %dma_start3A_65 = arith.constant 2 : i32
    %dma_start3A_66 = arith.constant 0 : i32
    %dma_start3A_67 = arith.constant 0 : i32
    %dma_start3A_68 = tpu.memref_slice %arg7[%dma_start3A_63, %dma_start3A_66, %dma_start3A_67] : memref<3x64x256xf32, #tpu.memory_space<vmem>> -> memref<1x64x256xf32, #tpu.memory_space<vmem>>
    %dma_start3A_69 = tpu.memref_squeeze %dma_start3A_68 : memref<1x64x256xf32, #tpu.memory_space<vmem>> -> memref<64x256xf32, #tpu.memory_space<vmem>>
    %dma_start3A_70 = arith.constant 0 : i32
    %dma_start3A_71 = tpu.memref_slice %arg4[%dma_start3A_64, %dma_start3A_70, %add3A_62] : memref<10x64x16384xf32, #tpu.memory_space<hbm>> -> memref<1x64x256xf32, #tpu.memory_space<hbm>>
    %dma_start3A_72 = tpu.memref_squeeze %dma_start3A_71 : memref<1x64x256xf32, #tpu.memory_space<hbm>> -> memref<64x256xf32, #tpu.memory_space<hbm>>
    %dma_start3A_73 = tpu.memref_slice %arg8[%dma_start3A_65] : memref<3x!tpu.dma_semaphore, #tpu.memory_space<semaphore_mem>> -> memref<1x!tpu.dma_semaphore, #tpu.memory_space<semaphore_mem>>
    %dma_start3A_74 = tpu.memref_squeeze %dma_start3A_73 : memref<1x!tpu.dma_semaphore, #tpu.memory_space<semaphore_mem>> -> memref<!tpu.dma_semaphore, #tpu.memory_space<semaphore_mem>>
    %dma_start3A_75 = arith.constant 0 : i32
    %dma_start3A_76 = tpu.memref_slice %arg4[%dma_start3A_64, %dma_start3A_75, %add3A_62] : memref<10x64x16384xf32, #tpu.memory_space<hbm>> -> memref<1x64x256xf32, #tpu.memory_space<hbm>>
    %dma_start3A_77 = tpu.memref_squeeze %dma_start3A_76 : memref<1x64x256xf32, #tpu.memory_space<hbm>> -> memref<64x256xf32, #tpu.memory_space<hbm>>
    %dma_start3A_78 = arith.constant 0 : i32
    %dma_start3A_79 = arith.constant 0 : i32
    %dma_start3A_80 = tpu.memref_slice %arg7[%dma_start3A_63, %dma_start3A_78, %dma_start3A_79] : memref<3x64x256xf32, #tpu.memory_space<vmem>> -> memref<1x64x256xf32, #tpu.memory_space<vmem>>
    %dma_start3A_81 = tpu.memref_squeeze %dma_start3A_80 : memref<1x64x256xf32, #tpu.memory_space<vmem>> -> memref<64x256xf32, #tpu.memory_space<vmem>>
    tpu.enqueue_dma source(%dma_start3A_81 : memref<64x256xf32, #tpu.memory_space<vmem>>) target(%dma_start3A_77 : memref<64x256xf32, #tpu.memory_space<hbm>>) target_semaphore(%dma_start3A_74 : memref<!tpu.dma_semaphore, #tpu.memory_space<semaphore_mem>>)
    %add3A_82 = arith.constant 0 : i32
    %add3A_83 = arith.addi %mul3A_2, %add3A_82 : i32
    %dma_wait3A = arith.constant 0 : i32
    %dma_wait3A_84 = arith.constant 0 : i32
    %dma_wait3A_85 = arith.constant 0 : i32
    %dma_wait3A_86 = arith.constant 0 : i32
    %dma_wait3A_87 = arith.constant 0 : i32
    %dma_wait3A_88 = tpu.memref_slice %arg7[%dma_wait3A, %dma_wait3A_86, %dma_wait3A_87] : memref<3x64x256xf32, #tpu.memory_space<vmem>> -> memref<1x64x256xf32, #tpu.memory_space<vmem>>
    %dma_wait3A_89 = tpu.memref_squeeze %dma_wait3A_88 : memref<1x64x256xf32, #tpu.memory_space<vmem>> -> memref<64x256xf32, #tpu.memory_space<vmem>>
    %dma_wait3A_90 = arith.constant 0 : i32
    %dma_wait3A_91 = tpu.memref_slice %arg4[%dma_wait3A_84, %dma_wait3A_90, %add3A_83] : memref<10x64x16384xf32, #tpu.memory_space<hbm>> -> memref<1x64x256xf32, #tpu.memory_space<hbm>>
    %dma_wait3A_92 = tpu.memref_squeeze %dma_wait3A_91 : memref<1x64x256xf32, #tpu.memory_space<hbm>> -> memref<64x256xf32, #tpu.memory_space<hbm>>
    %dma_wait3A_93 = tpu.memref_slice %arg8[%dma_wait3A_85] : memref<3x!tpu.dma_semaphore, #tpu.memory_space<semaphore_mem>> -> memref<1x!tpu.dma_semaphore, #tpu.memory_space<semaphore_mem>>
    %dma_wait3A_94 = tpu.memref_squeeze %dma_wait3A_93 : memref<1x!tpu.dma_semaphore, #tpu.memory_space<semaphore_mem>> -> memref<!tpu.dma_semaphore, #tpu.memory_space<semaphore_mem>>
    %dma_wait3A_95 = arith.constant 0 : i32
    %dma_wait3A_96 = tpu.memref_slice %arg4[%dma_wait3A_84, %dma_wait3A_95, %add3A_83] : memref<10x64x16384xf32, #tpu.memory_space<hbm>> -> memref<1x64x256xf32, #tpu.memory_space<hbm>>
    %dma_wait3A_97 = tpu.memref_squeeze %dma_wait3A_96 : memref<1x64x256xf32, #tpu.memory_space<hbm>> -> memref<64x256xf32, #tpu.memory_space<hbm>>
    %dma_wait3A_98 = arith.constant 0 : i32
    %dma_wait3A_99 = arith.constant 0 : i32
    %dma_wait3A_100 = tpu.memref_slice %arg7[%dma_wait3A, %dma_wait3A_98, %dma_wait3A_99] : memref<3x64x256xf32, #tpu.memory_space<vmem>> -> memref<1x64x256xf32, #tpu.memory_space<vmem>>
    %dma_wait3A_101 = tpu.memref_squeeze %dma_wait3A_100 : memref<1x64x256xf32, #tpu.memory_space<vmem>> -> memref<64x256xf32, #tpu.memory_space<vmem>>
    tpu.wait_dma2 semaphore(%dma_wait3A_94 : memref<!tpu.dma_semaphore, #tpu.memory_space<semaphore_mem>>) src(%dma_wait3A_101 : memref<64x256xf32, #tpu.memory_space<vmem>>) dst(%dma_wait3A_97 : memref<64x256xf32, #tpu.memory_space<hbm>>)
    %scan3A_102 = arith.constant 0 : i32
    %scan3A_103 = arith.constant 0 : i32
    %scan3A_104 = arith.constant 16 : i32
    %scan3A_105 = arith.addi %scan3A_103, %scan3A_104 : i32
    %scan3A_106 = arith.constant 1 : i32
    scf.for %scan3A_960 = %scan3A_103 to %scan3A_105 step %scan3A_106  : i32 {
      %mul3A_961 = arith.constant 1 : i32
      %mul3A_962 = arith.muli %scan3A_960, %mul3A_961 : i32
      %add3A_963 = arith.constant 0 : i32
      %add3A_964 = arith.addi %add3A_963, %mul3A_962 : i32
      %mul3A_965 = arith.constant 16 : i32
      %mul3A_966 = arith.muli %add3A_964, %mul3A_965 : i32
      %add3A_967 = arith.constant 256 : i32
      %add3A_968 = arith.addi %add3A_967, %mul3A_966 : i32
      %get3A = arith.constant 1 : i32
      %get3A_969 = arith.index_cast %get3A : i32 to index
      %get3A_970 = arith.index_cast %add3A_968 : i32 to index
      %get3A_971 = tpu.vector_load %arg5[%get3A_969, %get3A_970] {strides = array<i32>} : memref<10x512xi32, #tpu.memory_space<vmem>>, vector<16xi32>,
      %mul3A_972 = arith.constant 65 : i32
      %mul3A_973 = vector.broadcast %mul3A_972 : i32 to vector<16xi32>
      %mul3A_974 = arith.muli %get3A_971, %mul3A_973 : vector<16xi32>
      %parallel_loop3A = arith.constant 0 : i32
      %parallel_loop3A_975 = arith.constant 64 : i32
      %parallel_loop3A_976 = arith.constant 1 : i32
      scf.for %parallel_loop3A_977 = %parallel_loop3A to %parallel_loop3A_975 step %parallel_loop3A_976  : i32 {
        %parallel_loop3A_978 = vector.broadcast %parallel_loop3A_977 : i32 to vector<16xi32>
        %parallel_loop3A_979 = arith.addi %mul3A_974, %parallel_loop3A_978 : vector<16xi32>
        %parallel_loop3A_980 = tpu.vector_load_idx %arg6[%parallel_loop3A_979] : memref<65000xf32, #tpu.memory_space<vmem>>[vector<16xi32>], vector<16xf32>,
        %parallel_loop3A_981 = arith.constant 0 : i32
        %parallel_loop3A_982 = arith.constant 0 : i32
        %parallel_loop3A_983 = tpu.memref_slice %arg7[%scan3A_102, %parallel_loop3A_981, %parallel_loop3A_982] : memref<3x64x256xf32, #tpu.memory_space<vmem>> -> memref<1x64x256xf32, #tpu.memory_space<vmem>>
        %parallel_loop3A_984 = tpu.memref_squeeze %parallel_loop3A_983 : memref<1x64x256xf32, #tpu.memory_space<vmem>> -> memref<64x256xf32, #tpu.memory_space<vmem>>
        %parallel_loop3A_985 = arith.index_cast %parallel_loop3A_977 : i32 to index
        %parallel_loop3A_986 = arith.index_cast %mul3A_966 : i32 to index
        %parallel_loop3A_987 = tpu.vector_load %parallel_loop3A_984[%parallel_loop3A_985, %parallel_loop3A_986] {strides = array<i32>} : memref<64x256xf32, #tpu.memory_space<vmem>>, vector<16xf32>,
        tpu.vector_store %parallel_loop3A_984[%parallel_loop3A_985, %parallel_loop3A_986], %parallel_loop3A_980 {strides = array<i32>} : memref<64x256xf32, #tpu.memory_space<vmem>>, vector<16xf32>,
      } {sc.loop_unroll_factor = 8 : i64, sc.parallel_access}
    }
    %scan3A_107 = arith.constant 16 : i32
    %add3A_108 = arith.constant 256 : i32
    %add3A_109 = arith.addi %mul3A_2, %add3A_108 : i32
    %dma_start3A_110 = arith.constant 0 : i32
    %dma_start3A_111 = arith.constant 1 : i32
    %dma_start3A_112 = arith.constant 0 : i32
    %dma_start3A_113 = arith.constant 0 : i32
    %dma_start3A_114 = arith.constant 0 : i32
    %dma_start3A_115 = tpu.memref_slice %arg7[%dma_start3A_110, %dma_start3A_113, %dma_start3A_114] : memref<3x64x256xf32, #tpu.memory_space<vmem>> -> memref<1x64x256xf32, #tpu.memory_space<vmem>>
    %dma_start3A_116 = tpu.memref_squeeze %dma_start3A_115 : memref<1x64x256xf32, #tpu.memory_space<vmem>> -> memref<64x256xf32, #tpu.memory_space<vmem>>
    %dma_start3A_117 = arith.constant 0 : i32
    %dma_start3A_118 = tpu.memref_slice %arg4[%dma_start3A_111, %dma_start3A_117, %add3A_109] : memref<10x64x16384xf32, #tpu.memory_space<hbm>> -> memref<1x64x256xf32, #tpu.memory_space<hbm>>
    %dma_start3A_119 = tpu.memref_squeeze %dma_start3A_118 : memref<1x64x256xf32, #tpu.memory_space<hbm>> -> memref<64x256xf32, #tpu.memory_space<hbm>>
    %dma_start3A_120 = tpu.memref_slice %arg8[%dma_start3A_112] : memref<3x!tpu.dma_semaphore, #tpu.memory_space<semaphore_mem>> -> memref<1x!tpu.dma_semaphore, #tpu.memory_space<semaphore_mem>>
    %dma_start3A_121 = tpu.memref_squeeze %dma_start3A_120 : memref<1x!tpu.dma_semaphore, #tpu.memory_space<semaphore_mem>> -> memref<!tpu.dma_semaphore, #tpu.memory_space<semaphore_mem>>
    %dma_start3A_122 = arith.constant 0 : i32
    %dma_start3A_123 = tpu.memref_slice %arg4[%dma_start3A_111, %dma_start3A_122, %add3A_109] : memref<10x64x16384xf32, #tpu.memory_space<hbm>> -> memref<1x64x256xf32, #tpu.memory_space<hbm>>
    %dma_start3A_124 = tpu.memref_squeeze %dma_start3A_123 : memref<1x64x256xf32, #tpu.memory_space<hbm>> -> memref<64x256xf32, #tpu.memory_space<hbm>>
    %dma_start3A_125 = arith.constant 0 : i32
    %dma_start3A_126 = arith.constant 0 : i32
    %dma_start3A_127 = tpu.memref_slice %arg7[%dma_start3A_110, %dma_start3A_125, %dma_start3A_126] : memref<3x64x256xf32, #tpu.memory_space<vmem>> -> memref<1x64x256xf32, #tpu.memory_space<vmem>>
    %dma_start3A_128 = tpu.memref_squeeze %dma_start3A_127 : memref<1x64x256xf32, #tpu.memory_space<vmem>> -> memref<64x256xf32, #tpu.memory_space<vmem>>
    tpu.enqueue_dma source(%dma_start3A_128 : memref<64x256xf32, #tpu.memory_space<vmem>>) target(%dma_start3A_124 : memref<64x256xf32, #tpu.memory_space<hbm>>) target_semaphore(%dma_start3A_121 : memref<!tpu.dma_semaphore, #tpu.memory_space<semaphore_mem>>)
    %add3A_129 = arith.constant 256 : i32
    %add3A_130 = arith.addi %mul3A_2, %add3A_129 : i32
    %dma_wait3A_131 = arith.constant 1 : i32
    %dma_wait3A_132 = arith.constant 0 : i32
    %dma_wait3A_133 = arith.constant 1 : i32
    %dma_wait3A_134 = arith.constant 0 : i32
    %dma_wait3A_135 = arith.constant 0 : i32
    %dma_wait3A_136 = tpu.memref_slice %arg7[%dma_wait3A_131, %dma_wait3A_134, %dma_wait3A_135] : memref<3x64x256xf32, #tpu.memory_space<vmem>> -> memref<1x64x256xf32, #tpu.memory_space<vmem>>
    %dma_wait3A_137 = tpu.memref_squeeze %dma_wait3A_136 : memref<1x64x256xf32, #tpu.memory_space<vmem>> -> memref<64x256xf32, #tpu.memory_space<vmem>>
    %dma_wait3A_138 = arith.constant 0 : i32
    %dma_wait3A_139 = tpu.memref_slice %arg4[%dma_wait3A_132, %dma_wait3A_138, %add3A_130] : memref<10x64x16384xf32, #tpu.memory_space<hbm>> -> memref<1x64x256xf32, #tpu.memory_space<hbm>>
    %dma_wait3A_140 = tpu.memref_squeeze %dma_wait3A_139 : memref<1x64x256xf32, #tpu.memory_space<hbm>> -> memref<64x256xf32, #tpu.memory_space<hbm>>
    %dma_wait3A_141 = tpu.memref_slice %arg8[%dma_wait3A_133] : memref<3x!tpu.dma_semaphore, #tpu.memory_space<semaphore_mem>> -> memref<1x!tpu.dma_semaphore, #tpu.memory_space<semaphore_mem>>
    %dma_wait3A_142 = tpu.memref_squeeze %dma_wait3A_141 : memref<1x!tpu.dma_semaphore, #tpu.memory_space<semaphore_mem>> -> memref<!tpu.dma_semaphore, #tpu.memory_space<semaphore_mem>>
    %dma_wait3A_143 = arith.constant 0 : i32
    %dma_wait3A_144 = tpu.memref_slice %arg4[%dma_wait3A_132, %dma_wait3A_143, %add3A_130] : memref<10x64x16384xf32, #tpu.memory_space<hbm>> -> memref<1x64x256xf32, #tpu.memory_space<hbm>>
    %dma_wait3A_145 = tpu.memref_squeeze %dma_wait3A_144 : memref<1x64x256xf32, #tpu.memory_space<hbm>> -> memref<64x256xf32, #tpu.memory_space<hbm>>
    %dma_wait3A_146 = arith.constant 0 : i32
    %dma_wait3A_147 = arith.constant 0 : i32
    %dma_wait3A_148 = tpu.memref_slice %arg7[%dma_wait3A_131, %dma_wait3A_146, %dma_wait3A_147] : memref<3x64x256xf32, #tpu.memory_space<vmem>> -> memref<1x64x256xf32, #tpu.memory_space<vmem>>
    %dma_wait3A_149 = tpu.memref_squeeze %dma_wait3A_148 : memref<1x64x256xf32, #tpu.memory_space<vmem>> -> memref<64x256xf32, #tpu.memory_space<vmem>>
    tpu.wait_dma2 semaphore(%dma_wait3A_142 : memref<!tpu.dma_semaphore, #tpu.memory_space<semaphore_mem>>) src(%dma_wait3A_149 : memref<64x256xf32, #tpu.memory_space<vmem>>) dst(%dma_wait3A_145 : memref<64x256xf32, #tpu.memory_space<hbm>>)
    %scan3A_150 = arith.constant 1 : i32
    %scan3A_151 = arith.constant 0 : i32
    %scan3A_152 = arith.constant 16 : i32
    %scan3A_153 = arith.addi %scan3A_151, %scan3A_152 : i32
    %scan3A_154 = arith.constant 1 : i32
    scf.for %scan3A_960 = %scan3A_151 to %scan3A_153 step %scan3A_154  : i32 {
      %mul3A_961 = arith.constant 1 : i32
      %mul3A_962 = arith.muli %scan3A_960, %mul3A_961 : i32
      %add3A_963 = arith.constant 0 : i32
      %add3A_964 = arith.addi %add3A_963, %mul3A_962 : i32
      %mul3A_965 = arith.constant 16 : i32
      %mul3A_966 = arith.muli %add3A_964, %mul3A_965 : i32
      %add3A_967 = arith.constant 0 : i32
      %add3A_968 = arith.addi %add3A_967, %mul3A_966 : i32
      %get3A = arith.constant 2 : i32
      %get3A_969 = arith.index_cast %get3A : i32 to index
      %get3A_970 = arith.index_cast %add3A_968 : i32 to index
      %get3A_971 = tpu.vector_load %arg5[%get3A_969, %get3A_970] {strides = array<i32>} : memref<10x512xi32, #tpu.memory_space<vmem>>, vector<16xi32>,
      %mul3A_972 = arith.constant 65 : i32
      %mul3A_973 = vector.broadcast %mul3A_972 : i32 to vector<16xi32>
      %mul3A_974 = arith.muli %get3A_971, %mul3A_973 : vector<16xi32>
      %parallel_loop3A = arith.constant 0 : i32
      %parallel_loop3A_975 = arith.constant 64 : i32
      %parallel_loop3A_976 = arith.constant 1 : i32
      scf.for %parallel_loop3A_977 = %parallel_loop3A to %parallel_loop3A_975 step %parallel_loop3A_976  : i32 {
        %parallel_loop3A_978 = vector.broadcast %parallel_loop3A_977 : i32 to vector<16xi32>
        %parallel_loop3A_979 = arith.addi %mul3A_974, %parallel_loop3A_978 : vector<16xi32>
        %parallel_loop3A_980 = tpu.vector_load_idx %arg6[%parallel_loop3A_979] : memref<65000xf32, #tpu.memory_space<vmem>>[vector<16xi32>], vector<16xf32>,
        %parallel_loop3A_981 = arith.constant 0 : i32
        %parallel_loop3A_982 = arith.constant 0 : i32
        %parallel_loop3A_983 = tpu.memref_slice %arg7[%scan3A_150, %parallel_loop3A_981, %parallel_loop3A_982] : memref<3x64x256xf32, #tpu.memory_space<vmem>> -> memref<1x64x256xf32, #tpu.memory_space<vmem>>
        %parallel_loop3A_984 = tpu.memref_squeeze %parallel_loop3A_983 : memref<1x64x256xf32, #tpu.memory_space<vmem>> -> memref<64x256xf32, #tpu.memory_space<vmem>>
        %parallel_loop3A_985 = arith.index_cast %parallel_loop3A_977 : i32 to index
        %parallel_loop3A_986 = arith.index_cast %mul3A_966 : i32 to index
        %parallel_loop3A_987 = tpu.vector_load %parallel_loop3A_984[%parallel_loop3A_985, %parallel_loop3A_986] {strides = array<i32>} : memref<64x256xf32, #tpu.memory_space<vmem>>, vector<16xf32>,
        tpu.vector_store %parallel_loop3A_984[%parallel_loop3A_985, %parallel_loop3A_986], %parallel_loop3A_980 {strides = array<i32>} : memref<64x256xf32, #tpu.memory_space<vmem>>, vector<16xf32>,
      } {sc.loop_unroll_factor = 8 : i64, sc.parallel_access}
    }
    %scan3A_155 = arith.constant 16 : i32
    %add3A_156 = arith.constant 0 : i32
    %add3A_157 = arith.addi %mul3A_2, %add3A_156 : i32
    %dma_start3A_158 = arith.constant 1 : i32
    %dma_start3A_159 = arith.constant 2 : i32
    %dma_start3A_160 = arith.constant 1 : i32
    %dma_start3A_161 = arith.constant 0 : i32
    %dma_start3A_162 = arith.constant 0 : i32
    %dma_start3A_163 = tpu.memref_slice %arg7[%dma_start3A_158, %dma_start3A_161, %dma_start3A_162] : memref<3x64x256xf32, #tpu.memory_space<vmem>> -> memref<1x64x256xf32, #tpu.memory_space<vmem>>
    %dma_start3A_164 = tpu.memref_squeeze %dma_start3A_163 : memref<1x64x256xf32, #tpu.memory_space<vmem>> -> memref<64x256xf32, #tpu.memory_space<vmem>>
    %dma_start3A_165 = arith.constant 0 : i32
    %dma_start3A_166 = tpu.memref_slice %arg4[%dma_start3A_159, %dma_start3A_165, %add3A_157] : memref<10x64x16384xf32, #tpu.memory_space<hbm>> -> memref<1x64x256xf32, #tpu.memory_space<hbm>>
    %dma_start3A_167 = tpu.memref_squeeze %dma_start3A_166 : memref<1x64x256xf32, #tpu.memory_space<hbm>> -> memref<64x256xf32, #tpu.memory_space<hbm>>
    %dma_start3A_168 = tpu.memref_slice %arg8[%dma_start3A_160] : memref<3x!tpu.dma_semaphore, #tpu.memory_space<semaphore_mem>> -> memref<1x!tpu.dma_semaphore, #tpu.memory_space<semaphore_mem>>
    %dma_start3A_169 = tpu.memref_squeeze %dma_start3A_168 : memref<1x!tpu.dma_semaphore, #tpu.memory_space<semaphore_mem>> -> memref<!tpu.dma_semaphore, #tpu.memory_space<semaphore_mem>>
    %dma_start3A_170 = arith.constant 0 : i32
    %dma_start3A_171 = tpu.memref_slice %arg4[%dma_start3A_159, %dma_start3A_170, %add3A_157] : memref<10x64x16384xf32, #tpu.memory_space<hbm>> -> memref<1x64x256xf32, #tpu.memory_space<hbm>>
    %dma_start3A_172 = tpu.memref_squeeze %dma_start3A_171 : memref<1x64x256xf32, #tpu.memory_space<hbm>> -> memref<64x256xf32, #tpu.memory_space<hbm>>
    %dma_start3A_173 = arith.constant 0 : i32
    %dma_start3A_174 = arith.constant 0 : i32
    %dma_start3A_175 = tpu.memref_slice %arg7[%dma_start3A_158, %dma_start3A_173, %dma_start3A_174] : memref<3x64x256xf32, #tpu.memory_space<vmem>> -> memref<1x64x256xf32, #tpu.memory_space<vmem>>
    %dma_start3A_176 = tpu.memref_squeeze %dma_start3A_175 : memref<1x64x256xf32, #tpu.memory_space<vmem>> -> memref<64x256xf32, #tpu.memory_space<vmem>>
    tpu.enqueue_dma source(%dma_start3A_176 : memref<64x256xf32, #tpu.memory_space<vmem>>) target(%dma_start3A_172 : memref<64x256xf32, #tpu.memory_space<hbm>>) target_semaphore(%dma_start3A_169 : memref<!tpu.dma_semaphore, #tpu.memory_space<semaphore_mem>>)
    %add3A_177 = arith.constant 0 : i32
    %add3A_178 = arith.addi %mul3A_2, %add3A_177 : i32
    %dma_wait3A_179 = arith.constant 2 : i32
    %dma_wait3A_180 = arith.constant 1 : i32
    %dma_wait3A_181 = arith.constant 2 : i32
    %dma_wait3A_182 = arith.constant 0 : i32
    %dma_wait3A_183 = arith.constant 0 : i32
    %dma_wait3A_184 = tpu.memref_slice %arg7[%dma_wait3A_179, %dma_wait3A_182, %dma_wait3A_183] : memref<3x64x256xf32, #tpu.memory_space<vmem>> -> memref<1x64x256xf32, #tpu.memory_space<vmem>>
    %dma_wait3A_185 = tpu.memref_squeeze %dma_wait3A_184 : memref<1x64x256xf32, #tpu.memory_space<vmem>> -> memref<64x256xf32, #tpu.memory_space<vmem>>
    %dma_wait3A_186 = arith.constant 0 : i32
    %dma_wait3A_187 = tpu.memref_slice %arg4[%dma_wait3A_180, %dma_wait3A_186, %add3A_178] : memref<10x64x16384xf32, #tpu.memory_space<hbm>> -> memref<1x64x256xf32, #tpu.memory_space<hbm>>
    %dma_wait3A_188 = tpu.memref_squeeze %dma_wait3A_187 : memref<1x64x256xf32, #tpu.memory_space<hbm>> -> memref<64x256xf32, #tpu.memory_space<hbm>>
    %dma_wait3A_189 = tpu.memref_slice %arg8[%dma_wait3A_181] : memref<3x!tpu.dma_semaphore, #tpu.memory_space<semaphore_mem>> -> memref<1x!tpu.dma_semaphore, #tpu.memory_space<semaphore_mem>>
    %dma_wait3A_190 = tpu.memref_squeeze %dma_wait3A_189 : memref<1x!tpu.dma_semaphore, #tpu.memory_space<semaphore_mem>> -> memref<!tpu.dma_semaphore, #tpu.memory_space<semaphore_mem>>
    %dma_wait3A_191 = arith.constant 0 : i32
    %dma_wait3A_192 = tpu.memref_slice %arg4[%dma_wait3A_180, %dma_wait3A_191, %add3A_178] : memref<10x64x16384xf32, #tpu.memory_space<hbm>> -> memref<1x64x256xf32, #tpu.memory_space<hbm>>
    %dma_wait3A_193 = tpu.memref_squeeze %dma_wait3A_192 : memref<1x64x256xf32, #tpu.memory_space<hbm>> -> memref<64x256xf32, #tpu.memory_space<hbm>>
    %dma_wait3A_194 = arith.constant 0 : i32
    %dma_wait3A_195 = arith.constant 0 : i32
    %dma_wait3A_196 = tpu.memref_slice %arg7[%dma_wait3A_179, %dma_wait3A_194, %dma_wait3A_195] : memref<3x64x256xf32, #tpu.memory_space<vmem>> -> memref<1x64x256xf32, #tpu.memory_space<vmem>>
    %dma_wait3A_197 = tpu.memref_squeeze %dma_wait3A_196 : memref<1x64x256xf32, #tpu.memory_space<vmem>> -> memref<64x256xf32, #tpu.memory_space<vmem>>
    tpu.wait_dma2 semaphore(%dma_wait3A_190 : memref<!tpu.dma_semaphore, #tpu.memory_space<semaphore_mem>>) src(%dma_wait3A_197 : memref<64x256xf32, #tpu.memory_space<vmem>>) dst(%dma_wait3A_193 : memref<64x256xf32, #tpu.memory_space<hbm>>)
    %scan3A_198 = arith.constant 2 : i32
    %scan3A_199 = arith.constant 0 : i32
    %scan3A_200 = arith.constant 16 : i32
    %scan3A_201 = arith.addi %scan3A_199, %scan3A_200 : i32
    %scan3A_202 = arith.constant 1 : i32
    scf.for %scan3A_960 = %scan3A_199 to %scan3A_201 step %scan3A_202  : i32 {
      %mul3A_961 = arith.constant 1 : i32
      %mul3A_962 = arith.muli %scan3A_960, %mul3A_961 : i32
      %add3A_963 = arith.constant 0 : i32
      %add3A_964 = arith.addi %add3A_963, %mul3A_962 : i32
      %mul3A_965 = arith.constant 16 : i32
      %mul3A_966 = arith.muli %add3A_964, %mul3A_965 : i32
      %add3A_967 = arith.constant 256 : i32
      %add3A_968 = arith.addi %add3A_967, %mul3A_966 : i32
      %get3A = arith.constant 2 : i32
      %get3A_969 = arith.index_cast %get3A : i32 to index
      %get3A_970 = arith.index_cast %add3A_968 : i32 to index
      %get3A_971 = tpu.vector_load %arg5[%get3A_969, %get3A_970] {strides = array<i32>} : memref<10x512xi32, #tpu.memory_space<vmem>>, vector<16xi32>,
      %mul3A_972 = arith.constant 65 : i32
      %mul3A_973 = vector.broadcast %mul3A_972 : i32 to vector<16xi32>
      %mul3A_974 = arith.muli %get3A_971, %mul3A_973 : vector<16xi32>
      %parallel_loop3A = arith.constant 0 : i32
      %parallel_loop3A_975 = arith.constant 64 : i32
      %parallel_loop3A_976 = arith.constant 1 : i32
      scf.for %parallel_loop3A_977 = %parallel_loop3A to %parallel_loop3A_975 step %parallel_loop3A_976  : i32 {
        %parallel_loop3A_978 = vector.broadcast %parallel_loop3A_977 : i32 to vector<16xi32>
        %parallel_loop3A_979 = arith.addi %mul3A_974, %parallel_loop3A_978 : vector<16xi32>
        %parallel_loop3A_980 = tpu.vector_load_idx %arg6[%parallel_loop3A_979] : memref<65000xf32, #tpu.memory_space<vmem>>[vector<16xi32>], vector<16xf32>,
        %parallel_loop3A_981 = arith.constant 0 : i32
        %parallel_loop3A_982 = arith.constant 0 : i32
        %parallel_loop3A_983 = tpu.memref_slice %arg7[%scan3A_198, %parallel_loop3A_981, %parallel_loop3A_982] : memref<3x64x256xf32, #tpu.memory_space<vmem>> -> memref<1x64x256xf32, #tpu.memory_space<vmem>>
        %parallel_loop3A_984 = tpu.memref_squeeze %parallel_loop3A_983 : memref<1x64x256xf32, #tpu.memory_space<vmem>> -> memref<64x256xf32, #tpu.memory_space<vmem>>
        %parallel_loop3A_985 = arith.index_cast %parallel_loop3A_977 : i32 to index
        %parallel_loop3A_986 = arith.index_cast %mul3A_966 : i32 to index
        %parallel_loop3A_987 = tpu.vector_load %parallel_loop3A_984[%parallel_loop3A_985, %parallel_loop3A_986] {strides = array<i32>} : memref<64x256xf32, #tpu.memory_space<vmem>>, vector<16xf32>,
        tpu.vector_store %parallel_loop3A_984[%parallel_loop3A_985, %parallel_loop3A_986], %parallel_loop3A_980 {strides = array<i32>} : memref<64x256xf32, #tpu.memory_space<vmem>>, vector<16xf32>,
      } {sc.loop_unroll_factor = 8 : i64, sc.parallel_access}
    }
    %scan3A_203 = arith.constant 16 : i32
    %add3A_204 = arith.constant 256 : i32
    %add3A_205 = arith.addi %mul3A_2, %add3A_204 : i32
    %dma_start3A_206 = arith.constant 2 : i32
    %dma_start3A_207 = arith.constant 2 : i32
    %dma_start3A_208 = arith.constant 2 : i32
    %dma_start3A_209 = arith.constant 0 : i32
    %dma_start3A_210 = arith.constant 0 : i32
    %dma_start3A_211 = tpu.memref_slice %arg7[%dma_start3A_206, %dma_start3A_209, %dma_start3A_210] : memref<3x64x256xf32, #tpu.memory_space<vmem>> -> memref<1x64x256xf32, #tpu.memory_space<vmem>>
    %dma_start3A_212 = tpu.memref_squeeze %dma_start3A_211 : memref<1x64x256xf32, #tpu.memory_space<vmem>> -> memref<64x256xf32, #tpu.memory_space<vmem>>
    %dma_start3A_213 = arith.constant 0 : i32
    %dma_start3A_214 = tpu.memref_slice %arg4[%dma_start3A_207, %dma_start3A_213, %add3A_205] : memref<10x64x16384xf32, #tpu.memory_space<hbm>> -> memref<1x64x256xf32, #tpu.memory_space<hbm>>
    %dma_start3A_215 = tpu.memref_squeeze %dma_start3A_214 : memref<1x64x256xf32, #tpu.memory_space<hbm>> -> memref<64x256xf32, #tpu.memory_space<hbm>>
    %dma_start3A_216 = tpu.memref_slice %arg8[%dma_start3A_208] : memref<3x!tpu.dma_semaphore, #tpu.memory_space<semaphore_mem>> -> memref<1x!tpu.dma_semaphore, #tpu.memory_space<semaphore_mem>>
    %dma_start3A_217 = tpu.memref_squeeze %dma_start3A_216 : memref<1x!tpu.dma_semaphore, #tpu.memory_space<semaphore_mem>> -> memref<!tpu.dma_semaphore, #tpu.memory_space<semaphore_mem>>
    %dma_start3A_218 = arith.constant 0 : i32
    %dma_start3A_219 = tpu.memref_slice %arg4[%dma_start3A_207, %dma_start3A_218, %add3A_205] : memref<10x64x16384xf32, #tpu.memory_space<hbm>> -> memref<1x64x256xf32, #tpu.memory_space<hbm>>
    %dma_start3A_220 = tpu.memref_squeeze %dma_start3A_219 : memref<1x64x256xf32, #tpu.memory_space<hbm>> -> memref<64x256xf32, #tpu.memory_space<hbm>>
    %dma_start3A_221 = arith.constant 0 : i32
    %dma_start3A_222 = arith.constant 0 : i32
    %dma_start3A_223 = tpu.memref_slice %arg7[%dma_start3A_206, %dma_start3A_221, %dma_start3A_222] : memref<3x64x256xf32, #tpu.memory_space<vmem>> -> memref<1x64x256xf32, #tpu.memory_space<vmem>>
    %dma_start3A_224 = tpu.memref_squeeze %dma_start3A_223 : memref<1x64x256xf32, #tpu.memory_space<vmem>> -> memref<64x256xf32, #tpu.memory_space<vmem>>
    tpu.enqueue_dma source(%dma_start3A_224 : memref<64x256xf32, #tpu.memory_space<vmem>>) target(%dma_start3A_220 : memref<64x256xf32, #tpu.memory_space<hbm>>) target_semaphore(%dma_start3A_217 : memref<!tpu.dma_semaphore, #tpu.memory_space<semaphore_mem>>)
    %add3A_225 = arith.constant 256 : i32
    %add3A_226 = arith.addi %mul3A_2, %add3A_225 : i32
    %dma_wait3A_227 = arith.constant 0 : i32
    %dma_wait3A_228 = arith.constant 1 : i32
    %dma_wait3A_229 = arith.constant 0 : i32
    %dma_wait3A_230 = arith.constant 0 : i32
    %dma_wait3A_231 = arith.constant 0 : i32
    %dma_wait3A_232 = tpu.memref_slice %arg7[%dma_wait3A_227, %dma_wait3A_230, %dma_wait3A_231] : memref<3x64x256xf32, #tpu.memory_space<vmem>> -> memref<1x64x256xf32, #tpu.memory_space<vmem>>
    %dma_wait3A_233 = tpu.memref_squeeze %dma_wait3A_232 : memref<1x64x256xf32, #tpu.memory_space<vmem>> -> memref<64x256xf32, #tpu.memory_space<vmem>>
    %dma_wait3A_234 = arith.constant 0 : i32
    %dma_wait3A_235 = tpu.memref_slice %arg4[%dma_wait3A_228, %dma_wait3A_234, %add3A_226] : memref<10x64x16384xf32, #tpu.memory_space<hbm>> -> memref<1x64x256xf32, #tpu.memory_space<hbm>>
    %dma_wait3A_236 = tpu.memref_squeeze %dma_wait3A_235 : memref<1x64x256xf32, #tpu.memory_space<hbm>> -> memref<64x256xf32, #tpu.memory_space<hbm>>
    %dma_wait3A_237 = tpu.memref_slice %arg8[%dma_wait3A_229] : memref<3x!tpu.dma_semaphore, #tpu.memory_space<semaphore_mem>> -> memref<1x!tpu.dma_semaphore, #tpu.memory_space<semaphore_mem>>
    %dma_wait3A_238 = tpu.memref_squeeze %dma_wait3A_237 : memref<1x!tpu.dma_semaphore, #tpu.memory_space<semaphore_mem>> -> memref<!tpu.dma_semaphore, #tpu.memory_space<semaphore_mem>>
    %dma_wait3A_239 = arith.constant 0 : i32
    %dma_wait3A_240 = tpu.memref_slice %arg4[%dma_wait3A_228, %dma_wait3A_239, %add3A_226] : memref<10x64x16384xf32, #tpu.memory_space<hbm>> -> memref<1x64x256xf32, #tpu.memory_space<hbm>>
    %dma_wait3A_241 = tpu.memref_squeeze %dma_wait3A_240 : memref<1x64x256xf32, #tpu.memory_space<hbm>> -> memref<64x256xf32, #tpu.memory_space<hbm>>
    %dma_wait3A_242 = arith.constant 0 : i32
    %dma_wait3A_243 = arith.constant 0 : i32
    %dma_wait3A_244 = tpu.memref_slice %arg7[%dma_wait3A_227, %dma_wait3A_242, %dma_wait3A_243] : memref<3x64x256xf32, #tpu.memory_space<vmem>> -> memref<1x64x256xf32, #tpu.memory_space<vmem>>
    %dma_wait3A_245 = tpu.memref_squeeze %dma_wait3A_244 : memref<1x64x256xf32, #tpu.memory_space<vmem>> -> memref<64x256xf32, #tpu.memory_space<vmem>>
    tpu.wait_dma2 semaphore(%dma_wait3A_238 : memref<!tpu.dma_semaphore, #tpu.memory_space<semaphore_mem>>) src(%dma_wait3A_245 : memref<64x256xf32, #tpu.memory_space<vmem>>) dst(%dma_wait3A_241 : memref<64x256xf32, #tpu.memory_space<hbm>>)
    %scan3A_246 = arith.constant 0 : i32
    %scan3A_247 = arith.constant 0 : i32
    %scan3A_248 = arith.constant 16 : i32
    %scan3A_249 = arith.addi %scan3A_247, %scan3A_248 : i32
    %scan3A_250 = arith.constant 1 : i32
    scf.for %scan3A_960 = %scan3A_247 to %scan3A_249 step %scan3A_250  : i32 {
      %mul3A_961 = arith.constant 1 : i32
      %mul3A_962 = arith.muli %scan3A_960, %mul3A_961 : i32
      %add3A_963 = arith.constant 0 : i32
      %add3A_964 = arith.addi %add3A_963, %mul3A_962 : i32
      %mul3A_965 = arith.constant 16 : i32
      %mul3A_966 = arith.muli %add3A_964, %mul3A_965 : i32
      %add3A_967 = arith.constant 0 : i32
      %add3A_968 = arith.addi %add3A_967, %mul3A_966 : i32
      %get3A = arith.constant 3 : i32
      %get3A_969 = arith.index_cast %get3A : i32 to index
      %get3A_970 = arith.index_cast %add3A_968 : i32 to index
      %get3A_971 = tpu.vector_load %arg5[%get3A_969, %get3A_970] {strides = array<i32>} : memref<10x512xi32, #tpu.memory_space<vmem>>, vector<16xi32>,
      %mul3A_972 = arith.constant 65 : i32
      %mul3A_973 = vector.broadcast %mul3A_972 : i32 to vector<16xi32>
      %mul3A_974 = arith.muli %get3A_971, %mul3A_973 : vector<16xi32>
      %parallel_loop3A = arith.constant 0 : i32
      %parallel_loop3A_975 = arith.constant 64 : i32
      %parallel_loop3A_976 = arith.constant 1 : i32
      scf.for %parallel_loop3A_977 = %parallel_loop3A to %parallel_loop3A_975 step %parallel_loop3A_976  : i32 {
        %parallel_loop3A_978 = vector.broadcast %parallel_loop3A_977 : i32 to vector<16xi32>
        %parallel_loop3A_979 = arith.addi %mul3A_974, %parallel_loop3A_978 : vector<16xi32>
        %parallel_loop3A_980 = tpu.vector_load_idx %arg6[%parallel_loop3A_979] : memref<65000xf32, #tpu.memory_space<vmem>>[vector<16xi32>], vector<16xf32>,
        %parallel_loop3A_981 = arith.constant 0 : i32
        %parallel_loop3A_982 = arith.constant 0 : i32
        %parallel_loop3A_983 = tpu.memref_slice %arg7[%scan3A_246, %parallel_loop3A_981, %parallel_loop3A_982] : memref<3x64x256xf32, #tpu.memory_space<vmem>> -> memref<1x64x256xf32, #tpu.memory_space<vmem>>
        %parallel_loop3A_984 = tpu.memref_squeeze %parallel_loop3A_983 : memref<1x64x256xf32, #tpu.memory_space<vmem>> -> memref<64x256xf32, #tpu.memory_space<vmem>>
        %parallel_loop3A_985 = arith.index_cast %parallel_loop3A_977 : i32 to index
        %parallel_loop3A_986 = arith.index_cast %mul3A_966 : i32 to index
        %parallel_loop3A_987 = tpu.vector_load %parallel_loop3A_984[%parallel_loop3A_985, %parallel_loop3A_986] {strides = array<i32>} : memref<64x256xf32, #tpu.memory_space<vmem>>, vector<16xf32>,
        tpu.vector_store %parallel_loop3A_984[%parallel_loop3A_985, %parallel_loop3A_986], %parallel_loop3A_980 {strides = array<i32>} : memref<64x256xf32, #tpu.memory_space<vmem>>, vector<16xf32>,
      } {sc.loop_unroll_factor = 8 : i64, sc.parallel_access}
    }
    %scan3A_251 = arith.constant 16 : i32
    %add3A_252 = arith.constant 0 : i32
    %add3A_253 = arith.addi %mul3A_2, %add3A_252 : i32
    %dma_start3A_254 = arith.constant 0 : i32
    %dma_start3A_255 = arith.constant 3 : i32
    %dma_start3A_256 = arith.constant 0 : i32
    %dma_start3A_257 = arith.constant 0 : i32
    %dma_start3A_258 = arith.constant 0 : i32
    %dma_start3A_259 = tpu.memref_slice %arg7[%dma_start3A_254, %dma_start3A_257, %dma_start3A_258] : memref<3x64x256xf32, #tpu.memory_space<vmem>> -> memref<1x64x256xf32, #tpu.memory_space<vmem>>
    %dma_start3A_260 = tpu.memref_squeeze %dma_start3A_259 : memref<1x64x256xf32, #tpu.memory_space<vmem>> -> memref<64x256xf32, #tpu.memory_space<vmem>>
    %dma_start3A_261 = arith.constant 0 : i32
    %dma_start3A_262 = tpu.memref_slice %arg4[%dma_start3A_255, %dma_start3A_261, %add3A_253] : memref<10x64x16384xf32, #tpu.memory_space<hbm>> -> memref<1x64x256xf32, #tpu.memory_space<hbm>>
    %dma_start3A_263 = tpu.memref_squeeze %dma_start3A_262 : memref<1x64x256xf32, #tpu.memory_space<hbm>> -> memref<64x256xf32, #tpu.memory_space<hbm>>
    %dma_start3A_264 = tpu.memref_slice %arg8[%dma_start3A_256] : memref<3x!tpu.dma_semaphore, #tpu.memory_space<semaphore_mem>> -> memref<1x!tpu.dma_semaphore, #tpu.memory_space<semaphore_mem>>
    %dma_start3A_265 = tpu.memref_squeeze %dma_start3A_264 : memref<1x!tpu.dma_semaphore, #tpu.memory_space<semaphore_mem>> -> memref<!tpu.dma_semaphore, #tpu.memory_space<semaphore_mem>>
    %dma_start3A_266 = arith.constant 0 : i32
    %dma_start3A_267 = tpu.memref_slice %arg4[%dma_start3A_255, %dma_start3A_266, %add3A_253] : memref<10x64x16384xf32, #tpu.memory_space<hbm>> -> memref<1x64x256xf32, #tpu.memory_space<hbm>>
    %dma_start3A_268 = tpu.memref_squeeze %dma_start3A_267 : memref<1x64x256xf32, #tpu.memory_space<hbm>> -> memref<64x256xf32, #tpu.memory_space<hbm>>
    %dma_start3A_269 = arith.constant 0 : i32
    %dma_start3A_270 = arith.constant 0 : i32
    %dma_start3A_271 = tpu.memref_slice %arg7[%dma_start3A_254, %dma_start3A_269, %dma_start3A_270] : memref<3x64x256xf32, #tpu.memory_space<vmem>> -> memref<1x64x256xf32, #tpu.memory_space<vmem>>
    %dma_start3A_272 = tpu.memref_squeeze %dma_start3A_271 : memref<1x64x256xf32, #tpu.memory_space<vmem>> -> memref<64x256xf32, #tpu.memory_space<vmem>>
    tpu.enqueue_dma source(%dma_start3A_272 : memref<64x256xf32, #tpu.memory_space<vmem>>) target(%dma_start3A_268 : memref<64x256xf32, #tpu.memory_space<hbm>>) target_semaphore(%dma_start3A_265 : memref<!tpu.dma_semaphore, #tpu.memory_space<semaphore_mem>>)
    %add3A_273 = arith.constant 0 : i32
    %add3A_274 = arith.addi %mul3A_2, %add3A_273 : i32
    %dma_wait3A_275 = arith.constant 1 : i32
    %dma_wait3A_276 = arith.constant 2 : i32
    %dma_wait3A_277 = arith.constant 1 : i32
    %dma_wait3A_278 = arith.constant 0 : i32
    %dma_wait3A_279 = arith.constant 0 : i32
    %dma_wait3A_280 = tpu.memref_slice %arg7[%dma_wait3A_275, %dma_wait3A_278, %dma_wait3A_279] : memref<3x64x256xf32, #tpu.memory_space<vmem>> -> memref<1x64x256xf32, #tpu.memory_space<vmem>>
    %dma_wait3A_281 = tpu.memref_squeeze %dma_wait3A_280 : memref<1x64x256xf32, #tpu.memory_space<vmem>> -> memref<64x256xf32, #tpu.memory_space<vmem>>
    %dma_wait3A_282 = arith.constant 0 : i32
    %dma_wait3A_283 = tpu.memref_slice %arg4[%dma_wait3A_276, %dma_wait3A_282, %add3A_274] : memref<10x64x16384xf32, #tpu.memory_space<hbm>> -> memref<1x64x256xf32, #tpu.memory_space<hbm>>
    %dma_wait3A_284 = tpu.memref_squeeze %dma_wait3A_283 : memref<1x64x256xf32, #tpu.memory_space<hbm>> -> memref<64x256xf32, #tpu.memory_space<hbm>>
    %dma_wait3A_285 = tpu.memref_slice %arg8[%dma_wait3A_277] : memref<3x!tpu.dma_semaphore, #tpu.memory_space<semaphore_mem>> -> memref<1x!tpu.dma_semaphore, #tpu.memory_space<semaphore_mem>>
    %dma_wait3A_286 = tpu.memref_squeeze %dma_wait3A_285 : memref<1x!tpu.dma_semaphore, #tpu.memory_space<semaphore_mem>> -> memref<!tpu.dma_semaphore, #tpu.memory_space<semaphore_mem>>
    %dma_wait3A_287 = arith.constant 0 : i32
    %dma_wait3A_288 = tpu.memref_slice %arg4[%dma_wait3A_276, %dma_wait3A_287, %add3A_274] : memref<10x64x16384xf32, #tpu.memory_space<hbm>> -> memref<1x64x256xf32, #tpu.memory_space<hbm>>
    %dma_wait3A_289 = tpu.memref_squeeze %dma_wait3A_288 : memref<1x64x256xf32, #tpu.memory_space<hbm>> -> memref<64x256xf32, #tpu.memory_space<hbm>>
    %dma_wait3A_290 = arith.constant 0 : i32
    %dma_wait3A_291 = arith.constant 0 : i32
    %dma_wait3A_292 = tpu.memref_slice %arg7[%dma_wait3A_275, %dma_wait3A_290, %dma_wait3A_291] : memref<3x64x256xf32, #tpu.memory_space<vmem>> -> memref<1x64x256xf32, #tpu.memory_space<vmem>>
    %dma_wait3A_293 = tpu.memref_squeeze %dma_wait3A_292 : memref<1x64x256xf32, #tpu.memory_space<vmem>> -> memref<64x256xf32, #tpu.memory_space<vmem>>
    tpu.wait_dma2 semaphore(%dma_wait3A_286 : memref<!tpu.dma_semaphore, #tpu.memory_space<semaphore_mem>>) src(%dma_wait3A_293 : memref<64x256xf32, #tpu.memory_space<vmem>>) dst(%dma_wait3A_289 : memref<64x256xf32, #tpu.memory_space<hbm>>)
    %scan3A_294 = arith.constant 1 : i32
    %scan3A_295 = arith.constant 0 : i32
    %scan3A_296 = arith.constant 16 : i32
    %scan3A_297 = arith.addi %scan3A_295, %scan3A_296 : i32
    %scan3A_298 = arith.constant 1 : i32
    scf.for %scan3A_960 = %scan3A_295 to %scan3A_297 step %scan3A_298  : i32 {
      %mul3A_961 = arith.constant 1 : i32
      %mul3A_962 = arith.muli %scan3A_960, %mul3A_961 : i32
      %add3A_963 = arith.constant 0 : i32
      %add3A_964 = arith.addi %add3A_963, %mul3A_962 : i32
      %mul3A_965 = arith.constant 16 : i32
      %mul3A_966 = arith.muli %add3A_964, %mul3A_965 : i32
      %add3A_967 = arith.constant 256 : i32
      %add3A_968 = arith.addi %add3A_967, %mul3A_966 : i32
      %get3A = arith.constant 3 : i32
      %get3A_969 = arith.index_cast %get3A : i32 to index
      %get3A_970 = arith.index_cast %add3A_968 : i32 to index
      %get3A_971 = tpu.vector_load %arg5[%get3A_969, %get3A_970] {strides = array<i32>} : memref<10x512xi32, #tpu.memory_space<vmem>>, vector<16xi32>,
      %mul3A_972 = arith.constant 65 : i32
      %mul3A_973 = vector.broadcast %mul3A_972 : i32 to vector<16xi32>
      %mul3A_974 = arith.muli %get3A_971, %mul3A_973 : vector<16xi32>
      %parallel_loop3A = arith.constant 0 : i32
      %parallel_loop3A_975 = arith.constant 64 : i32
      %parallel_loop3A_976 = arith.constant 1 : i32
      scf.for %parallel_loop3A_977 = %parallel_loop3A to %parallel_loop3A_975 step %parallel_loop3A_976  : i32 {
        %parallel_loop3A_978 = vector.broadcast %parallel_loop3A_977 : i32 to vector<16xi32>
        %parallel_loop3A_979 = arith.addi %mul3A_974, %parallel_loop3A_978 : vector<16xi32>
        %parallel_loop3A_980 = tpu.vector_load_idx %arg6[%parallel_loop3A_979] : memref<65000xf32, #tpu.memory_space<vmem>>[vector<16xi32>], vector<16xf32>,
        %parallel_loop3A_981 = arith.constant 0 : i32
        %parallel_loop3A_982 = arith.constant 0 : i32
        %parallel_loop3A_983 = tpu.memref_slice %arg7[%scan3A_294, %parallel_loop3A_981, %parallel_loop3A_982] : memref<3x64x256xf32, #tpu.memory_space<vmem>> -> memref<1x64x256xf32, #tpu.memory_space<vmem>>
        %parallel_loop3A_984 = tpu.memref_squeeze %parallel_loop3A_983 : memref<1x64x256xf32, #tpu.memory_space<vmem>> -> memref<64x256xf32, #tpu.memory_space<vmem>>
        %parallel_loop3A_985 = arith.index_cast %parallel_loop3A_977 : i32 to index
        %parallel_loop3A_986 = arith.index_cast %mul3A_966 : i32 to index
        %parallel_loop3A_987 = tpu.vector_load %parallel_loop3A_984[%parallel_loop3A_985, %parallel_loop3A_986] {strides = array<i32>} : memref<64x256xf32, #tpu.memory_space<vmem>>, vector<16xf32>,
        tpu.vector_store %parallel_loop3A_984[%parallel_loop3A_985, %parallel_loop3A_986], %parallel_loop3A_980 {strides = array<i32>} : memref<64x256xf32, #tpu.memory_space<vmem>>, vector<16xf32>,
      } {sc.loop_unroll_factor = 8 : i64, sc.parallel_access}
    }
    %scan3A_299 = arith.constant 16 : i32
    %add3A_300 = arith.constant 256 : i32
    %add3A_301 = arith.addi %mul3A_2, %add3A_300 : i32
    %dma_start3A_302 = arith.constant 1 : i32
    %dma_start3A_303 = arith.constant 3 : i32
    %dma_start3A_304 = arith.constant 1 : i32
    %dma_start3A_305 = arith.constant 0 : i32
    %dma_start3A_306 = arith.constant 0 : i32
    %dma_start3A_307 = tpu.memref_slice %arg7[%dma_start3A_302, %dma_start3A_305, %dma_start3A_306] : memref<3x64x256xf32, #tpu.memory_space<vmem>> -> memref<1x64x256xf32, #tpu.memory_space<vmem>>
    %dma_start3A_308 = tpu.memref_squeeze %dma_start3A_307 : memref<1x64x256xf32, #tpu.memory_space<vmem>> -> memref<64x256xf32, #tpu.memory_space<vmem>>
    %dma_start3A_309 = arith.constant 0 : i32
    %dma_start3A_310 = tpu.memref_slice %arg4[%dma_start3A_303, %dma_start3A_309, %add3A_301] : memref<10x64x16384xf32, #tpu.memory_space<hbm>> -> memref<1x64x256xf32, #tpu.memory_space<hbm>>
    %dma_start3A_311 = tpu.memref_squeeze %dma_start3A_310 : memref<1x64x256xf32, #tpu.memory_space<hbm>> -> memref<64x256xf32, #tpu.memory_space<hbm>>
    %dma_start3A_312 = tpu.memref_slice %arg8[%dma_start3A_304] : memref<3x!tpu.dma_semaphore, #tpu.memory_space<semaphore_mem>> -> memref<1x!tpu.dma_semaphore, #tpu.memory_space<semaphore_mem>>
    %dma_start3A_313 = tpu.memref_squeeze %dma_start3A_312 : memref<1x!tpu.dma_semaphore, #tpu.memory_space<semaphore_mem>> -> memref<!tpu.dma_semaphore, #tpu.memory_space<semaphore_mem>>
    %dma_start3A_314 = arith.constant 0 : i32
    %dma_start3A_315 = tpu.memref_slice %arg4[%dma_start3A_303, %dma_start3A_314, %add3A_301] : memref<10x64x16384xf32, #tpu.memory_space<hbm>> -> memref<1x64x256xf32, #tpu.memory_space<hbm>>
    %dma_start3A_316 = tpu.memref_squeeze %dma_start3A_315 : memref<1x64x256xf32, #tpu.memory_space<hbm>> -> memref<64x256xf32, #tpu.memory_space<hbm>>
    %dma_start3A_317 = arith.constant 0 : i32
    %dma_start3A_318 = arith.constant 0 : i32
    %dma_start3A_319 = tpu.memref_slice %arg7[%dma_start3A_302, %dma_start3A_317, %dma_start3A_318] : memref<3x64x256xf32, #tpu.memory_space<vmem>> -> memref<1x64x256xf32, #tpu.memory_space<vmem>>
    %dma_start3A_320 = tpu.memref_squeeze %dma_start3A_319 : memref<1x64x256xf32, #tpu.memory_space<vmem>> -> memref<64x256xf32, #tpu.memory_space<vmem>>
    tpu.enqueue_dma source(%dma_start3A_320 : memref<64x256xf32, #tpu.memory_space<vmem>>) target(%dma_start3A_316 : memref<64x256xf32, #tpu.memory_space<hbm>>) target_semaphore(%dma_start3A_313 : memref<!tpu.dma_semaphore, #tpu.memory_space<semaphore_mem>>)
    %add3A_321 = arith.constant 256 : i32
    %add3A_322 = arith.addi %mul3A_2, %add3A_321 : i32
    %dma_wait3A_323 = arith.constant 2 : i32
    %dma_wait3A_324 = arith.constant 2 : i32
    %dma_wait3A_325 = arith.constant 2 : i32
    %dma_wait3A_326 = arith.constant 0 : i32
    %dma_wait3A_327 = arith.constant 0 : i32
    %dma_wait3A_328 = tpu.memref_slice %arg7[%dma_wait3A_323, %dma_wait3A_326, %dma_wait3A_327] : memref<3x64x256xf32, #tpu.memory_space<vmem>> -> memref<1x64x256xf32, #tpu.memory_space<vmem>>
    %dma_wait3A_329 = tpu.memref_squeeze %dma_wait3A_328 : memref<1x64x256xf32, #tpu.memory_space<vmem>> -> memref<64x256xf32, #tpu.memory_space<vmem>>
    %dma_wait3A_330 = arith.constant 0 : i32
    %dma_wait3A_331 = tpu.memref_slice %arg4[%dma_wait3A_324, %dma_wait3A_330, %add3A_322] : memref<10x64x16384xf32, #tpu.memory_space<hbm>> -> memref<1x64x256xf32, #tpu.memory_space<hbm>>
    %dma_wait3A_332 = tpu.memref_squeeze %dma_wait3A_331 : memref<1x64x256xf32, #tpu.memory_space<hbm>> -> memref<64x256xf32, #tpu.memory_space<hbm>>
    %dma_wait3A_333 = tpu.memref_slice %arg8[%dma_wait3A_325] : memref<3x!tpu.dma_semaphore, #tpu.memory_space<semaphore_mem>> -> memref<1x!tpu.dma_semaphore, #tpu.memory_space<semaphore_mem>>
    %dma_wait3A_334 = tpu.memref_squeeze %dma_wait3A_333 : memref<1x!tpu.dma_semaphore, #tpu.memory_space<semaphore_mem>> -> memref<!tpu.dma_semaphore, #tpu.memory_space<semaphore_mem>>
    %dma_wait3A_335 = arith.constant 0 : i32
    %dma_wait3A_336 = tpu.memref_slice %arg4[%dma_wait3A_324, %dma_wait3A_335, %add3A_322] : memref<10x64x16384xf32, #tpu.memory_space<hbm>> -> memref<1x64x256xf32, #tpu.memory_space<hbm>>
    %dma_wait3A_337 = tpu.memref_squeeze %dma_wait3A_336 : memref<1x64x256xf32, #tpu.memory_space<hbm>> -> memref<64x256xf32, #tpu.memory_space<hbm>>
    %dma_wait3A_338 = arith.constant 0 : i32
    %dma_wait3A_339 = arith.constant 0 : i32
    %dma_wait3A_340 = tpu.memref_slice %arg7[%dma_wait3A_323, %dma_wait3A_338, %dma_wait3A_339] : memref<3x64x256xf32, #tpu.memory_space<vmem>> -> memref<1x64x256xf32, #tpu.memory_space<vmem>>
    %dma_wait3A_341 = tpu.memref_squeeze %dma_wait3A_340 : memref<1x64x256xf32, #tpu.memory_space<vmem>> -> memref<64x256xf32, #tpu.memory_space<vmem>>
    tpu.wait_dma2 semaphore(%dma_wait3A_334 : memref<!tpu.dma_semaphore, #tpu.memory_space<semaphore_mem>>) src(%dma_wait3A_341 : memref<64x256xf32, #tpu.memory_space<vmem>>) dst(%dma_wait3A_337 : memref<64x256xf32, #tpu.memory_space<hbm>>)
    %scan3A_342 = arith.constant 2 : i32
    %scan3A_343 = arith.constant 0 : i32
    %scan3A_344 = arith.constant 16 : i32
    %scan3A_345 = arith.addi %scan3A_343, %scan3A_344 : i32
    %scan3A_346 = arith.constant 1 : i32
    scf.for %scan3A_960 = %scan3A_343 to %scan3A_345 step %scan3A_346  : i32 {
      %mul3A_961 = arith.constant 1 : i32
      %mul3A_962 = arith.muli %scan3A_960, %mul3A_961 : i32
      %add3A_963 = arith.constant 0 : i32
      %add3A_964 = arith.addi %add3A_963, %mul3A_962 : i32
      %mul3A_965 = arith.constant 16 : i32
      %mul3A_966 = arith.muli %add3A_964, %mul3A_965 : i32
      %add3A_967 = arith.constant 0 : i32
      %add3A_968 = arith.addi %add3A_967, %mul3A_966 : i32
      %get3A = arith.constant 4 : i32
      %get3A_969 = arith.index_cast %get3A : i32 to index
      %get3A_970 = arith.index_cast %add3A_968 : i32 to index
      %get3A_971 = tpu.vector_load %arg5[%get3A_969, %get3A_970] {strides = array<i32>} : memref<10x512xi32, #tpu.memory_space<vmem>>, vector<16xi32>,
      %mul3A_972 = arith.constant 65 : i32
      %mul3A_973 = vector.broadcast %mul3A_972 : i32 to vector<16xi32>
      %mul3A_974 = arith.muli %get3A_971, %mul3A_973 : vector<16xi32>
      %parallel_loop3A = arith.constant 0 : i32
      %parallel_loop3A_975 = arith.constant 64 : i32
      %parallel_loop3A_976 = arith.constant 1 : i32
      scf.for %parallel_loop3A_977 = %parallel_loop3A to %parallel_loop3A_975 step %parallel_loop3A_976  : i32 {
        %parallel_loop3A_978 = vector.broadcast %parallel_loop3A_977 : i32 to vector<16xi32>
        %parallel_loop3A_979 = arith.addi %mul3A_974, %parallel_loop3A_978 : vector<16xi32>
        %parallel_loop3A_980 = tpu.vector_load_idx %arg6[%parallel_loop3A_979] : memref<65000xf32, #tpu.memory_space<vmem>>[vector<16xi32>], vector<16xf32>,
        %parallel_loop3A_981 = arith.constant 0 : i32
        %parallel_loop3A_982 = arith.constant 0 : i32
        %parallel_loop3A_983 = tpu.memref_slice %arg7[%scan3A_342, %parallel_loop3A_981, %parallel_loop3A_982] : memref<3x64x256xf32, #tpu.memory_space<vmem>> -> memref<1x64x256xf32, #tpu.memory_space<vmem>>
        %parallel_loop3A_984 = tpu.memref_squeeze %parallel_loop3A_983 : memref<1x64x256xf32, #tpu.memory_space<vmem>> -> memref<64x256xf32, #tpu.memory_space<vmem>>
        %parallel_loop3A_985 = arith.index_cast %parallel_loop3A_977 : i32 to index
        %parallel_loop3A_986 = arith.index_cast %mul3A_966 : i32 to index
        %parallel_loop3A_987 = tpu.vector_load %parallel_loop3A_984[%parallel_loop3A_985, %parallel_loop3A_986] {strides = array<i32>} : memref<64x256xf32, #tpu.memory_space<vmem>>, vector<16xf32>,
        tpu.vector_store %parallel_loop3A_984[%parallel_loop3A_985, %parallel_loop3A_986], %parallel_loop3A_980 {strides = array<i32>} : memref<64x256xf32, #tpu.memory_space<vmem>>, vector<16xf32>,
      } {sc.loop_unroll_factor = 8 : i64, sc.parallel_access}
    }
    %scan3A_347 = arith.constant 16 : i32
    %add3A_348 = arith.constant 0 : i32
    %add3A_349 = arith.addi %mul3A_2, %add3A_348 : i32
    %dma_start3A_350 = arith.constant 2 : i32
    %dma_start3A_351 = arith.constant 4 : i32
    %dma_start3A_352 = arith.constant 2 : i32
    %dma_start3A_353 = arith.constant 0 : i32
    %dma_start3A_354 = arith.constant 0 : i32
    %dma_start3A_355 = tpu.memref_slice %arg7[%dma_start3A_350, %dma_start3A_353, %dma_start3A_354] : memref<3x64x256xf32, #tpu.memory_space<vmem>> -> memref<1x64x256xf32, #tpu.memory_space<vmem>>
    %dma_start3A_356 = tpu.memref_squeeze %dma_start3A_355 : memref<1x64x256xf32, #tpu.memory_space<vmem>> -> memref<64x256xf32, #tpu.memory_space<vmem>>
    %dma_start3A_357 = arith.constant 0 : i32
    %dma_start3A_358 = tpu.memref_slice %arg4[%dma_start3A_351, %dma_start3A_357, %add3A_349] : memref<10x64x16384xf32, #tpu.memory_space<hbm>> -> memref<1x64x256xf32, #tpu.memory_space<hbm>>
    %dma_start3A_359 = tpu.memref_squeeze %dma_start3A_358 : memref<1x64x256xf32, #tpu.memory_space<hbm>> -> memref<64x256xf32, #tpu.memory_space<hbm>>
    %dma_start3A_360 = tpu.memref_slice %arg8[%dma_start3A_352] : memref<3x!tpu.dma_semaphore, #tpu.memory_space<semaphore_mem>> -> memref<1x!tpu.dma_semaphore, #tpu.memory_space<semaphore_mem>>
    %dma_start3A_361 = tpu.memref_squeeze %dma_start3A_360 : memref<1x!tpu.dma_semaphore, #tpu.memory_space<semaphore_mem>> -> memref<!tpu.dma_semaphore, #tpu.memory_space<semaphore_mem>>
    %dma_start3A_362 = arith.constant 0 : i32
    %dma_start3A_363 = tpu.memref_slice %arg4[%dma_start3A_351, %dma_start3A_362, %add3A_349] : memref<10x64x16384xf32, #tpu.memory_space<hbm>> -> memref<1x64x256xf32, #tpu.memory_space<hbm>>
    %dma_start3A_364 = tpu.memref_squeeze %dma_start3A_363 : memref<1x64x256xf32, #tpu.memory_space<hbm>> -> memref<64x256xf32, #tpu.memory_space<hbm>>
    %dma_start3A_365 = arith.constant 0 : i32
    %dma_start3A_366 = arith.constant 0 : i32
    %dma_start3A_367 = tpu.memref_slice %arg7[%dma_start3A_350, %dma_start3A_365, %dma_start3A_366] : memref<3x64x256xf32, #tpu.memory_space<vmem>> -> memref<1x64x256xf32, #tpu.memory_space<vmem>>
    %dma_start3A_368 = tpu.memref_squeeze %dma_start3A_367 : memref<1x64x256xf32, #tpu.memory_space<vmem>> -> memref<64x256xf32, #tpu.memory_space<vmem>>
    tpu.enqueue_dma source(%dma_start3A_368 : memref<64x256xf32, #tpu.memory_space<vmem>>) target(%dma_start3A_364 : memref<64x256xf32, #tpu.memory_space<hbm>>) target_semaphore(%dma_start3A_361 : memref<!tpu.dma_semaphore, #tpu.memory_space<semaphore_mem>>)
    %add3A_369 = arith.constant 0 : i32
    %add3A_370 = arith.addi %mul3A_2, %add3A_369 : i32
    %dma_wait3A_371 = arith.constant 0 : i32
    %dma_wait3A_372 = arith.constant 3 : i32
    %dma_wait3A_373 = arith.constant 0 : i32
    %dma_wait3A_374 = arith.constant 0 : i32
    %dma_wait3A_375 = arith.constant 0 : i32
    %dma_wait3A_376 = tpu.memref_slice %arg7[%dma_wait3A_371, %dma_wait3A_374, %dma_wait3A_375] : memref<3x64x256xf32, #tpu.memory_space<vmem>> -> memref<1x64x256xf32, #tpu.memory_space<vmem>>
    %dma_wait3A_377 = tpu.memref_squeeze %dma_wait3A_376 : memref<1x64x256xf32, #tpu.memory_space<vmem>> -> memref<64x256xf32, #tpu.memory_space<vmem>>
    %dma_wait3A_378 = arith.constant 0 : i32
    %dma_wait3A_379 = tpu.memref_slice %arg4[%dma_wait3A_372, %dma_wait3A_378, %add3A_370] : memref<10x64x16384xf32, #tpu.memory_space<hbm>> -> memref<1x64x256xf32, #tpu.memory_space<hbm>>
    %dma_wait3A_380 = tpu.memref_squeeze %dma_wait3A_379 : memref<1x64x256xf32, #tpu.memory_space<hbm>> -> memref<64x256xf32, #tpu.memory_space<hbm>>
    %dma_wait3A_381 = tpu.memref_slice %arg8[%dma_wait3A_373] : memref<3x!tpu.dma_semaphore, #tpu.memory_space<semaphore_mem>> -> memref<1x!tpu.dma_semaphore, #tpu.memory_space<semaphore_mem>>
    %dma_wait3A_382 = tpu.memref_squeeze %dma_wait3A_381 : memref<1x!tpu.dma_semaphore, #tpu.memory_space<semaphore_mem>> -> memref<!tpu.dma_semaphore, #tpu.memory_space<semaphore_mem>>
    %dma_wait3A_383 = arith.constant 0 : i32
    %dma_wait3A_384 = tpu.memref_slice %arg4[%dma_wait3A_372, %dma_wait3A_383, %add3A_370] : memref<10x64x16384xf32, #tpu.memory_space<hbm>> -> memref<1x64x256xf32, #tpu.memory_space<hbm>>
    %dma_wait3A_385 = tpu.memref_squeeze %dma_wait3A_384 : memref<1x64x256xf32, #tpu.memory_space<hbm>> -> memref<64x256xf32, #tpu.memory_space<hbm>>
    %dma_wait3A_386 = arith.constant 0 : i32
    %dma_wait3A_387 = arith.constant 0 : i32
    %dma_wait3A_388 = tpu.memref_slice %arg7[%dma_wait3A_371, %dma_wait3A_386, %dma_wait3A_387] : memref<3x64x256xf32, #tpu.memory_space<vmem>> -> memref<1x64x256xf32, #tpu.memory_space<vmem>>
    %dma_wait3A_389 = tpu.memref_squeeze %dma_wait3A_388 : memref<1x64x256xf32, #tpu.memory_space<vmem>> -> memref<64x256xf32, #tpu.memory_space<vmem>>
    tpu.wait_dma2 semaphore(%dma_wait3A_382 : memref<!tpu.dma_semaphore, #tpu.memory_space<semaphore_mem>>) src(%dma_wait3A_389 : memref<64x256xf32, #tpu.memory_space<vmem>>) dst(%dma_wait3A_385 : memref<64x256xf32, #tpu.memory_space<hbm>>)
    %scan3A_390 = arith.constant 0 : i32
    %scan3A_391 = arith.constant 0 : i32
    %scan3A_392 = arith.constant 16 : i32
    %scan3A_393 = arith.addi %scan3A_391, %scan3A_392 : i32
    %scan3A_394 = arith.constant 1 : i32
    scf.for %scan3A_960 = %scan3A_391 to %scan3A_393 step %scan3A_394  : i32 {
      %mul3A_961 = arith.constant 1 : i32
      %mul3A_962 = arith.muli %scan3A_960, %mul3A_961 : i32
      %add3A_963 = arith.constant 0 : i32
      %add3A_964 = arith.addi %add3A_963, %mul3A_962 : i32
      %mul3A_965 = arith.constant 16 : i32
      %mul3A_966 = arith.muli %add3A_964, %mul3A_965 : i32
      %add3A_967 = arith.constant 256 : i32
      %add3A_968 = arith.addi %add3A_967, %mul3A_966 : i32
      %get3A = arith.constant 4 : i32
      %get3A_969 = arith.index_cast %get3A : i32 to index
      %get3A_970 = arith.index_cast %add3A_968 : i32 to index
      %get3A_971 = tpu.vector_load %arg5[%get3A_969, %get3A_970] {strides = array<i32>} : memref<10x512xi32, #tpu.memory_space<vmem>>, vector<16xi32>,
      %mul3A_972 = arith.constant 65 : i32
      %mul3A_973 = vector.broadcast %mul3A_972 : i32 to vector<16xi32>
      %mul3A_974 = arith.muli %get3A_971, %mul3A_973 : vector<16xi32>
      %parallel_loop3A = arith.constant 0 : i32
      %parallel_loop3A_975 = arith.constant 64 : i32
      %parallel_loop3A_976 = arith.constant 1 : i32
      scf.for %parallel_loop3A_977 = %parallel_loop3A to %parallel_loop3A_975 step %parallel_loop3A_976  : i32 {
        %parallel_loop3A_978 = vector.broadcast %parallel_loop3A_977 : i32 to vector<16xi32>
        %parallel_loop3A_979 = arith.addi %mul3A_974, %parallel_loop3A_978 : vector<16xi32>
        %parallel_loop3A_980 = tpu.vector_load_idx %arg6[%parallel_loop3A_979] : memref<65000xf32, #tpu.memory_space<vmem>>[vector<16xi32>], vector<16xf32>,
        %parallel_loop3A_981 = arith.constant 0 : i32
        %parallel_loop3A_982 = arith.constant 0 : i32
        %parallel_loop3A_983 = tpu.memref_slice %arg7[%scan3A_390, %parallel_loop3A_981, %parallel_loop3A_982] : memref<3x64x256xf32, #tpu.memory_space<vmem>> -> memref<1x64x256xf32, #tpu.memory_space<vmem>>
        %parallel_loop3A_984 = tpu.memref_squeeze %parallel_loop3A_983 : memref<1x64x256xf32, #tpu.memory_space<vmem>> -> memref<64x256xf32, #tpu.memory_space<vmem>>
        %parallel_loop3A_985 = arith.index_cast %parallel_loop3A_977 : i32 to index
        %parallel_loop3A_986 = arith.index_cast %mul3A_966 : i32 to index
        %parallel_loop3A_987 = tpu.vector_load %parallel_loop3A_984[%parallel_loop3A_985, %parallel_loop3A_986] {strides = array<i32>} : memref<64x256xf32, #tpu.memory_space<vmem>>, vector<16xf32>,
        tpu.vector_store %parallel_loop3A_984[%parallel_loop3A_985, %parallel_loop3A_986], %parallel_loop3A_980 {strides = array<i32>} : memref<64x256xf32, #tpu.memory_space<vmem>>, vector<16xf32>,
      } {sc.loop_unroll_factor = 8 : i64, sc.parallel_access}
    }
    %scan3A_395 = arith.constant 16 : i32
    %add3A_396 = arith.constant 256 : i32
    %add3A_397 = arith.addi %mul3A_2, %add3A_396 : i32
    %dma_start3A_398 = arith.constant 0 : i32
    %dma_start3A_399 = arith.constant 4 : i32
    %dma_start3A_400 = arith.constant 0 : i32
    %dma_start3A_401 = arith.constant 0 : i32
    %dma_start3A_402 = arith.constant 0 : i32
    %dma_start3A_403 = tpu.memref_slice %arg7[%dma_start3A_398, %dma_start3A_401, %dma_start3A_402] : memref<3x64x256xf32, #tpu.memory_space<vmem>> -> memref<1x64x256xf32, #tpu.memory_space<vmem>>
    %dma_start3A_404 = tpu.memref_squeeze %dma_start3A_403 : memref<1x64x256xf32, #tpu.memory_space<vmem>> -> memref<64x256xf32, #tpu.memory_space<vmem>>
    %dma_start3A_405 = arith.constant 0 : i32
    %dma_start3A_406 = tpu.memref_slice %arg4[%dma_start3A_399, %dma_start3A_405, %add3A_397] : memref<10x64x16384xf32, #tpu.memory_space<hbm>> -> memref<1x64x256xf32, #tpu.memory_space<hbm>>
    %dma_start3A_407 = tpu.memref_squeeze %dma_start3A_406 : memref<1x64x256xf32, #tpu.memory_space<hbm>> -> memref<64x256xf32, #tpu.memory_space<hbm>>
    %dma_start3A_408 = tpu.memref_slice %arg8[%dma_start3A_400] : memref<3x!tpu.dma_semaphore, #tpu.memory_space<semaphore_mem>> -> memref<1x!tpu.dma_semaphore, #tpu.memory_space<semaphore_mem>>
    %dma_start3A_409 = tpu.memref_squeeze %dma_start3A_408 : memref<1x!tpu.dma_semaphore, #tpu.memory_space<semaphore_mem>> -> memref<!tpu.dma_semaphore, #tpu.memory_space<semaphore_mem>>
    %dma_start3A_410 = arith.constant 0 : i32
    %dma_start3A_411 = tpu.memref_slice %arg4[%dma_start3A_399, %dma_start3A_410, %add3A_397] : memref<10x64x16384xf32, #tpu.memory_space<hbm>> -> memref<1x64x256xf32, #tpu.memory_space<hbm>>
    %dma_start3A_412 = tpu.memref_squeeze %dma_start3A_411 : memref<1x64x256xf32, #tpu.memory_space<hbm>> -> memref<64x256xf32, #tpu.memory_space<hbm>>
    %dma_start3A_413 = arith.constant 0 : i32
    %dma_start3A_414 = arith.constant 0 : i32
    %dma_start3A_415 = tpu.memref_slice %arg7[%dma_start3A_398, %dma_start3A_413, %dma_start3A_414] : memref<3x64x256xf32, #tpu.memory_space<vmem>> -> memref<1x64x256xf32, #tpu.memory_space<vmem>>
    %dma_start3A_416 = tpu.memref_squeeze %dma_start3A_415 : memref<1x64x256xf32, #tpu.memory_space<vmem>> -> memref<64x256xf32, #tpu.memory_space<vmem>>
    tpu.enqueue_dma source(%dma_start3A_416 : memref<64x256xf32, #tpu.memory_space<vmem>>) target(%dma_start3A_412 : memref<64x256xf32, #tpu.memory_space<hbm>>) target_semaphore(%dma_start3A_409 : memref<!tpu.dma_semaphore, #tpu.memory_space<semaphore_mem>>)
    %add3A_417 = arith.constant 256 : i32
    %add3A_418 = arith.addi %mul3A_2, %add3A_417 : i32
    %dma_wait3A_419 = arith.constant 1 : i32
    %dma_wait3A_420 = arith.constant 3 : i32
    %dma_wait3A_421 = arith.constant 1 : i32
    %dma_wait3A_422 = arith.constant 0 : i32
    %dma_wait3A_423 = arith.constant 0 : i32
    %dma_wait3A_424 = tpu.memref_slice %arg7[%dma_wait3A_419, %dma_wait3A_422, %dma_wait3A_423] : memref<3x64x256xf32, #tpu.memory_space<vmem>> -> memref<1x64x256xf32, #tpu.memory_space<vmem>>
    %dma_wait3A_425 = tpu.memref_squeeze %dma_wait3A_424 : memref<1x64x256xf32, #tpu.memory_space<vmem>> -> memref<64x256xf32, #tpu.memory_space<vmem>>
    %dma_wait3A_426 = arith.constant 0 : i32
    %dma_wait3A_427 = tpu.memref_slice %arg4[%dma_wait3A_420, %dma_wait3A_426, %add3A_418] : memref<10x64x16384xf32, #tpu.memory_space<hbm>> -> memref<1x64x256xf32, #tpu.memory_space<hbm>>
    %dma_wait3A_428 = tpu.memref_squeeze %dma_wait3A_427 : memref<1x64x256xf32, #tpu.memory_space<hbm>> -> memref<64x256xf32, #tpu.memory_space<hbm>>
    %dma_wait3A_429 = tpu.memref_slice %arg8[%dma_wait3A_421] : memref<3x!tpu.dma_semaphore, #tpu.memory_space<semaphore_mem>> -> memref<1x!tpu.dma_semaphore, #tpu.memory_space<semaphore_mem>>
    %dma_wait3A_430 = tpu.memref_squeeze %dma_wait3A_429 : memref<1x!tpu.dma_semaphore, #tpu.memory_space<semaphore_mem>> -> memref<!tpu.dma_semaphore, #tpu.memory_space<semaphore_mem>>
    %dma_wait3A_431 = arith.constant 0 : i32
    %dma_wait3A_432 = tpu.memref_slice %arg4[%dma_wait3A_420, %dma_wait3A_431, %add3A_418] : memref<10x64x16384xf32, #tpu.memory_space<hbm>> -> memref<1x64x256xf32, #tpu.memory_space<hbm>>
    %dma_wait3A_433 = tpu.memref_squeeze %dma_wait3A_432 : memref<1x64x256xf32, #tpu.memory_space<hbm>> -> memref<64x256xf32, #tpu.memory_space<hbm>>
    %dma_wait3A_434 = arith.constant 0 : i32
    %dma_wait3A_435 = arith.constant 0 : i32
    %dma_wait3A_436 = tpu.memref_slice %arg7[%dma_wait3A_419, %dma_wait3A_434, %dma_wait3A_435] : memref<3x64x256xf32, #tpu.memory_space<vmem>> -> memref<1x64x256xf32, #tpu.memory_space<vmem>>
    %dma_wait3A_437 = tpu.memref_squeeze %dma_wait3A_436 : memref<1x64x256xf32, #tpu.memory_space<vmem>> -> memref<64x256xf32, #tpu.memory_space<vmem>>
    tpu.wait_dma2 semaphore(%dma_wait3A_430 : memref<!tpu.dma_semaphore, #tpu.memory_space<semaphore_mem>>) src(%dma_wait3A_437 : memref<64x256xf32, #tpu.memory_space<vmem>>) dst(%dma_wait3A_433 : memref<64x256xf32, #tpu.memory_space<hbm>>)
    %scan3A_438 = arith.constant 1 : i32
    %scan3A_439 = arith.constant 0 : i32
    %scan3A_440 = arith.constant 16 : i32
    %scan3A_441 = arith.addi %scan3A_439, %scan3A_440 : i32
    %scan3A_442 = arith.constant 1 : i32
    scf.for %scan3A_960 = %scan3A_439 to %scan3A_441 step %scan3A_442  : i32 {
      %mul3A_961 = arith.constant 1 : i32
      %mul3A_962 = arith.muli %scan3A_960, %mul3A_961 : i32
      %add3A_963 = arith.constant 0 : i32
      %add3A_964 = arith.addi %add3A_963, %mul3A_962 : i32
      %mul3A_965 = arith.constant 16 : i32
      %mul3A_966 = arith.muli %add3A_964, %mul3A_965 : i32
      %add3A_967 = arith.constant 0 : i32
      %add3A_968 = arith.addi %add3A_967, %mul3A_966 : i32
      %get3A = arith.constant 5 : i32
      %get3A_969 = arith.index_cast %get3A : i32 to index
      %get3A_970 = arith.index_cast %add3A_968 : i32 to index
      %get3A_971 = tpu.vector_load %arg5[%get3A_969, %get3A_970] {strides = array<i32>} : memref<10x512xi32, #tpu.memory_space<vmem>>, vector<16xi32>,
      %mul3A_972 = arith.constant 65 : i32
      %mul3A_973 = vector.broadcast %mul3A_972 : i32 to vector<16xi32>
      %mul3A_974 = arith.muli %get3A_971, %mul3A_973 : vector<16xi32>
      %parallel_loop3A = arith.constant 0 : i32
      %parallel_loop3A_975 = arith.constant 64 : i32
      %parallel_loop3A_976 = arith.constant 1 : i32
      scf.for %parallel_loop3A_977 = %parallel_loop3A to %parallel_loop3A_975 step %parallel_loop3A_976  : i32 {
        %parallel_loop3A_978 = vector.broadcast %parallel_loop3A_977 : i32 to vector<16xi32>
        %parallel_loop3A_979 = arith.addi %mul3A_974, %parallel_loop3A_978 : vector<16xi32>
        %parallel_loop3A_980 = tpu.vector_load_idx %arg6[%parallel_loop3A_979] : memref<65000xf32, #tpu.memory_space<vmem>>[vector<16xi32>], vector<16xf32>,
        %parallel_loop3A_981 = arith.constant 0 : i32
        %parallel_loop3A_982 = arith.constant 0 : i32
        %parallel_loop3A_983 = tpu.memref_slice %arg7[%scan3A_438, %parallel_loop3A_981, %parallel_loop3A_982] : memref<3x64x256xf32, #tpu.memory_space<vmem>> -> memref<1x64x256xf32, #tpu.memory_space<vmem>>
        %parallel_loop3A_984 = tpu.memref_squeeze %parallel_loop3A_983 : memref<1x64x256xf32, #tpu.memory_space<vmem>> -> memref<64x256xf32, #tpu.memory_space<vmem>>
        %parallel_loop3A_985 = arith.index_cast %parallel_loop3A_977 : i32 to index
        %parallel_loop3A_986 = arith.index_cast %mul3A_966 : i32 to index
        %parallel_loop3A_987 = tpu.vector_load %parallel_loop3A_984[%parallel_loop3A_985, %parallel_loop3A_986] {strides = array<i32>} : memref<64x256xf32, #tpu.memory_space<vmem>>, vector<16xf32>,
        tpu.vector_store %parallel_loop3A_984[%parallel_loop3A_985, %parallel_loop3A_986], %parallel_loop3A_980 {strides = array<i32>} : memref<64x256xf32, #tpu.memory_space<vmem>>, vector<16xf32>,
      } {sc.loop_unroll_factor = 8 : i64, sc.parallel_access}
    }
    %scan3A_443 = arith.constant 16 : i32
    %add3A_444 = arith.constant 0 : i32
    %add3A_445 = arith.addi %mul3A_2, %add3A_444 : i32
    %dma_start3A_446 = arith.constant 1 : i32
    %dma_start3A_447 = arith.constant 5 : i32
    %dma_start3A_448 = arith.constant 1 : i32
    %dma_start3A_449 = arith.constant 0 : i32
    %dma_start3A_450 = arith.constant 0 : i32
    %dma_start3A_451 = tpu.memref_slice %arg7[%dma_start3A_446, %dma_start3A_449, %dma_start3A_450] : memref<3x64x256xf32, #tpu.memory_space<vmem>> -> memref<1x64x256xf32, #tpu.memory_space<vmem>>
    %dma_start3A_452 = tpu.memref_squeeze %dma_start3A_451 : memref<1x64x256xf32, #tpu.memory_space<vmem>> -> memref<64x256xf32, #tpu.memory_space<vmem>>
    %dma_start3A_453 = arith.constant 0 : i32
    %dma_start3A_454 = tpu.memref_slice %arg4[%dma_start3A_447, %dma_start3A_453, %add3A_445] : memref<10x64x16384xf32, #tpu.memory_space<hbm>> -> memref<1x64x256xf32, #tpu.memory_space<hbm>>
    %dma_start3A_455 = tpu.memref_squeeze %dma_start3A_454 : memref<1x64x256xf32, #tpu.memory_space<hbm>> -> memref<64x256xf32, #tpu.memory_space<hbm>>
    %dma_start3A_456 = tpu.memref_slice %arg8[%dma_start3A_448] : memref<3x!tpu.dma_semaphore, #tpu.memory_space<semaphore_mem>> -> memref<1x!tpu.dma_semaphore, #tpu.memory_space<semaphore_mem>>
    %dma_start3A_457 = tpu.memref_squeeze %dma_start3A_456 : memref<1x!tpu.dma_semaphore, #tpu.memory_space<semaphore_mem>> -> memref<!tpu.dma_semaphore, #tpu.memory_space<semaphore_mem>>
    %dma_start3A_458 = arith.constant 0 : i32
    %dma_start3A_459 = tpu.memref_slice %arg4[%dma_start3A_447, %dma_start3A_458, %add3A_445] : memref<10x64x16384xf32, #tpu.memory_space<hbm>> -> memref<1x64x256xf32, #tpu.memory_space<hbm>>
    %dma_start3A_460 = tpu.memref_squeeze %dma_start3A_459 : memref<1x64x256xf32, #tpu.memory_space<hbm>> -> memref<64x256xf32, #tpu.memory_space<hbm>>
    %dma_start3A_461 = arith.constant 0 : i32
    %dma_start3A_462 = arith.constant 0 : i32
    %dma_start3A_463 = tpu.memref_slice %arg7[%dma_start3A_446, %dma_start3A_461, %dma_start3A_462] : memref<3x64x256xf32, #tpu.memory_space<vmem>> -> memref<1x64x256xf32, #tpu.memory_space<vmem>>
    %dma_start3A_464 = tpu.memref_squeeze %dma_start3A_463 : memref<1x64x256xf32, #tpu.memory_space<vmem>> -> memref<64x256xf32, #tpu.memory_space<vmem>>
    tpu.enqueue_dma source(%dma_start3A_464 : memref<64x256xf32, #tpu.memory_space<vmem>>) target(%dma_start3A_460 : memref<64x256xf32, #tpu.memory_space<hbm>>) target_semaphore(%dma_start3A_457 : memref<!tpu.dma_semaphore, #tpu.memory_space<semaphore_mem>>)
    %add3A_465 = arith.constant 0 : i32
    %add3A_466 = arith.addi %mul3A_2, %add3A_465 : i32
    %dma_wait3A_467 = arith.constant 2 : i32
    %dma_wait3A_468 = arith.constant 4 : i32
    %dma_wait3A_469 = arith.constant 2 : i32
    %dma_wait3A_470 = arith.constant 0 : i32
    %dma_wait3A_471 = arith.constant 0 : i32
    %dma_wait3A_472 = tpu.memref_slice %arg7[%dma_wait3A_467, %dma_wait3A_470, %dma_wait3A_471] : memref<3x64x256xf32, #tpu.memory_space<vmem>> -> memref<1x64x256xf32, #tpu.memory_space<vmem>>
    %dma_wait3A_473 = tpu.memref_squeeze %dma_wait3A_472 : memref<1x64x256xf32, #tpu.memory_space<vmem>> -> memref<64x256xf32, #tpu.memory_space<vmem>>
    %dma_wait3A_474 = arith.constant 0 : i32
    %dma_wait3A_475 = tpu.memref_slice %arg4[%dma_wait3A_468, %dma_wait3A_474, %add3A_466] : memref<10x64x16384xf32, #tpu.memory_space<hbm>> -> memref<1x64x256xf32, #tpu.memory_space<hbm>>
    %dma_wait3A_476 = tpu.memref_squeeze %dma_wait3A_475 : memref<1x64x256xf32, #tpu.memory_space<hbm>> -> memref<64x256xf32, #tpu.memory_space<hbm>>
    %dma_wait3A_477 = tpu.memref_slice %arg8[%dma_wait3A_469] : memref<3x!tpu.dma_semaphore, #tpu.memory_space<semaphore_mem>> -> memref<1x!tpu.dma_semaphore, #tpu.memory_space<semaphore_mem>>
    %dma_wait3A_478 = tpu.memref_squeeze %dma_wait3A_477 : memref<1x!tpu.dma_semaphore, #tpu.memory_space<semaphore_mem>> -> memref<!tpu.dma_semaphore, #tpu.memory_space<semaphore_mem>>
    %dma_wait3A_479 = arith.constant 0 : i32
    %dma_wait3A_480 = tpu.memref_slice %arg4[%dma_wait3A_468, %dma_wait3A_479, %add3A_466] : memref<10x64x16384xf32, #tpu.memory_space<hbm>> -> memref<1x64x256xf32, #tpu.memory_space<hbm>>
    %dma_wait3A_481 = tpu.memref_squeeze %dma_wait3A_480 : memref<1x64x256xf32, #tpu.memory_space<hbm>> -> memref<64x256xf32, #tpu.memory_space<hbm>>
    %dma_wait3A_482 = arith.constant 0 : i32
    %dma_wait3A_483 = arith.constant 0 : i32
    %dma_wait3A_484 = tpu.memref_slice %arg7[%dma_wait3A_467, %dma_wait3A_482, %dma_wait3A_483] : memref<3x64x256xf32, #tpu.memory_space<vmem>> -> memref<1x64x256xf32, #tpu.memory_space<vmem>>
    %dma_wait3A_485 = tpu.memref_squeeze %dma_wait3A_484 : memref<1x64x256xf32, #tpu.memory_space<vmem>> -> memref<64x256xf32, #tpu.memory_space<vmem>>
    tpu.wait_dma2 semaphore(%dma_wait3A_478 : memref<!tpu.dma_semaphore, #tpu.memory_space<semaphore_mem>>) src(%dma_wait3A_485 : memref<64x256xf32, #tpu.memory_space<vmem>>) dst(%dma_wait3A_481 : memref<64x256xf32, #tpu.memory_space<hbm>>)
    %scan3A_486 = arith.constant 2 : i32
    %scan3A_487 = arith.constant 0 : i32
    %scan3A_488 = arith.constant 16 : i32
    %scan3A_489 = arith.addi %scan3A_487, %scan3A_488 : i32
    %scan3A_490 = arith.constant 1 : i32
    scf.for %scan3A_960 = %scan3A_487 to %scan3A_489 step %scan3A_490  : i32 {
      %mul3A_961 = arith.constant 1 : i32
      %mul3A_962 = arith.muli %scan3A_960, %mul3A_961 : i32
      %add3A_963 = arith.constant 0 : i32
      %add3A_964 = arith.addi %add3A_963, %mul3A_962 : i32
      %mul3A_965 = arith.constant 16 : i32
      %mul3A_966 = arith.muli %add3A_964, %mul3A_965 : i32
      %add3A_967 = arith.constant 256 : i32
      %add3A_968 = arith.addi %add3A_967, %mul3A_966 : i32
      %get3A = arith.constant 5 : i32
      %get3A_969 = arith.index_cast %get3A : i32 to index
      %get3A_970 = arith.index_cast %add3A_968 : i32 to index
      %get3A_971 = tpu.vector_load %arg5[%get3A_969, %get3A_970] {strides = array<i32>} : memref<10x512xi32, #tpu.memory_space<vmem>>, vector<16xi32>,
      %mul3A_972 = arith.constant 65 : i32
      %mul3A_973 = vector.broadcast %mul3A_972 : i32 to vector<16xi32>
      %mul3A_974 = arith.muli %get3A_971, %mul3A_973 : vector<16xi32>
      %parallel_loop3A = arith.constant 0 : i32
      %parallel_loop3A_975 = arith.constant 64 : i32
      %parallel_loop3A_976 = arith.constant 1 : i32
      scf.for %parallel_loop3A_977 = %parallel_loop3A to %parallel_loop3A_975 step %parallel_loop3A_976  : i32 {
        %parallel_loop3A_978 = vector.broadcast %parallel_loop3A_977 : i32 to vector<16xi32>
        %parallel_loop3A_979 = arith.addi %mul3A_974, %parallel_loop3A_978 : vector<16xi32>
        %parallel_loop3A_980 = tpu.vector_load_idx %arg6[%parallel_loop3A_979] : memref<65000xf32, #tpu.memory_space<vmem>>[vector<16xi32>], vector<16xf32>,
        %parallel_loop3A_981 = arith.constant 0 : i32
        %parallel_loop3A_982 = arith.constant 0 : i32
        %parallel_loop3A_983 = tpu.memref_slice %arg7[%scan3A_486, %parallel_loop3A_981, %parallel_loop3A_982] : memref<3x64x256xf32, #tpu.memory_space<vmem>> -> memref<1x64x256xf32, #tpu.memory_space<vmem>>
        %parallel_loop3A_984 = tpu.memref_squeeze %parallel_loop3A_983 : memref<1x64x256xf32, #tpu.memory_space<vmem>> -> memref<64x256xf32, #tpu.memory_space<vmem>>
        %parallel_loop3A_985 = arith.index_cast %parallel_loop3A_977 : i32 to index
        %parallel_loop3A_986 = arith.index_cast %mul3A_966 : i32 to index
        %parallel_loop3A_987 = tpu.vector_load %parallel_loop3A_984[%parallel_loop3A_985, %parallel_loop3A_986] {strides = array<i32>} : memref<64x256xf32, #tpu.memory_space<vmem>>, vector<16xf32>,
        tpu.vector_store %parallel_loop3A_984[%parallel_loop3A_985, %parallel_loop3A_986], %parallel_loop3A_980 {strides = array<i32>} : memref<64x256xf32, #tpu.memory_space<vmem>>, vector<16xf32>,
      } {sc.loop_unroll_factor = 8 : i64, sc.parallel_access}
    }
    %scan3A_491 = arith.constant 16 : i32
    %add3A_492 = arith.constant 256 : i32
    %add3A_493 = arith.addi %mul3A_2, %add3A_492 : i32
    %dma_start3A_494 = arith.constant 2 : i32
    %dma_start3A_495 = arith.constant 5 : i32
    %dma_start3A_496 = arith.constant 2 : i32
    %dma_start3A_497 = arith.constant 0 : i32
    %dma_start3A_498 = arith.constant 0 : i32
    %dma_start3A_499 = tpu.memref_slice %arg7[%dma_start3A_494, %dma_start3A_497, %dma_start3A_498] : memref<3x64x256xf32, #tpu.memory_space<vmem>> -> memref<1x64x256xf32, #tpu.memory_space<vmem>>
    %dma_start3A_500 = tpu.memref_squeeze %dma_start3A_499 : memref<1x64x256xf32, #tpu.memory_space<vmem>> -> memref<64x256xf32, #tpu.memory_space<vmem>>
    %dma_start3A_501 = arith.constant 0 : i32
    %dma_start3A_502 = tpu.memref_slice %arg4[%dma_start3A_495, %dma_start3A_501, %add3A_493] : memref<10x64x16384xf32, #tpu.memory_space<hbm>> -> memref<1x64x256xf32, #tpu.memory_space<hbm>>
    %dma_start3A_503 = tpu.memref_squeeze %dma_start3A_502 : memref<1x64x256xf32, #tpu.memory_space<hbm>> -> memref<64x256xf32, #tpu.memory_space<hbm>>
    %dma_start3A_504 = tpu.memref_slice %arg8[%dma_start3A_496] : memref<3x!tpu.dma_semaphore, #tpu.memory_space<semaphore_mem>> -> memref<1x!tpu.dma_semaphore, #tpu.memory_space<semaphore_mem>>
    %dma_start3A_505 = tpu.memref_squeeze %dma_start3A_504 : memref<1x!tpu.dma_semaphore, #tpu.memory_space<semaphore_mem>> -> memref<!tpu.dma_semaphore, #tpu.memory_space<semaphore_mem>>
    %dma_start3A_506 = arith.constant 0 : i32
    %dma_start3A_507 = tpu.memref_slice %arg4[%dma_start3A_495, %dma_start3A_506, %add3A_493] : memref<10x64x16384xf32, #tpu.memory_space<hbm>> -> memref<1x64x256xf32, #tpu.memory_space<hbm>>
    %dma_start3A_508 = tpu.memref_squeeze %dma_start3A_507 : memref<1x64x256xf32, #tpu.memory_space<hbm>> -> memref<64x256xf32, #tpu.memory_space<hbm>>
    %dma_start3A_509 = arith.constant 0 : i32
    %dma_start3A_510 = arith.constant 0 : i32
    %dma_start3A_511 = tpu.memref_slice %arg7[%dma_start3A_494, %dma_start3A_509, %dma_start3A_510] : memref<3x64x256xf32, #tpu.memory_space<vmem>> -> memref<1x64x256xf32, #tpu.memory_space<vmem>>
    %dma_start3A_512 = tpu.memref_squeeze %dma_start3A_511 : memref<1x64x256xf32, #tpu.memory_space<vmem>> -> memref<64x256xf32, #tpu.memory_space<vmem>>
    tpu.enqueue_dma source(%dma_start3A_512 : memref<64x256xf32, #tpu.memory_space<vmem>>) target(%dma_start3A_508 : memref<64x256xf32, #tpu.memory_space<hbm>>) target_semaphore(%dma_start3A_505 : memref<!tpu.dma_semaphore, #tpu.memory_space<semaphore_mem>>)
    %add3A_513 = arith.constant 256 : i32
    %add3A_514 = arith.addi %mul3A_2, %add3A_513 : i32
    %dma_wait3A_515 = arith.constant 0 : i32
    %dma_wait3A_516 = arith.constant 4 : i32
    %dma_wait3A_517 = arith.constant 0 : i32
    %dma_wait3A_518 = arith.constant 0 : i32
    %dma_wait3A_519 = arith.constant 0 : i32
    %dma_wait3A_520 = tpu.memref_slice %arg7[%dma_wait3A_515, %dma_wait3A_518, %dma_wait3A_519] : memref<3x64x256xf32, #tpu.memory_space<vmem>> -> memref<1x64x256xf32, #tpu.memory_space<vmem>>
    %dma_wait3A_521 = tpu.memref_squeeze %dma_wait3A_520 : memref<1x64x256xf32, #tpu.memory_space<vmem>> -> memref<64x256xf32, #tpu.memory_space<vmem>>
    %dma_wait3A_522 = arith.constant 0 : i32
    %dma_wait3A_523 = tpu.memref_slice %arg4[%dma_wait3A_516, %dma_wait3A_522, %add3A_514] : memref<10x64x16384xf32, #tpu.memory_space<hbm>> -> memref<1x64x256xf32, #tpu.memory_space<hbm>>
    %dma_wait3A_524 = tpu.memref_squeeze %dma_wait3A_523 : memref<1x64x256xf32, #tpu.memory_space<hbm>> -> memref<64x256xf32, #tpu.memory_space<hbm>>
    %dma_wait3A_525 = tpu.memref_slice %arg8[%dma_wait3A_517] : memref<3x!tpu.dma_semaphore, #tpu.memory_space<semaphore_mem>> -> memref<1x!tpu.dma_semaphore, #tpu.memory_space<semaphore_mem>>
    %dma_wait3A_526 = tpu.memref_squeeze %dma_wait3A_525 : memref<1x!tpu.dma_semaphore, #tpu.memory_space<semaphore_mem>> -> memref<!tpu.dma_semaphore, #tpu.memory_space<semaphore_mem>>
    %dma_wait3A_527 = arith.constant 0 : i32
    %dma_wait3A_528 = tpu.memref_slice %arg4[%dma_wait3A_516, %dma_wait3A_527, %add3A_514] : memref<10x64x16384xf32, #tpu.memory_space<hbm>> -> memref<1x64x256xf32, #tpu.memory_space<hbm>>
    %dma_wait3A_529 = tpu.memref_squeeze %dma_wait3A_528 : memref<1x64x256xf32, #tpu.memory_space<hbm>> -> memref<64x256xf32, #tpu.memory_space<hbm>>
    %dma_wait3A_530 = arith.constant 0 : i32
    %dma_wait3A_531 = arith.constant 0 : i32
    %dma_wait3A_532 = tpu.memref_slice %arg7[%dma_wait3A_515, %dma_wait3A_530, %dma_wait3A_531] : memref<3x64x256xf32, #tpu.memory_space<vmem>> -> memref<1x64x256xf32, #tpu.memory_space<vmem>>
    %dma_wait3A_533 = tpu.memref_squeeze %dma_wait3A_532 : memref<1x64x256xf32, #tpu.memory_space<vmem>> -> memref<64x256xf32, #tpu.memory_space<vmem>>
    tpu.wait_dma2 semaphore(%dma_wait3A_526 : memref<!tpu.dma_semaphore, #tpu.memory_space<semaphore_mem>>) src(%dma_wait3A_533 : memref<64x256xf32, #tpu.memory_space<vmem>>) dst(%dma_wait3A_529 : memref<64x256xf32, #tpu.memory_space<hbm>>)
    %scan3A_534 = arith.constant 0 : i32
    %scan3A_535 = arith.constant 0 : i32
    %scan3A_536 = arith.constant 16 : i32
    %scan3A_537 = arith.addi %scan3A_535, %scan3A_536 : i32
    %scan3A_538 = arith.constant 1 : i32
    scf.for %scan3A_960 = %scan3A_535 to %scan3A_537 step %scan3A_538  : i32 {
      %mul3A_961 = arith.constant 1 : i32
      %mul3A_962 = arith.muli %scan3A_960, %mul3A_961 : i32
      %add3A_963 = arith.constant 0 : i32
      %add3A_964 = arith.addi %add3A_963, %mul3A_962 : i32
      %mul3A_965 = arith.constant 16 : i32
      %mul3A_966 = arith.muli %add3A_964, %mul3A_965 : i32
      %add3A_967 = arith.constant 0 : i32
      %add3A_968 = arith.addi %add3A_967, %mul3A_966 : i32
      %get3A = arith.constant 6 : i32
      %get3A_969 = arith.index_cast %get3A : i32 to index
      %get3A_970 = arith.index_cast %add3A_968 : i32 to index
      %get3A_971 = tpu.vector_load %arg5[%get3A_969, %get3A_970] {strides = array<i32>} : memref<10x512xi32, #tpu.memory_space<vmem>>, vector<16xi32>,
      %mul3A_972 = arith.constant 65 : i32
      %mul3A_973 = vector.broadcast %mul3A_972 : i32 to vector<16xi32>
      %mul3A_974 = arith.muli %get3A_971, %mul3A_973 : vector<16xi32>
      %parallel_loop3A = arith.constant 0 : i32
      %parallel_loop3A_975 = arith.constant 64 : i32
      %parallel_loop3A_976 = arith.constant 1 : i32
      scf.for %parallel_loop3A_977 = %parallel_loop3A to %parallel_loop3A_975 step %parallel_loop3A_976  : i32 {
        %parallel_loop3A_978 = vector.broadcast %parallel_loop3A_977 : i32 to vector<16xi32>
        %parallel_loop3A_979 = arith.addi %mul3A_974, %parallel_loop3A_978 : vector<16xi32>
        %parallel_loop3A_980 = tpu.vector_load_idx %arg6[%parallel_loop3A_979] : memref<65000xf32, #tpu.memory_space<vmem>>[vector<16xi32>], vector<16xf32>,
        %parallel_loop3A_981 = arith.constant 0 : i32
        %parallel_loop3A_982 = arith.constant 0 : i32
        %parallel_loop3A_983 = tpu.memref_slice %arg7[%scan3A_534, %parallel_loop3A_981, %parallel_loop3A_982] : memref<3x64x256xf32, #tpu.memory_space<vmem>> -> memref<1x64x256xf32, #tpu.memory_space<vmem>>
        %parallel_loop3A_984 = tpu.memref_squeeze %parallel_loop3A_983 : memref<1x64x256xf32, #tpu.memory_space<vmem>> -> memref<64x256xf32, #tpu.memory_space<vmem>>
        %parallel_loop3A_985 = arith.index_cast %parallel_loop3A_977 : i32 to index
        %parallel_loop3A_986 = arith.index_cast %mul3A_966 : i32 to index
        %parallel_loop3A_987 = tpu.vector_load %parallel_loop3A_984[%parallel_loop3A_985, %parallel_loop3A_986] {strides = array<i32>} : memref<64x256xf32, #tpu.memory_space<vmem>>, vector<16xf32>,
        tpu.vector_store %parallel_loop3A_984[%parallel_loop3A_985, %parallel_loop3A_986], %parallel_loop3A_980 {strides = array<i32>} : memref<64x256xf32, #tpu.memory_space<vmem>>, vector<16xf32>,
      } {sc.loop_unroll_factor = 8 : i64, sc.parallel_access}
    }
    %scan3A_539 = arith.constant 16 : i32
    %add3A_540 = arith.constant 0 : i32
    %add3A_541 = arith.addi %mul3A_2, %add3A_540 : i32
    %dma_start3A_542 = arith.constant 0 : i32
    %dma_start3A_543 = arith.constant 6 : i32
    %dma_start3A_544 = arith.constant 0 : i32
    %dma_start3A_545 = arith.constant 0 : i32
    %dma_start3A_546 = arith.constant 0 : i32
    %dma_start3A_547 = tpu.memref_slice %arg7[%dma_start3A_542, %dma_start3A_545, %dma_start3A_546] : memref<3x64x256xf32, #tpu.memory_space<vmem>> -> memref<1x64x256xf32, #tpu.memory_space<vmem>>
    %dma_start3A_548 = tpu.memref_squeeze %dma_start3A_547 : memref<1x64x256xf32, #tpu.memory_space<vmem>> -> memref<64x256xf32, #tpu.memory_space<vmem>>
    %dma_start3A_549 = arith.constant 0 : i32
    %dma_start3A_550 = tpu.memref_slice %arg4[%dma_start3A_543, %dma_start3A_549, %add3A_541] : memref<10x64x16384xf32, #tpu.memory_space<hbm>> -> memref<1x64x256xf32, #tpu.memory_space<hbm>>
    %dma_start3A_551 = tpu.memref_squeeze %dma_start3A_550 : memref<1x64x256xf32, #tpu.memory_space<hbm>> -> memref<64x256xf32, #tpu.memory_space<hbm>>
    %dma_start3A_552 = tpu.memref_slice %arg8[%dma_start3A_544] : memref<3x!tpu.dma_semaphore, #tpu.memory_space<semaphore_mem>> -> memref<1x!tpu.dma_semaphore, #tpu.memory_space<semaphore_mem>>
    %dma_start3A_553 = tpu.memref_squeeze %dma_start3A_552 : memref<1x!tpu.dma_semaphore, #tpu.memory_space<semaphore_mem>> -> memref<!tpu.dma_semaphore, #tpu.memory_space<semaphore_mem>>
    %dma_start3A_554 = arith.constant 0 : i32
    %dma_start3A_555 = tpu.memref_slice %arg4[%dma_start3A_543, %dma_start3A_554, %add3A_541] : memref<10x64x16384xf32, #tpu.memory_space<hbm>> -> memref<1x64x256xf32, #tpu.memory_space<hbm>>
    %dma_start3A_556 = tpu.memref_squeeze %dma_start3A_555 : memref<1x64x256xf32, #tpu.memory_space<hbm>> -> memref<64x256xf32, #tpu.memory_space<hbm>>
    %dma_start3A_557 = arith.constant 0 : i32
    %dma_start3A_558 = arith.constant 0 : i32
    %dma_start3A_559 = tpu.memref_slice %arg7[%dma_start3A_542, %dma_start3A_557, %dma_start3A_558] : memref<3x64x256xf32, #tpu.memory_space<vmem>> -> memref<1x64x256xf32, #tpu.memory_space<vmem>>
    %dma_start3A_560 = tpu.memref_squeeze %dma_start3A_559 : memref<1x64x256xf32, #tpu.memory_space<vmem>> -> memref<64x256xf32, #tpu.memory_space<vmem>>
    tpu.enqueue_dma source(%dma_start3A_560 : memref<64x256xf32, #tpu.memory_space<vmem>>) target(%dma_start3A_556 : memref<64x256xf32, #tpu.memory_space<hbm>>) target_semaphore(%dma_start3A_553 : memref<!tpu.dma_semaphore, #tpu.memory_space<semaphore_mem>>)
    %add3A_561 = arith.constant 0 : i32
    %add3A_562 = arith.addi %mul3A_2, %add3A_561 : i32
    %dma_wait3A_563 = arith.constant 1 : i32
    %dma_wait3A_564 = arith.constant 5 : i32
    %dma_wait3A_565 = arith.constant 1 : i32
    %dma_wait3A_566 = arith.constant 0 : i32
    %dma_wait3A_567 = arith.constant 0 : i32
    %dma_wait3A_568 = tpu.memref_slice %arg7[%dma_wait3A_563, %dma_wait3A_566, %dma_wait3A_567] : memref<3x64x256xf32, #tpu.memory_space<vmem>> -> memref<1x64x256xf32, #tpu.memory_space<vmem>>
    %dma_wait3A_569 = tpu.memref_squeeze %dma_wait3A_568 : memref<1x64x256xf32, #tpu.memory_space<vmem>> -> memref<64x256xf32, #tpu.memory_space<vmem>>
    %dma_wait3A_570 = arith.constant 0 : i32
    %dma_wait3A_571 = tpu.memref_slice %arg4[%dma_wait3A_564, %dma_wait3A_570, %add3A_562] : memref<10x64x16384xf32, #tpu.memory_space<hbm>> -> memref<1x64x256xf32, #tpu.memory_space<hbm>>
    %dma_wait3A_572 = tpu.memref_squeeze %dma_wait3A_571 : memref<1x64x256xf32, #tpu.memory_space<hbm>> -> memref<64x256xf32, #tpu.memory_space<hbm>>
    %dma_wait3A_573 = tpu.memref_slice %arg8[%dma_wait3A_565] : memref<3x!tpu.dma_semaphore, #tpu.memory_space<semaphore_mem>> -> memref<1x!tpu.dma_semaphore, #tpu.memory_space<semaphore_mem>>
    %dma_wait3A_574 = tpu.memref_squeeze %dma_wait3A_573 : memref<1x!tpu.dma_semaphore, #tpu.memory_space<semaphore_mem>> -> memref<!tpu.dma_semaphore, #tpu.memory_space<semaphore_mem>>
    %dma_wait3A_575 = arith.constant 0 : i32
    %dma_wait3A_576 = tpu.memref_slice %arg4[%dma_wait3A_564, %dma_wait3A_575, %add3A_562] : memref<10x64x16384xf32, #tpu.memory_space<hbm>> -> memref<1x64x256xf32, #tpu.memory_space<hbm>>
    %dma_wait3A_577 = tpu.memref_squeeze %dma_wait3A_576 : memref<1x64x256xf32, #tpu.memory_space<hbm>> -> memref<64x256xf32, #tpu.memory_space<hbm>>
    %dma_wait3A_578 = arith.constant 0 : i32
    %dma_wait3A_579 = arith.constant 0 : i32
    %dma_wait3A_580 = tpu.memref_slice %arg7[%dma_wait3A_563, %dma_wait3A_578, %dma_wait3A_579] : memref<3x64x256xf32, #tpu.memory_space<vmem>> -> memref<1x64x256xf32, #tpu.memory_space<vmem>>
    %dma_wait3A_581 = tpu.memref_squeeze %dma_wait3A_580 : memref<1x64x256xf32, #tpu.memory_space<vmem>> -> memref<64x256xf32, #tpu.memory_space<vmem>>
    tpu.wait_dma2 semaphore(%dma_wait3A_574 : memref<!tpu.dma_semaphore, #tpu.memory_space<semaphore_mem>>) src(%dma_wait3A_581 : memref<64x256xf32, #tpu.memory_space<vmem>>) dst(%dma_wait3A_577 : memref<64x256xf32, #tpu.memory_space<hbm>>)
    %scan3A_582 = arith.constant 1 : i32
    %scan3A_583 = arith.constant 0 : i32
    %scan3A_584 = arith.constant 16 : i32
    %scan3A_585 = arith.addi %scan3A_583, %scan3A_584 : i32
    %scan3A_586 = arith.constant 1 : i32
    scf.for %scan3A_960 = %scan3A_583 to %scan3A_585 step %scan3A_586  : i32 {
      %mul3A_961 = arith.constant 1 : i32
      %mul3A_962 = arith.muli %scan3A_960, %mul3A_961 : i32
      %add3A_963 = arith.constant 0 : i32
      %add3A_964 = arith.addi %add3A_963, %mul3A_962 : i32
      %mul3A_965 = arith.constant 16 : i32
      %mul3A_966 = arith.muli %add3A_964, %mul3A_965 : i32
      %add3A_967 = arith.constant 256 : i32
      %add3A_968 = arith.addi %add3A_967, %mul3A_966 : i32
      %get3A = arith.constant 6 : i32
      %get3A_969 = arith.index_cast %get3A : i32 to index
      %get3A_970 = arith.index_cast %add3A_968 : i32 to index
      %get3A_971 = tpu.vector_load %arg5[%get3A_969, %get3A_970] {strides = array<i32>} : memref<10x512xi32, #tpu.memory_space<vmem>>, vector<16xi32>,
      %mul3A_972 = arith.constant 65 : i32
      %mul3A_973 = vector.broadcast %mul3A_972 : i32 to vector<16xi32>
      %mul3A_974 = arith.muli %get3A_971, %mul3A_973 : vector<16xi32>
      %parallel_loop3A = arith.constant 0 : i32
      %parallel_loop3A_975 = arith.constant 64 : i32
      %parallel_loop3A_976 = arith.constant 1 : i32
      scf.for %parallel_loop3A_977 = %parallel_loop3A to %parallel_loop3A_975 step %parallel_loop3A_976  : i32 {
        %parallel_loop3A_978 = vector.broadcast %parallel_loop3A_977 : i32 to vector<16xi32>
        %parallel_loop3A_979 = arith.addi %mul3A_974, %parallel_loop3A_978 : vector<16xi32>
        %parallel_loop3A_980 = tpu.vector_load_idx %arg6[%parallel_loop3A_979] : memref<65000xf32, #tpu.memory_space<vmem>>[vector<16xi32>], vector<16xf32>,
        %parallel_loop3A_981 = arith.constant 0 : i32
        %parallel_loop3A_982 = arith.constant 0 : i32
        %parallel_loop3A_983 = tpu.memref_slice %arg7[%scan3A_582, %parallel_loop3A_981, %parallel_loop3A_982] : memref<3x64x256xf32, #tpu.memory_space<vmem>> -> memref<1x64x256xf32, #tpu.memory_space<vmem>>
        %parallel_loop3A_984 = tpu.memref_squeeze %parallel_loop3A_983 : memref<1x64x256xf32, #tpu.memory_space<vmem>> -> memref<64x256xf32, #tpu.memory_space<vmem>>
        %parallel_loop3A_985 = arith.index_cast %parallel_loop3A_977 : i32 to index
        %parallel_loop3A_986 = arith.index_cast %mul3A_966 : i32 to index
        %parallel_loop3A_987 = tpu.vector_load %parallel_loop3A_984[%parallel_loop3A_985, %parallel_loop3A_986] {strides = array<i32>} : memref<64x256xf32, #tpu.memory_space<vmem>>, vector<16xf32>,
        tpu.vector_store %parallel_loop3A_984[%parallel_loop3A_985, %parallel_loop3A_986], %parallel_loop3A_980 {strides = array<i32>} : memref<64x256xf32, #tpu.memory_space<vmem>>, vector<16xf32>,
      } {sc.loop_unroll_factor = 8 : i64, sc.parallel_access}
    }
    %scan3A_587 = arith.constant 16 : i32
    %add3A_588 = arith.constant 256 : i32
    %add3A_589 = arith.addi %mul3A_2, %add3A_588 : i32
    %dma_start3A_590 = arith.constant 1 : i32
    %dma_start3A_591 = arith.constant 6 : i32
    %dma_start3A_592 = arith.constant 1 : i32
    %dma_start3A_593 = arith.constant 0 : i32
    %dma_start3A_594 = arith.constant 0 : i32
    %dma_start3A_595 = tpu.memref_slice %arg7[%dma_start3A_590, %dma_start3A_593, %dma_start3A_594] : memref<3x64x256xf32, #tpu.memory_space<vmem>> -> memref<1x64x256xf32, #tpu.memory_space<vmem>>
    %dma_start3A_596 = tpu.memref_squeeze %dma_start3A_595 : memref<1x64x256xf32, #tpu.memory_space<vmem>> -> memref<64x256xf32, #tpu.memory_space<vmem>>
    %dma_start3A_597 = arith.constant 0 : i32
    %dma_start3A_598 = tpu.memref_slice %arg4[%dma_start3A_591, %dma_start3A_597, %add3A_589] : memref<10x64x16384xf32, #tpu.memory_space<hbm>> -> memref<1x64x256xf32, #tpu.memory_space<hbm>>
    %dma_start3A_599 = tpu.memref_squeeze %dma_start3A_598 : memref<1x64x256xf32, #tpu.memory_space<hbm>> -> memref<64x256xf32, #tpu.memory_space<hbm>>
    %dma_start3A_600 = tpu.memref_slice %arg8[%dma_start3A_592] : memref<3x!tpu.dma_semaphore, #tpu.memory_space<semaphore_mem>> -> memref<1x!tpu.dma_semaphore, #tpu.memory_space<semaphore_mem>>
    %dma_start3A_601 = tpu.memref_squeeze %dma_start3A_600 : memref<1x!tpu.dma_semaphore, #tpu.memory_space<semaphore_mem>> -> memref<!tpu.dma_semaphore, #tpu.memory_space<semaphore_mem>>
    %dma_start3A_602 = arith.constant 0 : i32
    %dma_start3A_603 = tpu.memref_slice %arg4[%dma_start3A_591, %dma_start3A_602, %add3A_589] : memref<10x64x16384xf32, #tpu.memory_space<hbm>> -> memref<1x64x256xf32, #tpu.memory_space<hbm>>
    %dma_start3A_604 = tpu.memref_squeeze %dma_start3A_603 : memref<1x64x256xf32, #tpu.memory_space<hbm>> -> memref<64x256xf32, #tpu.memory_space<hbm>>
    %dma_start3A_605 = arith.constant 0 : i32
    %dma_start3A_606 = arith.constant 0 : i32
    %dma_start3A_607 = tpu.memref_slice %arg7[%dma_start3A_590, %dma_start3A_605, %dma_start3A_606] : memref<3x64x256xf32, #tpu.memory_space<vmem>> -> memref<1x64x256xf32, #tpu.memory_space<vmem>>
    %dma_start3A_608 = tpu.memref_squeeze %dma_start3A_607 : memref<1x64x256xf32, #tpu.memory_space<vmem>> -> memref<64x256xf32, #tpu.memory_space<vmem>>
    tpu.enqueue_dma source(%dma_start3A_608 : memref<64x256xf32, #tpu.memory_space<vmem>>) target(%dma_start3A_604 : memref<64x256xf32, #tpu.memory_space<hbm>>) target_semaphore(%dma_start3A_601 : memref<!tpu.dma_semaphore, #tpu.memory_space<semaphore_mem>>)
    %add3A_609 = arith.constant 256 : i32
    %add3A_610 = arith.addi %mul3A_2, %add3A_609 : i32
    %dma_wait3A_611 = arith.constant 2 : i32
    %dma_wait3A_612 = arith.constant 5 : i32
    %dma_wait3A_613 = arith.constant 2 : i32
    %dma_wait3A_614 = arith.constant 0 : i32
    %dma_wait3A_615 = arith.constant 0 : i32
    %dma_wait3A_616 = tpu.memref_slice %arg7[%dma_wait3A_611, %dma_wait3A_614, %dma_wait3A_615] : memref<3x64x256xf32, #tpu.memory_space<vmem>> -> memref<1x64x256xf32, #tpu.memory_space<vmem>>
    %dma_wait3A_617 = tpu.memref_squeeze %dma_wait3A_616 : memref<1x64x256xf32, #tpu.memory_space<vmem>> -> memref<64x256xf32, #tpu.memory_space<vmem>>
    %dma_wait3A_618 = arith.constant 0 : i32
    %dma_wait3A_619 = tpu.memref_slice %arg4[%dma_wait3A_612, %dma_wait3A_618, %add3A_610] : memref<10x64x16384xf32, #tpu.memory_space<hbm>> -> memref<1x64x256xf32, #tpu.memory_space<hbm>>
    %dma_wait3A_620 = tpu.memref_squeeze %dma_wait3A_619 : memref<1x64x256xf32, #tpu.memory_space<hbm>> -> memref<64x256xf32, #tpu.memory_space<hbm>>
    %dma_wait3A_621 = tpu.memref_slice %arg8[%dma_wait3A_613] : memref<3x!tpu.dma_semaphore, #tpu.memory_space<semaphore_mem>> -> memref<1x!tpu.dma_semaphore, #tpu.memory_space<semaphore_mem>>
    %dma_wait3A_622 = tpu.memref_squeeze %dma_wait3A_621 : memref<1x!tpu.dma_semaphore, #tpu.memory_space<semaphore_mem>> -> memref<!tpu.dma_semaphore, #tpu.memory_space<semaphore_mem>>
    %dma_wait3A_623 = arith.constant 0 : i32
    %dma_wait3A_624 = tpu.memref_slice %arg4[%dma_wait3A_612, %dma_wait3A_623, %add3A_610] : memref<10x64x16384xf32, #tpu.memory_space<hbm>> -> memref<1x64x256xf32, #tpu.memory_space<hbm>>
    %dma_wait3A_625 = tpu.memref_squeeze %dma_wait3A_624 : memref<1x64x256xf32, #tpu.memory_space<hbm>> -> memref<64x256xf32, #tpu.memory_space<hbm>>
    %dma_wait3A_626 = arith.constant 0 : i32
    %dma_wait3A_627 = arith.constant 0 : i32
    %dma_wait3A_628 = tpu.memref_slice %arg7[%dma_wait3A_611, %dma_wait3A_626, %dma_wait3A_627] : memref<3x64x256xf32, #tpu.memory_space<vmem>> -> memref<1x64x256xf32, #tpu.memory_space<vmem>>
    %dma_wait3A_629 = tpu.memref_squeeze %dma_wait3A_628 : memref<1x64x256xf32, #tpu.memory_space<vmem>> -> memref<64x256xf32, #tpu.memory_space<vmem>>
    tpu.wait_dma2 semaphore(%dma_wait3A_622 : memref<!tpu.dma_semaphore, #tpu.memory_space<semaphore_mem>>) src(%dma_wait3A_629 : memref<64x256xf32, #tpu.memory_space<vmem>>) dst(%dma_wait3A_625 : memref<64x256xf32, #tpu.memory_space<hbm>>)
    %scan3A_630 = arith.constant 2 : i32
    %scan3A_631 = arith.constant 0 : i32
    %scan3A_632 = arith.constant 16 : i32
    %scan3A_633 = arith.addi %scan3A_631, %scan3A_632 : i32
    %scan3A_634 = arith.constant 1 : i32
    scf.for %scan3A_960 = %scan3A_631 to %scan3A_633 step %scan3A_634  : i32 {
      %mul3A_961 = arith.constant 1 : i32
      %mul3A_962 = arith.muli %scan3A_960, %mul3A_961 : i32
      %add3A_963 = arith.constant 0 : i32
      %add3A_964 = arith.addi %add3A_963, %mul3A_962 : i32
      %mul3A_965 = arith.constant 16 : i32
      %mul3A_966 = arith.muli %add3A_964, %mul3A_965 : i32
      %add3A_967 = arith.constant 0 : i32
      %add3A_968 = arith.addi %add3A_967, %mul3A_966 : i32
      %get3A = arith.constant 7 : i32
      %get3A_969 = arith.index_cast %get3A : i32 to index
      %get3A_970 = arith.index_cast %add3A_968 : i32 to index
      %get3A_971 = tpu.vector_load %arg5[%get3A_969, %get3A_970] {strides = array<i32>} : memref<10x512xi32, #tpu.memory_space<vmem>>, vector<16xi32>,
      %mul3A_972 = arith.constant 65 : i32
      %mul3A_973 = vector.broadcast %mul3A_972 : i32 to vector<16xi32>
      %mul3A_974 = arith.muli %get3A_971, %mul3A_973 : vector<16xi32>
      %parallel_loop3A = arith.constant 0 : i32
      %parallel_loop3A_975 = arith.constant 64 : i32
      %parallel_loop3A_976 = arith.constant 1 : i32
      scf.for %parallel_loop3A_977 = %parallel_loop3A to %parallel_loop3A_975 step %parallel_loop3A_976  : i32 {
        %parallel_loop3A_978 = vector.broadcast %parallel_loop3A_977 : i32 to vector<16xi32>
        %parallel_loop3A_979 = arith.addi %mul3A_974, %parallel_loop3A_978 : vector<16xi32>
        %parallel_loop3A_980 = tpu.vector_load_idx %arg6[%parallel_loop3A_979] : memref<65000xf32, #tpu.memory_space<vmem>>[vector<16xi32>], vector<16xf32>,
        %parallel_loop3A_981 = arith.constant 0 : i32
        %parallel_loop3A_982 = arith.constant 0 : i32
        %parallel_loop3A_983 = tpu.memref_slice %arg7[%scan3A_630, %parallel_loop3A_981, %parallel_loop3A_982] : memref<3x64x256xf32, #tpu.memory_space<vmem>> -> memref<1x64x256xf32, #tpu.memory_space<vmem>>
        %parallel_loop3A_984 = tpu.memref_squeeze %parallel_loop3A_983 : memref<1x64x256xf32, #tpu.memory_space<vmem>> -> memref<64x256xf32, #tpu.memory_space<vmem>>
        %parallel_loop3A_985 = arith.index_cast %parallel_loop3A_977 : i32 to index
        %parallel_loop3A_986 = arith.index_cast %mul3A_966 : i32 to index
        %parallel_loop3A_987 = tpu.vector_load %parallel_loop3A_984[%parallel_loop3A_985, %parallel_loop3A_986] {strides = array<i32>} : memref<64x256xf32, #tpu.memory_space<vmem>>, vector<16xf32>,
        tpu.vector_store %parallel_loop3A_984[%parallel_loop3A_985, %parallel_loop3A_986], %parallel_loop3A_980 {strides = array<i32>} : memref<64x256xf32, #tpu.memory_space<vmem>>, vector<16xf32>,
      } {sc.loop_unroll_factor = 8 : i64, sc.parallel_access}
    }
    %scan3A_635 = arith.constant 16 : i32
    %add3A_636 = arith.constant 0 : i32
    %add3A_637 = arith.addi %mul3A_2, %add3A_636 : i32
    %dma_start3A_638 = arith.constant 2 : i32
    %dma_start3A_639 = arith.constant 7 : i32
    %dma_start3A_640 = arith.constant 2 : i32
    %dma_start3A_641 = arith.constant 0 : i32
    %dma_start3A_642 = arith.constant 0 : i32
    %dma_start3A_643 = tpu.memref_slice %arg7[%dma_start3A_638, %dma_start3A_641, %dma_start3A_642] : memref<3x64x256xf32, #tpu.memory_space<vmem>> -> memref<1x64x256xf32, #tpu.memory_space<vmem>>
    %dma_start3A_644 = tpu.memref_squeeze %dma_start3A_643 : memref<1x64x256xf32, #tpu.memory_space<vmem>> -> memref<64x256xf32, #tpu.memory_space<vmem>>
    %dma_start3A_645 = arith.constant 0 : i32
    %dma_start3A_646 = tpu.memref_slice %arg4[%dma_start3A_639, %dma_start3A_645, %add3A_637] : memref<10x64x16384xf32, #tpu.memory_space<hbm>> -> memref<1x64x256xf32, #tpu.memory_space<hbm>>
    %dma_start3A_647 = tpu.memref_squeeze %dma_start3A_646 : memref<1x64x256xf32, #tpu.memory_space<hbm>> -> memref<64x256xf32, #tpu.memory_space<hbm>>
    %dma_start3A_648 = tpu.memref_slice %arg8[%dma_start3A_640] : memref<3x!tpu.dma_semaphore, #tpu.memory_space<semaphore_mem>> -> memref<1x!tpu.dma_semaphore, #tpu.memory_space<semaphore_mem>>
    %dma_start3A_649 = tpu.memref_squeeze %dma_start3A_648 : memref<1x!tpu.dma_semaphore, #tpu.memory_space<semaphore_mem>> -> memref<!tpu.dma_semaphore, #tpu.memory_space<semaphore_mem>>
    %dma_start3A_650 = arith.constant 0 : i32
    %dma_start3A_651 = tpu.memref_slice %arg4[%dma_start3A_639, %dma_start3A_650, %add3A_637] : memref<10x64x16384xf32, #tpu.memory_space<hbm>> -> memref<1x64x256xf32, #tpu.memory_space<hbm>>
    %dma_start3A_652 = tpu.memref_squeeze %dma_start3A_651 : memref<1x64x256xf32, #tpu.memory_space<hbm>> -> memref<64x256xf32, #tpu.memory_space<hbm>>
    %dma_start3A_653 = arith.constant 0 : i32
    %dma_start3A_654 = arith.constant 0 : i32
    %dma_start3A_655 = tpu.memref_slice %arg7[%dma_start3A_638, %dma_start3A_653, %dma_start3A_654] : memref<3x64x256xf32, #tpu.memory_space<vmem>> -> memref<1x64x256xf32, #tpu.memory_space<vmem>>
    %dma_start3A_656 = tpu.memref_squeeze %dma_start3A_655 : memref<1x64x256xf32, #tpu.memory_space<vmem>> -> memref<64x256xf32, #tpu.memory_space<vmem>>
    tpu.enqueue_dma source(%dma_start3A_656 : memref<64x256xf32, #tpu.memory_space<vmem>>) target(%dma_start3A_652 : memref<64x256xf32, #tpu.memory_space<hbm>>) target_semaphore(%dma_start3A_649 : memref<!tpu.dma_semaphore, #tpu.memory_space<semaphore_mem>>)
    %add3A_657 = arith.constant 0 : i32
    %add3A_658 = arith.addi %mul3A_2, %add3A_657 : i32
    %dma_wait3A_659 = arith.constant 0 : i32
    %dma_wait3A_660 = arith.constant 6 : i32
    %dma_wait3A_661 = arith.constant 0 : i32
    %dma_wait3A_662 = arith.constant 0 : i32
    %dma_wait3A_663 = arith.constant 0 : i32
    %dma_wait3A_664 = tpu.memref_slice %arg7[%dma_wait3A_659, %dma_wait3A_662, %dma_wait3A_663] : memref<3x64x256xf32, #tpu.memory_space<vmem>> -> memref<1x64x256xf32, #tpu.memory_space<vmem>>
    %dma_wait3A_665 = tpu.memref_squeeze %dma_wait3A_664 : memref<1x64x256xf32, #tpu.memory_space<vmem>> -> memref<64x256xf32, #tpu.memory_space<vmem>>
    %dma_wait3A_666 = arith.constant 0 : i32
    %dma_wait3A_667 = tpu.memref_slice %arg4[%dma_wait3A_660, %dma_wait3A_666, %add3A_658] : memref<10x64x16384xf32, #tpu.memory_space<hbm>> -> memref<1x64x256xf32, #tpu.memory_space<hbm>>
    %dma_wait3A_668 = tpu.memref_squeeze %dma_wait3A_667 : memref<1x64x256xf32, #tpu.memory_space<hbm>> -> memref<64x256xf32, #tpu.memory_space<hbm>>
    %dma_wait3A_669 = tpu.memref_slice %arg8[%dma_wait3A_661] : memref<3x!tpu.dma_semaphore, #tpu.memory_space<semaphore_mem>> -> memref<1x!tpu.dma_semaphore, #tpu.memory_space<semaphore_mem>>
    %dma_wait3A_670 = tpu.memref_squeeze %dma_wait3A_669 : memref<1x!tpu.dma_semaphore, #tpu.memory_space<semaphore_mem>> -> memref<!tpu.dma_semaphore, #tpu.memory_space<semaphore_mem>>
    %dma_wait3A_671 = arith.constant 0 : i32
    %dma_wait3A_672 = tpu.memref_slice %arg4[%dma_wait3A_660, %dma_wait3A_671, %add3A_658] : memref<10x64x16384xf32, #tpu.memory_space<hbm>> -> memref<1x64x256xf32, #tpu.memory_space<hbm>>
    %dma_wait3A_673 = tpu.memref_squeeze %dma_wait3A_672 : memref<1x64x256xf32, #tpu.memory_space<hbm>> -> memref<64x256xf32, #tpu.memory_space<hbm>>
    %dma_wait3A_674 = arith.constant 0 : i32
    %dma_wait3A_675 = arith.constant 0 : i32
    %dma_wait3A_676 = tpu.memref_slice %arg7[%dma_wait3A_659, %dma_wait3A_674, %dma_wait3A_675] : memref<3x64x256xf32, #tpu.memory_space<vmem>> -> memref<1x64x256xf32, #tpu.memory_space<vmem>>
    %dma_wait3A_677 = tpu.memref_squeeze %dma_wait3A_676 : memref<1x64x256xf32, #tpu.memory_space<vmem>> -> memref<64x256xf32, #tpu.memory_space<vmem>>
    tpu.wait_dma2 semaphore(%dma_wait3A_670 : memref<!tpu.dma_semaphore, #tpu.memory_space<semaphore_mem>>) src(%dma_wait3A_677 : memref<64x256xf32, #tpu.memory_space<vmem>>) dst(%dma_wait3A_673 : memref<64x256xf32, #tpu.memory_space<hbm>>)
    %scan3A_678 = arith.constant 0 : i32
    %scan3A_679 = arith.constant 0 : i32
    %scan3A_680 = arith.constant 16 : i32
    %scan3A_681 = arith.addi %scan3A_679, %scan3A_680 : i32
    %scan3A_682 = arith.constant 1 : i32
    scf.for %scan3A_960 = %scan3A_679 to %scan3A_681 step %scan3A_682  : i32 {
      %mul3A_961 = arith.constant 1 : i32
      %mul3A_962 = arith.muli %scan3A_960, %mul3A_961 : i32
      %add3A_963 = arith.constant 0 : i32
      %add3A_964 = arith.addi %add3A_963, %mul3A_962 : i32
      %mul3A_965 = arith.constant 16 : i32
      %mul3A_966 = arith.muli %add3A_964, %mul3A_965 : i32
      %add3A_967 = arith.constant 256 : i32
      %add3A_968 = arith.addi %add3A_967, %mul3A_966 : i32
      %get3A = arith.constant 7 : i32
      %get3A_969 = arith.index_cast %get3A : i32 to index
      %get3A_970 = arith.index_cast %add3A_968 : i32 to index
      %get3A_971 = tpu.vector_load %arg5[%get3A_969, %get3A_970] {strides = array<i32>} : memref<10x512xi32, #tpu.memory_space<vmem>>, vector<16xi32>,
      %mul3A_972 = arith.constant 65 : i32
      %mul3A_973 = vector.broadcast %mul3A_972 : i32 to vector<16xi32>
      %mul3A_974 = arith.muli %get3A_971, %mul3A_973 : vector<16xi32>
      %parallel_loop3A = arith.constant 0 : i32
      %parallel_loop3A_975 = arith.constant 64 : i32
      %parallel_loop3A_976 = arith.constant 1 : i32
      scf.for %parallel_loop3A_977 = %parallel_loop3A to %parallel_loop3A_975 step %parallel_loop3A_976  : i32 {
        %parallel_loop3A_978 = vector.broadcast %parallel_loop3A_977 : i32 to vector<16xi32>
        %parallel_loop3A_979 = arith.addi %mul3A_974, %parallel_loop3A_978 : vector<16xi32>
        %parallel_loop3A_980 = tpu.vector_load_idx %arg6[%parallel_loop3A_979] : memref<65000xf32, #tpu.memory_space<vmem>>[vector<16xi32>], vector<16xf32>,
        %parallel_loop3A_981 = arith.constant 0 : i32
        %parallel_loop3A_982 = arith.constant 0 : i32
        %parallel_loop3A_983 = tpu.memref_slice %arg7[%scan3A_678, %parallel_loop3A_981, %parallel_loop3A_982] : memref<3x64x256xf32, #tpu.memory_space<vmem>> -> memref<1x64x256xf32, #tpu.memory_space<vmem>>
        %parallel_loop3A_984 = tpu.memref_squeeze %parallel_loop3A_983 : memref<1x64x256xf32, #tpu.memory_space<vmem>> -> memref<64x256xf32, #tpu.memory_space<vmem>>
        %parallel_loop3A_985 = arith.index_cast %parallel_loop3A_977 : i32 to index
        %parallel_loop3A_986 = arith.index_cast %mul3A_966 : i32 to index
        %parallel_loop3A_987 = tpu.vector_load %parallel_loop3A_984[%parallel_loop3A_985, %parallel_loop3A_986] {strides = array<i32>} : memref<64x256xf32, #tpu.memory_space<vmem>>, vector<16xf32>,
        tpu.vector_store %parallel_loop3A_984[%parallel_loop3A_985, %parallel_loop3A_986], %parallel_loop3A_980 {strides = array<i32>} : memref<64x256xf32, #tpu.memory_space<vmem>>, vector<16xf32>,
      } {sc.loop_unroll_factor = 8 : i64, sc.parallel_access}
    }
    %scan3A_683 = arith.constant 16 : i32
    %add3A_684 = arith.constant 256 : i32
    %add3A_685 = arith.addi %mul3A_2, %add3A_684 : i32
    %dma_start3A_686 = arith.constant 0 : i32
    %dma_start3A_687 = arith.constant 7 : i32
    %dma_start3A_688 = arith.constant 0 : i32
    %dma_start3A_689 = arith.constant 0 : i32
    %dma_start3A_690 = arith.constant 0 : i32
    %dma_start3A_691 = tpu.memref_slice %arg7[%dma_start3A_686, %dma_start3A_689, %dma_start3A_690] : memref<3x64x256xf32, #tpu.memory_space<vmem>> -> memref<1x64x256xf32, #tpu.memory_space<vmem>>
    %dma_start3A_692 = tpu.memref_squeeze %dma_start3A_691 : memref<1x64x256xf32, #tpu.memory_space<vmem>> -> memref<64x256xf32, #tpu.memory_space<vmem>>
    %dma_start3A_693 = arith.constant 0 : i32
    %dma_start3A_694 = tpu.memref_slice %arg4[%dma_start3A_687, %dma_start3A_693, %add3A_685] : memref<10x64x16384xf32, #tpu.memory_space<hbm>> -> memref<1x64x256xf32, #tpu.memory_space<hbm>>
    %dma_start3A_695 = tpu.memref_squeeze %dma_start3A_694 : memref<1x64x256xf32, #tpu.memory_space<hbm>> -> memref<64x256xf32, #tpu.memory_space<hbm>>
    %dma_start3A_696 = tpu.memref_slice %arg8[%dma_start3A_688] : memref<3x!tpu.dma_semaphore, #tpu.memory_space<semaphore_mem>> -> memref<1x!tpu.dma_semaphore, #tpu.memory_space<semaphore_mem>>
    %dma_start3A_697 = tpu.memref_squeeze %dma_start3A_696 : memref<1x!tpu.dma_semaphore, #tpu.memory_space<semaphore_mem>> -> memref<!tpu.dma_semaphore, #tpu.memory_space<semaphore_mem>>
    %dma_start3A_698 = arith.constant 0 : i32
    %dma_start3A_699 = tpu.memref_slice %arg4[%dma_start3A_687, %dma_start3A_698, %add3A_685] : memref<10x64x16384xf32, #tpu.memory_space<hbm>> -> memref<1x64x256xf32, #tpu.memory_space<hbm>>
    %dma_start3A_700 = tpu.memref_squeeze %dma_start3A_699 : memref<1x64x256xf32, #tpu.memory_space<hbm>> -> memref<64x256xf32, #tpu.memory_space<hbm>>
    %dma_start3A_701 = arith.constant 0 : i32
    %dma_start3A_702 = arith.constant 0 : i32
    %dma_start3A_703 = tpu.memref_slice %arg7[%dma_start3A_686, %dma_start3A_701, %dma_start3A_702] : memref<3x64x256xf32, #tpu.memory_space<vmem>> -> memref<1x64x256xf32, #tpu.memory_space<vmem>>
    %dma_start3A_704 = tpu.memref_squeeze %dma_start3A_703 : memref<1x64x256xf32, #tpu.memory_space<vmem>> -> memref<64x256xf32, #tpu.memory_space<vmem>>
    tpu.enqueue_dma source(%dma_start3A_704 : memref<64x256xf32, #tpu.memory_space<vmem>>) target(%dma_start3A_700 : memref<64x256xf32, #tpu.memory_space<hbm>>) target_semaphore(%dma_start3A_697 : memref<!tpu.dma_semaphore, #tpu.memory_space<semaphore_mem>>)
    %add3A_705 = arith.constant 256 : i32
    %add3A_706 = arith.addi %mul3A_2, %add3A_705 : i32
    %dma_wait3A_707 = arith.constant 1 : i32
    %dma_wait3A_708 = arith.constant 6 : i32
    %dma_wait3A_709 = arith.constant 1 : i32
    %dma_wait3A_710 = arith.constant 0 : i32
    %dma_wait3A_711 = arith.constant 0 : i32
    %dma_wait3A_712 = tpu.memref_slice %arg7[%dma_wait3A_707, %dma_wait3A_710, %dma_wait3A_711] : memref<3x64x256xf32, #tpu.memory_space<vmem>> -> memref<1x64x256xf32, #tpu.memory_space<vmem>>
    %dma_wait3A_713 = tpu.memref_squeeze %dma_wait3A_712 : memref<1x64x256xf32, #tpu.memory_space<vmem>> -> memref<64x256xf32, #tpu.memory_space<vmem>>
    %dma_wait3A_714 = arith.constant 0 : i32
    %dma_wait3A_715 = tpu.memref_slice %arg4[%dma_wait3A_708, %dma_wait3A_714, %add3A_706] : memref<10x64x16384xf32, #tpu.memory_space<hbm>> -> memref<1x64x256xf32, #tpu.memory_space<hbm>>
    %dma_wait3A_716 = tpu.memref_squeeze %dma_wait3A_715 : memref<1x64x256xf32, #tpu.memory_space<hbm>> -> memref<64x256xf32, #tpu.memory_space<hbm>>
    %dma_wait3A_717 = tpu.memref_slice %arg8[%dma_wait3A_709] : memref<3x!tpu.dma_semaphore, #tpu.memory_space<semaphore_mem>> -> memref<1x!tpu.dma_semaphore, #tpu.memory_space<semaphore_mem>>
    %dma_wait3A_718 = tpu.memref_squeeze %dma_wait3A_717 : memref<1x!tpu.dma_semaphore, #tpu.memory_space<semaphore_mem>> -> memref<!tpu.dma_semaphore, #tpu.memory_space<semaphore_mem>>
    %dma_wait3A_719 = arith.constant 0 : i32
    %dma_wait3A_720 = tpu.memref_slice %arg4[%dma_wait3A_708, %dma_wait3A_719, %add3A_706] : memref<10x64x16384xf32, #tpu.memory_space<hbm>> -> memref<1x64x256xf32, #tpu.memory_space<hbm>>
    %dma_wait3A_721 = tpu.memref_squeeze %dma_wait3A_720 : memref<1x64x256xf32, #tpu.memory_space<hbm>> -> memref<64x256xf32, #tpu.memory_space<hbm>>
    %dma_wait3A_722 = arith.constant 0 : i32
    %dma_wait3A_723 = arith.constant 0 : i32
    %dma_wait3A_724 = tpu.memref_slice %arg7[%dma_wait3A_707, %dma_wait3A_722, %dma_wait3A_723] : memref<3x64x256xf32, #tpu.memory_space<vmem>> -> memref<1x64x256xf32, #tpu.memory_space<vmem>>
    %dma_wait3A_725 = tpu.memref_squeeze %dma_wait3A_724 : memref<1x64x256xf32, #tpu.memory_space<vmem>> -> memref<64x256xf32, #tpu.memory_space<vmem>>
    tpu.wait_dma2 semaphore(%dma_wait3A_718 : memref<!tpu.dma_semaphore, #tpu.memory_space<semaphore_mem>>) src(%dma_wait3A_725 : memref<64x256xf32, #tpu.memory_space<vmem>>) dst(%dma_wait3A_721 : memref<64x256xf32, #tpu.memory_space<hbm>>)
    %scan3A_726 = arith.constant 1 : i32
    %scan3A_727 = arith.constant 0 : i32
    %scan3A_728 = arith.constant 16 : i32
    %scan3A_729 = arith.addi %scan3A_727, %scan3A_728 : i32
    %scan3A_730 = arith.constant 1 : i32
    scf.for %scan3A_960 = %scan3A_727 to %scan3A_729 step %scan3A_730  : i32 {
      %mul3A_961 = arith.constant 1 : i32
      %mul3A_962 = arith.muli %scan3A_960, %mul3A_961 : i32
      %add3A_963 = arith.constant 0 : i32
      %add3A_964 = arith.addi %add3A_963, %mul3A_962 : i32
      %mul3A_965 = arith.constant 16 : i32
      %mul3A_966 = arith.muli %add3A_964, %mul3A_965 : i32
      %add3A_967 = arith.constant 0 : i32
      %add3A_968 = arith.addi %add3A_967, %mul3A_966 : i32
      %get3A = arith.constant 8 : i32
      %get3A_969 = arith.index_cast %get3A : i32 to index
      %get3A_970 = arith.index_cast %add3A_968 : i32 to index
      %get3A_971 = tpu.vector_load %arg5[%get3A_969, %get3A_970] {strides = array<i32>} : memref<10x512xi32, #tpu.memory_space<vmem>>, vector<16xi32>,
      %mul3A_972 = arith.constant 65 : i32
      %mul3A_973 = vector.broadcast %mul3A_972 : i32 to vector<16xi32>
      %mul3A_974 = arith.muli %get3A_971, %mul3A_973 : vector<16xi32>
      %parallel_loop3A = arith.constant 0 : i32
      %parallel_loop3A_975 = arith.constant 64 : i32
      %parallel_loop3A_976 = arith.constant 1 : i32
      scf.for %parallel_loop3A_977 = %parallel_loop3A to %parallel_loop3A_975 step %parallel_loop3A_976  : i32 {
        %parallel_loop3A_978 = vector.broadcast %parallel_loop3A_977 : i32 to vector<16xi32>
        %parallel_loop3A_979 = arith.addi %mul3A_974, %parallel_loop3A_978 : vector<16xi32>
        %parallel_loop3A_980 = tpu.vector_load_idx %arg6[%parallel_loop3A_979] : memref<65000xf32, #tpu.memory_space<vmem>>[vector<16xi32>], vector<16xf32>,
        %parallel_loop3A_981 = arith.constant 0 : i32
        %parallel_loop3A_982 = arith.constant 0 : i32
        %parallel_loop3A_983 = tpu.memref_slice %arg7[%scan3A_726, %parallel_loop3A_981, %parallel_loop3A_982] : memref<3x64x256xf32, #tpu.memory_space<vmem>> -> memref<1x64x256xf32, #tpu.memory_space<vmem>>
        %parallel_loop3A_984 = tpu.memref_squeeze %parallel_loop3A_983 : memref<1x64x256xf32, #tpu.memory_space<vmem>> -> memref<64x256xf32, #tpu.memory_space<vmem>>
        %parallel_loop3A_985 = arith.index_cast %parallel_loop3A_977 : i32 to index
        %parallel_loop3A_986 = arith.index_cast %mul3A_966 : i32 to index
        %parallel_loop3A_987 = tpu.vector_load %parallel_loop3A_984[%parallel_loop3A_985, %parallel_loop3A_986] {strides = array<i32>} : memref<64x256xf32, #tpu.memory_space<vmem>>, vector<16xf32>,
        tpu.vector_store %parallel_loop3A_984[%parallel_loop3A_985, %parallel_loop3A_986], %parallel_loop3A_980 {strides = array<i32>} : memref<64x256xf32, #tpu.memory_space<vmem>>, vector<16xf32>,
      } {sc.loop_unroll_factor = 8 : i64, sc.parallel_access}
    }
    %scan3A_731 = arith.constant 16 : i32
    %add3A_732 = arith.constant 0 : i32
    %add3A_733 = arith.addi %mul3A_2, %add3A_732 : i32
    %dma_start3A_734 = arith.constant 1 : i32
    %dma_start3A_735 = arith.constant 8 : i32
    %dma_start3A_736 = arith.constant 1 : i32
    %dma_start3A_737 = arith.constant 0 : i32
    %dma_start3A_738 = arith.constant 0 : i32
    %dma_start3A_739 = tpu.memref_slice %arg7[%dma_start3A_734, %dma_start3A_737, %dma_start3A_738] : memref<3x64x256xf32, #tpu.memory_space<vmem>> -> memref<1x64x256xf32, #tpu.memory_space<vmem>>
    %dma_start3A_740 = tpu.memref_squeeze %dma_start3A_739 : memref<1x64x256xf32, #tpu.memory_space<vmem>> -> memref<64x256xf32, #tpu.memory_space<vmem>>
    %dma_start3A_741 = arith.constant 0 : i32
    %dma_start3A_742 = tpu.memref_slice %arg4[%dma_start3A_735, %dma_start3A_741, %add3A_733] : memref<10x64x16384xf32, #tpu.memory_space<hbm>> -> memref<1x64x256xf32, #tpu.memory_space<hbm>>
    %dma_start3A_743 = tpu.memref_squeeze %dma_start3A_742 : memref<1x64x256xf32, #tpu.memory_space<hbm>> -> memref<64x256xf32, #tpu.memory_space<hbm>>
    %dma_start3A_744 = tpu.memref_slice %arg8[%dma_start3A_736] : memref<3x!tpu.dma_semaphore, #tpu.memory_space<semaphore_mem>> -> memref<1x!tpu.dma_semaphore, #tpu.memory_space<semaphore_mem>>
    %dma_start3A_745 = tpu.memref_squeeze %dma_start3A_744 : memref<1x!tpu.dma_semaphore, #tpu.memory_space<semaphore_mem>> -> memref<!tpu.dma_semaphore, #tpu.memory_space<semaphore_mem>>
    %dma_start3A_746 = arith.constant 0 : i32
    %dma_start3A_747 = tpu.memref_slice %arg4[%dma_start3A_735, %dma_start3A_746, %add3A_733] : memref<10x64x16384xf32, #tpu.memory_space<hbm>> -> memref<1x64x256xf32, #tpu.memory_space<hbm>>
    %dma_start3A_748 = tpu.memref_squeeze %dma_start3A_747 : memref<1x64x256xf32, #tpu.memory_space<hbm>> -> memref<64x256xf32, #tpu.memory_space<hbm>>
    %dma_start3A_749 = arith.constant 0 : i32
    %dma_start3A_750 = arith.constant 0 : i32
    %dma_start3A_751 = tpu.memref_slice %arg7[%dma_start3A_734, %dma_start3A_749, %dma_start3A_750] : memref<3x64x256xf32, #tpu.memory_space<vmem>> -> memref<1x64x256xf32, #tpu.memory_space<vmem>>
    %dma_start3A_752 = tpu.memref_squeeze %dma_start3A_751 : memref<1x64x256xf32, #tpu.memory_space<vmem>> -> memref<64x256xf32, #tpu.memory_space<vmem>>
    tpu.enqueue_dma source(%dma_start3A_752 : memref<64x256xf32, #tpu.memory_space<vmem>>) target(%dma_start3A_748 : memref<64x256xf32, #tpu.memory_space<hbm>>) target_semaphore(%dma_start3A_745 : memref<!tpu.dma_semaphore, #tpu.memory_space<semaphore_mem>>)
    %add3A_753 = arith.constant 0 : i32
    %add3A_754 = arith.addi %mul3A_2, %add3A_753 : i32
    %dma_wait3A_755 = arith.constant 2 : i32
    %dma_wait3A_756 = arith.constant 7 : i32
    %dma_wait3A_757 = arith.constant 2 : i32
    %dma_wait3A_758 = arith.constant 0 : i32
    %dma_wait3A_759 = arith.constant 0 : i32
    %dma_wait3A_760 = tpu.memref_slice %arg7[%dma_wait3A_755, %dma_wait3A_758, %dma_wait3A_759] : memref<3x64x256xf32, #tpu.memory_space<vmem>> -> memref<1x64x256xf32, #tpu.memory_space<vmem>>
    %dma_wait3A_761 = tpu.memref_squeeze %dma_wait3A_760 : memref<1x64x256xf32, #tpu.memory_space<vmem>> -> memref<64x256xf32, #tpu.memory_space<vmem>>
    %dma_wait3A_762 = arith.constant 0 : i32
    %dma_wait3A_763 = tpu.memref_slice %arg4[%dma_wait3A_756, %dma_wait3A_762, %add3A_754] : memref<10x64x16384xf32, #tpu.memory_space<hbm>> -> memref<1x64x256xf32, #tpu.memory_space<hbm>>
    %dma_wait3A_764 = tpu.memref_squeeze %dma_wait3A_763 : memref<1x64x256xf32, #tpu.memory_space<hbm>> -> memref<64x256xf32, #tpu.memory_space<hbm>>
    %dma_wait3A_765 = tpu.memref_slice %arg8[%dma_wait3A_757] : memref<3x!tpu.dma_semaphore, #tpu.memory_space<semaphore_mem>> -> memref<1x!tpu.dma_semaphore, #tpu.memory_space<semaphore_mem>>
    %dma_wait3A_766 = tpu.memref_squeeze %dma_wait3A_765 : memref<1x!tpu.dma_semaphore, #tpu.memory_space<semaphore_mem>> -> memref<!tpu.dma_semaphore, #tpu.memory_space<semaphore_mem>>
    %dma_wait3A_767 = arith.constant 0 : i32
    %dma_wait3A_768 = tpu.memref_slice %arg4[%dma_wait3A_756, %dma_wait3A_767, %add3A_754] : memref<10x64x16384xf32, #tpu.memory_space<hbm>> -> memref<1x64x256xf32, #tpu.memory_space<hbm>>
    %dma_wait3A_769 = tpu.memref_squeeze %dma_wait3A_768 : memref<1x64x256xf32, #tpu.memory_space<hbm>> -> memref<64x256xf32, #tpu.memory_space<hbm>>
    %dma_wait3A_770 = arith.constant 0 : i32
    %dma_wait3A_771 = arith.constant 0 : i32
    %dma_wait3A_772 = tpu.memref_slice %arg7[%dma_wait3A_755, %dma_wait3A_770, %dma_wait3A_771] : memref<3x64x256xf32, #tpu.memory_space<vmem>> -> memref<1x64x256xf32, #tpu.memory_space<vmem>>
    %dma_wait3A_773 = tpu.memref_squeeze %dma_wait3A_772 : memref<1x64x256xf32, #tpu.memory_space<vmem>> -> memref<64x256xf32, #tpu.memory_space<vmem>>
    tpu.wait_dma2 semaphore(%dma_wait3A_766 : memref<!tpu.dma_semaphore, #tpu.memory_space<semaphore_mem>>) src(%dma_wait3A_773 : memref<64x256xf32, #tpu.memory_space<vmem>>) dst(%dma_wait3A_769 : memref<64x256xf32, #tpu.memory_space<hbm>>)
    %scan3A_774 = arith.constant 2 : i32
    %scan3A_775 = arith.constant 0 : i32
    %scan3A_776 = arith.constant 16 : i32
    %scan3A_777 = arith.addi %scan3A_775, %scan3A_776 : i32
    %scan3A_778 = arith.constant 1 : i32
    scf.for %scan3A_960 = %scan3A_775 to %scan3A_777 step %scan3A_778  : i32 {
      %mul3A_961 = arith.constant 1 : i32
      %mul3A_962 = arith.muli %scan3A_960, %mul3A_961 : i32
      %add3A_963 = arith.constant 0 : i32
      %add3A_964 = arith.addi %add3A_963, %mul3A_962 : i32
      %mul3A_965 = arith.constant 16 : i32
      %mul3A_966 = arith.muli %add3A_964, %mul3A_965 : i32
      %add3A_967 = arith.constant 256 : i32
      %add3A_968 = arith.addi %add3A_967, %mul3A_966 : i32
      %get3A = arith.constant 8 : i32
      %get3A_969 = arith.index_cast %get3A : i32 to index
      %get3A_970 = arith.index_cast %add3A_968 : i32 to index
      %get3A_971 = tpu.vector_load %arg5[%get3A_969, %get3A_970] {strides = array<i32>} : memref<10x512xi32, #tpu.memory_space<vmem>>, vector<16xi32>,
      %mul3A_972 = arith.constant 65 : i32
      %mul3A_973 = vector.broadcast %mul3A_972 : i32 to vector<16xi32>
      %mul3A_974 = arith.muli %get3A_971, %mul3A_973 : vector<16xi32>
      %parallel_loop3A = arith.constant 0 : i32
      %parallel_loop3A_975 = arith.constant 64 : i32
      %parallel_loop3A_976 = arith.constant 1 : i32
      scf.for %parallel_loop3A_977 = %parallel_loop3A to %parallel_loop3A_975 step %parallel_loop3A_976  : i32 {
        %parallel_loop3A_978 = vector.broadcast %parallel_loop3A_977 : i32 to vector<16xi32>
        %parallel_loop3A_979 = arith.addi %mul3A_974, %parallel_loop3A_978 : vector<16xi32>
        %parallel_loop3A_980 = tpu.vector_load_idx %arg6[%parallel_loop3A_979] : memref<65000xf32, #tpu.memory_space<vmem>>[vector<16xi32>], vector<16xf32>,
        %parallel_loop3A_981 = arith.constant 0 : i32
        %parallel_loop3A_982 = arith.constant 0 : i32
        %parallel_loop3A_983 = tpu.memref_slice %arg7[%scan3A_774, %parallel_loop3A_981, %parallel_loop3A_982] : memref<3x64x256xf32, #tpu.memory_space<vmem>> -> memref<1x64x256xf32, #tpu.memory_space<vmem>>
        %parallel_loop3A_984 = tpu.memref_squeeze %parallel_loop3A_983 : memref<1x64x256xf32, #tpu.memory_space<vmem>> -> memref<64x256xf32, #tpu.memory_space<vmem>>
        %parallel_loop3A_985 = arith.index_cast %parallel_loop3A_977 : i32 to index
        %parallel_loop3A_986 = arith.index_cast %mul3A_966 : i32 to index
        %parallel_loop3A_987 = tpu.vector_load %parallel_loop3A_984[%parallel_loop3A_985, %parallel_loop3A_986] {strides = array<i32>} : memref<64x256xf32, #tpu.memory_space<vmem>>, vector<16xf32>,
        tpu.vector_store %parallel_loop3A_984[%parallel_loop3A_985, %parallel_loop3A_986], %parallel_loop3A_980 {strides = array<i32>} : memref<64x256xf32, #tpu.memory_space<vmem>>, vector<16xf32>,
      } {sc.loop_unroll_factor = 8 : i64, sc.parallel_access}
    }
    %scan3A_779 = arith.constant 16 : i32
    %add3A_780 = arith.constant 256 : i32
    %add3A_781 = arith.addi %mul3A_2, %add3A_780 : i32
    %dma_start3A_782 = arith.constant 2 : i32
    %dma_start3A_783 = arith.constant 8 : i32
    %dma_start3A_784 = arith.constant 2 : i32
    %dma_start3A_785 = arith.constant 0 : i32
    %dma_start3A_786 = arith.constant 0 : i32
    %dma_start3A_787 = tpu.memref_slice %arg7[%dma_start3A_782, %dma_start3A_785, %dma_start3A_786] : memref<3x64x256xf32, #tpu.memory_space<vmem>> -> memref<1x64x256xf32, #tpu.memory_space<vmem>>
    %dma_start3A_788 = tpu.memref_squeeze %dma_start3A_787 : memref<1x64x256xf32, #tpu.memory_space<vmem>> -> memref<64x256xf32, #tpu.memory_space<vmem>>
    %dma_start3A_789 = arith.constant 0 : i32
    %dma_start3A_790 = tpu.memref_slice %arg4[%dma_start3A_783, %dma_start3A_789, %add3A_781] : memref<10x64x16384xf32, #tpu.memory_space<hbm>> -> memref<1x64x256xf32, #tpu.memory_space<hbm>>
    %dma_start3A_791 = tpu.memref_squeeze %dma_start3A_790 : memref<1x64x256xf32, #tpu.memory_space<hbm>> -> memref<64x256xf32, #tpu.memory_space<hbm>>
    %dma_start3A_792 = tpu.memref_slice %arg8[%dma_start3A_784] : memref<3x!tpu.dma_semaphore, #tpu.memory_space<semaphore_mem>> -> memref<1x!tpu.dma_semaphore, #tpu.memory_space<semaphore_mem>>
    %dma_start3A_793 = tpu.memref_squeeze %dma_start3A_792 : memref<1x!tpu.dma_semaphore, #tpu.memory_space<semaphore_mem>> -> memref<!tpu.dma_semaphore, #tpu.memory_space<semaphore_mem>>
    %dma_start3A_794 = arith.constant 0 : i32
    %dma_start3A_795 = tpu.memref_slice %arg4[%dma_start3A_783, %dma_start3A_794, %add3A_781] : memref<10x64x16384xf32, #tpu.memory_space<hbm>> -> memref<1x64x256xf32, #tpu.memory_space<hbm>>
    %dma_start3A_796 = tpu.memref_squeeze %dma_start3A_795 : memref<1x64x256xf32, #tpu.memory_space<hbm>> -> memref<64x256xf32, #tpu.memory_space<hbm>>
    %dma_start3A_797 = arith.constant 0 : i32
    %dma_start3A_798 = arith.constant 0 : i32
    %dma_start3A_799 = tpu.memref_slice %arg7[%dma_start3A_782, %dma_start3A_797, %dma_start3A_798] : memref<3x64x256xf32, #tpu.memory_space<vmem>> -> memref<1x64x256xf32, #tpu.memory_space<vmem>>
    %dma_start3A_800 = tpu.memref_squeeze %dma_start3A_799 : memref<1x64x256xf32, #tpu.memory_space<vmem>> -> memref<64x256xf32, #tpu.memory_space<vmem>>
    tpu.enqueue_dma source(%dma_start3A_800 : memref<64x256xf32, #tpu.memory_space<vmem>>) target(%dma_start3A_796 : memref<64x256xf32, #tpu.memory_space<hbm>>) target_semaphore(%dma_start3A_793 : memref<!tpu.dma_semaphore, #tpu.memory_space<semaphore_mem>>)
    %add3A_801 = arith.constant 256 : i32
    %add3A_802 = arith.addi %mul3A_2, %add3A_801 : i32
    %dma_wait3A_803 = arith.constant 0 : i32
    %dma_wait3A_804 = arith.constant 7 : i32
    %dma_wait3A_805 = arith.constant 0 : i32
    %dma_wait3A_806 = arith.constant 0 : i32
    %dma_wait3A_807 = arith.constant 0 : i32
    %dma_wait3A_808 = tpu.memref_slice %arg7[%dma_wait3A_803, %dma_wait3A_806, %dma_wait3A_807] : memref<3x64x256xf32, #tpu.memory_space<vmem>> -> memref<1x64x256xf32, #tpu.memory_space<vmem>>
    %dma_wait3A_809 = tpu.memref_squeeze %dma_wait3A_808 : memref<1x64x256xf32, #tpu.memory_space<vmem>> -> memref<64x256xf32, #tpu.memory_space<vmem>>
    %dma_wait3A_810 = arith.constant 0 : i32
    %dma_wait3A_811 = tpu.memref_slice %arg4[%dma_wait3A_804, %dma_wait3A_810, %add3A_802] : memref<10x64x16384xf32, #tpu.memory_space<hbm>> -> memref<1x64x256xf32, #tpu.memory_space<hbm>>
    %dma_wait3A_812 = tpu.memref_squeeze %dma_wait3A_811 : memref<1x64x256xf32, #tpu.memory_space<hbm>> -> memref<64x256xf32, #tpu.memory_space<hbm>>
    %dma_wait3A_813 = tpu.memref_slice %arg8[%dma_wait3A_805] : memref<3x!tpu.dma_semaphore, #tpu.memory_space<semaphore_mem>> -> memref<1x!tpu.dma_semaphore, #tpu.memory_space<semaphore_mem>>
    %dma_wait3A_814 = tpu.memref_squeeze %dma_wait3A_813 : memref<1x!tpu.dma_semaphore, #tpu.memory_space<semaphore_mem>> -> memref<!tpu.dma_semaphore, #tpu.memory_space<semaphore_mem>>
    %dma_wait3A_815 = arith.constant 0 : i32
    %dma_wait3A_816 = tpu.memref_slice %arg4[%dma_wait3A_804, %dma_wait3A_815, %add3A_802] : memref<10x64x16384xf32, #tpu.memory_space<hbm>> -> memref<1x64x256xf32, #tpu.memory_space<hbm>>
    %dma_wait3A_817 = tpu.memref_squeeze %dma_wait3A_816 : memref<1x64x256xf32, #tpu.memory_space<hbm>> -> memref<64x256xf32, #tpu.memory_space<hbm>>
    %dma_wait3A_818 = arith.constant 0 : i32
    %dma_wait3A_819 = arith.constant 0 : i32
    %dma_wait3A_820 = tpu.memref_slice %arg7[%dma_wait3A_803, %dma_wait3A_818, %dma_wait3A_819] : memref<3x64x256xf32, #tpu.memory_space<vmem>> -> memref<1x64x256xf32, #tpu.memory_space<vmem>>
    %dma_wait3A_821 = tpu.memref_squeeze %dma_wait3A_820 : memref<1x64x256xf32, #tpu.memory_space<vmem>> -> memref<64x256xf32, #tpu.memory_space<vmem>>
    tpu.wait_dma2 semaphore(%dma_wait3A_814 : memref<!tpu.dma_semaphore, #tpu.memory_space<semaphore_mem>>) src(%dma_wait3A_821 : memref<64x256xf32, #tpu.memory_space<vmem>>) dst(%dma_wait3A_817 : memref<64x256xf32, #tpu.memory_space<hbm>>)
    %scan3A_822 = arith.constant 0 : i32
    %scan3A_823 = arith.constant 0 : i32
    %scan3A_824 = arith.constant 16 : i32
    %scan3A_825 = arith.addi %scan3A_823, %scan3A_824 : i32
    %scan3A_826 = arith.constant 1 : i32
    scf.for %scan3A_960 = %scan3A_823 to %scan3A_825 step %scan3A_826  : i32 {
      %mul3A_961 = arith.constant 1 : i32
      %mul3A_962 = arith.muli %scan3A_960, %mul3A_961 : i32
      %add3A_963 = arith.constant 0 : i32
      %add3A_964 = arith.addi %add3A_963, %mul3A_962 : i32
      %mul3A_965 = arith.constant 16 : i32
      %mul3A_966 = arith.muli %add3A_964, %mul3A_965 : i32
      %add3A_967 = arith.constant 0 : i32
      %add3A_968 = arith.addi %add3A_967, %mul3A_966 : i32
      %get3A = arith.constant 9 : i32
      %get3A_969 = arith.index_cast %get3A : i32 to index
      %get3A_970 = arith.index_cast %add3A_968 : i32 to index
      %get3A_971 = tpu.vector_load %arg5[%get3A_969, %get3A_970] {strides = array<i32>} : memref<10x512xi32, #tpu.memory_space<vmem>>, vector<16xi32>,
      %mul3A_972 = arith.constant 65 : i32
      %mul3A_973 = vector.broadcast %mul3A_972 : i32 to vector<16xi32>
      %mul3A_974 = arith.muli %get3A_971, %mul3A_973 : vector<16xi32>
      %parallel_loop3A = arith.constant 0 : i32
      %parallel_loop3A_975 = arith.constant 64 : i32
      %parallel_loop3A_976 = arith.constant 1 : i32
      scf.for %parallel_loop3A_977 = %parallel_loop3A to %parallel_loop3A_975 step %parallel_loop3A_976  : i32 {
        %parallel_loop3A_978 = vector.broadcast %parallel_loop3A_977 : i32 to vector<16xi32>
        %parallel_loop3A_979 = arith.addi %mul3A_974, %parallel_loop3A_978 : vector<16xi32>
        %parallel_loop3A_980 = tpu.vector_load_idx %arg6[%parallel_loop3A_979] : memref<65000xf32, #tpu.memory_space<vmem>>[vector<16xi32>], vector<16xf32>,
        %parallel_loop3A_981 = arith.constant 0 : i32
        %parallel_loop3A_982 = arith.constant 0 : i32
        %parallel_loop3A_983 = tpu.memref_slice %arg7[%scan3A_822, %parallel_loop3A_981, %parallel_loop3A_982] : memref<3x64x256xf32, #tpu.memory_space<vmem>> -> memref<1x64x256xf32, #tpu.memory_space<vmem>>
        %parallel_loop3A_984 = tpu.memref_squeeze %parallel_loop3A_983 : memref<1x64x256xf32, #tpu.memory_space<vmem>> -> memref<64x256xf32, #tpu.memory_space<vmem>>
        %parallel_loop3A_985 = arith.index_cast %parallel_loop3A_977 : i32 to index
        %parallel_loop3A_986 = arith.index_cast %mul3A_966 : i32 to index
        %parallel_loop3A_987 = tpu.vector_load %parallel_loop3A_984[%parallel_loop3A_985, %parallel_loop3A_986] {strides = array<i32>} : memref<64x256xf32, #tpu.memory_space<vmem>>, vector<16xf32>,
        tpu.vector_store %parallel_loop3A_984[%parallel_loop3A_985, %parallel_loop3A_986], %parallel_loop3A_980 {strides = array<i32>} : memref<64x256xf32, #tpu.memory_space<vmem>>, vector<16xf32>,
      } {sc.loop_unroll_factor = 8 : i64, sc.parallel_access}
    }
    %scan3A_827 = arith.constant 16 : i32
    %add3A_828 = arith.constant 0 : i32
    %add3A_829 = arith.addi %mul3A_2, %add3A_828 : i32
    %dma_start3A_830 = arith.constant 0 : i32
    %dma_start3A_831 = arith.constant 9 : i32
    %dma_start3A_832 = arith.constant 0 : i32
    %dma_start3A_833 = arith.constant 0 : i32
    %dma_start3A_834 = arith.constant 0 : i32
    %dma_start3A_835 = tpu.memref_slice %arg7[%dma_start3A_830, %dma_start3A_833, %dma_start3A_834] : memref<3x64x256xf32, #tpu.memory_space<vmem>> -> memref<1x64x256xf32, #tpu.memory_space<vmem>>
    %dma_start3A_836 = tpu.memref_squeeze %dma_start3A_835 : memref<1x64x256xf32, #tpu.memory_space<vmem>> -> memref<64x256xf32, #tpu.memory_space<vmem>>
    %dma_start3A_837 = arith.constant 0 : i32
    %dma_start3A_838 = tpu.memref_slice %arg4[%dma_start3A_831, %dma_start3A_837, %add3A_829] : memref<10x64x16384xf32, #tpu.memory_space<hbm>> -> memref<1x64x256xf32, #tpu.memory_space<hbm>>
    %dma_start3A_839 = tpu.memref_squeeze %dma_start3A_838 : memref<1x64x256xf32, #tpu.memory_space<hbm>> -> memref<64x256xf32, #tpu.memory_space<hbm>>
    %dma_start3A_840 = tpu.memref_slice %arg8[%dma_start3A_832] : memref<3x!tpu.dma_semaphore, #tpu.memory_space<semaphore_mem>> -> memref<1x!tpu.dma_semaphore, #tpu.memory_space<semaphore_mem>>
    %dma_start3A_841 = tpu.memref_squeeze %dma_start3A_840 : memref<1x!tpu.dma_semaphore, #tpu.memory_space<semaphore_mem>> -> memref<!tpu.dma_semaphore, #tpu.memory_space<semaphore_mem>>
    %dma_start3A_842 = arith.constant 0 : i32
    %dma_start3A_843 = tpu.memref_slice %arg4[%dma_start3A_831, %dma_start3A_842, %add3A_829] : memref<10x64x16384xf32, #tpu.memory_space<hbm>> -> memref<1x64x256xf32, #tpu.memory_space<hbm>>
    %dma_start3A_844 = tpu.memref_squeeze %dma_start3A_843 : memref<1x64x256xf32, #tpu.memory_space<hbm>> -> memref<64x256xf32, #tpu.memory_space<hbm>>
    %dma_start3A_845 = arith.constant 0 : i32
    %dma_start3A_846 = arith.constant 0 : i32
    %dma_start3A_847 = tpu.memref_slice %arg7[%dma_start3A_830, %dma_start3A_845, %dma_start3A_846] : memref<3x64x256xf32, #tpu.memory_space<vmem>> -> memref<1x64x256xf32, #tpu.memory_space<vmem>>
    %dma_start3A_848 = tpu.memref_squeeze %dma_start3A_847 : memref<1x64x256xf32, #tpu.memory_space<vmem>> -> memref<64x256xf32, #tpu.memory_space<vmem>>
    tpu.enqueue_dma source(%dma_start3A_848 : memref<64x256xf32, #tpu.memory_space<vmem>>) target(%dma_start3A_844 : memref<64x256xf32, #tpu.memory_space<hbm>>) target_semaphore(%dma_start3A_841 : memref<!tpu.dma_semaphore, #tpu.memory_space<semaphore_mem>>)
    %add3A_849 = arith.constant 0 : i32
    %add3A_850 = arith.addi %mul3A_2, %add3A_849 : i32
    %dma_wait3A_851 = arith.constant 1 : i32
    %dma_wait3A_852 = arith.constant 8 : i32
    %dma_wait3A_853 = arith.constant 1 : i32
    %dma_wait3A_854 = arith.constant 0 : i32
    %dma_wait3A_855 = arith.constant 0 : i32
    %dma_wait3A_856 = tpu.memref_slice %arg7[%dma_wait3A_851, %dma_wait3A_854, %dma_wait3A_855] : memref<3x64x256xf32, #tpu.memory_space<vmem>> -> memref<1x64x256xf32, #tpu.memory_space<vmem>>
    %dma_wait3A_857 = tpu.memref_squeeze %dma_wait3A_856 : memref<1x64x256xf32, #tpu.memory_space<vmem>> -> memref<64x256xf32, #tpu.memory_space<vmem>>
    %dma_wait3A_858 = arith.constant 0 : i32
    %dma_wait3A_859 = tpu.memref_slice %arg4[%dma_wait3A_852, %dma_wait3A_858, %add3A_850] : memref<10x64x16384xf32, #tpu.memory_space<hbm>> -> memref<1x64x256xf32, #tpu.memory_space<hbm>>
    %dma_wait3A_860 = tpu.memref_squeeze %dma_wait3A_859 : memref<1x64x256xf32, #tpu.memory_space<hbm>> -> memref<64x256xf32, #tpu.memory_space<hbm>>
    %dma_wait3A_861 = tpu.memref_slice %arg8[%dma_wait3A_853] : memref<3x!tpu.dma_semaphore, #tpu.memory_space<semaphore_mem>> -> memref<1x!tpu.dma_semaphore, #tpu.memory_space<semaphore_mem>>
    %dma_wait3A_862 = tpu.memref_squeeze %dma_wait3A_861 : memref<1x!tpu.dma_semaphore, #tpu.memory_space<semaphore_mem>> -> memref<!tpu.dma_semaphore, #tpu.memory_space<semaphore_mem>>
    %dma_wait3A_863 = arith.constant 0 : i32
    %dma_wait3A_864 = tpu.memref_slice %arg4[%dma_wait3A_852, %dma_wait3A_863, %add3A_850] : memref<10x64x16384xf32, #tpu.memory_space<hbm>> -> memref<1x64x256xf32, #tpu.memory_space<hbm>>
    %dma_wait3A_865 = tpu.memref_squeeze %dma_wait3A_864 : memref<1x64x256xf32, #tpu.memory_space<hbm>> -> memref<64x256xf32, #tpu.memory_space<hbm>>
    %dma_wait3A_866 = arith.constant 0 : i32
    %dma_wait3A_867 = arith.constant 0 : i32
    %dma_wait3A_868 = tpu.memref_slice %arg7[%dma_wait3A_851, %dma_wait3A_866, %dma_wait3A_867] : memref<3x64x256xf32, #tpu.memory_space<vmem>> -> memref<1x64x256xf32, #tpu.memory_space<vmem>>
    %dma_wait3A_869 = tpu.memref_squeeze %dma_wait3A_868 : memref<1x64x256xf32, #tpu.memory_space<vmem>> -> memref<64x256xf32, #tpu.memory_space<vmem>>
    tpu.wait_dma2 semaphore(%dma_wait3A_862 : memref<!tpu.dma_semaphore, #tpu.memory_space<semaphore_mem>>) src(%dma_wait3A_869 : memref<64x256xf32, #tpu.memory_space<vmem>>) dst(%dma_wait3A_865 : memref<64x256xf32, #tpu.memory_space<hbm>>)
    %scan3A_870 = arith.constant 1 : i32
    %scan3A_871 = arith.constant 0 : i32
    %scan3A_872 = arith.constant 16 : i32
    %scan3A_873 = arith.addi %scan3A_871, %scan3A_872 : i32
    %scan3A_874 = arith.constant 1 : i32
    scf.for %scan3A_960 = %scan3A_871 to %scan3A_873 step %scan3A_874  : i32 {
      %mul3A_961 = arith.constant 1 : i32
      %mul3A_962 = arith.muli %scan3A_960, %mul3A_961 : i32
      %add3A_963 = arith.constant 0 : i32
      %add3A_964 = arith.addi %add3A_963, %mul3A_962 : i32
      %mul3A_965 = arith.constant 16 : i32
      %mul3A_966 = arith.muli %add3A_964, %mul3A_965 : i32
      %add3A_967 = arith.constant 256 : i32
      %add3A_968 = arith.addi %add3A_967, %mul3A_966 : i32
      %get3A = arith.constant 9 : i32
      %get3A_969 = arith.index_cast %get3A : i32 to index
      %get3A_970 = arith.index_cast %add3A_968 : i32 to index
      %get3A_971 = tpu.vector_load %arg5[%get3A_969, %get3A_970] {strides = array<i32>} : memref<10x512xi32, #tpu.memory_space<vmem>>, vector<16xi32>,
      %mul3A_972 = arith.constant 65 : i32
      %mul3A_973 = vector.broadcast %mul3A_972 : i32 to vector<16xi32>
      %mul3A_974 = arith.muli %get3A_971, %mul3A_973 : vector<16xi32>
      %parallel_loop3A = arith.constant 0 : i32
      %parallel_loop3A_975 = arith.constant 64 : i32
      %parallel_loop3A_976 = arith.constant 1 : i32
      scf.for %parallel_loop3A_977 = %parallel_loop3A to %parallel_loop3A_975 step %parallel_loop3A_976  : i32 {
        %parallel_loop3A_978 = vector.broadcast %parallel_loop3A_977 : i32 to vector<16xi32>
        %parallel_loop3A_979 = arith.addi %mul3A_974, %parallel_loop3A_978 : vector<16xi32>
        %parallel_loop3A_980 = tpu.vector_load_idx %arg6[%parallel_loop3A_979] : memref<65000xf32, #tpu.memory_space<vmem>>[vector<16xi32>], vector<16xf32>,
        %parallel_loop3A_981 = arith.constant 0 : i32
        %parallel_loop3A_982 = arith.constant 0 : i32
        %parallel_loop3A_983 = tpu.memref_slice %arg7[%scan3A_870, %parallel_loop3A_981, %parallel_loop3A_982] : memref<3x64x256xf32, #tpu.memory_space<vmem>> -> memref<1x64x256xf32, #tpu.memory_space<vmem>>
        %parallel_loop3A_984 = tpu.memref_squeeze %parallel_loop3A_983 : memref<1x64x256xf32, #tpu.memory_space<vmem>> -> memref<64x256xf32, #tpu.memory_space<vmem>>
        %parallel_loop3A_985 = arith.index_cast %parallel_loop3A_977 : i32 to index
        %parallel_loop3A_986 = arith.index_cast %mul3A_966 : i32 to index
        %parallel_loop3A_987 = tpu.vector_load %parallel_loop3A_984[%parallel_loop3A_985, %parallel_loop3A_986] {strides = array<i32>} : memref<64x256xf32, #tpu.memory_space<vmem>>, vector<16xf32>,
        tpu.vector_store %parallel_loop3A_984[%parallel_loop3A_985, %parallel_loop3A_986], %parallel_loop3A_980 {strides = array<i32>} : memref<64x256xf32, #tpu.memory_space<vmem>>, vector<16xf32>,
      } {sc.loop_unroll_factor = 8 : i64, sc.parallel_access}
    }
    %scan3A_875 = arith.constant 16 : i32
    %add3A_876 = arith.constant 256 : i32
    %add3A_877 = arith.addi %mul3A_2, %add3A_876 : i32
    %dma_start3A_878 = arith.constant 1 : i32
    %dma_start3A_879 = arith.constant 9 : i32
    %dma_start3A_880 = arith.constant 1 : i32
    %dma_start3A_881 = arith.constant 0 : i32
    %dma_start3A_882 = arith.constant 0 : i32
    %dma_start3A_883 = tpu.memref_slice %arg7[%dma_start3A_878, %dma_start3A_881, %dma_start3A_882] : memref<3x64x256xf32, #tpu.memory_space<vmem>> -> memref<1x64x256xf32, #tpu.memory_space<vmem>>
    %dma_start3A_884 = tpu.memref_squeeze %dma_start3A_883 : memref<1x64x256xf32, #tpu.memory_space<vmem>> -> memref<64x256xf32, #tpu.memory_space<vmem>>
    %dma_start3A_885 = arith.constant 0 : i32
    %dma_start3A_886 = tpu.memref_slice %arg4[%dma_start3A_879, %dma_start3A_885, %add3A_877] : memref<10x64x16384xf32, #tpu.memory_space<hbm>> -> memref<1x64x256xf32, #tpu.memory_space<hbm>>
    %dma_start3A_887 = tpu.memref_squeeze %dma_start3A_886 : memref<1x64x256xf32, #tpu.memory_space<hbm>> -> memref<64x256xf32, #tpu.memory_space<hbm>>
    %dma_start3A_888 = tpu.memref_slice %arg8[%dma_start3A_880] : memref<3x!tpu.dma_semaphore, #tpu.memory_space<semaphore_mem>> -> memref<1x!tpu.dma_semaphore, #tpu.memory_space<semaphore_mem>>
    %dma_start3A_889 = tpu.memref_squeeze %dma_start3A_888 : memref<1x!tpu.dma_semaphore, #tpu.memory_space<semaphore_mem>> -> memref<!tpu.dma_semaphore, #tpu.memory_space<semaphore_mem>>
    %dma_start3A_890 = arith.constant 0 : i32
    %dma_start3A_891 = tpu.memref_slice %arg4[%dma_start3A_879, %dma_start3A_890, %add3A_877] : memref<10x64x16384xf32, #tpu.memory_space<hbm>> -> memref<1x64x256xf32, #tpu.memory_space<hbm>>
    %dma_start3A_892 = tpu.memref_squeeze %dma_start3A_891 : memref<1x64x256xf32, #tpu.memory_space<hbm>> -> memref<64x256xf32, #tpu.memory_space<hbm>>
    %dma_start3A_893 = arith.constant 0 : i32
    %dma_start3A_894 = arith.constant 0 : i32
    %dma_start3A_895 = tpu.memref_slice %arg7[%dma_start3A_878, %dma_start3A_893, %dma_start3A_894] : memref<3x64x256xf32, #tpu.memory_space<vmem>> -> memref<1x64x256xf32, #tpu.memory_space<vmem>>
    %dma_start3A_896 = tpu.memref_squeeze %dma_start3A_895 : memref<1x64x256xf32, #tpu.memory_space<vmem>> -> memref<64x256xf32, #tpu.memory_space<vmem>>
    tpu.enqueue_dma source(%dma_start3A_896 : memref<64x256xf32, #tpu.memory_space<vmem>>) target(%dma_start3A_892 : memref<64x256xf32, #tpu.memory_space<hbm>>) target_semaphore(%dma_start3A_889 : memref<!tpu.dma_semaphore, #tpu.memory_space<semaphore_mem>>)
    %add3A_897 = arith.constant 256 : i32
    %add3A_898 = arith.addi %mul3A_2, %add3A_897 : i32
    %dma_wait3A_899 = arith.constant 2 : i32
    %dma_wait3A_900 = arith.constant 8 : i32
    %dma_wait3A_901 = arith.constant 2 : i32
    %dma_wait3A_902 = arith.constant 0 : i32
    %dma_wait3A_903 = arith.constant 0 : i32
    %dma_wait3A_904 = tpu.memref_slice %arg7[%dma_wait3A_899, %dma_wait3A_902, %dma_wait3A_903] : memref<3x64x256xf32, #tpu.memory_space<vmem>> -> memref<1x64x256xf32, #tpu.memory_space<vmem>>
    %dma_wait3A_905 = tpu.memref_squeeze %dma_wait3A_904 : memref<1x64x256xf32, #tpu.memory_space<vmem>> -> memref<64x256xf32, #tpu.memory_space<vmem>>
    %dma_wait3A_906 = arith.constant 0 : i32
    %dma_wait3A_907 = tpu.memref_slice %arg4[%dma_wait3A_900, %dma_wait3A_906, %add3A_898] : memref<10x64x16384xf32, #tpu.memory_space<hbm>> -> memref<1x64x256xf32, #tpu.memory_space<hbm>>
    %dma_wait3A_908 = tpu.memref_squeeze %dma_wait3A_907 : memref<1x64x256xf32, #tpu.memory_space<hbm>> -> memref<64x256xf32, #tpu.memory_space<hbm>>
    %dma_wait3A_909 = tpu.memref_slice %arg8[%dma_wait3A_901] : memref<3x!tpu.dma_semaphore, #tpu.memory_space<semaphore_mem>> -> memref<1x!tpu.dma_semaphore, #tpu.memory_space<semaphore_mem>>
    %dma_wait3A_910 = tpu.memref_squeeze %dma_wait3A_909 : memref<1x!tpu.dma_semaphore, #tpu.memory_space<semaphore_mem>> -> memref<!tpu.dma_semaphore, #tpu.memory_space<semaphore_mem>>
    %dma_wait3A_911 = arith.constant 0 : i32
    %dma_wait3A_912 = tpu.memref_slice %arg4[%dma_wait3A_900, %dma_wait3A_911, %add3A_898] : memref<10x64x16384xf32, #tpu.memory_space<hbm>> -> memref<1x64x256xf32, #tpu.memory_space<hbm>>
    %dma_wait3A_913 = tpu.memref_squeeze %dma_wait3A_912 : memref<1x64x256xf32, #tpu.memory_space<hbm>> -> memref<64x256xf32, #tpu.memory_space<hbm>>
    %dma_wait3A_914 = arith.constant 0 : i32
    %dma_wait3A_915 = arith.constant 0 : i32
    %dma_wait3A_916 = tpu.memref_slice %arg7[%dma_wait3A_899, %dma_wait3A_914, %dma_wait3A_915] : memref<3x64x256xf32, #tpu.memory_space<vmem>> -> memref<1x64x256xf32, #tpu.memory_space<vmem>>
    %dma_wait3A_917 = tpu.memref_squeeze %dma_wait3A_916 : memref<1x64x256xf32, #tpu.memory_space<vmem>> -> memref<64x256xf32, #tpu.memory_space<vmem>>
    tpu.wait_dma2 semaphore(%dma_wait3A_910 : memref<!tpu.dma_semaphore, #tpu.memory_space<semaphore_mem>>) src(%dma_wait3A_917 : memref<64x256xf32, #tpu.memory_space<vmem>>) dst(%dma_wait3A_913 : memref<64x256xf32, #tpu.memory_space<hbm>>)
    %add3A_918 = arith.constant 0 : i32
    %add3A_919 = arith.addi %mul3A_2, %add3A_918 : i32
    %dma_wait3A_920 = arith.constant 0 : i32
    %dma_wait3A_921 = arith.constant 9 : i32
    %dma_wait3A_922 = arith.constant 0 : i32
    %dma_wait3A_923 = arith.constant 0 : i32
    %dma_wait3A_924 = arith.constant 0 : i32
    %dma_wait3A_925 = tpu.memref_slice %arg7[%dma_wait3A_920, %dma_wait3A_923, %dma_wait3A_924] : memref<3x64x256xf32, #tpu.memory_space<vmem>> -> memref<1x64x256xf32, #tpu.memory_space<vmem>>
    %dma_wait3A_926 = tpu.memref_squeeze %dma_wait3A_925 : memref<1x64x256xf32, #tpu.memory_space<vmem>> -> memref<64x256xf32, #tpu.memory_space<vmem>>
    %dma_wait3A_927 = arith.constant 0 : i32
    %dma_wait3A_928 = tpu.memref_slice %arg4[%dma_wait3A_921, %dma_wait3A_927, %add3A_919] : memref<10x64x16384xf32, #tpu.memory_space<hbm>> -> memref<1x64x256xf32, #tpu.memory_space<hbm>>
    %dma_wait3A_929 = tpu.memref_squeeze %dma_wait3A_928 : memref<1x64x256xf32, #tpu.memory_space<hbm>> -> memref<64x256xf32, #tpu.memory_space<hbm>>
    %dma_wait3A_930 = tpu.memref_slice %arg8[%dma_wait3A_922] : memref<3x!tpu.dma_semaphore, #tpu.memory_space<semaphore_mem>> -> memref<1x!tpu.dma_semaphore, #tpu.memory_space<semaphore_mem>>
    %dma_wait3A_931 = tpu.memref_squeeze %dma_wait3A_930 : memref<1x!tpu.dma_semaphore, #tpu.memory_space<semaphore_mem>> -> memref<!tpu.dma_semaphore, #tpu.memory_space<semaphore_mem>>
    %dma_wait3A_932 = arith.constant 0 : i32
    %dma_wait3A_933 = tpu.memref_slice %arg4[%dma_wait3A_921, %dma_wait3A_932, %add3A_919] : memref<10x64x16384xf32, #tpu.memory_space<hbm>> -> memref<1x64x256xf32, #tpu.memory_space<hbm>>
    %dma_wait3A_934 = tpu.memref_squeeze %dma_wait3A_933 : memref<1x64x256xf32, #tpu.memory_space<hbm>> -> memref<64x256xf32, #tpu.memory_space<hbm>>
    %dma_wait3A_935 = arith.constant 0 : i32
    %dma_wait3A_936 = arith.constant 0 : i32
    %dma_wait3A_937 = tpu.memref_slice %arg7[%dma_wait3A_920, %dma_wait3A_935, %dma_wait3A_936] : memref<3x64x256xf32, #tpu.memory_space<vmem>> -> memref<1x64x256xf32, #tpu.memory_space<vmem>>
    %dma_wait3A_938 = tpu.memref_squeeze %dma_wait3A_937 : memref<1x64x256xf32, #tpu.memory_space<vmem>> -> memref<64x256xf32, #tpu.memory_space<vmem>>
    tpu.wait_dma2 semaphore(%dma_wait3A_931 : memref<!tpu.dma_semaphore, #tpu.memory_space<semaphore_mem>>) src(%dma_wait3A_938 : memref<64x256xf32, #tpu.memory_space<vmem>>) dst(%dma_wait3A_934 : memref<64x256xf32, #tpu.memory_space<hbm>>)
    %add3A_939 = arith.constant 256 : i32
    %add3A_940 = arith.addi %mul3A_2, %add3A_939 : i32
    %dma_wait3A_941 = arith.constant 1 : i32
    %dma_wait3A_942 = arith.constant 9 : i32
    %dma_wait3A_943 = arith.constant 1 : i32
    %dma_wait3A_944 = arith.constant 0 : i32
    %dma_wait3A_945 = arith.constant 0 : i32
    %dma_wait3A_946 = tpu.memref_slice %arg7[%dma_wait3A_941, %dma_wait3A_944, %dma_wait3A_945] : memref<3x64x256xf32, #tpu.memory_space<vmem>> -> memref<1x64x256xf32, #tpu.memory_space<vmem>>
    %dma_wait3A_947 = tpu.memref_squeeze %dma_wait3A_946 : memref<1x64x256xf32, #tpu.memory_space<vmem>> -> memref<64x256xf32, #tpu.memory_space<vmem>>
    %dma_wait3A_948 = arith.constant 0 : i32
    %dma_wait3A_949 = tpu.memref_slice %arg4[%dma_wait3A_942, %dma_wait3A_948, %add3A_940] : memref<10x64x16384xf32, #tpu.memory_space<hbm>> -> memref<1x64x256xf32, #tpu.memory_space<hbm>>
    %dma_wait3A_950 = tpu.memref_squeeze %dma_wait3A_949 : memref<1x64x256xf32, #tpu.memory_space<hbm>> -> memref<64x256xf32, #tpu.memory_space<hbm>>
    %dma_wait3A_951 = tpu.memref_slice %arg8[%dma_wait3A_943] : memref<3x!tpu.dma_semaphore, #tpu.memory_space<semaphore_mem>> -> memref<1x!tpu.dma_semaphore, #tpu.memory_space<semaphore_mem>>
    %dma_wait3A_952 = tpu.memref_squeeze %dma_wait3A_951 : memref<1x!tpu.dma_semaphore, #tpu.memory_space<semaphore_mem>> -> memref<!tpu.dma_semaphore, #tpu.memory_space<semaphore_mem>>
    %dma_wait3A_953 = arith.constant 0 : i32
    %dma_wait3A_954 = tpu.memref_slice %arg4[%dma_wait3A_942, %dma_wait3A_953, %add3A_940] : memref<10x64x16384xf32, #tpu.memory_space<hbm>> -> memref<1x64x256xf32, #tpu.memory_space<hbm>>
    %dma_wait3A_955 = tpu.memref_squeeze %dma_wait3A_954 : memref<1x64x256xf32, #tpu.memory_space<hbm>> -> memref<64x256xf32, #tpu.memory_space<hbm>>
    %dma_wait3A_956 = arith.constant 0 : i32
    %dma_wait3A_957 = arith.constant 0 : i32
    %dma_wait3A_958 = tpu.memref_slice %arg7[%dma_wait3A_941, %dma_wait3A_956, %dma_wait3A_957] : memref<3x64x256xf32, #tpu.memory_space<vmem>> -> memref<1x64x256xf32, #tpu.memory_space<vmem>>
    %dma_wait3A_959 = tpu.memref_squeeze %dma_wait3A_958 : memref<1x64x256xf32, #tpu.memory_space<vmem>> -> memref<64x256xf32, #tpu.memory_space<vmem>>
    tpu.wait_dma2 semaphore(%dma_wait3A_952 : memref<!tpu.dma_semaphore, #tpu.memory_space<semaphore_mem>>) src(%dma_wait3A_959 : memref<64x256xf32, #tpu.memory_space<vmem>>) dst(%dma_wait3A_955 : memref<64x256xf32, #tpu.memory_space<hbm>>)
    return
  }
}

</mosaic_0001>

<sc_bundles>
// kernel: kernel.3.cloned.1.call-start
scs
__scs_entry_jumppad:
0x0: {  	(pc) =	sbr.rel $0x88, $3  }
0x1: {  	(tag) =	ssettag $0x0;
	lr =	simm.s32 $0x1  }
0x2: {  	[smem:$0x3F9F] =	sst lr;
	_ =	strace $0xD0000000  }
0x3: {  	_ = 	snop  }
0x4: {  	_ = 	snop  }
0x5: {  	_ = 	snop  }
0x6: {  	_ = 	snop  }
0x7: {  	_ = 	snop  }
__scs_overlays_trampoline_lowered:
0x8: {  	[smem:$0x3FAE] =	sst s0  }
0x9: {  	[smem:$0x3FAF] =	sst s1  }
0xa: {  	[smem:$0x3FB0] =	sst s2  }
0xb: {  	[smem:$0x3FB1] =	sst s3  }
0xc: {  	[smem:$0x3FB2] =	sst s4  }
0xd: {  	[smem:$0x3FB3] =	sst s5  }
0xe: {  	[smem:$0x3FB4] =	sst s6  }
0xf: {  	[smem:$0x3FB5] =	sst s7  }
0x10: {  	[smem:$0x3FB6] =	sst s8  }
0x11: {  	[smem:$0x3FB7] =	sst s9;
	s0 =	simm.s32 @!p0 $0x0  }
0x12: {  	s1 =	sld [smem:$0x3F9D];
	s0 =	simm.s32 @p0 $0x1  }
0x13: {  	[smem:$0x3FB8] =	sst s0;
	s0 =	simm.s32 @!p1 $0x0  }
0x14: {  	s2 =	sld [smem:$0x3F9C];
	s0 =	simm.s32 @p1 $0x1  }
0x15: {  	[smem:$0x3FB9] =	sst s0;
	s0 =	simm.s32 @!p2 $0x0  }
0x16: {  	s3 =	sld [smem:$0x3FDB];
	s0 =	simm.s32 @p2 $0x1  }
0x17: {  	s4 =	simm.s32 $0x1BF5;
	[smem:$0x3FBB] =	sst s0  }
0x18: {  	s0 =	sld [smem:$0x3F9E];
	_ =	swait.ge [sflag:s4], $0x0  }
0x19: {  	s7 =	sld [smem:$0x3F9F]  }
0x1a: {  	s8 =	sadd.s32 $0xFFFFE003, lr  }
0x1b: {  	s9 =	sadd.s32 $0xFFFFFEF7, lr;
	s5 =	simm.s32 $0xFFFFFFFF;
	p2 =	slt.u32 s8, $0xFFFFF086  }
0x1c: {  	p1 =	slt.u32 s9, $0xF7A;
	s5 =	simm.s32 @!p2 $0x0  }
0x1d: {  	s5 =	simm.s32 @p1 $0x1;
	p0 =	seq.s32 s7, s2  }
0x1e: {  	s7 =	smul.u32 @!p0 $0xF7A, s2;
	p2 =	seq.s32 @!p0 s5, $0x0  }
0x1f: {  	s9 =	smul.u32 $0xF7A, s1;
	s8 =	simm.s32 @!p0 $0x1BF5;
	p2 =	por !p2, p0  }
0x20: {  	[sflag:s8] =	ssyncset.s32 @!p0 $0xFFFFF086;
	s6 =	sadd.s32 @!p0 s3, s7;
	s7 =	simm.s32 @!p0 $0x108  }
0x21: {  	s3 =	sadd.s32 s3, s9;
	s6 =	sadd.s32 @!p0 $0x88, s6;
	s7 =	simm.s32 @p2 $0x1082  }
0x22: {  	[simem:s7], [sflag:s8] =	dma.local @!p0 [hbm:s6], $0xF7A  }
0x23: {  	s9 =	sor.u32 $0xD0000000, s2;
	s6 =	simm.s32 $0x108;
	_ =	swait.ge @!p0 [sflag:s8], $0x0  }
0x24: {  	s3 =	sadd.s32 $0x88, s3;
	s6 =	simm.s32 @!p1 $0x1082;
	[sflag:s4] =	ssyncset.s32 $0xFFFFF086  }
0x25: {  	[simem:s6], [sflag:s4] =	dma.local [hbm:s3], $0xF7A  }
0x26: {  	[smem:$0x3F9F] =	sst s1;
	(tag) =	ssettag s2;
	_ =	strace s9  }
0x27: {  	s1 =	sld [smem:$0x3FAF]  }
0x28: {  	s2 =	sld [smem:$0x3FB0]  }
0x29: {  	s4 =	sld [smem:$0x3FB2]  }
0x2a: {  	p0 =	seq.s32 s5, $0x0;
	s5 =	sld [smem:$0x3FB3]  }
0x2b: {  	s6 =	sld [smem:$0x3FB4]  }
0x2c: {  	s7 =	sld [smem:$0x3FB5]  }
0x2d: {  	s3 =	simm.s32 $0x108;
	s8 =	sld [smem:$0x3FB6]  }
0x2e: {  	s3 =	simm.s32 @!p0 $0x1082;
	s9 =	sld [smem:$0x3FB7]  }
0x2f: {  	lr =	sadd.s32 s0, s3;
	s0 =	sld [smem:$0x3FAE]  }
0x30: {  	s3 =	sld [smem:$0x3FB1]  }
0x31: {  	[smem:$0x3FBA] =	sst s10  }
0x32: {  	s10 =	sld [smem:$0x3FB8];
	_ =	sdelay $0x3  }
0x33: {  	p0 =	seq.s32 s10, $0x1;
	s10 =	sld [smem:$0x3FBA];
	_ =	sdelay $0x3  }
0x34: {  	[smem:$0x3FBA] =	sst s10  }
0x35: {  	s10 =	sld [smem:$0x3FB9];
	_ =	sdelay $0x3  }
0x36: {  	p1 =	seq.s32 s10, $0x1;
	s10 =	sld [smem:$0x3FBA];
	_ =	sdelay $0x3  }
0x37: {  	[smem:$0x3FBA] =	sst s10  }
0x38: {  	s10 =	sld [smem:$0x3FBB]  }
0x39: {  	_ = 	snop;
	(pc) =	sbr.ind lr, $3  }
0x3a: {  	_ = 	snop  }
0x3b: {  	_ = 	snop  }
0x3c: {  	p2 =	seq.s32 s10, $0x1;
	s10 =	sld [smem:$0x3FBA]  }
0x3d: {  	_ =	shalt  }
0x3e: {  	_ =	shalt  }
0x3f: {  	_ =	shalt  }
0x40: {  	_ =	shalt  }
0x41: {  	_ =	shalt  }
0x42: {  	_ =	shalt  }
0x43: {  	_ =	shalt  }
0x44: {  	_ =	shalt  }
0x45: {  	_ =	shalt  }
0x46: {  	_ =	shalt  }
0x47: {  	_ =	shalt  }
0x48: {  	_ =	shalt  }
0x49: {  	_ =	shalt  }
0x4a: {  	_ =	shalt  }
0x4b: {  	_ =	shalt  }
0x4c: {  	_ =	shalt  }
0x4d: {  	_ =	shalt  }
0x4e: {  	_ =	shalt  }
0x4f: {  	_ =	shalt  }
0x50: {  	_ =	shalt  }
0x51: {  	_ =	shalt  }
0x52: {  	_ =	shalt  }
0x53: {  	_ =	shalt  }
0x54: {  	_ =	shalt  }
0x55: {  	_ =	shalt  }
0x56: {  	_ =	shalt  }
0x57: {  	_ =	shalt  }
0x58: {  	_ =	shalt  }
0x59: {  	_ =	shalt  }
0x5a: {  	_ =	shalt  }
0x5b: {  	_ =	shalt  }
0x5c: {  	_ =	shalt  }
0x5d: {  	_ =	shalt  }
0x5e: {  	_ =	shalt  }
0x5f: {  	_ =	shalt  }
0x60: {  	_ =	shalt  }
0x61: {  	_ =	shalt  }
0x62: {  	_ =	shalt  }
0x63: {  	_ =	shalt  }
0x64: {  	_ =	shalt  }
0x65: {  	_ =	shalt  }
0x66: {  	_ =	shalt  }
0x67: {  	_ =	shalt  }
0x68: {  	_ =	shalt  }
0x69: {  	_ =	shalt  }
0x6a: {  	_ =	shalt  }
0x6b: {  	_ =	shalt  }
0x6c: {  	_ =	shalt  }
0x6d: {  	_ =	shalt  }
0x6e: {  	_ =	shalt  }
0x6f: {  	_ =	shalt  }
0x70: {  	_ =	shalt  }
0x71: {  	_ =	shalt  }
0x72: {  	_ =	shalt  }
0x73: {  	_ =	shalt  }
0x74: {  	_ =	shalt  }
0x75: {  	_ =	shalt  }
0x76: {  	_ =	shalt  }
0x77: {  	_ =	shalt  }
0x78: {  	_ =	shalt  }
0x79: {  	_ =	shalt  }
0x7a: {  	_ =	shalt  }
0x7b: {  	_ =	shalt  }
0x7c: {  	_ =	shalt  }
0x7d: {  	_ =	shalt  }
0x7e: {  	_ =	shalt  }
0x7f: {  	_ =	shalt  }
0x80: {  	_ =	shalt  }
0x81: {  	_ =	shalt  }
0x82: {  	_ =	shalt  }
0x83: {  	_ =	shalt  }
0x84: {  	_ =	shalt  }
0x85: {  	_ =	shalt  }
0x86: {  	_ =	shalt  }
0x87: {  	_ =	shalt  }
.Lfunc_end0:
.L_simem_size_0:
called_computation_lowered:
.L_overlay_start_0:
0x88: {  	s2 =	sld [smem:$0x3FD9]  }
0x89: {  	s3 =	sld [smem:$0x3FFE];
	_ =	sdelay $0x1  }
0x8a: {  	s1 =	srdreg.scid  }
0x8b: {  	s0 =	sand.u32 $0x1, s1  }
0x8c: {  	s17 =	sshll.u32 s0, $0xA;
	s2 =	sadd.s32 s3, s2  }
0x8d: {  	s2 =	sadd.s32 s2, s17  }
0x8e: {  	[smem:$0x3FC6] =	sst s2  }
0x8f: {  	_ = 	snop  }
0x90: {  	s2 =	sld [smem:$0x3FC9]  }
0x91: {  	s18 =	sld [smem:$0x3FD0];
	(tm) =	ssettm $0x1  }
0x92: {  	s4 =	sld [smem:$0x3FFB];
	_ =	sdelay $0x3  }
0x93: {  	_ =	strace s4  }
0x94: {  	s4 =	sld [smem:$0x3FFC];
	_ =	sdelay $0x3  }
0x95: {  	_ =	strace s4  }
0x96: {  	s4 =	sld [smem:$0x3FFD];
	_ =	sdelay $0x3  }
0x97: {  	_ =	strace s4  }
0x98: {  	_ =	strace $0x8FFFFFFF  }
0x99: {  	s19 =	sld [smem:$0x3FDB];
	_ =	sdelay $0x1  }
0x9a: {  	s5 =	simm.s32 $_scs_section_size  }
0x9b: {  	s6 =	simm.s32 $_size__tile_overlayer_lowered;
	s7 =	simm.s32 $_tile_overlayer_lowered  }
0x9c: {  	s22 =	simm.s32 $0x1BFF;
	s21 =	sshll.u32 s7, $0x1;
	s4 =	sadd.s32 s5, s19  }
0x9d: {  	s8 =	simm.s32 $0x0;
	s20 =	sshll.u32 s6, $0x1;
	s6 =	sadd.s32 s21, s4  }
0x9e: {  	[timem:s8], [sflag:s22] =	dma.local [hbm:s6], s20  }
0x9f: {  	_ =	swait.ge [sflag:s22], s20  }
0xa0: {  	s5 =	ssub.s32 $0x0, s20;
	[sflag:s22] =	ssyncset.done $0x0  }
0xa1: {  	[sflag:s22] =	ssyncadd.s32 s5;
	_ =	sdelay $0x1  }
0xa2: {  	s23 =	simm.s32 $0x1B8B  }
0xa3: {  	_ =	swait.ge [sflag:s23], $0x1  }
0xa4: {  	[sflag:s23] =	ssyncset.done $0x0  }
0xa5: {  	s25 =	simm.s32 $0x1B8E;
	s24 =	sld [smem:$0x3FFE];
	[sflag:s23] =	ssyncadd.s32 $0xFFFFFFFF  }
0xa6: {  	s26 =	simm.s32 $execute0_lowered;
	[smem:$0x3FD2] =	sst s25  }
0xa7: {  	s6 =	sshll.u32 s26, $0x1;
	_ =	strace $0x80000046;
	[dreg:$0x1] =	wrdreg $0xFFFFFFFF  }
0xa8: {  	s28 =	simm.s32 $_size_execute0_lowered;
	s4 =	sadd.s32 s4, s6;
	[dreg:$0x0] =	wrdreg $0x0  }
0xa9: {  	s6 =	sshll.u32 s28, $0x1;
	[dreg:$0x2] =	wrdreg s4  }
0xaa: {  	[dreg:$0x3] =	wrdreg s6  }
0xab: {  	[dreg:$0x4] =	wrdreg $0xC0  }
0xac: {  	_ =	task [dreg:s8], $0x5FFFF  }
0xad: {  	[dreg:$0x1] =	wrdreg $0xFFFFFFFF  }
0xae: {  	[dreg:$0x0] =	wrdreg $0x60  }
0xaf: {  	[dreg:$0x2] =	wrdreg s2  }
0xb0: {  	[dreg:$0x3] =	wrdreg s24  }
0xb1: {  	[dreg:$0x4] =	wrdreg s18  }
0xb2: {  	[dreg:$0x5] =	wrdreg $0x9  }
0xb3: {  	_ =	task.clear_ibuf [dreg:s8], $0x6FFFF;
	_ =	strace $0x90000046  }
0xb4: {  	s29 =	simm.s32 $0x9;
	_ =	strace $0x80000048  }
0xb5: {  	_ =	swait.ge [sflag:s29], $0x1  }
0xb6: {  	[sflag:s29] =	ssyncadd.s32 $0xFFFFFFFF  }
0xb7: {  	_ =	strace $0x90000048  }
0xb8: {  	_ =	sfence  }
0xb9: {  	s30 =	sld [smem:$0x0];
	_ =	sdelay $0x2  }
0xba: {  	s31 =	sshll.u32 s1, $0xD;
	s1 =	sshrl.u32 s1, $0x2  }
0xbb: {  	s3 =	sand.u32 $0x4000, s31;
	s1 =	sadd.s32 s1, s30  }
0xbc: {  	s0 =	sor.u32 s3, s0;
	s1 =	sshll.u32 s1, $0x11  }
0xbd: {  	s0 =	sor.u32 s1, s0  }
0xbe: {  	s0 =	sadd.s32 $0x8F2B, s0  }
0xbf: {  	[sflag:s0] =	ssyncadd.remote.s32 $0x1  }
0xc0: {  	_ =	sfence.sel $0xFFFF  }
0xc1: {  	[dreg:$0x0] =	wrdreg $0xFFFFFFFF;
	(pc) =	sbr.abs _section_cstart, $3  }
0xc2: {  	[dreg:$0x1] =	wrdreg $0xFFFFFFFF  }
0xc3: {  	_ =	task.clear_ibuf [dreg:s8], $0x2FFFF;
	_ =	strace $0x9FFFFFFF  }
0xc4: {  	(tm) =	ssettm $0x7FFFFFFF  }
0xc5: {  	_ =	shalt  }
tec
execute0_lowered:
.L_overlay_start_1:
0x0: {  	(tag) =	ssettag $0x1  }
0x1: {  	s0 =	rddreg [dreg:$0x0]  }
0x2: {  	s1 =	rddreg [dreg:$0x1]  }
0x3: {  	s2 =	rddreg [dreg:$0x2];
	s4 =	simm.s32 $0x0  }
0x4: {  	s3 =	srdreg.scid;
	s5 =	stileid.u32;
	s28 =	simm.s32 $0x20000  }
0x5: {  	s29 =	simm.s32 $0x4;
	[smem:$0x7FF] =	sst s4;
	s3 =	sand.u32 $0x1, s3  }
0x6: {  	s5 =	sshll.u32 s5, $0xA;
	s14 =	ssub.s32 $0x2, s3;
	s3 =	sshll.u32 s3, $0x9  }
0x7: {  	s1 =	sadd.s32 $0x400, s1;
	_ =	strace $0x80000047;
	s3 =	sor.u32 s3, s5  }
0x8: {  	[dreg:$0x4] =	wrdreg s1;
	s4 =	sadd.s32 s2, s3;
	s0 =	sadd.s32 s0, s3  }
0x9: {  	s30 =	simm.s32 $0x2000;
	[dreg:$0x5] =	wrdreg s0;
	s17 =	sadd.s32 $0x100, s4  }
0xa: {  	s31 =	simm.s32 $0x800;
	s18 =	sadd.s32 $0x20000, s4;
	[dreg:$0x6] =	wrdreg s17  }
0xb: {  	s1 =	simm.s32 $0x15E00;
	s19 =	sadd.s32 $0x20100, s4;
	[dreg:$0x7] =	wrdreg s18  }
0xc: {  	s6 =	sshrl.u32 s14, $0x1;
	s20 =	sadd.s32 $0x40000, s4;
	[dreg:$0x8] =	wrdreg s19  }
0xd: {  	s5 =	simm.s32 $0x3;
	s21 =	sadd.s32 $0x40100, s4;
	[dreg:$0x9] =	wrdreg s20  }
0xe: {  	s15 =	ssub.s32 s14, s6;
	s22 =	sadd.s32 $0x60000, s4;
	[dreg:$0xa] =	wrdreg s21  }
0xf: {  	s2 =	simm.s32 $0x1;
	s23 =	sadd.s32 $0x60100, s4;
	[dreg:$0xb] =	wrdreg s22  }
0x10: {  	s3 =	simm.s32 $0x2;
	s24 =	sadd.s32 $0x80000, s4;
	[dreg:$0xc] =	wrdreg s23  }
0x11: {  	s6 =	simm.s32 $0x0;
	s25 =	sadd.s32 $0x80100, s4;
	[dreg:$0xd] =	wrdreg s24  }
0x12: {  	s26 =	sadd.s32 $0xA0000, s4;
	s16 =	sadd.s32 $0xA0100, s4;
	[dreg:$0xe] =	wrdreg s25  }
0x13: {  	s0 =	simm.s32 $0x11E00;
	[dreg:$0xf] =	wrdreg s26;
	s17 =	sadd.s32 $0xC0000, s4  }
0x14: {  	s18 =	sadd.s32 $0xC0100, s4;
	s19 =	sadd.s32 $0xE0000, s4;
	s20 =	sadd.s32 $0xE0100, s4  }
0x15: {  	s21 =	sadd.s32 $0x100000, s4;
	s22 =	sadd.s32 $0x100100, s4;
	s23 =	sadd.s32 $0x120000, s4  }
0x16: {  	s24 =	sadd.s32 $0x120100, s4;
	s25 =	smax.u32 s15, $0x1;
	s26 =	simm.s32 $0x19E00  }
.LBB2_1:
0x17: {  	s7 =	simm.s32 $0x0;
	s8 =	rddreg [dreg:$0x5];
	s9 =	simm.s32 $0x1000  }
0x18: {  	[tilespmem:s7], [sflag:$0x4] =	stream.strided.gather [hbm4b:s8+s9], $0x2000, s28, s9, $0x38;
	[tilespmem:$0x1DE00] =	vst v63  }
0x19: {  	_ =	swait.ge [sflag:s29], $0x2000  }
0x1a: {  	[sflag:s29] =	ssyncset.done $0x0  }
0x1b: {  	s15 =	rddreg [dreg:$0x4];
	[sflag:s29] =	ssyncadd.s32 $0xFFFFE000  }
0x1c: {  	[tilespmem:s30], [sflag:$0x4] =	stream.linear.gather [hbm4b:s15+s7], $0xFE00, $0x38;
	[tilespmem:$0x1DE00] =	vst v63  }
0x1d: {  	_ =	swait.ge [sflag:s29], $0xFE00  }
0x1e: {  	s8 =	simm.s32 $0x0;
	[sflag:s29] =	ssyncset.done $0x0  }
0x1f: {  	s9 =	simm.s32 $0x0;
	s7 =	simm.s32 $0x0;
	[sflag:s29] =	ssyncadd.s32 $0xFFFF0200  }
.LBB2_2:
0x20: {  	s10 =	sshll.u32 s9, $0x4;
	s11 =	sshll.u32 s9, $0x7  }
0x21: {  	s10 =	sand.u32 $0x70, s10;
	s11 =	sand.u32 $0x400, s11  }
0x22: {  	s10 =	sor.u32 s10, s11  }
0x23: {  	v0 =	vld [tilespmem:s10+$0x0];
	_ =	sdelay $0x4  }
0x24: {  	v0 =	vmul.u32 $0x41, v0  }
0x25: {  	s13 =	simm.s32 $0x7  }
0x26: {  	s14 =	simm.s32 $0x1;
	v1 =	vadd.s32 s13, v0  }
0x27: {  	s15 =	simm.s32 $0x2;
	v2 =	vadd.s32 s14, v0  }
0x28: {  	s11 =	simm.s32 $0x3;
	v3 =	vadd.s32 s15, v0  }
0x29: {  	s12 =	simm.s32 $0x4;
	v4 =	vadd.s32 s11, v0  }
0x2a: {  	v5 =	vadd.s32 s12, v0;
	s13 =	simm.s32 $0x5  }
0x2b: {  	s14 =	simm.s32 $0x6;
	s15 =	sshll.u32 s8, $0x2;
	v6 =	vadd.s32 s13, v0;
	v1 =	vld.idx.msk [tilespmem:v1+s30+$0x0], $0xffff  }
0x2c: {  	s12 =	sand.u32 $0x7, s7;
	v7 =	vadd.s32 s14, v0;
	s11 =	sand.u32 $0xFFFFF000, s15;
	s15 =	simm.s32 $0xF;
	v2 =	vld.idx.msk [tilespmem:v2+s30+$0x0], $0xffff  }
0x2d: {  	s13 =	simm.s32 $0x0;
	s14 =	sshll.u32 s12, $0x6;
	v11 =	vadd.s32 s15, v0;
	v9 =	vld.idx.msk [tilespmem:v3+s30+$0x0], $0xffff  }
0x2e: {  	v8 =	vadd.s32 s13, v0;
	s10 =	sor.u32 s14, s11;
	s14 =	simm.s32 $0xA;
	v12 =	vld.idx.msk [tilespmem:v4+s30+$0x0], $0xffff  }
0x2f: {  	s13 =	simm.s32 $0x9;
	s10 =	sshrl.u32 s10, $0x2;
	v15 =	vadd.s32 s14, v0;
	v14 =	vld.idx.msk [tilespmem:v5+s30+$0x0], $0xffff  }
0x30: {  	s15 =	simm.s32 $0xB;
	v13 =	vadd.s32 s13, v0;
	s10 =	sadd.s32 $0x12000, s10;
	v5 =	vld.idx.msk [tilespmem:v6+s30+$0x0], $0xffff  }
0x31: {  	s12 =	simm.s32 $0xC;
	v10 =	vadd.s32 s15, v0;
	v4 =	vld.idx.msk [tilespmem:v7+s30+$0x0], $0xffff;
	[tilespmem:s10+$0x180] =	vst v1  }
0x32: {  	s13 =	simm.s32 $0xD;
	[tilespmem:s10+$0xFFFFFE80] =	vst v2;
	v1 =	vld.idx.msk [tilespmem:v11+s30+$0x0], $0xffff;
	v11 =	vadd.s32 s12, v0  }
0x33: {  	s15 =	simm.s32 $0xE;
	v3 =	vld.idx.msk [tilespmem:v8+s30+$0x0], $0xffff;
	v8 =	vadd.s32 s13, v0;
	[tilespmem:s10+$0xFFFFFF00] =	vst v9  }
0x34: {  	s14 =	simm.s32 $0x8;
	v6 =	vld.idx.msk [tilespmem:v15+s30+$0x0], $0xffff;
	[tilespmem:s10+$0xFFFFFF80] =	vst v12;
	v9 =	vadd.s32 s15, v0  }
0x35: {  	s11 =	simm.s32 $0x10;
	v7 =	vadd.s32 s14, v0;
	s13 =	simm.s32 $0x17;
	v2 =	vld.idx.msk [tilespmem:v13+s30+$0x0], $0xffff;
	s12 =	simm.s32 $0x18;
	[tilespmem:s10+$0x0] =	vst v14  }
.LBB2_3:
0x36: {  	p0 =	slt.u32 s12, $0x38;
	s14 =	sadd.s32 $0x1, s11;
	v12 =	vadd.s32 s13, v0;
	v13 =	vld.idx.msk [tilespmem:v10+s30+$0x0], $0xffff;
	[tilespmem:s10+$0x80] =	vst v5  }
0x37: {  	s13 =	sadd.s32 $0x2, s11;
	v14 =	vadd.s32 s14, v0;
	v15 =	vld.idx.msk [tilespmem:v11+s30+$0x0], $0xffff;
	[tilespmem:s10+$0x100] =	vst v4  }
0x38: {  	v16 =	vadd.s32 s13, v0;
	s13 =	sadd.s32 $0x3, s11;
	v5 =	vld.idx.msk [tilespmem:v8+s30+$0x0], $0xffff;
	[tilespmem:s10+$0xFFFFFE00] =	vst v3;
	s10 =	sadd.s32 $0x800, s10  }
.Ltmp0:
0x39: {  	v10 =	vadd.s32 s13, v0;
	s13 =	sadd.s32 $0x4, s11;
	v4 =	vld.idx.msk [tilespmem:v9+s30+$0x0], $0xffff;
	[tilespmem:s10+$0x180] =	vst v1;
	(pc) =	sbr.rel @p0 .LBB2_3-.Ltmp0, $4  }
0x3a: {  	v11 =	vadd.s32 s13, v0;
	s13 =	sadd.s32 $0x5, s11;
	v3 =	vld.idx.msk [tilespmem:v7+s30+$0x0], $0xffff;
	[tilespmem:s10+$0xFFFFFE80] =	vst v2  }
0x3b: {  	v8 =	vadd.s32 s13, v0;
	s13 =	sadd.s32 $0x6, s11;
	v1 =	vld.idx.msk [tilespmem:v12+s30+$0x0], $0xffff;
	[tilespmem:s10+$0xFFFFFF00] =	vst v6  }
0x3c: {  	v9 =	vadd.s32 s13, v0;
	v2 =	vld.idx.msk [tilespmem:v14+s30+$0x0], $0xffff;
	[tilespmem:s10+$0xFFFFFF80] =	vst v13  }
0x3d: {  	v7 =	vadd.s32 s11, v0;
	s11 =	smov.u32 s12;
	s13 =	sadd.s32 $0x7, s12;
	s12 =	sadd.s32 $0x8, s12;
	v6 =	vld.idx.msk [tilespmem:v16+s30+$0x0], $0xffff;
	[tilespmem:s10+$0x0] =	vst v15  }
0x3e: {  	_ =	sdelay $0x2  }
0x3f: {  	[tilespmem:s10+$0x80] =	vst v5  }
0x40: {  	v55 =	vadd.s32 s13, v0;
	v10 =	vld.idx.msk [tilespmem:v10+s30+$0x0], $0xffff;
	[tilespmem:s10+$0x100] =	vst v4  }
0x41: {  	s12 =	sadd.s32 $0x1, s11;
	v11 =	vld.idx.msk [tilespmem:v11+s30+$0x0], $0xffff;
	v62 =	vadd.s32 s11, v0;
	[tilespmem:s10+$0xFFFFFE00] =	vst v3;
	s10 =	sadd.s32 $0x800, s10  }
0x42: {  	s14 =	sadd.s32 $0x2, s11;
	v8 =	vld.idx.msk [tilespmem:v8+s30+$0x0], $0xffff;
	v56 =	vadd.s32 s12, v0;
	[tilespmem:s10+$0x180] =	vst v1  }
0x43: {  	s15 =	sadd.s32 $0x3, s11;
	v9 =	vld.idx.msk [tilespmem:v9+s30+$0x0], $0xffff;
	v57 =	vadd.s32 s14, v0;
	[tilespmem:s10+$0xFFFFFE80] =	vst v2  }
0x44: {  	s13 =	sadd.s32 $0x4, s11;
	v7 =	vld.idx.msk [tilespmem:v7+s30+$0x0], $0xffff;
	v58 =	vadd.s32 s15, v0;
	[tilespmem:s10+$0xFFFFFF00] =	vst v6  }
0x45: {  	v59 =	vadd.s32 s13, v0;
	s14 =	sadd.s32 $0x5, s11;
	s15 =	sadd.s32 $0x6, s11;
	v5 =	vld.idx.msk [tilespmem:v55+s30+$0x0], $0xffff;
	[tilespmem:s10+$0xFFFFFF80] =	vst v10  }
0x46: {  	v60 =	vadd.s32 s14, v0;
	v61 =	vadd.s32 s15, v0;
	[tilespmem:s10+$0x0] =	vst v11;
	v0 =	vld.idx.msk [tilespmem:v62+s30+$0x0], $0xffff  }
0x47: {  	[tilespmem:s10+$0x80] =	vst v8;
	v4 =	vld.idx.msk [tilespmem:v56+s30+$0x0], $0xffff  }
0x48: {  	[tilespmem:s10+$0x100] =	vst v9;
	v3 =	vld.idx.msk [tilespmem:v57+s30+$0x0], $0xffff  }
0x49: {  	[tilespmem:s10+$0xFFFFFE00] =	vst v7;
	s10 =	sadd.s32 $0x800, s10;
	v1 =	vld.idx.msk [tilespmem:v58+s30+$0x0], $0xffff  }
0x4a: {  	v2 =	vld.idx.msk [tilespmem:v59+s30+$0x0], $0xffff;
	[tilespmem:s10+$0x180] =	vst v5  }
0x4b: {  	s9 =	sadd.s32 $0x1, s9;
	v6 =	vld.idx.msk [tilespmem:v60+s30+$0x0], $0xffff;
	[tilespmem:s10+$0xFFFFFE00] =	vst v0  }
0x4c: {  	p0 =	sne.s32 s9, $0x10;
	v63 =	vld.idx.msk [tilespmem:v61+s30+$0x0], $0xffff;
	[tilespmem:s10+$0xFFFFFE80] =	vst v4  }
.Ltmp1:
0x4d: {  	[tilespmem:s10+$0xFFFFFF00] =	vst v3;
	(pc) =	sbr.rel @p0 .LBB2_2-.Ltmp1, $4  }
0x4e: {  	[tilespmem:s10+$0xFFFFFF80] =	vst v1  }
0x4f: {  	[tilespmem:s10+$0x0] =	vst v2  }
0x50: {  	[tilespmem:s10+$0x80] =	vst v6  }
0x51: {  	s8 =	sadd.s32 $0x80, s8;
	s7 =	sadd.s32 $0x1, s7;
	[tilespmem:s10+$0x100] =	vst v63  }
0x52: {  	[hbm4b:s4+s31] =	stream.strided.scatter [tilespmem:s0], [sflag:$0x1], $0x4000, s28, s31, $0x38;
	[tilespmem:$0x1DE00] =	vst v63  }
0x53: {  	s7 =	simm.s32 $0x0  }
0x54: {  	s8 =	simm.s32 $0x0;
	s9 =	simm.s32 $0x0;
	s10 =	simm.s32 $0x0  }
.LBB2_6:
0x55: {  	s11 =	sshll.u32 s10, $0x4;
	s12 =	sshll.u32 s10, $0x7  }
0x56: {  	s11 =	sand.u32 $0x70, s11;
	s12 =	sand.u32 $0x400, s12  }
0x57: {  	s11 =	sor.u32 s11, s12  }
0x58: {  	v0 =	vld [tilespmem:s11+$0x800];
	_ =	sdelay $0x4  }
0x59: {  	v0 =	vmul.u32 $0x41, v0  }
0x5a: {  	s12 =	simm.s32 $0x7  }
0x5b: {  	s13 =	simm.s32 $0x1;
	v1 =	vadd.s32 s12, v0  }
0x5c: {  	s14 =	simm.s32 $0x2;
	v2 =	vadd.s32 s13, v0  }
0x5d: {  	s15 =	simm.s32 $0x3;
	v3 =	vadd.s32 s14, v0  }
0x5e: {  	v4 =	vadd.s32 s15, v0;
	s12 =	simm.s32 $0x4  }
0x5f: {  	s13 =	simm.s32 $0x5;
	v5 =	vadd.s32 s12, v0  }
0x60: {  	s14 =	simm.s32 $0x6;
	v6 =	vadd.s32 s13, v0;
	v1 =	vld.idx.msk [tilespmem:v1+s30+$0x0], $0xffff  }
0x61: {  	s15 =	sshll.u32 s9, $0x2;
	s13 =	sand.u32 $0x7, s8;
	v7 =	vadd.s32 s14, v0;
	s14 =	simm.s32 $0xF;
	v2 =	vld.idx.msk [tilespmem:v2+s30+$0x0], $0xffff  }
0x62: {  	s12 =	sand.u32 $0xFFFFF000, s15;
	s13 =	sshll.u32 s13, $0x6;
	v11 =	vadd.s32 s14, v0;
	v9 =	vld.idx.msk [tilespmem:v3+s30+$0x0], $0xffff  }
0x63: {  	v8 =	vadd.s32 s7, v0;
	s14 =	simm.s32 $0xA;
	s11 =	sor.u32 s13, s12;
	v12 =	vld.idx.msk [tilespmem:v4+s30+$0x0], $0xffff  }
0x64: {  	s15 =	simm.s32 $0x9;
	v15 =	vadd.s32 s14, v0;
	s11 =	sshrl.u32 s11, $0x2;
	v14 =	vld.idx.msk [tilespmem:v5+s30+$0x0], $0xffff  }
0x65: {  	v13 =	vadd.s32 s15, v0;
	s15 =	simm.s32 $0xB;
	s11 =	sadd.s32 $0x15E00, s11;
	v5 =	vld.idx.msk [tilespmem:v6+s30+$0x0], $0xffff  }
0x66: {  	v10 =	vadd.s32 s15, v0;
	s13 =	simm.s32 $0xC;
	v4 =	vld.idx.msk [tilespmem:v7+s30+$0x0], $0xffff;
	[tilespmem:s11+$0x380] =	vst v1  }
0x67: {  	s14 =	simm.s32 $0xD;
	[tilespmem:s11+$0x80] =	vst v2;
	v1 =	vld.idx.msk [tilespmem:v11+s30+$0x0], $0xffff;
	v11 =	vadd.s32 s13, v0  }
0x68: {  	v3 =	vld.idx.msk [tilespmem:v8+s30+$0x0], $0xffff;
	v8 =	vadd.s32 s14, v0;
	s14 =	simm.s32 $0xE;
	[tilespmem:s11+$0x100] =	vst v9  }
0x69: {  	s15 =	simm.s32 $0x8;
	v6 =	vld.idx.msk [tilespmem:v15+s30+$0x0], $0xffff;
	[tilespmem:s11+$0x180] =	vst v12;
	v9 =	vadd.s32 s14, v0  }
0x6a: {  	s12 =	simm.s32 $0x10;
	v7 =	vadd.s32 s15, v0;
	v2 =	vld.idx.msk [tilespmem:v13+s30+$0x0], $0xffff;
	s14 =	simm.s32 $0x17;
	s13 =	simm.s32 $0x18;
	[tilespmem:s11+$0x200] =	vst v14  }
.LBB2_7:
0x6b: {  	p0 =	slt.u32 s13, $0x38;
	s15 =	sadd.s32 $0x1, s12;
	v12 =	vadd.s32 s14, v0;
	v13 =	vld.idx.msk [tilespmem:v10+s30+$0x0], $0xffff;
	[tilespmem:s11+$0x280] =	vst v5  }
0x6c: {  	s14 =	sadd.s32 $0x2, s12;
	v14 =	vadd.s32 s15, v0;
	v15 =	vld.idx.msk [tilespmem:v11+s30+$0x0], $0xffff;
	[tilespmem:s11+$0x300] =	vst v4  }
0x6d: {  	v16 =	vadd.s32 s14, v0;
	s14 =	sadd.s32 $0x3, s12;
	v5 =	vld.idx.msk [tilespmem:v8+s30+$0x0], $0xffff;
	[tilespmem:s11+$0x0] =	vst v3;
	s11 =	sadd.s32 $0x800, s11  }
.Ltmp2:
0x6e: {  	v10 =	vadd.s32 s14, v0;
	s14 =	sadd.s32 $0x4, s12;
	v4 =	vld.idx.msk [tilespmem:v9+s30+$0x0], $0xffff;
	[tilespmem:s11+$0x380] =	vst v1;
	(pc) =	sbr.rel @p0 .LBB2_7-.Ltmp2, $4  }
0x6f: {  	v11 =	vadd.s32 s14, v0;
	s14 =	sadd.s32 $0x5, s12;
	v3 =	vld.idx.msk [tilespmem:v7+s30+$0x0], $0xffff;
	[tilespmem:s11+$0x80] =	vst v2  }
0x70: {  	v8 =	vadd.s32 s14, v0;
	s14 =	sadd.s32 $0x6, s12;
	v1 =	vld.idx.msk [tilespmem:v12+s30+$0x0], $0xffff;
	[tilespmem:s11+$0x100] =	vst v6  }
0x71: {  	v9 =	vadd.s32 s14, v0;
	v2 =	vld.idx.msk [tilespmem:v14+s30+$0x0], $0xffff;
	[tilespmem:s11+$0x180] =	vst v13  }
0x72: {  	v7 =	vadd.s32 s12, v0;
	s12 =	smov.u32 s13;
	s14 =	sadd.s32 $0x7, s13;
	s13 =	sadd.s32 $0x8, s13;
	v6 =	vld.idx.msk [tilespmem:v16+s30+$0x0], $0xffff;
	[tilespmem:s11+$0x200] =	vst v15  }
0x73: {  	_ =	sdelay $0x2  }
0x74: {  	[tilespmem:s11+$0x280] =	vst v5  }
0x75: {  	v55 =	vadd.s32 s14, v0;
	v10 =	vld.idx.msk [tilespmem:v10+s30+$0x0], $0xffff;
	[tilespmem:s11+$0x300] =	vst v4  }
0x76: {  	s13 =	sadd.s32 $0x1, s12;
	v11 =	vld.idx.msk [tilespmem:v11+s30+$0x0], $0xffff;
	v62 =	vadd.s32 s12, v0;
	[tilespmem:s11+$0x0] =	vst v3;
	s11 =	sadd.s32 $0x800, s11  }
0x77: {  	s15 =	sadd.s32 $0x2, s12;
	v8 =	vld.idx.msk [tilespmem:v8+s30+$0x0], $0xffff;
	v56 =	vadd.s32 s13, v0;
	[tilespmem:s11+$0x380] =	vst v1  }
0x78: {  	s14 =	sadd.s32 $0x3, s12;
	v9 =	vld.idx.msk [tilespmem:v9+s30+$0x0], $0xffff;
	v57 =	vadd.s32 s15, v0;
	[tilespmem:s11+$0x80] =	vst v2  }
0x79: {  	v7 =	vld.idx.msk [tilespmem:v7+s30+$0x0], $0xffff;
	v58 =	vadd.s32 s14, v0;
	s15 =	sadd.s32 $0x4, s12;
	[tilespmem:s11+$0x100] =	vst v6  }
0x7a: {  	s14 =	sadd.s32 $0x5, s12;
	v59 =	vadd.s32 s15, v0;
	s15 =	sadd.s32 $0x6, s12;
	v5 =	vld.idx.msk [tilespmem:v55+s30+$0x0], $0xffff;
	[tilespmem:s11+$0x180] =	vst v10  }
0x7b: {  	v60 =	vadd.s32 s14, v0;
	v61 =	vadd.s32 s15, v0;
	[tilespmem:s11+$0x200] =	vst v11;
	v0 =	vld.idx.msk [tilespmem:v62+s30+$0x0], $0xffff  }
0x7c: {  	[tilespmem:s11+$0x280] =	vst v8;
	v4 =	vld.idx.msk [tilespmem:v56+s30+$0x0], $0xffff  }
0x7d: {  	[tilespmem:s11+$0x300] =	vst v9;
	v3 =	vld.idx.msk [tilespmem:v57+s30+$0x0], $0xffff  }
0x7e: {  	[tilespmem:s11+$0x0] =	vst v7;
	s11 =	sadd.s32 $0x800, s11;
	v1 =	vld.idx.msk [tilespmem:v58+s30+$0x0], $0xffff  }
0x7f: {  	v2 =	vld.idx.msk [tilespmem:v59+s30+$0x0], $0xffff;
	[tilespmem:s11+$0x380] =	vst v5  }
0x80: {  	s10 =	sadd.s32 $0x1, s10;
	v6 =	vld.idx.msk [tilespmem:v60+s30+$0x0], $0xffff;
	[tilespmem:s11+$0x0] =	vst v0  }
0x81: {  	p0 =	sne.s32 s10, $0x10;
	v63 =	vld.idx.msk [tilespmem:v61+s30+$0x0], $0xffff;
	[tilespmem:s11+$0x80] =	vst v4  }
.Ltmp3:
0x82: {  	[tilespmem:s11+$0x100] =	vst v3;
	(pc) =	sbr.rel @p0 .LBB2_6-.Ltmp3, $4  }
0x83: {  	[tilespmem:s11+$0x180] =	vst v1  }
0x84: {  	[tilespmem:s11+$0x200] =	vst v2  }
0x85: {  	[tilespmem:s11+$0x280] =	vst v6  }
0x86: {  	s9 =	sadd.s32 $0x80, s9;
	s8 =	sadd.s32 $0x1, s8;
	[tilespmem:s11+$0x300] =	vst v63  }
0x87: {  	s7 =	rddreg [dreg:$0x6];
	s8 =	simm.s32 $0x0  }
0x88: {  	[hbm4b:s7+s31] =	stream.strided.scatter [tilespmem:s1], [sflag:$0x2], $0x4000, s28, s31, $0x38;
	[tilespmem:$0x1DE00] =	vst v63  }
0x89: {  	s9 =	simm.s32 $0x0;
	s10 =	simm.s32 $0x0;
	s7 =	simm.s32 $0x0  }
.LBB2_10:
0x8a: {  	s11 =	sshll.u32 s10, $0x4;
	s12 =	sshll.u32 s10, $0x7  }
0x8b: {  	s11 =	sand.u32 $0x70, s11;
	s12 =	sand.u32 $0x400, s12  }
0x8c: {  	s11 =	sor.u32 s11, s12  }
0x8d: {  	v0 =	vld [tilespmem:s11+$0x80];
	_ =	sdelay $0x4  }
0x8e: {  	v0 =	vmul.u32 $0x41, v0  }
0x8f: {  	s12 =	simm.s32 $0x7  }
0x90: {  	s13 =	simm.s32 $0x1;
	v1 =	vadd.s32 s12, v0  }
0x91: {  	s14 =	simm.s32 $0x2;
	v2 =	vadd.s32 s13, v0  }
0x92: {  	s15 =	simm.s32 $0x3;
	v3 =	vadd.s32 s14, v0  }
0x93: {  	v4 =	vadd.s32 s15, v0;
	s12 =	simm.s32 $0x4  }
0x94: {  	s13 =	simm.s32 $0x5;
	v5 =	vadd.s32 s12, v0  }
0x95: {  	s14 =	simm.s32 $0x6;
	v6 =	vadd.s32 s13, v0;
	v1 =	vld.idx.msk [tilespmem:v1+s30+$0x0], $0xffff  }
0x96: {  	s15 =	sshll.u32 s9, $0x2;
	s13 =	sand.u32 $0x7, s8;
	v7 =	vadd.s32 s14, v0;
	s14 =	simm.s32 $0xF;
	v2 =	vld.idx.msk [tilespmem:v2+s30+$0x0], $0xffff  }
0x97: {  	s12 =	sand.u32 $0xFFFFF000, s15;
	s13 =	sshll.u32 s13, $0x6;
	v11 =	vadd.s32 s14, v0;
	v9 =	vld.idx.msk [tilespmem:v3+s30+$0x0], $0xffff  }
0x98: {  	v8 =	vadd.s32 s7, v0;
	s14 =	simm.s32 $0xA;
	s11 =	sor.u32 s13, s12;
	v12 =	vld.idx.msk [tilespmem:v4+s30+$0x0], $0xffff  }
0x99: {  	s15 =	simm.s32 $0x9;
	v15 =	vadd.s32 s14, v0;
	s11 =	sshrl.u32 s11, $0x2;
	v14 =	vld.idx.msk [tilespmem:v5+s30+$0x0], $0xffff  }
0x9a: {  	v13 =	vadd.s32 s15, v0;
	s15 =	simm.s32 $0xB;
	s11 =	sadd.s32 $0x19E00, s11;
	v5 =	vld.idx.msk [tilespmem:v6+s30+$0x0], $0xffff  }
0x9b: {  	v10 =	vadd.s32 s15, v0;
	s13 =	simm.s32 $0xC;
	v4 =	vld.idx.msk [tilespmem:v7+s30+$0x0], $0xffff;
	[tilespmem:s11+$0x380] =	vst v1  }
0x9c: {  	s14 =	simm.s32 $0xD;
	[tilespmem:s11+$0x80] =	vst v2;
	v1 =	vld.idx.msk [tilespmem:v11+s30+$0x0], $0xffff;
	v11 =	vadd.s32 s13, v0  }
0x9d: {  	v3 =	vld.idx.msk [tilespmem:v8+s30+$0x0], $0xffff;
	v8 =	vadd.s32 s14, v0;
	s14 =	simm.s32 $0xE;
	[tilespmem:s11+$0x100] =	vst v9  }
0x9e: {  	s15 =	simm.s32 $0x8;
	v6 =	vld.idx.msk [tilespmem:v15+s30+$0x0], $0xffff;
	[tilespmem:s11+$0x180] =	vst v12;
	v9 =	vadd.s32 s14, v0  }
0x9f: {  	s12 =	simm.s32 $0x10;
	v7 =	vadd.s32 s15, v0;
	v2 =	vld.idx.msk [tilespmem:v13+s30+$0x0], $0xffff;
	s14 =	simm.s32 $0x17;
	s13 =	simm.s32 $0x18;
	[tilespmem:s11+$0x200] =	vst v14  }
.LBB2_11:
0xa0: {  	p0 =	slt.u32 s13, $0x38;
	s15 =	sadd.s32 $0x1, s12;
	v12 =	vadd.s32 s14, v0;
	v13 =	vld.idx.msk [tilespmem:v10+s30+$0x0], $0xffff;
	[tilespmem:s11+$0x280] =	vst v5  }
0xa1: {  	s14 =	sadd.s32 $0x2, s12;
	v14 =	vadd.s32 s15, v0;
	v15 =	vld.idx.msk [tilespmem:v11+s30+$0x0], $0xffff;
	[tilespmem:s11+$0x300] =	vst v4  }
0xa2: {  	v16 =	vadd.s32 s14, v0;
	s14 =	sadd.s32 $0x3, s12;
	v5 =	vld.idx.msk [tilespmem:v8+s30+$0x0], $0xffff;
	[tilespmem:s11+$0x0] =	vst v3;
	s11 =	sadd.s32 $0x800, s11  }
.Ltmp4:
0xa3: {  	v10 =	vadd.s32 s14, v0;
	s14 =	sadd.s32 $0x4, s12;
	v4 =	vld.idx.msk [tilespmem:v9+s30+$0x0], $0xffff;
	[tilespmem:s11+$0x380] =	vst v1;
	(pc) =	sbr.rel @p0 .LBB2_11-.Ltmp4, $4  }
0xa4: {  	v11 =	vadd.s32 s14, v0;
	s14 =	sadd.s32 $0x5, s12;
	v3 =	vld.idx.msk [tilespmem:v7+s30+$0x0], $0xffff;
	[tilespmem:s11+$0x80] =	vst v2  }
0xa5: {  	v8 =	vadd.s32 s14, v0;
	s14 =	sadd.s32 $0x6, s12;
	v1 =	vld.idx.msk [tilespmem:v12+s30+$0x0], $0xffff;
	[tilespmem:s11+$0x100] =	vst v6  }
0xa6: {  	v9 =	vadd.s32 s14, v0;
	v2 =	vld.idx.msk [tilespmem:v14+s30+$0x0], $0xffff;
	[tilespmem:s11+$0x180] =	vst v13  }
0xa7: {  	v7 =	vadd.s32 s12, v0;
	s12 =	smov.u32 s13;
	s14 =	sadd.s32 $0x7, s13;
	s13 =	sadd.s32 $0x8, s13;
	v6 =	vld.idx.msk [tilespmem:v16+s30+$0x0], $0xffff;
	[tilespmem:s11+$0x200] =	vst v15  }
0xa8: {  	_ =	sdelay $0x2  }
0xa9: {  	[tilespmem:s11+$0x280] =	vst v5  }
0xaa: {  	v55 =	vadd.s32 s14, v0;
	v10 =	vld.idx.msk [tilespmem:v10+s30+$0x0], $0xffff;
	[tilespmem:s11+$0x300] =	vst v4  }
0xab: {  	s13 =	sadd.s32 $0x1, s12;
	v11 =	vld.idx.msk [tilespmem:v11+s30+$0x0], $0xffff;
	v62 =	vadd.s32 s12, v0;
	[tilespmem:s11+$0x0] =	vst v3;
	s11 =	sadd.s32 $0x800, s11  }
0xac: {  	s15 =	sadd.s32 $0x2, s12;
	v8 =	vld.idx.msk [tilespmem:v8+s30+$0x0], $0xffff;
	v56 =	vadd.s32 s13, v0;
	[tilespmem:s11+$0x380] =	vst v1  }
0xad: {  	s14 =	sadd.s32 $0x3, s12;
	v9 =	vld.idx.msk [tilespmem:v9+s30+$0x0], $0xffff;
	v57 =	vadd.s32 s15, v0;
	[tilespmem:s11+$0x80] =	vst v2  }
0xae: {  	v7 =	vld.idx.msk [tilespmem:v7+s30+$0x0], $0xffff;
	v58 =	vadd.s32 s14, v0;
	s15 =	sadd.s32 $0x4, s12;
	[tilespmem:s11+$0x100] =	vst v6  }
0xaf: {  	s14 =	sadd.s32 $0x5, s12;
	v59 =	vadd.s32 s15, v0;
	s15 =	sadd.s32 $0x6, s12;
	v5 =	vld.idx.msk [tilespmem:v55+s30+$0x0], $0xffff;
	[tilespmem:s11+$0x180] =	vst v10  }
0xb0: {  	v60 =	vadd.s32 s14, v0;
	v61 =	vadd.s32 s15, v0;
	[tilespmem:s11+$0x200] =	vst v11;
	v0 =	vld.idx.msk [tilespmem:v62+s30+$0x0], $0xffff  }
0xb1: {  	[tilespmem:s11+$0x280] =	vst v8;
	v4 =	vld.idx.msk [tilespmem:v56+s30+$0x0], $0xffff  }
0xb2: {  	[tilespmem:s11+$0x300] =	vst v9;
	v3 =	vld.idx.msk [tilespmem:v57+s30+$0x0], $0xffff  }
0xb3: {  	[tilespmem:s11+$0x0] =	vst v7;
	s11 =	sadd.s32 $0x800, s11;
	v1 =	vld.idx.msk [tilespmem:v58+s30+$0x0], $0xffff  }
0xb4: {  	v2 =	vld.idx.msk [tilespmem:v59+s30+$0x0], $0xffff;
	[tilespmem:s11+$0x380] =	vst v5  }
0xb5: {  	s10 =	sadd.s32 $0x1, s10;
	v6 =	vld.idx.msk [tilespmem:v60+s30+$0x0], $0xffff;
	[tilespmem:s11+$0x0] =	vst v0  }
0xb6: {  	p0 =	sne.s32 s10, $0x10;
	v63 =	vld.idx.msk [tilespmem:v61+s30+$0x0], $0xffff;
	[tilespmem:s11+$0x80] =	vst v4  }
.Ltmp5:
0xb7: {  	[tilespmem:s11+$0x100] =	vst v3;
	(pc) =	sbr.rel @p0 .LBB2_10-.Ltmp5, $4  }
0xb8: {  	[tilespmem:s11+$0x180] =	vst v1  }
0xb9: {  	[tilespmem:s11+$0x200] =	vst v2  }
0xba: {  	[tilespmem:s11+$0x280] =	vst v6  }
0xbb: {  	s9 =	sadd.s32 $0x80, s9;
	s8 =	sadd.s32 $0x1, s8;
	[tilespmem:s11+$0x300] =	vst v63  }
0xbc: {  	s7 =	rddreg [dreg:$0x7]  }
0xbd: {  	[hbm4b:s7+s31] =	stream.strided.scatter [tilespmem:s26], [sflag:$0x3], $0x4000, s28, s31, $0x38;
	[tilespmem:$0x1DE00] =	vst v63  }
0xbe: {  	_ =	swait.ge [sflag:s2], $0x4000  }
0xbf: {  	s8 =	simm.s32 $0x0;
	s9 =	simm.s32 $0x0;
	[sflag:s2] =	ssyncset.done $0x0  }
0xc0: {  	s10 =	simm.s32 $0x0;
	s7 =	simm.s32 $0x0;
	[sflag:s2] =	ssyncadd.s32 $0xFFFFC000  }
.LBB2_14:
0xc1: {  	s11 =	sshll.u32 s10, $0x4;
	s12 =	sshll.u32 s10, $0x7  }
0xc2: {  	s11 =	sand.u32 $0x70, s11;
	s12 =	sand.u32 $0x400, s12  }
0xc3: {  	s11 =	sor.u32 s11, s12  }
0xc4: {  	v0 =	vld [tilespmem:s11+$0x880];
	_ =	sdelay $0x4  }
0xc5: {  	v0 =	vmul.u32 $0x41, v0  }
0xc6: {  	s12 =	simm.s32 $0x7  }
0xc7: {  	s13 =	simm.s32 $0x1;
	v1 =	vadd.s32 s12, v0  }
0xc8: {  	s14 =	simm.s32 $0x2;
	v2 =	vadd.s32 s13, v0  }
0xc9: {  	s15 =	simm.s32 $0x3;
	v3 =	vadd.s32 s14, v0  }
0xca: {  	v4 =	vadd.s32 s15, v0;
	s12 =	simm.s32 $0x4  }
0xcb: {  	s13 =	simm.s32 $0x5;
	v5 =	vadd.s32 s12, v0  }
0xcc: {  	s14 =	simm.s32 $0x6;
	v6 =	vadd.s32 s13, v0;
	v1 =	vld.idx.msk [tilespmem:v1+s30+$0x0], $0xffff  }
0xcd: {  	s15 =	sshll.u32 s9, $0x2;
	s13 =	sand.u32 $0x7, s8;
	v7 =	vadd.s32 s14, v0;
	s14 =	simm.s32 $0xF;
	v2 =	vld.idx.msk [tilespmem:v2+s30+$0x0], $0xffff  }
0xce: {  	s12 =	sand.u32 $0xFFFFF000, s15;
	s13 =	sshll.u32 s13, $0x6;
	v11 =	vadd.s32 s14, v0;
	v9 =	vld.idx.msk [tilespmem:v3+s30+$0x0], $0xffff  }
0xcf: {  	v8 =	vadd.s32 s7, v0;
	s14 =	simm.s32 $0xA;
	s11 =	sor.u32 s13, s12;
	v12 =	vld.idx.msk [tilespmem:v4+s30+$0x0], $0xffff  }
0xd0: {  	s15 =	simm.s32 $0x9;
	v15 =	vadd.s32 s14, v0;
	s11 =	sshrl.u32 s11, $0x2;
	v14 =	vld.idx.msk [tilespmem:v5+s30+$0x0], $0xffff  }
0xd1: {  	v13 =	vadd.s32 s15, v0;
	s15 =	simm.s32 $0xB;
	s11 =	sadd.s32 $0x12000, s11;
	v5 =	vld.idx.msk [tilespmem:v6+s30+$0x0], $0xffff  }
0xd2: {  	v10 =	vadd.s32 s15, v0;
	s13 =	simm.s32 $0xC;
	v4 =	vld.idx.msk [tilespmem:v7+s30+$0x0], $0xffff;
	[tilespmem:s11+$0x180] =	vst v1  }
0xd3: {  	s14 =	simm.s32 $0xD;
	[tilespmem:s11+$0xFFFFFE80] =	vst v2;
	v1 =	vld.idx.msk [tilespmem:v11+s30+$0x0], $0xffff;
	v11 =	vadd.s32 s13, v0  }
0xd4: {  	v3 =	vld.idx.msk [tilespmem:v8+s30+$0x0], $0xffff;
	v8 =	vadd.s32 s14, v0;
	s14 =	simm.s32 $0xE;
	[tilespmem:s11+$0xFFFFFF00] =	vst v9  }
0xd5: {  	s15 =	simm.s32 $0x8;
	v6 =	vld.idx.msk [tilespmem:v15+s30+$0x0], $0xffff;
	[tilespmem:s11+$0xFFFFFF80] =	vst v12;
	v9 =	vadd.s32 s14, v0  }
0xd6: {  	s12 =	simm.s32 $0x10;
	v7 =	vadd.s32 s15, v0;
	v2 =	vld.idx.msk [tilespmem:v13+s30+$0x0], $0xffff;
	s14 =	simm.s32 $0x17;
	s13 =	simm.s32 $0x18;
	[tilespmem:s11+$0x0] =	vst v14  }
.LBB2_15:
0xd7: {  	p0 =	slt.u32 s13, $0x38;
	s15 =	sadd.s32 $0x1, s12;
	v12 =	vadd.s32 s14, v0;
	v13 =	vld.idx.msk [tilespmem:v10+s30+$0x0], $0xffff;
	[tilespmem:s11+$0x80] =	vst v5  }
0xd8: {  	s14 =	sadd.s32 $0x2, s12;
	v14 =	vadd.s32 s15, v0;
	v15 =	vld.idx.msk [tilespmem:v11+s30+$0x0], $0xffff;
	[tilespmem:s11+$0x100] =	vst v4  }
0xd9: {  	v16 =	vadd.s32 s14, v0;
	s14 =	sadd.s32 $0x3, s12;
	v5 =	vld.idx.msk [tilespmem:v8+s30+$0x0], $0xffff;
	[tilespmem:s11+$0xFFFFFE00] =	vst v3;
	s11 =	sadd.s32 $0x800, s11  }
.Ltmp6:
0xda: {  	v10 =	vadd.s32 s14, v0;
	s14 =	sadd.s32 $0x4, s12;
	v4 =	vld.idx.msk [tilespmem:v9+s30+$0x0], $0xffff;
	[tilespmem:s11+$0x180] =	vst v1;
	(pc) =	sbr.rel @p0 .LBB2_15-.Ltmp6, $4  }
0xdb: {  	v11 =	vadd.s32 s14, v0;
	s14 =	sadd.s32 $0x5, s12;
	v3 =	vld.idx.msk [tilespmem:v7+s30+$0x0], $0xffff;
	[tilespmem:s11+$0xFFFFFE80] =	vst v2  }
0xdc: {  	v8 =	vadd.s32 s14, v0;
	s14 =	sadd.s32 $0x6, s12;
	v1 =	vld.idx.msk [tilespmem:v12+s30+$0x0], $0xffff;
	[tilespmem:s11+$0xFFFFFF00] =	vst v6  }
0xdd: {  	v9 =	vadd.s32 s14, v0;
	v2 =	vld.idx.msk [tilespmem:v14+s30+$0x0], $0xffff;
	[tilespmem:s11+$0xFFFFFF80] =	vst v13  }
0xde: {  	v7 =	vadd.s32 s12, v0;
	s12 =	smov.u32 s13;
	s14 =	sadd.s32 $0x7, s13;
	s13 =	sadd.s32 $0x8, s13;
	v6 =	vld.idx.msk [tilespmem:v16+s30+$0x0], $0xffff;
	[tilespmem:s11+$0x0] =	vst v15  }
0xdf: {  	_ =	sdelay $0x2  }
0xe0: {  	[tilespmem:s11+$0x80] =	vst v5  }
0xe1: {  	v55 =	vadd.s32 s14, v0;
	v10 =	vld.idx.msk [tilespmem:v10+s30+$0x0], $0xffff;
	[tilespmem:s11+$0x100] =	vst v4  }
0xe2: {  	s13 =	sadd.s32 $0x1, s12;
	v11 =	vld.idx.msk [tilespmem:v11+s30+$0x0], $0xffff;
	v62 =	vadd.s32 s12, v0;
	[tilespmem:s11+$0xFFFFFE00] =	vst v3;
	s11 =	sadd.s32 $0x800, s11  }
0xe3: {  	s15 =	sadd.s32 $0x2, s12;
	v8 =	vld.idx.msk [tilespmem:v8+s30+$0x0], $0xffff;
	v56 =	vadd.s32 s13, v0;
	[tilespmem:s11+$0x180] =	vst v1  }
0xe4: {  	s14 =	sadd.s32 $0x3, s12;
	v9 =	vld.idx.msk [tilespmem:v9+s30+$0x0], $0xffff;
	v57 =	vadd.s32 s15, v0;
	[tilespmem:s11+$0xFFFFFE80] =	vst v2  }
0xe5: {  	v7 =	vld.idx.msk [tilespmem:v7+s30+$0x0], $0xffff;
	v58 =	vadd.s32 s14, v0;
	s15 =	sadd.s32 $0x4, s12;
	[tilespmem:s11+$0xFFFFFF00] =	vst v6  }
0xe6: {  	s14 =	sadd.s32 $0x5, s12;
	v59 =	vadd.s32 s15, v0;
	s15 =	sadd.s32 $0x6, s12;
	v5 =	vld.idx.msk [tilespmem:v55+s30+$0x0], $0xffff;
	[tilespmem:s11+$0xFFFFFF80] =	vst v10  }
0xe7: {  	v60 =	vadd.s32 s14, v0;
	v61 =	vadd.s32 s15, v0;
	[tilespmem:s11+$0x0] =	vst v11;
	v0 =	vld.idx.msk [tilespmem:v62+s30+$0x0], $0xffff  }
0xe8: {  	[tilespmem:s11+$0x80] =	vst v8;
	v4 =	vld.idx.msk [tilespmem:v56+s30+$0x0], $0xffff  }
0xe9: {  	[tilespmem:s11+$0x100] =	vst v9;
	v3 =	vld.idx.msk [tilespmem:v57+s30+$0x0], $0xffff  }
0xea: {  	[tilespmem:s11+$0xFFFFFE00] =	vst v7;
	s11 =	sadd.s32 $0x800, s11;
	v1 =	vld.idx.msk [tilespmem:v58+s30+$0x0], $0xffff  }
0xeb: {  	v2 =	vld.idx.msk [tilespmem:v59+s30+$0x0], $0xffff;
	[tilespmem:s11+$0x180] =	vst v5  }
0xec: {  	s10 =	sadd.s32 $0x1, s10;
	v6 =	vld.idx.msk [tilespmem:v60+s30+$0x0], $0xffff;
	[tilespmem:s11+$0xFFFFFE00] =	vst v0  }
0xed: {  	p0 =	sne.s32 s10, $0x10;
	v63 =	vld.idx.msk [tilespmem:v61+s30+$0x0], $0xffff;
	[tilespmem:s11+$0xFFFFFE80] =	vst v4  }
.Ltmp7:
0xee: {  	[tilespmem:s11+$0xFFFFFF00] =	vst v3;
	(pc) =	sbr.rel @p0 .LBB2_14-.Ltmp7, $4  }
0xef: {  	[tilespmem:s11+$0xFFFFFF80] =	vst v1  }
0xf0: {  	[tilespmem:s11+$0x0] =	vst v2  }
0xf1: {  	[tilespmem:s11+$0x80] =	vst v6  }
0xf2: {  	s9 =	sadd.s32 $0x80, s9;
	s8 =	sadd.s32 $0x1, s8;
	[tilespmem:s11+$0x100] =	vst v63  }
0xf3: {  	s7 =	rddreg [dreg:$0x8]  }
0xf4: {  	[hbm4b:s7+s31] =	stream.strided.scatter [tilespmem:s0], [sflag:$0x1], $0x4000, s28, s31, $0x38;
	[tilespmem:$0x1DE00] =	vst v63  }
0xf5: {  	_ =	swait.ge [sflag:s3], $0x4000  }
0xf6: {  	s8 =	simm.s32 $0x0;
	s9 =	simm.s32 $0x0;
	[sflag:s3] =	ssyncset.done $0x0  }
0xf7: {  	s10 =	simm.s32 $0x0;
	s7 =	simm.s32 $0x0;
	[sflag:s3] =	ssyncadd.s32 $0xFFFFC000  }
.LBB2_18:
0xf8: {  	s11 =	sshll.u32 s10, $0x4;
	s12 =	sshll.u32 s10, $0x7  }
0xf9: {  	s11 =	sand.u32 $0x70, s11;
	s12 =	sand.u32 $0x400, s12  }
0xfa: {  	s11 =	sor.u32 s11, s12  }
0xfb: {  	v0 =	vld [tilespmem:s11+$0x100];
	_ =	sdelay $0x4  }
0xfc: {  	v0 =	vmul.u32 $0x41, v0  }
0xfd: {  	s12 =	simm.s32 $0x7  }
0xfe: {  	s13 =	simm.s32 $0x1;
	v1 =	vadd.s32 s12, v0  }
0xff: {  	s14 =	simm.s32 $0x2;
	v2 =	vadd.s32 s13, v0  }
0x100: {  	s15 =	simm.s32 $0x3;
	v3 =	vadd.s32 s14, v0  }
0x101: {  	v4 =	vadd.s32 s15, v0;
	s12 =	simm.s32 $0x4  }
0x102: {  	s13 =	simm.s32 $0x5;
	v5 =	vadd.s32 s12, v0  }
0x103: {  	s14 =	simm.s32 $0x6;
	v6 =	vadd.s32 s13, v0;
	v1 =	vld.idx.msk [tilespmem:v1+s30+$0x0], $0xffff  }
0x104: {  	s15 =	sshll.u32 s9, $0x2;
	s13 =	sand.u32 $0x7, s8;
	v7 =	vadd.s32 s14, v0;
	s14 =	simm.s32 $0xF;
	v2 =	vld.idx.msk [tilespmem:v2+s30+$0x0], $0xffff  }
0x105: {  	s12 =	sand.u32 $0xFFFFF000, s15;
	s13 =	sshll.u32 s13, $0x6;
	v11 =	vadd.s32 s14, v0;
	v9 =	vld.idx.msk [tilespmem:v3+s30+$0x0], $0xffff  }
0x106: {  	v8 =	vadd.s32 s7, v0;
	s14 =	simm.s32 $0xA;
	s11 =	sor.u32 s13, s12;
	v12 =	vld.idx.msk [tilespmem:v4+s30+$0x0], $0xffff  }
0x107: {  	s15 =	simm.s32 $0x9;
	v15 =	vadd.s32 s14, v0;
	s11 =	sshrl.u32 s11, $0x2;
	v14 =	vld.idx.msk [tilespmem:v5+s30+$0x0], $0xffff  }
0x108: {  	v13 =	vadd.s32 s15, v0;
	s15 =	simm.s32 $0xB;
	s11 =	sadd.s32 $0x15E00, s11;
	v5 =	vld.idx.msk [tilespmem:v6+s30+$0x0], $0xffff  }
0x109: {  	v10 =	vadd.s32 s15, v0;
	s13 =	simm.s32 $0xC;
	v4 =	vld.idx.msk [tilespmem:v7+s30+$0x0], $0xffff;
	[tilespmem:s11+$0x380] =	vst v1  }
0x10a: {  	s14 =	simm.s32 $0xD;
	[tilespmem:s11+$0x80] =	vst v2;
	v1 =	vld.idx.msk [tilespmem:v11+s30+$0x0], $0xffff;
	v11 =	vadd.s32 s13, v0  }
0x10b: {  	v3 =	vld.idx.msk [tilespmem:v8+s30+$0x0], $0xffff;
	v8 =	vadd.s32 s14, v0;
	s14 =	simm.s32 $0xE;
	[tilespmem:s11+$0x100] =	vst v9  }
0x10c: {  	s15 =	simm.s32 $0x8;
	v6 =	vld.idx.msk [tilespmem:v15+s30+$0x0], $0xffff;
	[tilespmem:s11+$0x180] =	vst v12;
	v9 =	vadd.s32 s14, v0  }
0x10d: {  	s12 =	simm.s32 $0x10;
	v7 =	vadd.s32 s15, v0;
	v2 =	vld.idx.msk [tilespmem:v13+s30+$0x0], $0xffff;
	s14 =	simm.s32 $0x17;
	s13 =	simm.s32 $0x18;
	[tilespmem:s11+$0x200] =	vst v14  }
.LBB2_19:
0x10e: {  	p0 =	slt.u32 s13, $0x38;
	s15 =	sadd.s32 $0x1, s12;
	v12 =	vadd.s32 s14, v0;
	v13 =	vld.idx.msk [tilespmem:v10+s30+$0x0], $0xffff;
	[tilespmem:s11+$0x280] =	vst v5  }
0x10f: {  	s14 =	sadd.s32 $0x2, s12;
	v14 =	vadd.s32 s15, v0;
	v15 =	vld.idx.msk [tilespmem:v11+s30+$0x0], $0xffff;
	[tilespmem:s11+$0x300] =	vst v4  }
0x110: {  	v16 =	vadd.s32 s14, v0;
	s14 =	sadd.s32 $0x3, s12;
	v5 =	vld.idx.msk [tilespmem:v8+s30+$0x0], $0xffff;
	[tilespmem:s11+$0x0] =	vst v3;
	s11 =	sadd.s32 $0x800, s11  }
.Ltmp8:
0x111: {  	v10 =	vadd.s32 s14, v0;
	s14 =	sadd.s32 $0x4, s12;
	v4 =	vld.idx.msk [tilespmem:v9+s30+$0x0], $0xffff;
	[tilespmem:s11+$0x380] =	vst v1;
	(pc) =	sbr.rel @p0 .LBB2_19-.Ltmp8, $4  }
0x112: {  	v11 =	vadd.s32 s14, v0;
	s14 =	sadd.s32 $0x5, s12;
	v3 =	vld.idx.msk [tilespmem:v7+s30+$0x0], $0xffff;
	[tilespmem:s11+$0x80] =	vst v2  }
0x113: {  	v8 =	vadd.s32 s14, v0;
	s14 =	sadd.s32 $0x6, s12;
	v1 =	vld.idx.msk [tilespmem:v12+s30+$0x0], $0xffff;
	[tilespmem:s11+$0x100] =	vst v6  }
0x114: {  	v9 =	vadd.s32 s14, v0;
	v2 =	vld.idx.msk [tilespmem:v14+s30+$0x0], $0xffff;
	[tilespmem:s11+$0x180] =	vst v13  }
0x115: {  	v7 =	vadd.s32 s12, v0;
	s12 =	smov.u32 s13;
	s14 =	sadd.s32 $0x7, s13;
	s13 =	sadd.s32 $0x8, s13;
	v6 =	vld.idx.msk [tilespmem:v16+s30+$0x0], $0xffff;
	[tilespmem:s11+$0x200] =	vst v15  }
0x116: {  	_ =	sdelay $0x2  }
0x117: {  	[tilespmem:s11+$0x280] =	vst v5  }
0x118: {  	v55 =	vadd.s32 s14, v0;
	v10 =	vld.idx.msk [tilespmem:v10+s30+$0x0], $0xffff;
	[tilespmem:s11+$0x300] =	vst v4  }
0x119: {  	s13 =	sadd.s32 $0x1, s12;
	v11 =	vld.idx.msk [tilespmem:v11+s30+$0x0], $0xffff;
	v62 =	vadd.s32 s12, v0;
	[tilespmem:s11+$0x0] =	vst v3;
	s11 =	sadd.s32 $0x800, s11  }
0x11a: {  	s15 =	sadd.s32 $0x2, s12;
	v8 =	vld.idx.msk [tilespmem:v8+s30+$0x0], $0xffff;
	v56 =	vadd.s32 s13, v0;
	[tilespmem:s11+$0x380] =	vst v1  }
0x11b: {  	s14 =	sadd.s32 $0x3, s12;
	v9 =	vld.idx.msk [tilespmem:v9+s30+$0x0], $0xffff;
	v57 =	vadd.s32 s15, v0;
	[tilespmem:s11+$0x80] =	vst v2  }
0x11c: {  	v7 =	vld.idx.msk [tilespmem:v7+s30+$0x0], $0xffff;
	v58 =	vadd.s32 s14, v0;
	s15 =	sadd.s32 $0x4, s12;
	[tilespmem:s11+$0x100] =	vst v6  }
0x11d: {  	s14 =	sadd.s32 $0x5, s12;
	v59 =	vadd.s32 s15, v0;
	s15 =	sadd.s32 $0x6, s12;
	v5 =	vld.idx.msk [tilespmem:v55+s30+$0x0], $0xffff;
	[tilespmem:s11+$0x180] =	vst v10  }
0x11e: {  	v60 =	vadd.s32 s14, v0;
	v61 =	vadd.s32 s15, v0;
	[tilespmem:s11+$0x200] =	vst v11;
	v0 =	vld.idx.msk [tilespmem:v62+s30+$0x0], $0xffff  }
0x11f: {  	[tilespmem:s11+$0x280] =	vst v8;
	v4 =	vld.idx.msk [tilespmem:v56+s30+$0x0], $0xffff  }
0x120: {  	[tilespmem:s11+$0x300] =	vst v9;
	v3 =	vld.idx.msk [tilespmem:v57+s30+$0x0], $0xffff  }
0x121: {  	[tilespmem:s11+$0x0] =	vst v7;
	s11 =	sadd.s32 $0x800, s11;
	v1 =	vld.idx.msk [tilespmem:v58+s30+$0x0], $0xffff  }
0x122: {  	v2 =	vld.idx.msk [tilespmem:v59+s30+$0x0], $0xffff;
	[tilespmem:s11+$0x380] =	vst v5  }
0x123: {  	s10 =	sadd.s32 $0x1, s10;
	v6 =	vld.idx.msk [tilespmem:v60+s30+$0x0], $0xffff;
	[tilespmem:s11+$0x0] =	vst v0  }
0x124: {  	p0 =	sne.s32 s10, $0x10;
	v63 =	vld.idx.msk [tilespmem:v61+s30+$0x0], $0xffff;
	[tilespmem:s11+$0x80] =	vst v4  }
.Ltmp9:
0x125: {  	[tilespmem:s11+$0x100] =	vst v3;
	(pc) =	sbr.rel @p0 .LBB2_18-.Ltmp9, $4  }
0x126: {  	[tilespmem:s11+$0x180] =	vst v1  }
0x127: {  	[tilespmem:s11+$0x200] =	vst v2  }
0x128: {  	[tilespmem:s11+$0x280] =	vst v6  }
0x129: {  	s9 =	sadd.s32 $0x80, s9;
	s8 =	sadd.s32 $0x1, s8;
	[tilespmem:s11+$0x300] =	vst v63  }
0x12a: {  	s7 =	rddreg [dreg:$0x9]  }
0x12b: {  	[hbm4b:s7+s31] =	stream.strided.scatter [tilespmem:s1], [sflag:$0x2], $0x4000, s28, s31, $0x38;
	[tilespmem:$0x1DE00] =	vst v63  }
0x12c: {  	_ =	swait.ge [sflag:s5], $0x4000  }
0x12d: {  	s8 =	simm.s32 $0x0;
	s9 =	simm.s32 $0x0;
	[sflag:s5] =	ssyncset.done $0x0  }
0x12e: {  	s10 =	simm.s32 $0x0;
	s7 =	simm.s32 $0x0;
	[sflag:s5] =	ssyncadd.s32 $0xFFFFC000  }
.LBB2_22:
0x12f: {  	s11 =	sshll.u32 s10, $0x4;
	s12 =	sshll.u32 s10, $0x7  }
0x130: {  	s11 =	sand.u32 $0x70, s11;
	s12 =	sand.u32 $0x400, s12  }
0x131: {  	s11 =	sor.u32 s11, s12  }
0x132: {  	v0 =	vld [tilespmem:s11+$0x900];
	_ =	sdelay $0x4  }
0x133: {  	v0 =	vmul.u32 $0x41, v0  }
0x134: {  	s12 =	simm.s32 $0x7  }
0x135: {  	s13 =	simm.s32 $0x1;
	v1 =	vadd.s32 s12, v0  }
0x136: {  	s14 =	simm.s32 $0x2;
	v2 =	vadd.s32 s13, v0  }
0x137: {  	s15 =	simm.s32 $0x3;
	v3 =	vadd.s32 s14, v0  }
0x138: {  	v4 =	vadd.s32 s15, v0;
	s12 =	simm.s32 $0x4  }
0x139: {  	s13 =	simm.s32 $0x5;
	v5 =	vadd.s32 s12, v0  }
0x13a: {  	s14 =	simm.s32 $0x6;
	v6 =	vadd.s32 s13, v0;
	v1 =	vld.idx.msk [tilespmem:v1+s30+$0x0], $0xffff  }
0x13b: {  	s15 =	sshll.u32 s9, $0x2;
	s13 =	sand.u32 $0x7, s8;
	v7 =	vadd.s32 s14, v0;
	s14 =	simm.s32 $0xF;
	v2 =	vld.idx.msk [tilespmem:v2+s30+$0x0], $0xffff  }
0x13c: {  	s12 =	sand.u32 $0xFFFFF000, s15;
	s13 =	sshll.u32 s13, $0x6;
	v11 =	vadd.s32 s14, v0;
	v9 =	vld.idx.msk [tilespmem:v3+s30+$0x0], $0xffff  }
0x13d: {  	v8 =	vadd.s32 s7, v0;
	s14 =	simm.s32 $0xA;
	s11 =	sor.u32 s13, s12;
	v12 =	vld.idx.msk [tilespmem:v4+s30+$0x0], $0xffff  }
0x13e: {  	s15 =	simm.s32 $0x9;
	v15 =	vadd.s32 s14, v0;
	s11 =	sshrl.u32 s11, $0x2;
	v14 =	vld.idx.msk [tilespmem:v5+s30+$0x0], $0xffff  }
0x13f: {  	v13 =	vadd.s32 s15, v0;
	s15 =	simm.s32 $0xB;
	s11 =	sadd.s32 $0x19E00, s11;
	v5 =	vld.idx.msk [tilespmem:v6+s30+$0x0], $0xffff  }
0x140: {  	v10 =	vadd.s32 s15, v0;
	s13 =	simm.s32 $0xC;
	v4 =	vld.idx.msk [tilespmem:v7+s30+$0x0], $0xffff;
	[tilespmem:s11+$0x380] =	vst v1  }
0x141: {  	s14 =	simm.s32 $0xD;
	[tilespmem:s11+$0x80] =	vst v2;
	v1 =	vld.idx.msk [tilespmem:v11+s30+$0x0], $0xffff;
	v11 =	vadd.s32 s13, v0  }
0x142: {  	v3 =	vld.idx.msk [tilespmem:v8+s30+$0x0], $0xffff;
	v8 =	vadd.s32 s14, v0;
	s14 =	simm.s32 $0xE;
	[tilespmem:s11+$0x100] =	vst v9  }
0x143: {  	s15 =	simm.s32 $0x8;
	v6 =	vld.idx.msk [tilespmem:v15+s30+$0x0], $0xffff;
	[tilespmem:s11+$0x180] =	vst v12;
	v9 =	vadd.s32 s14, v0  }
0x144: {  	s12 =	simm.s32 $0x10;
	v7 =	vadd.s32 s15, v0;
	v2 =	vld.idx.msk [tilespmem:v13+s30+$0x0], $0xffff;
	s14 =	simm.s32 $0x17;
	s13 =	simm.s32 $0x18;
	[tilespmem:s11+$0x200] =	vst v14  }
.LBB2_23:
0x145: {  	p0 =	slt.u32 s13, $0x38;
	s15 =	sadd.s32 $0x1, s12;
	v12 =	vadd.s32 s14, v0;
	v13 =	vld.idx.msk [tilespmem:v10+s30+$0x0], $0xffff;
	[tilespmem:s11+$0x280] =	vst v5  }
0x146: {  	s14 =	sadd.s32 $0x2, s12;
	v14 =	vadd.s32 s15, v0;
	v15 =	vld.idx.msk [tilespmem:v11+s30+$0x0], $0xffff;
	[tilespmem:s11+$0x300] =	vst v4  }
0x147: {  	v16 =	vadd.s32 s14, v0;
	s14 =	sadd.s32 $0x3, s12;
	v5 =	vld.idx.msk [tilespmem:v8+s30+$0x0], $0xffff;
	[tilespmem:s11+$0x0] =	vst v3;
	s11 =	sadd.s32 $0x800, s11  }
.Ltmp10:
0x148: {  	v10 =	vadd.s32 s14, v0;
	s14 =	sadd.s32 $0x4, s12;
	v4 =	vld.idx.msk [tilespmem:v9+s30+$0x0], $0xffff;
	[tilespmem:s11+$0x380] =	vst v1;
	(pc) =	sbr.rel @p0 .LBB2_23-.Ltmp10, $4  }
0x149: {  	v11 =	vadd.s32 s14, v0;
	s14 =	sadd.s32 $0x5, s12;
	v3 =	vld.idx.msk [tilespmem:v7+s30+$0x0], $0xffff;
	[tilespmem:s11+$0x80] =	vst v2  }
0x14a: {  	v8 =	vadd.s32 s14, v0;
	s14 =	sadd.s32 $0x6, s12;
	v1 =	vld.idx.msk [tilespmem:v12+s30+$0x0], $0xffff;
	[tilespmem:s11+$0x100] =	vst v6  }
0x14b: {  	v9 =	vadd.s32 s14, v0;
	v2 =	vld.idx.msk [tilespmem:v14+s30+$0x0], $0xffff;
	[tilespmem:s11+$0x180] =	vst v13  }
0x14c: {  	v7 =	vadd.s32 s12, v0;
	s12 =	smov.u32 s13;
	s14 =	sadd.s32 $0x7, s13;
	s13 =	sadd.s32 $0x8, s13;
	v6 =	vld.idx.msk [tilespmem:v16+s30+$0x0], $0xffff;
	[tilespmem:s11+$0x200] =	vst v15  }
0x14d: {  	_ =	sdelay $0x2  }
0x14e: {  	[tilespmem:s11+$0x280] =	vst v5  }
0x14f: {  	v55 =	vadd.s32 s14, v0;
	v10 =	vld.idx.msk [tilespmem:v10+s30+$0x0], $0xffff;
	[tilespmem:s11+$0x300] =	vst v4  }
0x150: {  	s13 =	sadd.s32 $0x1, s12;
	v11 =	vld.idx.msk [tilespmem:v11+s30+$0x0], $0xffff;
	v62 =	vadd.s32 s12, v0;
	[tilespmem:s11+$0x0] =	vst v3;
	s11 =	sadd.s32 $0x800, s11  }
0x151: {  	s15 =	sadd.s32 $0x2, s12;
	v8 =	vld.idx.msk [tilespmem:v8+s30+$0x0], $0xffff;
	v56 =	vadd.s32 s13, v0;
	[tilespmem:s11+$0x380] =	vst v1  }
0x152: {  	s14 =	sadd.s32 $0x3, s12;
	v9 =	vld.idx.msk [tilespmem:v9+s30+$0x0], $0xffff;
	v57 =	vadd.s32 s15, v0;
	[tilespmem:s11+$0x80] =	vst v2  }
0x153: {  	v7 =	vld.idx.msk [tilespmem:v7+s30+$0x0], $0xffff;
	v58 =	vadd.s32 s14, v0;
	s15 =	sadd.s32 $0x4, s12;
	[tilespmem:s11+$0x100] =	vst v6  }
0x154: {  	s14 =	sadd.s32 $0x5, s12;
	v59 =	vadd.s32 s15, v0;
	s15 =	sadd.s32 $0x6, s12;
	v5 =	vld.idx.msk [tilespmem:v55+s30+$0x0], $0xffff;
	[tilespmem:s11+$0x180] =	vst v10  }
0x155: {  	v60 =	vadd.s32 s14, v0;
	v61 =	vadd.s32 s15, v0;
	[tilespmem:s11+$0x200] =	vst v11;
	v0 =	vld.idx.msk [tilespmem:v62+s30+$0x0], $0xffff  }
0x156: {  	[tilespmem:s11+$0x280] =	vst v8;
	v4 =	vld.idx.msk [tilespmem:v56+s30+$0x0], $0xffff  }
0x157: {  	[tilespmem:s11+$0x300] =	vst v9;
	v3 =	vld.idx.msk [tilespmem:v57+s30+$0x0], $0xffff  }
0x158: {  	[tilespmem:s11+$0x0] =	vst v7;
	s11 =	sadd.s32 $0x800, s11;
	v1 =	vld.idx.msk [tilespmem:v58+s30+$0x0], $0xffff  }
0x159: {  	v2 =	vld.idx.msk [tilespmem:v59+s30+$0x0], $0xffff;
	[tilespmem:s11+$0x380] =	vst v5  }
0x15a: {  	s10 =	sadd.s32 $0x1, s10;
	v6 =	vld.idx.msk [tilespmem:v60+s30+$0x0], $0xffff;
	[tilespmem:s11+$0x0] =	vst v0  }
0x15b: {  	p0 =	sne.s32 s10, $0x10;
	v63 =	vld.idx.msk [tilespmem:v61+s30+$0x0], $0xffff;
	[tilespmem:s11+$0x80] =	vst v4  }
.Ltmp11:
0x15c: {  	[tilespmem:s11+$0x100] =	vst v3;
	(pc) =	sbr.rel @p0 .LBB2_22-.Ltmp11, $4  }
0x15d: {  	[tilespmem:s11+$0x180] =	vst v1  }
0x15e: {  	[tilespmem:s11+$0x200] =	vst v2  }
0x15f: {  	[tilespmem:s11+$0x280] =	vst v6  }
0x160: {  	s9 =	sadd.s32 $0x80, s9;
	s8 =	sadd.s32 $0x1, s8;
	[tilespmem:s11+$0x300] =	vst v63  }
0x161: {  	s7 =	rddreg [dreg:$0xa]  }
0x162: {  	[hbm4b:s7+s31] =	stream.strided.scatter [tilespmem:s26], [sflag:$0x3], $0x4000, s28, s31, $0x38;
	[tilespmem:$0x1DE00] =	vst v63  }
0x163: {  	_ =	swait.ge [sflag:s2], $0x4000  }
0x164: {  	s8 =	simm.s32 $0x0;
	s9 =	simm.s32 $0x0;
	[sflag:s2] =	ssyncset.done $0x0  }
0x165: {  	s10 =	simm.s32 $0x0;
	s7 =	simm.s32 $0x0;
	[sflag:s2] =	ssyncadd.s32 $0xFFFFC000  }
.LBB2_26:
0x166: {  	s11 =	sshll.u32 s10, $0x4;
	s12 =	sshll.u32 s10, $0x7  }
0x167: {  	s11 =	sand.u32 $0x70, s11;
	s12 =	sand.u32 $0x400, s12  }
0x168: {  	s11 =	sor.u32 s11, s12  }
0x169: {  	v0 =	vld [tilespmem:s11+$0x180];
	_ =	sdelay $0x4  }
0x16a: {  	v0 =	vmul.u32 $0x41, v0  }
0x16b: {  	s12 =	simm.s32 $0x7  }
0x16c: {  	s13 =	simm.s32 $0x1;
	v1 =	vadd.s32 s12, v0  }
0x16d: {  	s14 =	simm.s32 $0x2;
	v2 =	vadd.s32 s13, v0  }
0x16e: {  	s15 =	simm.s32 $0x3;
	v3 =	vadd.s32 s14, v0  }
0x16f: {  	v4 =	vadd.s32 s15, v0;
	s12 =	simm.s32 $0x4  }
0x170: {  	s13 =	simm.s32 $0x5;
	v5 =	vadd.s32 s12, v0  }
0x171: {  	s14 =	simm.s32 $0x6;
	v6 =	vadd.s32 s13, v0;
	v1 =	vld.idx.msk [tilespmem:v1+s30+$0x0], $0xffff  }
0x172: {  	s15 =	sshll.u32 s9, $0x2;
	s13 =	sand.u32 $0x7, s8;
	v7 =	vadd.s32 s14, v0;
	s14 =	simm.s32 $0xF;
	v2 =	vld.idx.msk [tilespmem:v2+s30+$0x0], $0xffff  }
0x173: {  	s12 =	sand.u32 $0xFFFFF000, s15;
	s13 =	sshll.u32 s13, $0x6;
	v11 =	vadd.s32 s14, v0;
	v9 =	vld.idx.msk [tilespmem:v3+s30+$0x0], $0xffff  }
0x174: {  	v8 =	vadd.s32 s7, v0;
	s14 =	simm.s32 $0xA;
	s11 =	sor.u32 s13, s12;
	v12 =	vld.idx.msk [tilespmem:v4+s30+$0x0], $0xffff  }
0x175: {  	s15 =	simm.s32 $0x9;
	v15 =	vadd.s32 s14, v0;
	s11 =	sshrl.u32 s11, $0x2;
	v14 =	vld.idx.msk [tilespmem:v5+s30+$0x0], $0xffff  }
0x176: {  	v13 =	vadd.s32 s15, v0;
	s15 =	simm.s32 $0xB;
	s11 =	sadd.s32 $0x12000, s11;
	v5 =	vld.idx.msk [tilespmem:v6+s30+$0x0], $0xffff  }
0x177: {  	v10 =	vadd.s32 s15, v0;
	s13 =	simm.s32 $0xC;
	v4 =	vld.idx.msk [tilespmem:v7+s30+$0x0], $0xffff;
	[tilespmem:s11+$0x180] =	vst v1  }
0x178: {  	s14 =	simm.s32 $0xD;
	[tilespmem:s11+$0xFFFFFE80] =	vst v2;
	v1 =	vld.idx.msk [tilespmem:v11+s30+$0x0], $0xffff;
	v11 =	vadd.s32 s13, v0  }
0x179: {  	v3 =	vld.idx.msk [tilespmem:v8+s30+$0x0], $0xffff;
	v8 =	vadd.s32 s14, v0;
	s14 =	simm.s32 $0xE;
	[tilespmem:s11+$0xFFFFFF00] =	vst v9  }
0x17a: {  	s15 =	simm.s32 $0x8;
	v6 =	vld.idx.msk [tilespmem:v15+s30+$0x0], $0xffff;
	[tilespmem:s11+$0xFFFFFF80] =	vst v12;
	v9 =	vadd.s32 s14, v0  }
0x17b: {  	s12 =	simm.s32 $0x10;
	v7 =	vadd.s32 s15, v0;
	v2 =	vld.idx.msk [tilespmem:v13+s30+$0x0], $0xffff;
	s14 =	simm.s32 $0x17;
	s13 =	simm.s32 $0x18;
	[tilespmem:s11+$0x0] =	vst v14  }
.LBB2_27:
0x17c: {  	p0 =	slt.u32 s13, $0x38;
	s15 =	sadd.s32 $0x1, s12;
	v12 =	vadd.s32 s14, v0;
	v13 =	vld.idx.msk [tilespmem:v10+s30+$0x0], $0xffff;
	[tilespmem:s11+$0x80] =	vst v5  }
0x17d: {  	s14 =	sadd.s32 $0x2, s12;
	v14 =	vadd.s32 s15, v0;
	v15 =	vld.idx.msk [tilespmem:v11+s30+$0x0], $0xffff;
	[tilespmem:s11+$0x100] =	vst v4  }
0x17e: {  	v16 =	vadd.s32 s14, v0;
	s14 =	sadd.s32 $0x3, s12;
	v5 =	vld.idx.msk [tilespmem:v8+s30+$0x0], $0xffff;
	[tilespmem:s11+$0xFFFFFE00] =	vst v3;
	s11 =	sadd.s32 $0x800, s11  }
.Ltmp12:
0x17f: {  	v10 =	vadd.s32 s14, v0;
	s14 =	sadd.s32 $0x4, s12;
	v4 =	vld.idx.msk [tilespmem:v9+s30+$0x0], $0xffff;
	[tilespmem:s11+$0x180] =	vst v1;
	(pc) =	sbr.rel @p0 .LBB2_27-.Ltmp12, $4  }
0x180: {  	v11 =	vadd.s32 s14, v0;
	s14 =	sadd.s32 $0x5, s12;
	v3 =	vld.idx.msk [tilespmem:v7+s30+$0x0], $0xffff;
	[tilespmem:s11+$0xFFFFFE80] =	vst v2  }
0x181: {  	v8 =	vadd.s32 s14, v0;
	s14 =	sadd.s32 $0x6, s12;
	v1 =	vld.idx.msk [tilespmem:v12+s30+$0x0], $0xffff;
	[tilespmem:s11+$0xFFFFFF00] =	vst v6  }
0x182: {  	v9 =	vadd.s32 s14, v0;
	v2 =	vld.idx.msk [tilespmem:v14+s30+$0x0], $0xffff;
	[tilespmem:s11+$0xFFFFFF80] =	vst v13  }
0x183: {  	v7 =	vadd.s32 s12, v0;
	s12 =	smov.u32 s13;
	s14 =	sadd.s32 $0x7, s13;
	s13 =	sadd.s32 $0x8, s13;
	v6 =	vld.idx.msk [tilespmem:v16+s30+$0x0], $0xffff;
	[tilespmem:s11+$0x0] =	vst v15  }
0x184: {  	_ =	sdelay $0x2  }
0x185: {  	[tilespmem:s11+$0x80] =	vst v5  }
0x186: {  	v55 =	vadd.s32 s14, v0;
	v10 =	vld.idx.msk [tilespmem:v10+s30+$0x0], $0xffff;
	[tilespmem:s11+$0x100] =	vst v4  }
0x187: {  	s13 =	sadd.s32 $0x1, s12;
	v11 =	vld.idx.msk [tilespmem:v11+s30+$0x0], $0xffff;
	v62 =	vadd.s32 s12, v0;
	[tilespmem:s11+$0xFFFFFE00] =	vst v3;
	s11 =	sadd.s32 $0x800, s11  }
0x188: {  	s15 =	sadd.s32 $0x2, s12;
	v8 =	vld.idx.msk [tilespmem:v8+s30+$0x0], $0xffff;
	v56 =	vadd.s32 s13, v0;
	[tilespmem:s11+$0x180] =	vst v1  }
0x189: {  	s14 =	sadd.s32 $0x3, s12;
	v9 =	vld.idx.msk [tilespmem:v9+s30+$0x0], $0xffff;
	v57 =	vadd.s32 s15, v0;
	[tilespmem:s11+$0xFFFFFE80] =	vst v2  }
0x18a: {  	v7 =	vld.idx.msk [tilespmem:v7+s30+$0x0], $0xffff;
	v58 =	vadd.s32 s14, v0;
	s15 =	sadd.s32 $0x4, s12;
	[tilespmem:s11+$0xFFFFFF00] =	vst v6  }
0x18b: {  	s14 =	sadd.s32 $0x5, s12;
	v59 =	vadd.s32 s15, v0;
	s15 =	sadd.s32 $0x6, s12;
	v5 =	vld.idx.msk [tilespmem:v55+s30+$0x0], $0xffff;
	[tilespmem:s11+$0xFFFFFF80] =	vst v10  }
0x18c: {  	v60 =	vadd.s32 s14, v0;
	v61 =	vadd.s32 s15, v0;
	[tilespmem:s11+$0x0] =	vst v11;
	v0 =	vld.idx.msk [tilespmem:v62+s30+$0x0], $0xffff  }
0x18d: {  	[tilespmem:s11+$0x80] =	vst v8;
	v4 =	vld.idx.msk [tilespmem:v56+s30+$0x0], $0xffff  }
0x18e: {  	[tilespmem:s11+$0x100] =	vst v9;
	v3 =	vld.idx.msk [tilespmem:v57+s30+$0x0], $0xffff  }
0x18f: {  	[tilespmem:s11+$0xFFFFFE00] =	vst v7;
	s11 =	sadd.s32 $0x800, s11;
	v1 =	vld.idx.msk [tilespmem:v58+s30+$0x0], $0xffff  }
0x190: {  	v2 =	vld.idx.msk [tilespmem:v59+s30+$0x0], $0xffff;
	[tilespmem:s11+$0x180] =	vst v5  }
0x191: {  	s10 =	sadd.s32 $0x1, s10;
	v6 =	vld.idx.msk [tilespmem:v60+s30+$0x0], $0xffff;
	[tilespmem:s11+$0xFFFFFE00] =	vst v0  }
0x192: {  	p0 =	sne.s32 s10, $0x10;
	v63 =	vld.idx.msk [tilespmem:v61+s30+$0x0], $0xffff;
	[tilespmem:s11+$0xFFFFFE80] =	vst v4  }
.Ltmp13:
0x193: {  	[tilespmem:s11+$0xFFFFFF00] =	vst v3;
	(pc) =	sbr.rel @p0 .LBB2_26-.Ltmp13, $4  }
0x194: {  	[tilespmem:s11+$0xFFFFFF80] =	vst v1  }
0x195: {  	[tilespmem:s11+$0x0] =	vst v2  }
0x196: {  	[tilespmem:s11+$0x80] =	vst v6  }
0x197: {  	s9 =	sadd.s32 $0x80, s9;
	s8 =	sadd.s32 $0x1, s8;
	[tilespmem:s11+$0x100] =	vst v63  }
0x198: {  	s7 =	rddreg [dreg:$0xb]  }
0x199: {  	[hbm4b:s7+s31] =	stream.strided.scatter [tilespmem:s0], [sflag:$0x1], $0x4000, s28, s31, $0x38;
	[tilespmem:$0x1DE00] =	vst v63  }
0x19a: {  	_ =	swait.ge [sflag:s3], $0x4000  }
0x19b: {  	s8 =	simm.s32 $0x0;
	s9 =	simm.s32 $0x0;
	[sflag:s3] =	ssyncset.done $0x0  }
0x19c: {  	s10 =	simm.s32 $0x0;
	s7 =	simm.s32 $0x0;
	[sflag:s3] =	ssyncadd.s32 $0xFFFFC000  }
.LBB2_30:
0x19d: {  	s11 =	sshll.u32 s10, $0x4;
	s12 =	sshll.u32 s10, $0x7  }
0x19e: {  	s11 =	sand.u32 $0x70, s11;
	s12 =	sand.u32 $0x400, s12  }
0x19f: {  	s11 =	sor.u32 s11, s12  }
0x1a0: {  	v0 =	vld [tilespmem:s11+$0x980];
	_ =	sdelay $0x4  }
0x1a1: {  	v0 =	vmul.u32 $0x41, v0  }
0x1a2: {  	s12 =	simm.s32 $0x7  }
0x1a3: {  	s13 =	simm.s32 $0x1;
	v1 =	vadd.s32 s12, v0  }
0x1a4: {  	s14 =	simm.s32 $0x2;
	v2 =	vadd.s32 s13, v0  }
0x1a5: {  	s15 =	simm.s32 $0x3;
	v3 =	vadd.s32 s14, v0  }
0x1a6: {  	v4 =	vadd.s32 s15, v0;
	s12 =	simm.s32 $0x4  }
0x1a7: {  	s13 =	simm.s32 $0x5;
	v5 =	vadd.s32 s12, v0  }
0x1a8: {  	s14 =	simm.s32 $0x6;
	v6 =	vadd.s32 s13, v0;
	v1 =	vld.idx.msk [tilespmem:v1+s30+$0x0], $0xffff  }
0x1a9: {  	s15 =	sshll.u32 s9, $0x2;
	s13 =	sand.u32 $0x7, s8;
	v7 =	vadd.s32 s14, v0;
	s14 =	simm.s32 $0xF;
	v2 =	vld.idx.msk [tilespmem:v2+s30+$0x0], $0xffff  }
0x1aa: {  	s12 =	sand.u32 $0xFFFFF000, s15;
	s13 =	sshll.u32 s13, $0x6;
	v11 =	vadd.s32 s14, v0;
	v9 =	vld.idx.msk [tilespmem:v3+s30+$0x0], $0xffff  }
0x1ab: {  	v8 =	vadd.s32 s7, v0;
	s14 =	simm.s32 $0xA;
	s11 =	sor.u32 s13, s12;
	v12 =	vld.idx.msk [tilespmem:v4+s30+$0x0], $0xffff  }
0x1ac: {  	s15 =	simm.s32 $0x9;
	v15 =	vadd.s32 s14, v0;
	s11 =	sshrl.u32 s11, $0x2;
	v14 =	vld.idx.msk [tilespmem:v5+s30+$0x0], $0xffff  }
0x1ad: {  	v13 =	vadd.s32 s15, v0;
	s15 =	simm.s32 $0xB;
	s11 =	sadd.s32 $0x15E00, s11;
	v5 =	vld.idx.msk [tilespmem:v6+s30+$0x0], $0xffff  }
0x1ae: {  	v10 =	vadd.s32 s15, v0;
	s13 =	simm.s32 $0xC;
	v4 =	vld.idx.msk [tilespmem:v7+s30+$0x0], $0xffff;
	[tilespmem:s11+$0x380] =	vst v1  }
0x1af: {  	s14 =	simm.s32 $0xD;
	[tilespmem:s11+$0x80] =	vst v2;
	v1 =	vld.idx.msk [tilespmem:v11+s30+$0x0], $0xffff;
	v11 =	vadd.s32 s13, v0  }
0x1b0: {  	v3 =	vld.idx.msk [tilespmem:v8+s30+$0x0], $0xffff;
	v8 =	vadd.s32 s14, v0;
	s14 =	simm.s32 $0xE;
	[tilespmem:s11+$0x100] =	vst v9  }
0x1b1: {  	s15 =	simm.s32 $0x8;
	v6 =	vld.idx.msk [tilespmem:v15+s30+$0x0], $0xffff;
	[tilespmem:s11+$0x180] =	vst v12;
	v9 =	vadd.s32 s14, v0  }
0x1b2: {  	s12 =	simm.s32 $0x10;
	v7 =	vadd.s32 s15, v0;
	v2 =	vld.idx.msk [tilespmem:v13+s30+$0x0], $0xffff;
	s14 =	simm.s32 $0x17;
	s13 =	simm.s32 $0x18;
	[tilespmem:s11+$0x200] =	vst v14  }
.LBB2_31:
0x1b3: {  	p0 =	slt.u32 s13, $0x38;
	s15 =	sadd.s32 $0x1, s12;
	v12 =	vadd.s32 s14, v0;
	v13 =	vld.idx.msk [tilespmem:v10+s30+$0x0], $0xffff;
	[tilespmem:s11+$0x280] =	vst v5  }
0x1b4: {  	s14 =	sadd.s32 $0x2, s12;
	v14 =	vadd.s32 s15, v0;
	v15 =	vld.idx.msk [tilespmem:v11+s30+$0x0], $0xffff;
	[tilespmem:s11+$0x300] =	vst v4  }
0x1b5: {  	v16 =	vadd.s32 s14, v0;
	s14 =	sadd.s32 $0x3, s12;
	v5 =	vld.idx.msk [tilespmem:v8+s30+$0x0], $0xffff;
	[tilespmem:s11+$0x0] =	vst v3;
	s11 =	sadd.s32 $0x800, s11  }
.Ltmp14:
0x1b6: {  	v10 =	vadd.s32 s14, v0;
	s14 =	sadd.s32 $0x4, s12;
	v4 =	vld.idx.msk [tilespmem:v9+s30+$0x0], $0xffff;
	[tilespmem:s11+$0x380] =	vst v1;
	(pc) =	sbr.rel @p0 .LBB2_31-.Ltmp14, $4  }
0x1b7: {  	v11 =	vadd.s32 s14, v0;
	s14 =	sadd.s32 $0x5, s12;
	v3 =	vld.idx.msk [tilespmem:v7+s30+$0x0], $0xffff;
	[tilespmem:s11+$0x80] =	vst v2  }
0x1b8: {  	v8 =	vadd.s32 s14, v0;
	s14 =	sadd.s32 $0x6, s12;
	v1 =	vld.idx.msk [tilespmem:v12+s30+$0x0], $0xffff;
	[tilespmem:s11+$0x100] =	vst v6  }
0x1b9: {  	v9 =	vadd.s32 s14, v0;
	v2 =	vld.idx.msk [tilespmem:v14+s30+$0x0], $0xffff;
	[tilespmem:s11+$0x180] =	vst v13  }
0x1ba: {  	v7 =	vadd.s32 s12, v0;
	s12 =	smov.u32 s13;
	s14 =	sadd.s32 $0x7, s13;
	s13 =	sadd.s32 $0x8, s13;
	v6 =	vld.idx.msk [tilespmem:v16+s30+$0x0], $0xffff;
	[tilespmem:s11+$0x200] =	vst v15  }
0x1bb: {  	_ =	sdelay $0x2  }
0x1bc: {  	[tilespmem:s11+$0x280] =	vst v5  }
0x1bd: {  	v55 =	vadd.s32 s14, v0;
	v10 =	vld.idx.msk [tilespmem:v10+s30+$0x0], $0xffff;
	[tilespmem:s11+$0x300] =	vst v4  }
0x1be: {  	s13 =	sadd.s32 $0x1, s12;
	v11 =	vld.idx.msk [tilespmem:v11+s30+$0x0], $0xffff;
	v62 =	vadd.s32 s12, v0;
	[tilespmem:s11+$0x0] =	vst v3;
	s11 =	sadd.s32 $0x800, s11  }
0x1bf: {  	s15 =	sadd.s32 $0x2, s12;
	v8 =	vld.idx.msk [tilespmem:v8+s30+$0x0], $0xffff;
	v56 =	vadd.s32 s13, v0;
	[tilespmem:s11+$0x380] =	vst v1  }
0x1c0: {  	s14 =	sadd.s32 $0x3, s12;
	v9 =	vld.idx.msk [tilespmem:v9+s30+$0x0], $0xffff;
	v57 =	vadd.s32 s15, v0;
	[tilespmem:s11+$0x80] =	vst v2  }
0x1c1: {  	v7 =	vld.idx.msk [tilespmem:v7+s30+$0x0], $0xffff;
	v58 =	vadd.s32 s14, v0;
	s15 =	sadd.s32 $0x4, s12;
	[tilespmem:s11+$0x100] =	vst v6  }
0x1c2: {  	s14 =	sadd.s32 $0x5, s12;
	v59 =	vadd.s32 s15, v0;
	s15 =	sadd.s32 $0x6, s12;
	v5 =	vld.idx.msk [tilespmem:v55+s30+$0x0], $0xffff;
	[tilespmem:s11+$0x180] =	vst v10  }
0x1c3: {  	v60 =	vadd.s32 s14, v0;
	v61 =	vadd.s32 s15, v0;
	[tilespmem:s11+$0x200] =	vst v11;
	v0 =	vld.idx.msk [tilespmem:v62+s30+$0x0], $0xffff  }
0x1c4: {  	[tilespmem:s11+$0x280] =	vst v8;
	v4 =	vld.idx.msk [tilespmem:v56+s30+$0x0], $0xffff  }
0x1c5: {  	[tilespmem:s11+$0x300] =	vst v9;
	v3 =	vld.idx.msk [tilespmem:v57+s30+$0x0], $0xffff  }
0x1c6: {  	[tilespmem:s11+$0x0] =	vst v7;
	s11 =	sadd.s32 $0x800, s11;
	v1 =	vld.idx.msk [tilespmem:v58+s30+$0x0], $0xffff  }
0x1c7: {  	v2 =	vld.idx.msk [tilespmem:v59+s30+$0x0], $0xffff;
	[tilespmem:s11+$0x380] =	vst v5  }
0x1c8: {  	s10 =	sadd.s32 $0x1, s10;
	v6 =	vld.idx.msk [tilespmem:v60+s30+$0x0], $0xffff;
	[tilespmem:s11+$0x0] =	vst v0  }
0x1c9: {  	p0 =	sne.s32 s10, $0x10;
	v63 =	vld.idx.msk [tilespmem:v61+s30+$0x0], $0xffff;
	[tilespmem:s11+$0x80] =	vst v4  }
.Ltmp15:
0x1ca: {  	[tilespmem:s11+$0x100] =	vst v3;
	(pc) =	sbr.rel @p0 .LBB2_30-.Ltmp15, $4  }
0x1cb: {  	[tilespmem:s11+$0x180] =	vst v1  }
0x1cc: {  	[tilespmem:s11+$0x200] =	vst v2  }
0x1cd: {  	[tilespmem:s11+$0x280] =	vst v6  }
0x1ce: {  	s9 =	sadd.s32 $0x80, s9;
	s8 =	sadd.s32 $0x1, s8;
	[tilespmem:s11+$0x300] =	vst v63  }
0x1cf: {  	s7 =	rddreg [dreg:$0xc]  }
0x1d0: {  	[hbm4b:s7+s31] =	stream.strided.scatter [tilespmem:s1], [sflag:$0x2], $0x4000, s28, s31, $0x38;
	[tilespmem:$0x1DE00] =	vst v63  }
0x1d1: {  	_ =	swait.ge [sflag:s5], $0x4000  }
0x1d2: {  	s8 =	simm.s32 $0x0;
	s9 =	simm.s32 $0x0;
	[sflag:s5] =	ssyncset.done $0x0  }
0x1d3: {  	s10 =	simm.s32 $0x0;
	s7 =	simm.s32 $0x0;
	[sflag:s5] =	ssyncadd.s32 $0xFFFFC000  }
.LBB2_34:
0x1d4: {  	s11 =	sshll.u32 s10, $0x4;
	s12 =	sshll.u32 s10, $0x7  }
0x1d5: {  	s11 =	sand.u32 $0x70, s11;
	s12 =	sand.u32 $0x400, s12  }
0x1d6: {  	s11 =	sor.u32 s11, s12  }
0x1d7: {  	v0 =	vld [tilespmem:s11+$0x200];
	_ =	sdelay $0x4  }
0x1d8: {  	v0 =	vmul.u32 $0x41, v0  }
0x1d9: {  	s12 =	simm.s32 $0x7  }
0x1da: {  	s13 =	simm.s32 $0x1;
	v1 =	vadd.s32 s12, v0  }
0x1db: {  	s14 =	simm.s32 $0x2;
	v2 =	vadd.s32 s13, v0  }
0x1dc: {  	s15 =	simm.s32 $0x3;
	v3 =	vadd.s32 s14, v0  }
0x1dd: {  	v4 =	vadd.s32 s15, v0;
	s12 =	simm.s32 $0x4  }
0x1de: {  	s13 =	simm.s32 $0x5;
	v5 =	vadd.s32 s12, v0  }
0x1df: {  	s14 =	simm.s32 $0x6;
	v6 =	vadd.s32 s13, v0;
	v1 =	vld.idx.msk [tilespmem:v1+s30+$0x0], $0xffff  }
0x1e0: {  	s15 =	sshll.u32 s9, $0x2;
	s13 =	sand.u32 $0x7, s8;
	v7 =	vadd.s32 s14, v0;
	s14 =	simm.s32 $0xF;
	v2 =	vld.idx.msk [tilespmem:v2+s30+$0x0], $0xffff  }
0x1e1: {  	s12 =	sand.u32 $0xFFFFF000, s15;
	s13 =	sshll.u32 s13, $0x6;
	v11 =	vadd.s32 s14, v0;
	v9 =	vld.idx.msk [tilespmem:v3+s30+$0x0], $0xffff  }
0x1e2: {  	v8 =	vadd.s32 s7, v0;
	s14 =	simm.s32 $0xA;
	s11 =	sor.u32 s13, s12;
	v12 =	vld.idx.msk [tilespmem:v4+s30+$0x0], $0xffff  }
0x1e3: {  	s15 =	simm.s32 $0x9;
	v15 =	vadd.s32 s14, v0;
	s11 =	sshrl.u32 s11, $0x2;
	v14 =	vld.idx.msk [tilespmem:v5+s30+$0x0], $0xffff  }
0x1e4: {  	v13 =	vadd.s32 s15, v0;
	s15 =	simm.s32 $0xB;
	s11 =	sadd.s32 $0x19E00, s11;
	v5 =	vld.idx.msk [tilespmem:v6+s30+$0x0], $0xffff  }
0x1e5: {  	v10 =	vadd.s32 s15, v0;
	s13 =	simm.s32 $0xC;
	v4 =	vld.idx.msk [tilespmem:v7+s30+$0x0], $0xffff;
	[tilespmem:s11+$0x380] =	vst v1  }
0x1e6: {  	s14 =	simm.s32 $0xD;
	[tilespmem:s11+$0x80] =	vst v2;
	v1 =	vld.idx.msk [tilespmem:v11+s30+$0x0], $0xffff;
	v11 =	vadd.s32 s13, v0  }
0x1e7: {  	v3 =	vld.idx.msk [tilespmem:v8+s30+$0x0], $0xffff;
	v8 =	vadd.s32 s14, v0;
	s14 =	simm.s32 $0xE;
	[tilespmem:s11+$0x100] =	vst v9  }
0x1e8: {  	s15 =	simm.s32 $0x8;
	v6 =	vld.idx.msk [tilespmem:v15+s30+$0x0], $0xffff;
	[tilespmem:s11+$0x180] =	vst v12;
	v9 =	vadd.s32 s14, v0  }
0x1e9: {  	s12 =	simm.s32 $0x10;
	v7 =	vadd.s32 s15, v0;
	v2 =	vld.idx.msk [tilespmem:v13+s30+$0x0], $0xffff;
	s14 =	simm.s32 $0x17;
	s13 =	simm.s32 $0x18;
	[tilespmem:s11+$0x200] =	vst v14  }
.LBB2_35:
0x1ea: {  	p0 =	slt.u32 s13, $0x38;
	s15 =	sadd.s32 $0x1, s12;
	v12 =	vadd.s32 s14, v0;
	v13 =	vld.idx.msk [tilespmem:v10+s30+$0x0], $0xffff;
	[tilespmem:s11+$0x280] =	vst v5  }
0x1eb: {  	s14 =	sadd.s32 $0x2, s12;
	v14 =	vadd.s32 s15, v0;
	v15 =	vld.idx.msk [tilespmem:v11+s30+$0x0], $0xffff;
	[tilespmem:s11+$0x300] =	vst v4  }
0x1ec: {  	v16 =	vadd.s32 s14, v0;
	s14 =	sadd.s32 $0x3, s12;
	v5 =	vld.idx.msk [tilespmem:v8+s30+$0x0], $0xffff;
	[tilespmem:s11+$0x0] =	vst v3;
	s11 =	sadd.s32 $0x800, s11  }
.Ltmp16:
0x1ed: {  	v10 =	vadd.s32 s14, v0;
	s14 =	sadd.s32 $0x4, s12;
	v4 =	vld.idx.msk [tilespmem:v9+s30+$0x0], $0xffff;
	[tilespmem:s11+$0x380] =	vst v1;
	(pc) =	sbr.rel @p0 .LBB2_35-.Ltmp16, $4  }
0x1ee: {  	v11 =	vadd.s32 s14, v0;
	s14 =	sadd.s32 $0x5, s12;
	v3 =	vld.idx.msk [tilespmem:v7+s30+$0x0], $0xffff;
	[tilespmem:s11+$0x80] =	vst v2  }
0x1ef: {  	v8 =	vadd.s32 s14, v0;
	s14 =	sadd.s32 $0x6, s12;
	v1 =	vld.idx.msk [tilespmem:v12+s30+$0x0], $0xffff;
	[tilespmem:s11+$0x100] =	vst v6  }
0x1f0: {  	v9 =	vadd.s32 s14, v0;
	v2 =	vld.idx.msk [tilespmem:v14+s30+$0x0], $0xffff;
	[tilespmem:s11+$0x180] =	vst v13  }
0x1f1: {  	v7 =	vadd.s32 s12, v0;
	s12 =	smov.u32 s13;
	s14 =	sadd.s32 $0x7, s13;
	s13 =	sadd.s32 $0x8, s13;
	v6 =	vld.idx.msk [tilespmem:v16+s30+$0x0], $0xffff;
	[tilespmem:s11+$0x200] =	vst v15  }
0x1f2: {  	_ =	sdelay $0x2  }
0x1f3: {  	[tilespmem:s11+$0x280] =	vst v5  }
0x1f4: {  	v55 =	vadd.s32 s14, v0;
	v10 =	vld.idx.msk [tilespmem:v10+s30+$0x0], $0xffff;
	[tilespmem:s11+$0x300] =	vst v4  }
0x1f5: {  	s13 =	sadd.s32 $0x1, s12;
	v11 =	vld.idx.msk [tilespmem:v11+s30+$0x0], $0xffff;
	v62 =	vadd.s32 s12, v0;
	[tilespmem:s11+$0x0] =	vst v3;
	s11 =	sadd.s32 $0x800, s11  }
0x1f6: {  	s15 =	sadd.s32 $0x2, s12;
	v8 =	vld.idx.msk [tilespmem:v8+s30+$0x0], $0xffff;
	v56 =	vadd.s32 s13, v0;
	[tilespmem:s11+$0x380] =	vst v1  }
0x1f7: {  	s14 =	sadd.s32 $0x3, s12;
	v9 =	vld.idx.msk [tilespmem:v9+s30+$0x0], $0xffff;
	v57 =	vadd.s32 s15, v0;
	[tilespmem:s11+$0x80] =	vst v2  }
0x1f8: {  	v7 =	vld.idx.msk [tilespmem:v7+s30+$0x0], $0xffff;
	v58 =	vadd.s32 s14, v0;
	s15 =	sadd.s32 $0x4, s12;
	[tilespmem:s11+$0x100] =	vst v6  }
0x1f9: {  	s14 =	sadd.s32 $0x5, s12;
	v59 =	vadd.s32 s15, v0;
	s15 =	sadd.s32 $0x6, s12;
	v5 =	vld.idx.msk [tilespmem:v55+s30+$0x0], $0xffff;
	[tilespmem:s11+$0x180] =	vst v10  }
0x1fa: {  	v60 =	vadd.s32 s14, v0;
	v61 =	vadd.s32 s15, v0;
	[tilespmem:s11+$0x200] =	vst v11;
	v0 =	vld.idx.msk [tilespmem:v62+s30+$0x0], $0xffff  }
0x1fb: {  	[tilespmem:s11+$0x280] =	vst v8;
	v4 =	vld.idx.msk [tilespmem:v56+s30+$0x0], $0xffff  }
0x1fc: {  	[tilespmem:s11+$0x300] =	vst v9;
	v3 =	vld.idx.msk [tilespmem:v57+s30+$0x0], $0xffff  }
0x1fd: {  	[tilespmem:s11+$0x0] =	vst v7;
	s11 =	sadd.s32 $0x800, s11;
	v1 =	vld.idx.msk [tilespmem:v58+s30+$0x0], $0xffff  }
0x1fe: {  	v2 =	vld.idx.msk [tilespmem:v59+s30+$0x0], $0xffff;
	[tilespmem:s11+$0x380] =	vst v5  }
0x1ff: {  	s10 =	sadd.s32 $0x1, s10;
	v6 =	vld.idx.msk [tilespmem:v60+s30+$0x0], $0xffff;
	[tilespmem:s11+$0x0] =	vst v0  }
0x200: {  	p0 =	sne.s32 s10, $0x10;
	v63 =	vld.idx.msk [tilespmem:v61+s30+$0x0], $0xffff;
	[tilespmem:s11+$0x80] =	vst v4  }
.Ltmp17:
0x201: {  	[tilespmem:s11+$0x100] =	vst v3;
	(pc) =	sbr.rel @p0 .LBB2_34-.Ltmp17, $4  }
0x202: {  	[tilespmem:s11+$0x180] =	vst v1  }
0x203: {  	[tilespmem:s11+$0x200] =	vst v2  }
0x204: {  	[tilespmem:s11+$0x280] =	vst v6  }
0x205: {  	s9 =	sadd.s32 $0x80, s9;
	s8 =	sadd.s32 $0x1, s8;
	[tilespmem:s11+$0x300] =	vst v63  }
0x206: {  	s7 =	rddreg [dreg:$0xd]  }
0x207: {  	[hbm4b:s7+s31] =	stream.strided.scatter [tilespmem:s26], [sflag:$0x3], $0x4000, s28, s31, $0x38;
	[tilespmem:$0x1DE00] =	vst v63  }
0x208: {  	_ =	swait.ge [sflag:s2], $0x4000  }
0x209: {  	s8 =	simm.s32 $0x0;
	s9 =	simm.s32 $0x0;
	[sflag:s2] =	ssyncset.done $0x0  }
0x20a: {  	s10 =	simm.s32 $0x0;
	s7 =	simm.s32 $0x0;
	[sflag:s2] =	ssyncadd.s32 $0xFFFFC000  }
.LBB2_38:
0x20b: {  	s11 =	sshll.u32 s10, $0x4;
	s12 =	sshll.u32 s10, $0x7  }
0x20c: {  	s11 =	sand.u32 $0x70, s11;
	s12 =	sand.u32 $0x400, s12  }
0x20d: {  	s11 =	sor.u32 s11, s12  }
0x20e: {  	v0 =	vld [tilespmem:s11+$0xA00];
	_ =	sdelay $0x4  }
0x20f: {  	v0 =	vmul.u32 $0x41, v0  }
0x210: {  	s12 =	simm.s32 $0x7  }
0x211: {  	s13 =	simm.s32 $0x1;
	v1 =	vadd.s32 s12, v0  }
0x212: {  	s14 =	simm.s32 $0x2;
	v2 =	vadd.s32 s13, v0  }
0x213: {  	s15 =	simm.s32 $0x3;
	v3 =	vadd.s32 s14, v0  }
0x214: {  	v4 =	vadd.s32 s15, v0;
	s12 =	simm.s32 $0x4  }
0x215: {  	s13 =	simm.s32 $0x5;
	v5 =	vadd.s32 s12, v0  }
0x216: {  	s14 =	simm.s32 $0x6;
	v6 =	vadd.s32 s13, v0;
	v1 =	vld.idx.msk [tilespmem:v1+s30+$0x0], $0xffff  }
0x217: {  	s15 =	sshll.u32 s9, $0x2;
	s13 =	sand.u32 $0x7, s8;
	v7 =	vadd.s32 s14, v0;
	s14 =	simm.s32 $0xF;
	v2 =	vld.idx.msk [tilespmem:v2+s30+$0x0], $0xffff  }
0x218: {  	s12 =	sand.u32 $0xFFFFF000, s15;
	s13 =	sshll.u32 s13, $0x6;
	v11 =	vadd.s32 s14, v0;
	v9 =	vld.idx.msk [tilespmem:v3+s30+$0x0], $0xffff  }
0x219: {  	v8 =	vadd.s32 s7, v0;
	s14 =	simm.s32 $0xA;
	s11 =	sor.u32 s13, s12;
	v12 =	vld.idx.msk [tilespmem:v4+s30+$0x0], $0xffff  }
0x21a: {  	s15 =	simm.s32 $0x9;
	v15 =	vadd.s32 s14, v0;
	s11 =	sshrl.u32 s11, $0x2;
	v14 =	vld.idx.msk [tilespmem:v5+s30+$0x0], $0xffff  }
0x21b: {  	v13 =	vadd.s32 s15, v0;
	s15 =	simm.s32 $0xB;
	s11 =	sadd.s32 $0x12000, s11;
	v5 =	vld.idx.msk [tilespmem:v6+s30+$0x0], $0xffff  }
0x21c: {  	v10 =	vadd.s32 s15, v0;
	s13 =	simm.s32 $0xC;
	v4 =	vld.idx.msk [tilespmem:v7+s30+$0x0], $0xffff;
	[tilespmem:s11+$0x180] =	vst v1  }
0x21d: {  	s14 =	simm.s32 $0xD;
	[tilespmem:s11+$0xFFFFFE80] =	vst v2;
	v1 =	vld.idx.msk [tilespmem:v11+s30+$0x0], $0xffff;
	v11 =	vadd.s32 s13, v0  }
0x21e: {  	v3 =	vld.idx.msk [tilespmem:v8+s30+$0x0], $0xffff;
	v8 =	vadd.s32 s14, v0;
	s14 =	simm.s32 $0xE;
	[tilespmem:s11+$0xFFFFFF00] =	vst v9  }
0x21f: {  	s15 =	simm.s32 $0x8;
	v6 =	vld.idx.msk [tilespmem:v15+s30+$0x0], $0xffff;
	[tilespmem:s11+$0xFFFFFF80] =	vst v12;
	v9 =	vadd.s32 s14, v0  }
0x220: {  	s12 =	simm.s32 $0x10;
	v7 =	vadd.s32 s15, v0;
	v2 =	vld.idx.msk [tilespmem:v13+s30+$0x0], $0xffff;
	s14 =	simm.s32 $0x17;
	s13 =	simm.s32 $0x18;
	[tilespmem:s11+$0x0] =	vst v14  }
.LBB2_39:
0x221: {  	p0 =	slt.u32 s13, $0x38;
	s15 =	sadd.s32 $0x1, s12;
	v12 =	vadd.s32 s14, v0;
	v13 =	vld.idx.msk [tilespmem:v10+s30+$0x0], $0xffff;
	[tilespmem:s11+$0x80] =	vst v5  }
0x222: {  	s14 =	sadd.s32 $0x2, s12;
	v14 =	vadd.s32 s15, v0;
	v15 =	vld.idx.msk [tilespmem:v11+s30+$0x0], $0xffff;
	[tilespmem:s11+$0x100] =	vst v4  }
0x223: {  	v16 =	vadd.s32 s14, v0;
	s14 =	sadd.s32 $0x3, s12;
	v5 =	vld.idx.msk [tilespmem:v8+s30+$0x0], $0xffff;
	[tilespmem:s11+$0xFFFFFE00] =	vst v3;
	s11 =	sadd.s32 $0x800, s11  }
.Ltmp18:
0x224: {  	v10 =	vadd.s32 s14, v0;
	s14 =	sadd.s32 $0x4, s12;
	v4 =	vld.idx.msk [tilespmem:v9+s30+$0x0], $0xffff;
	[tilespmem:s11+$0x180] =	vst v1;
	(pc) =	sbr.rel @p0 .LBB2_39-.Ltmp18, $4  }
0x225: {  	v11 =	vadd.s32 s14, v0;
	s14 =	sadd.s32 $0x5, s12;
	v3 =	vld.idx.msk [tilespmem:v7+s30+$0x0], $0xffff;
	[tilespmem:s11+$0xFFFFFE80] =	vst v2  }
0x226: {  	v8 =	vadd.s32 s14, v0;
	s14 =	sadd.s32 $0x6, s12;
	v1 =	vld.idx.msk [tilespmem:v12+s30+$0x0], $0xffff;
	[tilespmem:s11+$0xFFFFFF00] =	vst v6  }
0x227: {  	v9 =	vadd.s32 s14, v0;
	v2 =	vld.idx.msk [tilespmem:v14+s30+$0x0], $0xffff;
	[tilespmem:s11+$0xFFFFFF80] =	vst v13  }
0x228: {  	v7 =	vadd.s32 s12, v0;
	s12 =	smov.u32 s13;
	s14 =	sadd.s32 $0x7, s13;
	s13 =	sadd.s32 $0x8, s13;
	v6 =	vld.idx.msk [tilespmem:v16+s30+$0x0], $0xffff;
	[tilespmem:s11+$0x0] =	vst v15  }
0x229: {  	_ =	sdelay $0x2  }
0x22a: {  	[tilespmem:s11+$0x80] =	vst v5  }
0x22b: {  	v55 =	vadd.s32 s14, v0;
	v10 =	vld.idx.msk [tilespmem:v10+s30+$0x0], $0xffff;
	[tilespmem:s11+$0x100] =	vst v4  }
0x22c: {  	s13 =	sadd.s32 $0x1, s12;
	v11 =	vld.idx.msk [tilespmem:v11+s30+$0x0], $0xffff;
	v62 =	vadd.s32 s12, v0;
	[tilespmem:s11+$0xFFFFFE00] =	vst v3;
	s11 =	sadd.s32 $0x800, s11  }
0x22d: {  	s15 =	sadd.s32 $0x2, s12;
	v8 =	vld.idx.msk [tilespmem:v8+s30+$0x0], $0xffff;
	v56 =	vadd.s32 s13, v0;
	[tilespmem:s11+$0x180] =	vst v1  }
0x22e: {  	s14 =	sadd.s32 $0x3, s12;
	v9 =	vld.idx.msk [tilespmem:v9+s30+$0x0], $0xffff;
	v57 =	vadd.s32 s15, v0;
	[tilespmem:s11+$0xFFFFFE80] =	vst v2  }
0x22f: {  	v7 =	vld.idx.msk [tilespmem:v7+s30+$0x0], $0xffff;
	v58 =	vadd.s32 s14, v0;
	s15 =	sadd.s32 $0x4, s12;
	[tilespmem:s11+$0xFFFFFF00] =	vst v6  }
0x230: {  	s14 =	sadd.s32 $0x5, s12;
	v59 =	vadd.s32 s15, v0;
	s15 =	sadd.s32 $0x6, s12;
	v5 =	vld.idx.msk [tilespmem:v55+s30+$0x0], $0xffff;
	[tilespmem:s11+$0xFFFFFF80] =	vst v10  }
0x231: {  	v60 =	vadd.s32 s14, v0;
	v61 =	vadd.s32 s15, v0;
	[tilespmem:s11+$0x0] =	vst v11;
	v0 =	vld.idx.msk [tilespmem:v62+s30+$0x0], $0xffff  }
0x232: {  	[tilespmem:s11+$0x80] =	vst v8;
	v4 =	vld.idx.msk [tilespmem:v56+s30+$0x0], $0xffff  }
0x233: {  	[tilespmem:s11+$0x100] =	vst v9;
	v3 =	vld.idx.msk [tilespmem:v57+s30+$0x0], $0xffff  }
0x234: {  	[tilespmem:s11+$0xFFFFFE00] =	vst v7;
	s11 =	sadd.s32 $0x800, s11;
	v1 =	vld.idx.msk [tilespmem:v58+s30+$0x0], $0xffff  }
0x235: {  	v2 =	vld.idx.msk [tilespmem:v59+s30+$0x0], $0xffff;
	[tilespmem:s11+$0x180] =	vst v5  }
0x236: {  	s10 =	sadd.s32 $0x1, s10;
	v6 =	vld.idx.msk [tilespmem:v60+s30+$0x0], $0xffff;
	[tilespmem:s11+$0xFFFFFE00] =	vst v0  }
0x237: {  	p0 =	sne.s32 s10, $0x10;
	v63 =	vld.idx.msk [tilespmem:v61+s30+$0x0], $0xffff;
	[tilespmem:s11+$0xFFFFFE80] =	vst v4  }
.Ltmp19:
0x238: {  	[tilespmem:s11+$0xFFFFFF00] =	vst v3;
	(pc) =	sbr.rel @p0 .LBB2_38-.Ltmp19, $4  }
0x239: {  	[tilespmem:s11+$0xFFFFFF80] =	vst v1  }
0x23a: {  	[tilespmem:s11+$0x0] =	vst v2  }
0x23b: {  	[tilespmem:s11+$0x80] =	vst v6  }
0x23c: {  	s9 =	sadd.s32 $0x80, s9;
	s8 =	sadd.s32 $0x1, s8;
	[tilespmem:s11+$0x100] =	vst v63  }
0x23d: {  	s7 =	rddreg [dreg:$0xe]  }
0x23e: {  	[hbm4b:s7+s31] =	stream.strided.scatter [tilespmem:s0], [sflag:$0x1], $0x4000, s28, s31, $0x38;
	[tilespmem:$0x1DE00] =	vst v63  }
0x23f: {  	_ =	swait.ge [sflag:s3], $0x4000  }
0x240: {  	s8 =	simm.s32 $0x0;
	s9 =	simm.s32 $0x0;
	[sflag:s3] =	ssyncset.done $0x0  }
0x241: {  	s10 =	simm.s32 $0x0;
	s7 =	simm.s32 $0x0;
	[sflag:s3] =	ssyncadd.s32 $0xFFFFC000  }
.LBB2_42:
0x242: {  	s11 =	sshll.u32 s10, $0x4;
	s12 =	sshll.u32 s10, $0x7  }
0x243: {  	s11 =	sand.u32 $0x70, s11;
	s12 =	sand.u32 $0x400, s12  }
0x244: {  	s11 =	sor.u32 s11, s12  }
0x245: {  	v0 =	vld [tilespmem:s11+$0x280];
	_ =	sdelay $0x4  }
0x246: {  	v0 =	vmul.u32 $0x41, v0  }
0x247: {  	s12 =	simm.s32 $0x7  }
0x248: {  	s13 =	simm.s32 $0x1;
	v1 =	vadd.s32 s12, v0  }
0x249: {  	s14 =	simm.s32 $0x2;
	v2 =	vadd.s32 s13, v0  }
0x24a: {  	s15 =	simm.s32 $0x3;
	v3 =	vadd.s32 s14, v0  }
0x24b: {  	v4 =	vadd.s32 s15, v0;
	s12 =	simm.s32 $0x4  }
0x24c: {  	s13 =	simm.s32 $0x5;
	v5 =	vadd.s32 s12, v0  }
0x24d: {  	s14 =	simm.s32 $0x6;
	v6 =	vadd.s32 s13, v0;
	v1 =	vld.idx.msk [tilespmem:v1+s30+$0x0], $0xffff  }
0x24e: {  	s15 =	sshll.u32 s9, $0x2;
	s13 =	sand.u32 $0x7, s8;
	v7 =	vadd.s32 s14, v0;
	s14 =	simm.s32 $0xF;
	v2 =	vld.idx.msk [tilespmem:v2+s30+$0x0], $0xffff  }
0x24f: {  	s12 =	sand.u32 $0xFFFFF000, s15;
	s13 =	sshll.u32 s13, $0x6;
	v11 =	vadd.s32 s14, v0;
	v9 =	vld.idx.msk [tilespmem:v3+s30+$0x0], $0xffff  }
0x250: {  	v8 =	vadd.s32 s7, v0;
	s14 =	simm.s32 $0xA;
	s11 =	sor.u32 s13, s12;
	v12 =	vld.idx.msk [tilespmem:v4+s30+$0x0], $0xffff  }
0x251: {  	s15 =	simm.s32 $0x9;
	v15 =	vadd.s32 s14, v0;
	s11 =	sshrl.u32 s11, $0x2;
	v14 =	vld.idx.msk [tilespmem:v5+s30+$0x0], $0xffff  }
0x252: {  	v13 =	vadd.s32 s15, v0;
	s15 =	simm.s32 $0xB;
	s11 =	sadd.s32 $0x15E00, s11;
	v5 =	vld.idx.msk [tilespmem:v6+s30+$0x0], $0xffff  }
0x253: {  	v10 =	vadd.s32 s15, v0;
	s13 =	simm.s32 $0xC;
	v4 =	vld.idx.msk [tilespmem:v7+s30+$0x0], $0xffff;
	[tilespmem:s11+$0x380] =	vst v1  }
0x254: {  	s14 =	simm.s32 $0xD;
	[tilespmem:s11+$0x80] =	vst v2;
	v1 =	vld.idx.msk [tilespmem:v11+s30+$0x0], $0xffff;
	v11 =	vadd.s32 s13, v0  }
0x255: {  	v3 =	vld.idx.msk [tilespmem:v8+s30+$0x0], $0xffff;
	v8 =	vadd.s32 s14, v0;
	s14 =	simm.s32 $0xE;
	[tilespmem:s11+$0x100] =	vst v9  }
0x256: {  	s15 =	simm.s32 $0x8;
	v6 =	vld.idx.msk [tilespmem:v15+s30+$0x0], $0xffff;
	[tilespmem:s11+$0x180] =	vst v12;
	v9 =	vadd.s32 s14, v0  }
0x257: {  	s12 =	simm.s32 $0x10;
	v7 =	vadd.s32 s15, v0;
	v2 =	vld.idx.msk [tilespmem:v13+s30+$0x0], $0xffff;
	s14 =	simm.s32 $0x17;
	s13 =	simm.s32 $0x18;
	[tilespmem:s11+$0x200] =	vst v14  }
.LBB2_43:
0x258: {  	p0 =	slt.u32 s13, $0x38;
	s15 =	sadd.s32 $0x1, s12;
	v12 =	vadd.s32 s14, v0;
	v13 =	vld.idx.msk [tilespmem:v10+s30+$0x0], $0xffff;
	[tilespmem:s11+$0x280] =	vst v5  }
0x259: {  	s14 =	sadd.s32 $0x2, s12;
	v14 =	vadd.s32 s15, v0;
	v15 =	vld.idx.msk [tilespmem:v11+s30+$0x0], $0xffff;
	[tilespmem:s11+$0x300] =	vst v4  }
0x25a: {  	v16 =	vadd.s32 s14, v0;
	s14 =	sadd.s32 $0x3, s12;
	v5 =	vld.idx.msk [tilespmem:v8+s30+$0x0], $0xffff;
	[tilespmem:s11+$0x0] =	vst v3;
	s11 =	sadd.s32 $0x800, s11  }
.Ltmp20:
0x25b: {  	v10 =	vadd.s32 s14, v0;
	s14 =	sadd.s32 $0x4, s12;
	v4 =	vld.idx.msk [tilespmem:v9+s30+$0x0], $0xffff;
	[tilespmem:s11+$0x380] =	vst v1;
	(pc) =	sbr.rel @p0 .LBB2_43-.Ltmp20, $4  }
0x25c: {  	v11 =	vadd.s32 s14, v0;
	s14 =	sadd.s32 $0x5, s12;
	v3 =	vld.idx.msk [tilespmem:v7+s30+$0x0], $0xffff;
	[tilespmem:s11+$0x80] =	vst v2  }
0x25d: {  	v8 =	vadd.s32 s14, v0;
	s14 =	sadd.s32 $0x6, s12;
	v1 =	vld.idx.msk [tilespmem:v12+s30+$0x0], $0xffff;
	[tilespmem:s11+$0x100] =	vst v6  }
0x25e: {  	v9 =	vadd.s32 s14, v0;
	v2 =	vld.idx.msk [tilespmem:v14+s30+$0x0], $0xffff;
	[tilespmem:s11+$0x180] =	vst v13  }
0x25f: {  	v7 =	vadd.s32 s12, v0;
	s12 =	smov.u32 s13;
	s14 =	sadd.s32 $0x7, s13;
	s13 =	sadd.s32 $0x8, s13;
	v6 =	vld.idx.msk [tilespmem:v16+s30+$0x0], $0xffff;
	[tilespmem:s11+$0x200] =	vst v15  }
0x260: {  	_ =	sdelay $0x2  }
0x261: {  	[tilespmem:s11+$0x280] =	vst v5  }
0x262: {  	v55 =	vadd.s32 s14, v0;
	v10 =	vld.idx.msk [tilespmem:v10+s30+$0x0], $0xffff;
	[tilespmem:s11+$0x300] =	vst v4  }
0x263: {  	s13 =	sadd.s32 $0x1, s12;
	v11 =	vld.idx.msk [tilespmem:v11+s30+$0x0], $0xffff;
	v62 =	vadd.s32 s12, v0;
	[tilespmem:s11+$0x0] =	vst v3;
	s11 =	sadd.s32 $0x800, s11  }
0x264: {  	s15 =	sadd.s32 $0x2, s12;
	v8 =	vld.idx.msk [tilespmem:v8+s30+$0x0], $0xffff;
	v56 =	vadd.s32 s13, v0;
	[tilespmem:s11+$0x380] =	vst v1  }
0x265: {  	s14 =	sadd.s32 $0x3, s12;
	v9 =	vld.idx.msk [tilespmem:v9+s30+$0x0], $0xffff;
	v57 =	vadd.s32 s15, v0;
	[tilespmem:s11+$0x80] =	vst v2  }
0x266: {  	v7 =	vld.idx.msk [tilespmem:v7+s30+$0x0], $0xffff;
	v58 =	vadd.s32 s14, v0;
	s15 =	sadd.s32 $0x4, s12;
	[tilespmem:s11+$0x100] =	vst v6  }
0x267: {  	s14 =	sadd.s32 $0x5, s12;
	v59 =	vadd.s32 s15, v0;
	s15 =	sadd.s32 $0x6, s12;
	v5 =	vld.idx.msk [tilespmem:v55+s30+$0x0], $0xffff;
	[tilespmem:s11+$0x180] =	vst v10  }
0x268: {  	v60 =	vadd.s32 s14, v0;
	v61 =	vadd.s32 s15, v0;
	[tilespmem:s11+$0x200] =	vst v11;
	v0 =	vld.idx.msk [tilespmem:v62+s30+$0x0], $0xffff  }
0x269: {  	[tilespmem:s11+$0x280] =	vst v8;
	v4 =	vld.idx.msk [tilespmem:v56+s30+$0x0], $0xffff  }
0x26a: {  	[tilespmem:s11+$0x300] =	vst v9;
	v3 =	vld.idx.msk [tilespmem:v57+s30+$0x0], $0xffff  }
0x26b: {  	[tilespmem:s11+$0x0] =	vst v7;
	s11 =	sadd.s32 $0x800, s11;
	v1 =	vld.idx.msk [tilespmem:v58+s30+$0x0], $0xffff  }
0x26c: {  	v2 =	vld.idx.msk [tilespmem:v59+s30+$0x0], $0xffff;
	[tilespmem:s11+$0x380] =	vst v5  }
0x26d: {  	s10 =	sadd.s32 $0x1, s10;
	v6 =	vld.idx.msk [tilespmem:v60+s30+$0x0], $0xffff;
	[tilespmem:s11+$0x0] =	vst v0  }
0x26e: {  	p0 =	sne.s32 s10, $0x10;
	v63 =	vld.idx.msk [tilespmem:v61+s30+$0x0], $0xffff;
	[tilespmem:s11+$0x80] =	vst v4  }
.Ltmp21:
0x26f: {  	[tilespmem:s11+$0x100] =	vst v3;
	(pc) =	sbr.rel @p0 .LBB2_42-.Ltmp21, $4  }
0x270: {  	[tilespmem:s11+$0x180] =	vst v1  }
0x271: {  	[tilespmem:s11+$0x200] =	vst v2  }
0x272: {  	[tilespmem:s11+$0x280] =	vst v6  }
0x273: {  	s9 =	sadd.s32 $0x80, s9;
	s8 =	sadd.s32 $0x1, s8;
	[tilespmem:s11+$0x300] =	vst v63  }
0x274: {  	s7 =	rddreg [dreg:$0xf]  }
0x275: {  	[hbm4b:s7+s31] =	stream.strided.scatter [tilespmem:s1], [sflag:$0x2], $0x4000, s28, s31, $0x38;
	[tilespmem:$0x1DE00] =	vst v63  }
0x276: {  	_ =	swait.ge [sflag:s5], $0x4000  }
0x277: {  	s8 =	simm.s32 $0x0;
	s9 =	simm.s32 $0x0;
	[sflag:s5] =	ssyncset.done $0x0  }
0x278: {  	s10 =	simm.s32 $0x0;
	s7 =	simm.s32 $0x0;
	[sflag:s5] =	ssyncadd.s32 $0xFFFFC000  }
.LBB2_46:
0x279: {  	s11 =	sshll.u32 s10, $0x4;
	s12 =	sshll.u32 s10, $0x7  }
0x27a: {  	s11 =	sand.u32 $0x70, s11;
	s12 =	sand.u32 $0x400, s12  }
0x27b: {  	s11 =	sor.u32 s11, s12  }
0x27c: {  	v0 =	vld [tilespmem:s11+$0xA80];
	_ =	sdelay $0x4  }
0x27d: {  	v0 =	vmul.u32 $0x41, v0  }
0x27e: {  	s12 =	simm.s32 $0x7  }
0x27f: {  	s13 =	simm.s32 $0x1;
	v1 =	vadd.s32 s12, v0  }
0x280: {  	s14 =	simm.s32 $0x2;
	v2 =	vadd.s32 s13, v0  }
0x281: {  	s15 =	simm.s32 $0x3;
	v3 =	vadd.s32 s14, v0  }
0x282: {  	v4 =	vadd.s32 s15, v0;
	s12 =	simm.s32 $0x4  }
0x283: {  	s13 =	simm.s32 $0x5;
	v5 =	vadd.s32 s12, v0  }
0x284: {  	s14 =	simm.s32 $0x6;
	v6 =	vadd.s32 s13, v0;
	v1 =	vld.idx.msk [tilespmem:v1+s30+$0x0], $0xffff  }
0x285: {  	s15 =	sshll.u32 s9, $0x2;
	s13 =	sand.u32 $0x7, s8;
	v7 =	vadd.s32 s14, v0;
	s14 =	simm.s32 $0xF;
	v2 =	vld.idx.msk [tilespmem:v2+s30+$0x0], $0xffff  }
0x286: {  	s12 =	sand.u32 $0xFFFFF000, s15;
	s13 =	sshll.u32 s13, $0x6;
	v11 =	vadd.s32 s14, v0;
	v9 =	vld.idx.msk [tilespmem:v3+s30+$0x0], $0xffff  }
0x287: {  	v8 =	vadd.s32 s7, v0;
	s14 =	simm.s32 $0xA;
	s11 =	sor.u32 s13, s12;
	v12 =	vld.idx.msk [tilespmem:v4+s30+$0x0], $0xffff  }
0x288: {  	s15 =	simm.s32 $0x9;
	v15 =	vadd.s32 s14, v0;
	s11 =	sshrl.u32 s11, $0x2;
	v14 =	vld.idx.msk [tilespmem:v5+s30+$0x0], $0xffff  }
0x289: {  	v13 =	vadd.s32 s15, v0;
	s15 =	simm.s32 $0xB;
	s11 =	sadd.s32 $0x19E00, s11;
	v5 =	vld.idx.msk [tilespmem:v6+s30+$0x0], $0xffff  }
0x28a: {  	v10 =	vadd.s32 s15, v0;
	s13 =	simm.s32 $0xC;
	v4 =	vld.idx.msk [tilespmem:v7+s30+$0x0], $0xffff;
	[tilespmem:s11+$0x380] =	vst v1  }
0x28b: {  	s14 =	simm.s32 $0xD;
	[tilespmem:s11+$0x80] =	vst v2;
	v1 =	vld.idx.msk [tilespmem:v11+s30+$0x0], $0xffff;
	v11 =	vadd.s32 s13, v0  }
0x28c: {  	v3 =	vld.idx.msk [tilespmem:v8+s30+$0x0], $0xffff;
	v8 =	vadd.s32 s14, v0;
	s14 =	simm.s32 $0xE;
	[tilespmem:s11+$0x100] =	vst v9  }
0x28d: {  	s15 =	simm.s32 $0x8;
	v6 =	vld.idx.msk [tilespmem:v15+s30+$0x0], $0xffff;
	[tilespmem:s11+$0x180] =	vst v12;
	v9 =	vadd.s32 s14, v0  }
0x28e: {  	s12 =	simm.s32 $0x10;
	v7 =	vadd.s32 s15, v0;
	v2 =	vld.idx.msk [tilespmem:v13+s30+$0x0], $0xffff;
	s14 =	simm.s32 $0x17;
	s13 =	simm.s32 $0x18;
	[tilespmem:s11+$0x200] =	vst v14  }
.LBB2_47:
0x28f: {  	p0 =	slt.u32 s13, $0x38;
	s15 =	sadd.s32 $0x1, s12;
	v12 =	vadd.s32 s14, v0;
	v13 =	vld.idx.msk [tilespmem:v10+s30+$0x0], $0xffff;
	[tilespmem:s11+$0x280] =	vst v5  }
0x290: {  	s14 =	sadd.s32 $0x2, s12;
	v14 =	vadd.s32 s15, v0;
	v15 =	vld.idx.msk [tilespmem:v11+s30+$0x0], $0xffff;
	[tilespmem:s11+$0x300] =	vst v4  }
0x291: {  	v16 =	vadd.s32 s14, v0;
	s14 =	sadd.s32 $0x3, s12;
	v5 =	vld.idx.msk [tilespmem:v8+s30+$0x0], $0xffff;
	[tilespmem:s11+$0x0] =	vst v3;
	s11 =	sadd.s32 $0x800, s11  }
.Ltmp22:
0x292: {  	v10 =	vadd.s32 s14, v0;
	s14 =	sadd.s32 $0x4, s12;
	v4 =	vld.idx.msk [tilespmem:v9+s30+$0x0], $0xffff;
	[tilespmem:s11+$0x380] =	vst v1;
	(pc) =	sbr.rel @p0 .LBB2_47-.Ltmp22, $4  }
0x293: {  	v11 =	vadd.s32 s14, v0;
	s14 =	sadd.s32 $0x5, s12;
	v3 =	vld.idx.msk [tilespmem:v7+s30+$0x0], $0xffff;
	[tilespmem:s11+$0x80] =	vst v2  }
0x294: {  	v8 =	vadd.s32 s14, v0;
	s14 =	sadd.s32 $0x6, s12;
	v1 =	vld.idx.msk [tilespmem:v12+s30+$0x0], $0xffff;
	[tilespmem:s11+$0x100] =	vst v6  }
0x295: {  	v9 =	vadd.s32 s14, v0;
	v2 =	vld.idx.msk [tilespmem:v14+s30+$0x0], $0xffff;
	[tilespmem:s11+$0x180] =	vst v13  }
0x296: {  	v7 =	vadd.s32 s12, v0;
	s12 =	smov.u32 s13;
	s14 =	sadd.s32 $0x7, s13;
	s13 =	sadd.s32 $0x8, s13;
	v6 =	vld.idx.msk [tilespmem:v16+s30+$0x0], $0xffff;
	[tilespmem:s11+$0x200] =	vst v15  }
0x297: {  	_ =	sdelay $0x2  }
0x298: {  	[tilespmem:s11+$0x280] =	vst v5  }
0x299: {  	v55 =	vadd.s32 s14, v0;
	v10 =	vld.idx.msk [tilespmem:v10+s30+$0x0], $0xffff;
	[tilespmem:s11+$0x300] =	vst v4  }
0x29a: {  	s13 =	sadd.s32 $0x1, s12;
	v11 =	vld.idx.msk [tilespmem:v11+s30+$0x0], $0xffff;
	v62 =	vadd.s32 s12, v0;
	[tilespmem:s11+$0x0] =	vst v3;
	s11 =	sadd.s32 $0x800, s11  }
0x29b: {  	s15 =	sadd.s32 $0x2, s12;
	v8 =	vld.idx.msk [tilespmem:v8+s30+$0x0], $0xffff;
	v56 =	vadd.s32 s13, v0;
	[tilespmem:s11+$0x380] =	vst v1  }
0x29c: {  	s14 =	sadd.s32 $0x3, s12;
	v9 =	vld.idx.msk [tilespmem:v9+s30+$0x0], $0xffff;
	v57 =	vadd.s32 s15, v0;
	[tilespmem:s11+$0x80] =	vst v2  }
0x29d: {  	v7 =	vld.idx.msk [tilespmem:v7+s30+$0x0], $0xffff;
	v58 =	vadd.s32 s14, v0;
	s15 =	sadd.s32 $0x4, s12;
	[tilespmem:s11+$0x100] =	vst v6  }
0x29e: {  	s14 =	sadd.s32 $0x5, s12;
	v59 =	vadd.s32 s15, v0;
	s15 =	sadd.s32 $0x6, s12;
	v5 =	vld.idx.msk [tilespmem:v55+s30+$0x0], $0xffff;
	[tilespmem:s11+$0x180] =	vst v10  }
0x29f: {  	v60 =	vadd.s32 s14, v0;
	v61 =	vadd.s32 s15, v0;
	[tilespmem:s11+$0x200] =	vst v11;
	v0 =	vld.idx.msk [tilespmem:v62+s30+$0x0], $0xffff  }
0x2a0: {  	[tilespmem:s11+$0x280] =	vst v8;
	v4 =	vld.idx.msk [tilespmem:v56+s30+$0x0], $0xffff  }
0x2a1: {  	[tilespmem:s11+$0x300] =	vst v9;
	v3 =	vld.idx.msk [tilespmem:v57+s30+$0x0], $0xffff  }
0x2a2: {  	[tilespmem:s11+$0x0] =	vst v7;
	s11 =	sadd.s32 $0x800, s11;
	v1 =	vld.idx.msk [tilespmem:v58+s30+$0x0], $0xffff  }
0x2a3: {  	v2 =	vld.idx.msk [tilespmem:v59+s30+$0x0], $0xffff;
	[tilespmem:s11+$0x380] =	vst v5  }
0x2a4: {  	s10 =	sadd.s32 $0x1, s10;
	v6 =	vld.idx.msk [tilespmem:v60+s30+$0x0], $0xffff;
	[tilespmem:s11+$0x0] =	vst v0  }
0x2a5: {  	p0 =	sne.s32 s10, $0x10;
	v63 =	vld.idx.msk [tilespmem:v61+s30+$0x0], $0xffff;
	[tilespmem:s11+$0x80] =	vst v4  }
.Ltmp23:
0x2a6: {  	[tilespmem:s11+$0x100] =	vst v3;
	(pc) =	sbr.rel @p0 .LBB2_46-.Ltmp23, $4  }
0x2a7: {  	[tilespmem:s11+$0x180] =	vst v1  }
0x2a8: {  	[tilespmem:s11+$0x200] =	vst v2  }
0x2a9: {  	[tilespmem:s11+$0x280] =	vst v6  }
0x2aa: {  	s9 =	sadd.s32 $0x80, s9;
	s8 =	sadd.s32 $0x1, s8;
	[tilespmem:s11+$0x300] =	vst v63  }
0x2ab: {  	[hbm4b:s16+s31] =	stream.strided.scatter [tilespmem:s26], [sflag:$0x3], $0x4000, s28, s31, $0x38;
	[tilespmem:$0x1DE00] =	vst v63  }
0x2ac: {  	_ =	swait.ge [sflag:s2], $0x4000  }
0x2ad: {  	s7 =	simm.s32 $0x0;
	s8 =	simm.s32 $0x0;
	[sflag:s2] =	ssyncset.done $0x0  }
0x2ae: {  	s9 =	simm.s32 $0x0;
	s10 =	simm.s32 $0x0;
	[sflag:s2] =	ssyncadd.s32 $0xFFFFC000  }
.LBB2_50:
0x2af: {  	s11 =	sshll.u32 s10, $0x4;
	s12 =	sshll.u32 s10, $0x7  }
0x2b0: {  	s11 =	sand.u32 $0x70, s11;
	s12 =	sand.u32 $0x400, s12  }
0x2b1: {  	s11 =	sor.u32 s11, s12  }
0x2b2: {  	v0 =	vld [tilespmem:s11+$0x300];
	_ =	sdelay $0x4  }
0x2b3: {  	v0 =	vmul.u32 $0x41, v0  }
0x2b4: {  	s12 =	simm.s32 $0x7  }
0x2b5: {  	s13 =	simm.s32 $0x1;
	v1 =	vadd.s32 s12, v0  }
0x2b6: {  	s14 =	simm.s32 $0x2;
	v2 =	vadd.s32 s13, v0  }
0x2b7: {  	s15 =	simm.s32 $0x3;
	v3 =	vadd.s32 s14, v0  }
0x2b8: {  	v4 =	vadd.s32 s15, v0;
	s12 =	simm.s32 $0x4  }
0x2b9: {  	s13 =	simm.s32 $0x5;
	v5 =	vadd.s32 s12, v0  }
0x2ba: {  	s14 =	simm.s32 $0x6;
	v6 =	vadd.s32 s13, v0;
	v1 =	vld.idx.msk [tilespmem:v1+s30+$0x0], $0xffff  }
0x2bb: {  	s15 =	sshll.u32 s9, $0x2;
	s13 =	sand.u32 $0x7, s8;
	v7 =	vadd.s32 s14, v0;
	s14 =	simm.s32 $0xF;
	v2 =	vld.idx.msk [tilespmem:v2+s30+$0x0], $0xffff  }
0x2bc: {  	s12 =	sand.u32 $0xFFFFF000, s15;
	s13 =	sshll.u32 s13, $0x6;
	v11 =	vadd.s32 s14, v0;
	v9 =	vld.idx.msk [tilespmem:v3+s30+$0x0], $0xffff  }
0x2bd: {  	v8 =	vadd.s32 s7, v0;
	s14 =	simm.s32 $0xA;
	s11 =	sor.u32 s13, s12;
	v12 =	vld.idx.msk [tilespmem:v4+s30+$0x0], $0xffff  }
0x2be: {  	s15 =	simm.s32 $0x9;
	v15 =	vadd.s32 s14, v0;
	s11 =	sshrl.u32 s11, $0x2;
	v14 =	vld.idx.msk [tilespmem:v5+s30+$0x0], $0xffff  }
0x2bf: {  	v13 =	vadd.s32 s15, v0;
	s15 =	simm.s32 $0xB;
	s11 =	sadd.s32 $0x12000, s11;
	v5 =	vld.idx.msk [tilespmem:v6+s30+$0x0], $0xffff  }
0x2c0: {  	v10 =	vadd.s32 s15, v0;
	s13 =	simm.s32 $0xC;
	v4 =	vld.idx.msk [tilespmem:v7+s30+$0x0], $0xffff;
	[tilespmem:s11+$0x180] =	vst v1  }
0x2c1: {  	s14 =	simm.s32 $0xD;
	[tilespmem:s11+$0xFFFFFE80] =	vst v2;
	v1 =	vld.idx.msk [tilespmem:v11+s30+$0x0], $0xffff;
	v11 =	vadd.s32 s13, v0  }
0x2c2: {  	v3 =	vld.idx.msk [tilespmem:v8+s30+$0x0], $0xffff;
	v8 =	vadd.s32 s14, v0;
	s14 =	simm.s32 $0xE;
	[tilespmem:s11+$0xFFFFFF00] =	vst v9  }
0x2c3: {  	s15 =	simm.s32 $0x8;
	v6 =	vld.idx.msk [tilespmem:v15+s30+$0x0], $0xffff;
	[tilespmem:s11+$0xFFFFFF80] =	vst v12;
	v9 =	vadd.s32 s14, v0  }
0x2c4: {  	s12 =	simm.s32 $0x10;
	v7 =	vadd.s32 s15, v0;
	v2 =	vld.idx.msk [tilespmem:v13+s30+$0x0], $0xffff;
	s14 =	simm.s32 $0x17;
	s13 =	simm.s32 $0x18;
	[tilespmem:s11+$0x0] =	vst v14  }
.LBB2_51:
0x2c5: {  	p0 =	slt.u32 s13, $0x38;
	s15 =	sadd.s32 $0x1, s12;
	v12 =	vadd.s32 s14, v0;
	v13 =	vld.idx.msk [tilespmem:v10+s30+$0x0], $0xffff;
	[tilespmem:s11+$0x80] =	vst v5  }
0x2c6: {  	s14 =	sadd.s32 $0x2, s12;
	v14 =	vadd.s32 s15, v0;
	v15 =	vld.idx.msk [tilespmem:v11+s30+$0x0], $0xffff;
	[tilespmem:s11+$0x100] =	vst v4  }
0x2c7: {  	v16 =	vadd.s32 s14, v0;
	s14 =	sadd.s32 $0x3, s12;
	v5 =	vld.idx.msk [tilespmem:v8+s30+$0x0], $0xffff;
	[tilespmem:s11+$0xFFFFFE00] =	vst v3;
	s11 =	sadd.s32 $0x800, s11  }
.Ltmp24:
0x2c8: {  	v10 =	vadd.s32 s14, v0;
	s14 =	sadd.s32 $0x4, s12;
	v4 =	vld.idx.msk [tilespmem:v9+s30+$0x0], $0xffff;
	[tilespmem:s11+$0x180] =	vst v1;
	(pc) =	sbr.rel @p0 .LBB2_51-.Ltmp24, $4  }
0x2c9: {  	v11 =	vadd.s32 s14, v0;
	s14 =	sadd.s32 $0x5, s12;
	v3 =	vld.idx.msk [tilespmem:v7+s30+$0x0], $0xffff;
	[tilespmem:s11+$0xFFFFFE80] =	vst v2  }
0x2ca: {  	v8 =	vadd.s32 s14, v0;
	s14 =	sadd.s32 $0x6, s12;
	v1 =	vld.idx.msk [tilespmem:v12+s30+$0x0], $0xffff;
	[tilespmem:s11+$0xFFFFFF00] =	vst v6  }
0x2cb: {  	v9 =	vadd.s32 s14, v0;
	v2 =	vld.idx.msk [tilespmem:v14+s30+$0x0], $0xffff;
	[tilespmem:s11+$0xFFFFFF80] =	vst v13  }
0x2cc: {  	v7 =	vadd.s32 s12, v0;
	s12 =	smov.u32 s13;
	s14 =	sadd.s32 $0x7, s13;
	s13 =	sadd.s32 $0x8, s13;
	v6 =	vld.idx.msk [tilespmem:v16+s30+$0x0], $0xffff;
	[tilespmem:s11+$0x0] =	vst v15  }
0x2cd: {  	_ =	sdelay $0x2  }
0x2ce: {  	[tilespmem:s11+$0x80] =	vst v5  }
0x2cf: {  	v55 =	vadd.s32 s14, v0;
	v10 =	vld.idx.msk [tilespmem:v10+s30+$0x0], $0xffff;
	[tilespmem:s11+$0x100] =	vst v4  }
0x2d0: {  	s13 =	sadd.s32 $0x1, s12;
	v11 =	vld.idx.msk [tilespmem:v11+s30+$0x0], $0xffff;
	v62 =	vadd.s32 s12, v0;
	[tilespmem:s11+$0xFFFFFE00] =	vst v3;
	s11 =	sadd.s32 $0x800, s11  }
0x2d1: {  	s15 =	sadd.s32 $0x2, s12;
	v8 =	vld.idx.msk [tilespmem:v8+s30+$0x0], $0xffff;
	v56 =	vadd.s32 s13, v0;
	[tilespmem:s11+$0x180] =	vst v1  }
0x2d2: {  	s14 =	sadd.s32 $0x3, s12;
	v9 =	vld.idx.msk [tilespmem:v9+s30+$0x0], $0xffff;
	v57 =	vadd.s32 s15, v0;
	[tilespmem:s11+$0xFFFFFE80] =	vst v2  }
0x2d3: {  	v7 =	vld.idx.msk [tilespmem:v7+s30+$0x0], $0xffff;
	v58 =	vadd.s32 s14, v0;
	s15 =	sadd.s32 $0x4, s12;
	[tilespmem:s11+$0xFFFFFF00] =	vst v6  }
0x2d4: {  	s14 =	sadd.s32 $0x5, s12;
	v59 =	vadd.s32 s15, v0;
	s15 =	sadd.s32 $0x6, s12;
	v5 =	vld.idx.msk [tilespmem:v55+s30+$0x0], $0xffff;
	[tilespmem:s11+$0xFFFFFF80] =	vst v10  }
0x2d5: {  	v60 =	vadd.s32 s14, v0;
	v61 =	vadd.s32 s15, v0;
	[tilespmem:s11+$0x0] =	vst v11;
	v0 =	vld.idx.msk [tilespmem:v62+s30+$0x0], $0xffff  }
0x2d6: {  	[tilespmem:s11+$0x80] =	vst v8;
	v4 =	vld.idx.msk [tilespmem:v56+s30+$0x0], $0xffff  }
0x2d7: {  	[tilespmem:s11+$0x100] =	vst v9;
	v3 =	vld.idx.msk [tilespmem:v57+s30+$0x0], $0xffff  }
0x2d8: {  	[tilespmem:s11+$0xFFFFFE00] =	vst v7;
	s11 =	sadd.s32 $0x800, s11;
	v1 =	vld.idx.msk [tilespmem:v58+s30+$0x0], $0xffff  }
0x2d9: {  	v2 =	vld.idx.msk [tilespmem:v59+s30+$0x0], $0xffff;
	[tilespmem:s11+$0x180] =	vst v5  }
0x2da: {  	s10 =	sadd.s32 $0x1, s10;
	v6 =	vld.idx.msk [tilespmem:v60+s30+$0x0], $0xffff;
	[tilespmem:s11+$0xFFFFFE00] =	vst v0  }
0x2db: {  	p0 =	sne.s32 s10, $0x10;
	v63 =	vld.idx.msk [tilespmem:v61+s30+$0x0], $0xffff;
	[tilespmem:s11+$0xFFFFFE80] =	vst v4  }
.Ltmp25:
0x2dc: {  	[tilespmem:s11+$0xFFFFFF00] =	vst v3;
	(pc) =	sbr.rel @p0 .LBB2_50-.Ltmp25, $4  }
0x2dd: {  	[tilespmem:s11+$0xFFFFFF80] =	vst v1  }
0x2de: {  	[tilespmem:s11+$0x0] =	vst v2  }
0x2df: {  	[tilespmem:s11+$0x80] =	vst v6  }
0x2e0: {  	s9 =	sadd.s32 $0x80, s9;
	s8 =	sadd.s32 $0x1, s8;
	[tilespmem:s11+$0x100] =	vst v63  }
0x2e1: {  	[hbm4b:s17+s31] =	stream.strided.scatter [tilespmem:s0], [sflag:$0x1], $0x4000, s28, s31, $0x38;
	[tilespmem:$0x1DE00] =	vst v63  }
0x2e2: {  	_ =	swait.ge [sflag:s3], $0x4000  }
0x2e3: {  	s7 =	simm.s32 $0x0;
	s8 =	simm.s32 $0x0;
	[sflag:s3] =	ssyncset.done $0x0  }
0x2e4: {  	s9 =	simm.s32 $0x0;
	s10 =	simm.s32 $0x0;
	[sflag:s3] =	ssyncadd.s32 $0xFFFFC000  }
.LBB2_54:
0x2e5: {  	s11 =	sshll.u32 s10, $0x4;
	s12 =	sshll.u32 s10, $0x7  }
0x2e6: {  	s11 =	sand.u32 $0x70, s11;
	s12 =	sand.u32 $0x400, s12  }
0x2e7: {  	s11 =	sor.u32 s11, s12  }
0x2e8: {  	v0 =	vld [tilespmem:s11+$0xB00];
	_ =	sdelay $0x4  }
0x2e9: {  	v0 =	vmul.u32 $0x41, v0  }
0x2ea: {  	s12 =	simm.s32 $0x7  }
0x2eb: {  	s13 =	simm.s32 $0x1;
	v1 =	vadd.s32 s12, v0  }
0x2ec: {  	s14 =	simm.s32 $0x2;
	v2 =	vadd.s32 s13, v0  }
0x2ed: {  	s15 =	simm.s32 $0x3;
	v3 =	vadd.s32 s14, v0  }
0x2ee: {  	v4 =	vadd.s32 s15, v0;
	s12 =	simm.s32 $0x4  }
0x2ef: {  	s13 =	simm.s32 $0x5;
	v5 =	vadd.s32 s12, v0  }
0x2f0: {  	s14 =	simm.s32 $0x6;
	v6 =	vadd.s32 s13, v0;
	v1 =	vld.idx.msk [tilespmem:v1+s30+$0x0], $0xffff  }
0x2f1: {  	s15 =	sshll.u32 s9, $0x2;
	s13 =	sand.u32 $0x7, s8;
	v7 =	vadd.s32 s14, v0;
	s14 =	simm.s32 $0xF;
	v2 =	vld.idx.msk [tilespmem:v2+s30+$0x0], $0xffff  }
0x2f2: {  	s12 =	sand.u32 $0xFFFFF000, s15;
	s13 =	sshll.u32 s13, $0x6;
	v11 =	vadd.s32 s14, v0;
	v9 =	vld.idx.msk [tilespmem:v3+s30+$0x0], $0xffff  }
0x2f3: {  	v8 =	vadd.s32 s7, v0;
	s14 =	simm.s32 $0xA;
	s11 =	sor.u32 s13, s12;
	v12 =	vld.idx.msk [tilespmem:v4+s30+$0x0], $0xffff  }
0x2f4: {  	s15 =	simm.s32 $0x9;
	v15 =	vadd.s32 s14, v0;
	s11 =	sshrl.u32 s11, $0x2;
	v14 =	vld.idx.msk [tilespmem:v5+s30+$0x0], $0xffff  }
0x2f5: {  	v13 =	vadd.s32 s15, v0;
	s15 =	simm.s32 $0xB;
	s11 =	sadd.s32 $0x15E00, s11;
	v5 =	vld.idx.msk [tilespmem:v6+s30+$0x0], $0xffff  }
0x2f6: {  	v10 =	vadd.s32 s15, v0;
	s13 =	simm.s32 $0xC;
	v4 =	vld.idx.msk [tilespmem:v7+s30+$0x0], $0xffff;
	[tilespmem:s11+$0x380] =	vst v1  }
0x2f7: {  	s14 =	simm.s32 $0xD;
	[tilespmem:s11+$0x80] =	vst v2;
	v1 =	vld.idx.msk [tilespmem:v11+s30+$0x0], $0xffff;
	v11 =	vadd.s32 s13, v0  }
0x2f8: {  	v3 =	vld.idx.msk [tilespmem:v8+s30+$0x0], $0xffff;
	v8 =	vadd.s32 s14, v0;
	s14 =	simm.s32 $0xE;
	[tilespmem:s11+$0x100] =	vst v9  }
0x2f9: {  	s15 =	simm.s32 $0x8;
	v6 =	vld.idx.msk [tilespmem:v15+s30+$0x0], $0xffff;
	[tilespmem:s11+$0x180] =	vst v12;
	v9 =	vadd.s32 s14, v0  }
0x2fa: {  	s12 =	simm.s32 $0x10;
	v7 =	vadd.s32 s15, v0;
	v2 =	vld.idx.msk [tilespmem:v13+s30+$0x0], $0xffff;
	s14 =	simm.s32 $0x17;
	s13 =	simm.s32 $0x18;
	[tilespmem:s11+$0x200] =	vst v14  }
.LBB2_55:
0x2fb: {  	p0 =	slt.u32 s13, $0x38;
	s15 =	sadd.s32 $0x1, s12;
	v12 =	vadd.s32 s14, v0;
	v13 =	vld.idx.msk [tilespmem:v10+s30+$0x0], $0xffff;
	[tilespmem:s11+$0x280] =	vst v5  }
0x2fc: {  	s14 =	sadd.s32 $0x2, s12;
	v14 =	vadd.s32 s15, v0;
	v15 =	vld.idx.msk [tilespmem:v11+s30+$0x0], $0xffff;
	[tilespmem:s11+$0x300] =	vst v4  }
0x2fd: {  	v16 =	vadd.s32 s14, v0;
	s14 =	sadd.s32 $0x3, s12;
	v5 =	vld.idx.msk [tilespmem:v8+s30+$0x0], $0xffff;
	[tilespmem:s11+$0x0] =	vst v3;
	s11 =	sadd.s32 $0x800, s11  }
.Ltmp26:
0x2fe: {  	v10 =	vadd.s32 s14, v0;
	s14 =	sadd.s32 $0x4, s12;
	v4 =	vld.idx.msk [tilespmem:v9+s30+$0x0], $0xffff;
	[tilespmem:s11+$0x380] =	vst v1;
	(pc) =	sbr.rel @p0 .LBB2_55-.Ltmp26, $4  }
0x2ff: {  	v11 =	vadd.s32 s14, v0;
	s14 =	sadd.s32 $0x5, s12;
	v3 =	vld.idx.msk [tilespmem:v7+s30+$0x0], $0xffff;
	[tilespmem:s11+$0x80] =	vst v2  }
0x300: {  	v8 =	vadd.s32 s14, v0;
	s14 =	sadd.s32 $0x6, s12;
	v1 =	vld.idx.msk [tilespmem:v12+s30+$0x0], $0xffff;
	[tilespmem:s11+$0x100] =	vst v6  }
0x301: {  	v9 =	vadd.s32 s14, v0;
	v2 =	vld.idx.msk [tilespmem:v14+s30+$0x0], $0xffff;
	[tilespmem:s11+$0x180] =	vst v13  }
0x302: {  	v7 =	vadd.s32 s12, v0;
	s12 =	smov.u32 s13;
	s14 =	sadd.s32 $0x7, s13;
	s13 =	sadd.s32 $0x8, s13;
	v6 =	vld.idx.msk [tilespmem:v16+s30+$0x0], $0xffff;
	[tilespmem:s11+$0x200] =	vst v15  }
0x303: {  	_ =	sdelay $0x2  }
0x304: {  	[tilespmem:s11+$0x280] =	vst v5  }
0x305: {  	v55 =	vadd.s32 s14, v0;
	v10 =	vld.idx.msk [tilespmem:v10+s30+$0x0], $0xffff;
	[tilespmem:s11+$0x300] =	vst v4  }
0x306: {  	s13 =	sadd.s32 $0x1, s12;
	v11 =	vld.idx.msk [tilespmem:v11+s30+$0x0], $0xffff;
	v62 =	vadd.s32 s12, v0;
	[tilespmem:s11+$0x0] =	vst v3;
	s11 =	sadd.s32 $0x800, s11  }
0x307: {  	s15 =	sadd.s32 $0x2, s12;
	v8 =	vld.idx.msk [tilespmem:v8+s30+$0x0], $0xffff;
	v56 =	vadd.s32 s13, v0;
	[tilespmem:s11+$0x380] =	vst v1  }
0x308: {  	s14 =	sadd.s32 $0x3, s12;
	v9 =	vld.idx.msk [tilespmem:v9+s30+$0x0], $0xffff;
	v57 =	vadd.s32 s15, v0;
	[tilespmem:s11+$0x80] =	vst v2  }
0x309: {  	v7 =	vld.idx.msk [tilespmem:v7+s30+$0x0], $0xffff;
	v58 =	vadd.s32 s14, v0;
	s15 =	sadd.s32 $0x4, s12;
	[tilespmem:s11+$0x100] =	vst v6  }
0x30a: {  	s14 =	sadd.s32 $0x5, s12;
	v59 =	vadd.s32 s15, v0;
	s15 =	sadd.s32 $0x6, s12;
	v5 =	vld.idx.msk [tilespmem:v55+s30+$0x0], $0xffff;
	[tilespmem:s11+$0x180] =	vst v10  }
0x30b: {  	v60 =	vadd.s32 s14, v0;
	v61 =	vadd.s32 s15, v0;
	[tilespmem:s11+$0x200] =	vst v11;
	v0 =	vld.idx.msk [tilespmem:v62+s30+$0x0], $0xffff  }
0x30c: {  	[tilespmem:s11+$0x280] =	vst v8;
	v4 =	vld.idx.msk [tilespmem:v56+s30+$0x0], $0xffff  }
0x30d: {  	[tilespmem:s11+$0x300] =	vst v9;
	v3 =	vld.idx.msk [tilespmem:v57+s30+$0x0], $0xffff  }
0x30e: {  	[tilespmem:s11+$0x0] =	vst v7;
	s11 =	sadd.s32 $0x800, s11;
	v1 =	vld.idx.msk [tilespmem:v58+s30+$0x0], $0xffff  }
0x30f: {  	v2 =	vld.idx.msk [tilespmem:v59+s30+$0x0], $0xffff;
	[tilespmem:s11+$0x380] =	vst v5  }
0x310: {  	s10 =	sadd.s32 $0x1, s10;
	v6 =	vld.idx.msk [tilespmem:v60+s30+$0x0], $0xffff;
	[tilespmem:s11+$0x0] =	vst v0  }
0x311: {  	p0 =	sne.s32 s10, $0x10;
	v63 =	vld.idx.msk [tilespmem:v61+s30+$0x0], $0xffff;
	[tilespmem:s11+$0x80] =	vst v4  }
.Ltmp27:
0x312: {  	[tilespmem:s11+$0x100] =	vst v3;
	(pc) =	sbr.rel @p0 .LBB2_54-.Ltmp27, $4  }
0x313: {  	[tilespmem:s11+$0x180] =	vst v1  }
0x314: {  	[tilespmem:s11+$0x200] =	vst v2  }
0x315: {  	[tilespmem:s11+$0x280] =	vst v6  }
0x316: {  	s9 =	sadd.s32 $0x80, s9;
	s8 =	sadd.s32 $0x1, s8;
	[tilespmem:s11+$0x300] =	vst v63  }
0x317: {  	[hbm4b:s18+s31] =	stream.strided.scatter [tilespmem:s1], [sflag:$0x2], $0x4000, s28, s31, $0x38;
	[tilespmem:$0x1DE00] =	vst v63  }
0x318: {  	_ =	swait.ge [sflag:s5], $0x4000  }
0x319: {  	s7 =	simm.s32 $0x0;
	s8 =	simm.s32 $0x0;
	[sflag:s5] =	ssyncset.done $0x0  }
0x31a: {  	s9 =	simm.s32 $0x0;
	s10 =	simm.s32 $0x0;
	[sflag:s5] =	ssyncadd.s32 $0xFFFFC000  }
.LBB2_58:
0x31b: {  	s11 =	sshll.u32 s10, $0x4;
	s12 =	sshll.u32 s10, $0x7  }
0x31c: {  	s11 =	sor.u32 s12, s11  }
0x31d: {  	s11 =	sor.u32 $0x380, s11  }
0x31e: {  	v0 =	vld [tilespmem:s11+$0x0];
	_ =	sdelay $0x4  }
0x31f: {  	v0 =	vmul.u32 $0x41, v0  }
0x320: {  	s12 =	simm.s32 $0x7  }
0x321: {  	s13 =	simm.s32 $0x1;
	v1 =	vadd.s32 s12, v0  }
0x322: {  	s14 =	simm.s32 $0x2;
	v2 =	vadd.s32 s13, v0  }
0x323: {  	s15 =	simm.s32 $0x3;
	v3 =	vadd.s32 s14, v0  }
0x324: {  	v4 =	vadd.s32 s15, v0;
	s12 =	simm.s32 $0x4  }
0x325: {  	s13 =	simm.s32 $0x5;
	v5 =	vadd.s32 s12, v0  }
0x326: {  	s14 =	simm.s32 $0x6;
	v6 =	vadd.s32 s13, v0;
	v1 =	vld.idx.msk [tilespmem:v1+s30+$0x0], $0xffff  }
0x327: {  	s15 =	sshll.u32 s9, $0x2;
	s13 =	sand.u32 $0x7, s8;
	v7 =	vadd.s32 s14, v0;
	s14 =	simm.s32 $0xF;
	v2 =	vld.idx.msk [tilespmem:v2+s30+$0x0], $0xffff  }
0x328: {  	s12 =	sand.u32 $0xFFFFF000, s15;
	s13 =	sshll.u32 s13, $0x6;
	v11 =	vadd.s32 s14, v0;
	v9 =	vld.idx.msk [tilespmem:v3+s30+$0x0], $0xffff  }
0x329: {  	v8 =	vadd.s32 s7, v0;
	s14 =	simm.s32 $0xA;
	s11 =	sor.u32 s13, s12;
	v12 =	vld.idx.msk [tilespmem:v4+s30+$0x0], $0xffff  }
0x32a: {  	s15 =	simm.s32 $0x9;
	v15 =	vadd.s32 s14, v0;
	s11 =	sshrl.u32 s11, $0x2;
	v14 =	vld.idx.msk [tilespmem:v5+s30+$0x0], $0xffff  }
0x32b: {  	v13 =	vadd.s32 s15, v0;
	s15 =	simm.s32 $0xB;
	s11 =	sadd.s32 $0x19E00, s11;
	v5 =	vld.idx.msk [tilespmem:v6+s30+$0x0], $0xffff  }
0x32c: {  	v10 =	vadd.s32 s15, v0;
	s13 =	simm.s32 $0xC;
	v4 =	vld.idx.msk [tilespmem:v7+s30+$0x0], $0xffff;
	[tilespmem:s11+$0x380] =	vst v1  }
0x32d: {  	s14 =	simm.s32 $0xD;
	[tilespmem:s11+$0x80] =	vst v2;
	v1 =	vld.idx.msk [tilespmem:v11+s30+$0x0], $0xffff;
	v11 =	vadd.s32 s13, v0  }
0x32e: {  	v3 =	vld.idx.msk [tilespmem:v8+s30+$0x0], $0xffff;
	v8 =	vadd.s32 s14, v0;
	s14 =	simm.s32 $0xE;
	[tilespmem:s11+$0x100] =	vst v9  }
0x32f: {  	s15 =	simm.s32 $0x8;
	v6 =	vld.idx.msk [tilespmem:v15+s30+$0x0], $0xffff;
	[tilespmem:s11+$0x180] =	vst v12;
	v9 =	vadd.s32 s14, v0  }
0x330: {  	s12 =	simm.s32 $0x10;
	v7 =	vadd.s32 s15, v0;
	v2 =	vld.idx.msk [tilespmem:v13+s30+$0x0], $0xffff;
	s14 =	simm.s32 $0x17;
	s13 =	simm.s32 $0x18;
	[tilespmem:s11+$0x200] =	vst v14  }
.LBB2_59:
0x331: {  	p0 =	slt.u32 s13, $0x38;
	s15 =	sadd.s32 $0x1, s12;
	v12 =	vadd.s32 s14, v0;
	v13 =	vld.idx.msk [tilespmem:v10+s30+$0x0], $0xffff;
	[tilespmem:s11+$0x280] =	vst v5  }
0x332: {  	s14 =	sadd.s32 $0x2, s12;
	v14 =	vadd.s32 s15, v0;
	v15 =	vld.idx.msk [tilespmem:v11+s30+$0x0], $0xffff;
	[tilespmem:s11+$0x300] =	vst v4  }
0x333: {  	v16 =	vadd.s32 s14, v0;
	s14 =	sadd.s32 $0x3, s12;
	v5 =	vld.idx.msk [tilespmem:v8+s30+$0x0], $0xffff;
	[tilespmem:s11+$0x0] =	vst v3;
	s11 =	sadd.s32 $0x800, s11  }
.Ltmp28:
0x334: {  	v10 =	vadd.s32 s14, v0;
	s14 =	sadd.s32 $0x4, s12;
	v4 =	vld.idx.msk [tilespmem:v9+s30+$0x0], $0xffff;
	[tilespmem:s11+$0x380] =	vst v1;
	(pc) =	sbr.rel @p0 .LBB2_59-.Ltmp28, $4  }
0x335: {  	v11 =	vadd.s32 s14, v0;
	s14 =	sadd.s32 $0x5, s12;
	v3 =	vld.idx.msk [tilespmem:v7+s30+$0x0], $0xffff;
	[tilespmem:s11+$0x80] =	vst v2  }
0x336: {  	v8 =	vadd.s32 s14, v0;
	s14 =	sadd.s32 $0x6, s12;
	v1 =	vld.idx.msk [tilespmem:v12+s30+$0x0], $0xffff;
	[tilespmem:s11+$0x100] =	vst v6  }
0x337: {  	v9 =	vadd.s32 s14, v0;
	v2 =	vld.idx.msk [tilespmem:v14+s30+$0x0], $0xffff;
	[tilespmem:s11+$0x180] =	vst v13  }
0x338: {  	v7 =	vadd.s32 s12, v0;
	s12 =	smov.u32 s13;
	s14 =	sadd.s32 $0x7, s13;
	s13 =	sadd.s32 $0x8, s13;
	v6 =	vld.idx.msk [tilespmem:v16+s30+$0x0], $0xffff;
	[tilespmem:s11+$0x200] =	vst v15  }
0x339: {  	_ =	sdelay $0x2  }
0x33a: {  	[tilespmem:s11+$0x280] =	vst v5  }
0x33b: {  	v55 =	vadd.s32 s14, v0;
	v10 =	vld.idx.msk [tilespmem:v10+s30+$0x0], $0xffff;
	[tilespmem:s11+$0x300] =	vst v4  }
0x33c: {  	s13 =	sadd.s32 $0x1, s12;
	v11 =	vld.idx.msk [tilespmem:v11+s30+$0x0], $0xffff;
	v62 =	vadd.s32 s12, v0;
	[tilespmem:s11+$0x0] =	vst v3;
	s11 =	sadd.s32 $0x800, s11  }
0x33d: {  	s15 =	sadd.s32 $0x2, s12;
	v8 =	vld.idx.msk [tilespmem:v8+s30+$0x0], $0xffff;
	v56 =	vadd.s32 s13, v0;
	[tilespmem:s11+$0x380] =	vst v1  }
0x33e: {  	s14 =	sadd.s32 $0x3, s12;
	v9 =	vld.idx.msk [tilespmem:v9+s30+$0x0], $0xffff;
	v57 =	vadd.s32 s15, v0;
	[tilespmem:s11+$0x80] =	vst v2  }
0x33f: {  	v7 =	vld.idx.msk [tilespmem:v7+s30+$0x0], $0xffff;
	v58 =	vadd.s32 s14, v0;
	s15 =	sadd.s32 $0x4, s12;
	[tilespmem:s11+$0x100] =	vst v6  }
0x340: {  	s14 =	sadd.s32 $0x5, s12;
	v59 =	vadd.s32 s15, v0;
	s15 =	sadd.s32 $0x6, s12;
	v5 =	vld.idx.msk [tilespmem:v55+s30+$0x0], $0xffff;
	[tilespmem:s11+$0x180] =	vst v10  }
0x341: {  	v60 =	vadd.s32 s14, v0;
	v61 =	vadd.s32 s15, v0;
	[tilespmem:s11+$0x200] =	vst v11;
	v0 =	vld.idx.msk [tilespmem:v62+s30+$0x0], $0xffff  }
0x342: {  	[tilespmem:s11+$0x280] =	vst v8;
	v4 =	vld.idx.msk [tilespmem:v56+s30+$0x0], $0xffff  }
0x343: {  	[tilespmem:s11+$0x300] =	vst v9;
	v3 =	vld.idx.msk [tilespmem:v57+s30+$0x0], $0xffff  }
0x344: {  	[tilespmem:s11+$0x0] =	vst v7;
	s11 =	sadd.s32 $0x800, s11;
	v1 =	vld.idx.msk [tilespmem:v58+s30+$0x0], $0xffff  }
0x345: {  	v2 =	vld.idx.msk [tilespmem:v59+s30+$0x0], $0xffff;
	[tilespmem:s11+$0x380] =	vst v5  }
0x346: {  	s10 =	sadd.s32 $0x1, s10;
	v6 =	vld.idx.msk [tilespmem:v60+s30+$0x0], $0xffff;
	[tilespmem:s11+$0x0] =	vst v0  }
0x347: {  	p0 =	sne.s32 s10, $0x10;
	v63 =	vld.idx.msk [tilespmem:v61+s30+$0x0], $0xffff;
	[tilespmem:s11+$0x80] =	vst v4  }
.Ltmp29:
0x348: {  	[tilespmem:s11+$0x100] =	vst v3;
	(pc) =	sbr.rel @p0 .LBB2_58-.Ltmp29, $4  }
0x349: {  	[tilespmem:s11+$0x180] =	vst v1  }
0x34a: {  	[tilespmem:s11+$0x200] =	vst v2  }
0x34b: {  	[tilespmem:s11+$0x280] =	vst v6  }
0x34c: {  	s9 =	sadd.s32 $0x80, s9;
	s8 =	sadd.s32 $0x1, s8;
	[tilespmem:s11+$0x300] =	vst v63  }
0x34d: {  	[hbm4b:s19+s31] =	stream.strided.scatter [tilespmem:s26], [sflag:$0x3], $0x4000, s28, s31, $0x38;
	[tilespmem:$0x1DE00] =	vst v63  }
0x34e: {  	_ =	swait.ge [sflag:s2], $0x4000  }
0x34f: {  	s7 =	simm.s32 $0x0;
	s8 =	simm.s32 $0x0;
	[sflag:s2] =	ssyncset.done $0x0  }
0x350: {  	s9 =	simm.s32 $0x0;
	s10 =	simm.s32 $0x0;
	[sflag:s2] =	ssyncadd.s32 $0xFFFFC000  }
.LBB2_62:
0x351: {  	s11 =	sshll.u32 s10, $0x4;
	s12 =	sshll.u32 s10, $0x7  }
0x352: {  	s11 =	sand.u32 $0x70, s11;
	s12 =	sand.u32 $0x400, s12  }
0x353: {  	s11 =	sor.u32 s11, s12  }
0x354: {  	v0 =	vld [tilespmem:s11+$0xB80];
	_ =	sdelay $0x4  }
0x355: {  	v0 =	vmul.u32 $0x41, v0  }
0x356: {  	s12 =	simm.s32 $0x7  }
0x357: {  	s13 =	simm.s32 $0x1;
	v1 =	vadd.s32 s12, v0  }
0x358: {  	s14 =	simm.s32 $0x2;
	v2 =	vadd.s32 s13, v0  }
0x359: {  	s15 =	simm.s32 $0x3;
	v3 =	vadd.s32 s14, v0  }
0x35a: {  	v4 =	vadd.s32 s15, v0;
	s12 =	simm.s32 $0x4  }
0x35b: {  	s13 =	simm.s32 $0x5;
	v5 =	vadd.s32 s12, v0  }
0x35c: {  	s14 =	simm.s32 $0x6;
	v6 =	vadd.s32 s13, v0;
	v1 =	vld.idx.msk [tilespmem:v1+s30+$0x0], $0xffff  }
0x35d: {  	s15 =	sshll.u32 s9, $0x2;
	s13 =	sand.u32 $0x7, s8;
	v7 =	vadd.s32 s14, v0;
	s14 =	simm.s32 $0xF;
	v2 =	vld.idx.msk [tilespmem:v2+s30+$0x0], $0xffff  }
0x35e: {  	s12 =	sand.u32 $0xFFFFF000, s15;
	s13 =	sshll.u32 s13, $0x6;
	v11 =	vadd.s32 s14, v0;
	v9 =	vld.idx.msk [tilespmem:v3+s30+$0x0], $0xffff  }
0x35f: {  	v8 =	vadd.s32 s7, v0;
	s14 =	simm.s32 $0xA;
	s11 =	sor.u32 s13, s12;
	v12 =	vld.idx.msk [tilespmem:v4+s30+$0x0], $0xffff  }
0x360: {  	s15 =	simm.s32 $0x9;
	v15 =	vadd.s32 s14, v0;
	s11 =	sshrl.u32 s11, $0x2;
	v14 =	vld.idx.msk [tilespmem:v5+s30+$0x0], $0xffff  }
0x361: {  	v13 =	vadd.s32 s15, v0;
	s15 =	simm.s32 $0xB;
	s11 =	sadd.s32 $0x12000, s11;
	v5 =	vld.idx.msk [tilespmem:v6+s30+$0x0], $0xffff  }
0x362: {  	v10 =	vadd.s32 s15, v0;
	s13 =	simm.s32 $0xC;
	v4 =	vld.idx.msk [tilespmem:v7+s30+$0x0], $0xffff;
	[tilespmem:s11+$0x180] =	vst v1  }
0x363: {  	s14 =	simm.s32 $0xD;
	[tilespmem:s11+$0xFFFFFE80] =	vst v2;
	v1 =	vld.idx.msk [tilespmem:v11+s30+$0x0], $0xffff;
	v11 =	vadd.s32 s13, v0  }
0x364: {  	v3 =	vld.idx.msk [tilespmem:v8+s30+$0x0], $0xffff;
	v8 =	vadd.s32 s14, v0;
	s14 =	simm.s32 $0xE;
	[tilespmem:s11+$0xFFFFFF00] =	vst v9  }
0x365: {  	s15 =	simm.s32 $0x8;
	v6 =	vld.idx.msk [tilespmem:v15+s30+$0x0], $0xffff;
	[tilespmem:s11+$0xFFFFFF80] =	vst v12;
	v9 =	vadd.s32 s14, v0  }
0x366: {  	s12 =	simm.s32 $0x10;
	v7 =	vadd.s32 s15, v0;
	v2 =	vld.idx.msk [tilespmem:v13+s30+$0x0], $0xffff;
	s14 =	simm.s32 $0x17;
	s13 =	simm.s32 $0x18;
	[tilespmem:s11+$0x0] =	vst v14  }
.LBB2_63:
0x367: {  	p0 =	slt.u32 s13, $0x38;
	s15 =	sadd.s32 $0x1, s12;
	v12 =	vadd.s32 s14, v0;
	v13 =	vld.idx.msk [tilespmem:v10+s30+$0x0], $0xffff;
	[tilespmem:s11+$0x80] =	vst v5  }
0x368: {  	s14 =	sadd.s32 $0x2, s12;
	v14 =	vadd.s32 s15, v0;
	v15 =	vld.idx.msk [tilespmem:v11+s30+$0x0], $0xffff;
	[tilespmem:s11+$0x100] =	vst v4  }
0x369: {  	v16 =	vadd.s32 s14, v0;
	s14 =	sadd.s32 $0x3, s12;
	v5 =	vld.idx.msk [tilespmem:v8+s30+$0x0], $0xffff;
	[tilespmem:s11+$0xFFFFFE00] =	vst v3;
	s11 =	sadd.s32 $0x800, s11  }
.Ltmp30:
0x36a: {  	v10 =	vadd.s32 s14, v0;
	s14 =	sadd.s32 $0x4, s12;
	v4 =	vld.idx.msk [tilespmem:v9+s30+$0x0], $0xffff;
	[tilespmem:s11+$0x180] =	vst v1;
	(pc) =	sbr.rel @p0 .LBB2_63-.Ltmp30, $4  }
0x36b: {  	v11 =	vadd.s32 s14, v0;
	s14 =	sadd.s32 $0x5, s12;
	v3 =	vld.idx.msk [tilespmem:v7+s30+$0x0], $0xffff;
	[tilespmem:s11+$0xFFFFFE80] =	vst v2  }
0x36c: {  	v8 =	vadd.s32 s14, v0;
	s14 =	sadd.s32 $0x6, s12;
	v1 =	vld.idx.msk [tilespmem:v12+s30+$0x0], $0xffff;
	[tilespmem:s11+$0xFFFFFF00] =	vst v6  }
0x36d: {  	v9 =	vadd.s32 s14, v0;
	v2 =	vld.idx.msk [tilespmem:v14+s30+$0x0], $0xffff;
	[tilespmem:s11+$0xFFFFFF80] =	vst v13  }
0x36e: {  	v7 =	vadd.s32 s12, v0;
	s12 =	smov.u32 s13;
	s14 =	sadd.s32 $0x7, s13;
	s13 =	sadd.s32 $0x8, s13;
	v6 =	vld.idx.msk [tilespmem:v16+s30+$0x0], $0xffff;
	[tilespmem:s11+$0x0] =	vst v15  }
0x36f: {  	_ =	sdelay $0x2  }
0x370: {  	[tilespmem:s11+$0x80] =	vst v5  }
0x371: {  	v55 =	vadd.s32 s14, v0;
	v10 =	vld.idx.msk [tilespmem:v10+s30+$0x0], $0xffff;
	[tilespmem:s11+$0x100] =	vst v4  }
0x372: {  	s13 =	sadd.s32 $0x1, s12;
	v11 =	vld.idx.msk [tilespmem:v11+s30+$0x0], $0xffff;
	v62 =	vadd.s32 s12, v0;
	[tilespmem:s11+$0xFFFFFE00] =	vst v3;
	s11 =	sadd.s32 $0x800, s11  }
0x373: {  	s15 =	sadd.s32 $0x2, s12;
	v8 =	vld.idx.msk [tilespmem:v8+s30+$0x0], $0xffff;
	v56 =	vadd.s32 s13, v0;
	[tilespmem:s11+$0x180] =	vst v1  }
0x374: {  	s14 =	sadd.s32 $0x3, s12;
	v9 =	vld.idx.msk [tilespmem:v9+s30+$0x0], $0xffff;
	v57 =	vadd.s32 s15, v0;
	[tilespmem:s11+$0xFFFFFE80] =	vst v2  }
0x375: {  	v7 =	vld.idx.msk [tilespmem:v7+s30+$0x0], $0xffff;
	v58 =	vadd.s32 s14, v0;
	s15 =	sadd.s32 $0x4, s12;
	[tilespmem:s11+$0xFFFFFF00] =	vst v6  }
0x376: {  	s14 =	sadd.s32 $0x5, s12;
	v59 =	vadd.s32 s15, v0;
	s15 =	sadd.s32 $0x6, s12;
	v5 =	vld.idx.msk [tilespmem:v55+s30+$0x0], $0xffff;
	[tilespmem:s11+$0xFFFFFF80] =	vst v10  }
0x377: {  	v60 =	vadd.s32 s14, v0;
	v61 =	vadd.s32 s15, v0;
	[tilespmem:s11+$0x0] =	vst v11;
	v0 =	vld.idx.msk [tilespmem:v62+s30+$0x0], $0xffff  }
0x378: {  	[tilespmem:s11+$0x80] =	vst v8;
	v4 =	vld.idx.msk [tilespmem:v56+s30+$0x0], $0xffff  }
0x379: {  	[tilespmem:s11+$0x100] =	vst v9;
	v3 =	vld.idx.msk [tilespmem:v57+s30+$0x0], $0xffff  }
0x37a: {  	[tilespmem:s11+$0xFFFFFE00] =	vst v7;
	s11 =	sadd.s32 $0x800, s11;
	v1 =	vld.idx.msk [tilespmem:v58+s30+$0x0], $0xffff  }
0x37b: {  	v2 =	vld.idx.msk [tilespmem:v59+s30+$0x0], $0xffff;
	[tilespmem:s11+$0x180] =	vst v5  }
0x37c: {  	s10 =	sadd.s32 $0x1, s10;
	v6 =	vld.idx.msk [tilespmem:v60+s30+$0x0], $0xffff;
	[tilespmem:s11+$0xFFFFFE00] =	vst v0  }
0x37d: {  	p0 =	sne.s32 s10, $0x10;
	v63 =	vld.idx.msk [tilespmem:v61+s30+$0x0], $0xffff;
	[tilespmem:s11+$0xFFFFFE80] =	vst v4  }
.Ltmp31:
0x37e: {  	[tilespmem:s11+$0xFFFFFF00] =	vst v3;
	(pc) =	sbr.rel @p0 .LBB2_62-.Ltmp31, $4  }
0x37f: {  	[tilespmem:s11+$0xFFFFFF80] =	vst v1  }
0x380: {  	[tilespmem:s11+$0x0] =	vst v2  }
0x381: {  	[tilespmem:s11+$0x80] =	vst v6  }
0x382: {  	s9 =	sadd.s32 $0x80, s9;
	s8 =	sadd.s32 $0x1, s8;
	[tilespmem:s11+$0x100] =	vst v63  }
0x383: {  	[hbm4b:s20+s31] =	stream.strided.scatter [tilespmem:s0], [sflag:$0x1], $0x4000, s28, s31, $0x38;
	[tilespmem:$0x1DE00] =	vst v63  }
0x384: {  	_ =	swait.ge [sflag:s3], $0x4000  }
0x385: {  	s7 =	simm.s32 $0x0;
	s8 =	simm.s32 $0x0;
	[sflag:s3] =	ssyncset.done $0x0  }
0x386: {  	s9 =	simm.s32 $0x0;
	s10 =	simm.s32 $0x0;
	[sflag:s3] =	ssyncadd.s32 $0xFFFFC000  }
.LBB2_66:
0x387: {  	s11 =	sshll.u32 s10, $0x4;
	s12 =	sshll.u32 s10, $0x7  }
0x388: {  	s11 =	sand.u32 $0x70, s11;
	s12 =	sand.u32 $0x400, s12  }
0x389: {  	s11 =	sor.u32 s11, s12  }
0x38a: {  	v0 =	vld [tilespmem:s11+$0x1000];
	_ =	sdelay $0x4  }
0x38b: {  	v0 =	vmul.u32 $0x41, v0  }
0x38c: {  	s12 =	simm.s32 $0x7  }
0x38d: {  	s13 =	simm.s32 $0x1;
	v1 =	vadd.s32 s12, v0  }
0x38e: {  	s14 =	simm.s32 $0x2;
	v2 =	vadd.s32 s13, v0  }
0x38f: {  	s15 =	simm.s32 $0x3;
	v3 =	vadd.s32 s14, v0  }
0x390: {  	v4 =	vadd.s32 s15, v0;
	s12 =	simm.s32 $0x4  }
0x391: {  	s13 =	simm.s32 $0x5;
	v5 =	vadd.s32 s12, v0  }
0x392: {  	s14 =	simm.s32 $0x6;
	v6 =	vadd.s32 s13, v0;
	v1 =	vld.idx.msk [tilespmem:v1+s30+$0x0], $0xffff  }
0x393: {  	s15 =	sshll.u32 s9, $0x2;
	s13 =	sand.u32 $0x7, s8;
	v7 =	vadd.s32 s14, v0;
	s14 =	simm.s32 $0xF;
	v2 =	vld.idx.msk [tilespmem:v2+s30+$0x0], $0xffff  }
0x394: {  	s12 =	sand.u32 $0xFFFFF000, s15;
	s13 =	sshll.u32 s13, $0x6;
	v11 =	vadd.s32 s14, v0;
	v9 =	vld.idx.msk [tilespmem:v3+s30+$0x0], $0xffff  }
0x395: {  	v8 =	vadd.s32 s7, v0;
	s14 =	simm.s32 $0xA;
	s11 =	sor.u32 s13, s12;
	v12 =	vld.idx.msk [tilespmem:v4+s30+$0x0], $0xffff  }
0x396: {  	s15 =	simm.s32 $0x9;
	v15 =	vadd.s32 s14, v0;
	s11 =	sshrl.u32 s11, $0x2;
	v14 =	vld.idx.msk [tilespmem:v5+s30+$0x0], $0xffff  }
0x397: {  	v13 =	vadd.s32 s15, v0;
	s15 =	simm.s32 $0xB;
	s11 =	sadd.s32 $0x15E00, s11;
	v5 =	vld.idx.msk [tilespmem:v6+s30+$0x0], $0xffff  }
0x398: {  	v10 =	vadd.s32 s15, v0;
	s13 =	simm.s32 $0xC;
	v4 =	vld.idx.msk [tilespmem:v7+s30+$0x0], $0xffff;
	[tilespmem:s11+$0x380] =	vst v1  }
0x399: {  	s14 =	simm.s32 $0xD;
	[tilespmem:s11+$0x80] =	vst v2;
	v1 =	vld.idx.msk [tilespmem:v11+s30+$0x0], $0xffff;
	v11 =	vadd.s32 s13, v0  }
0x39a: {  	v3 =	vld.idx.msk [tilespmem:v8+s30+$0x0], $0xffff;
	v8 =	vadd.s32 s14, v0;
	s14 =	simm.s32 $0xE;
	[tilespmem:s11+$0x100] =	vst v9  }
0x39b: {  	s15 =	simm.s32 $0x8;
	v6 =	vld.idx.msk [tilespmem:v15+s30+$0x0], $0xffff;
	[tilespmem:s11+$0x180] =	vst v12;
	v9 =	vadd.s32 s14, v0  }
0x39c: {  	s12 =	simm.s32 $0x10;
	v7 =	vadd.s32 s15, v0;
	v2 =	vld.idx.msk [tilespmem:v13+s30+$0x0], $0xffff;
	s14 =	simm.s32 $0x17;
	s13 =	simm.s32 $0x18;
	[tilespmem:s11+$0x200] =	vst v14  }
.LBB2_67:
0x39d: {  	p0 =	slt.u32 s13, $0x38;
	s15 =	sadd.s32 $0x1, s12;
	v12 =	vadd.s32 s14, v0;
	v13 =	vld.idx.msk [tilespmem:v10+s30+$0x0], $0xffff;
	[tilespmem:s11+$0x280] =	vst v5  }
0x39e: {  	s14 =	sadd.s32 $0x2, s12;
	v14 =	vadd.s32 s15, v0;
	v15 =	vld.idx.msk [tilespmem:v11+s30+$0x0], $0xffff;
	[tilespmem:s11+$0x300] =	vst v4  }
0x39f: {  	v16 =	vadd.s32 s14, v0;
	s14 =	sadd.s32 $0x3, s12;
	v5 =	vld.idx.msk [tilespmem:v8+s30+$0x0], $0xffff;
	[tilespmem:s11+$0x0] =	vst v3;
	s11 =	sadd.s32 $0x800, s11  }
.Ltmp32:
0x3a0: {  	v10 =	vadd.s32 s14, v0;
	s14 =	sadd.s32 $0x4, s12;
	v4 =	vld.idx.msk [tilespmem:v9+s30+$0x0], $0xffff;
	[tilespmem:s11+$0x380] =	vst v1;
	(pc) =	sbr.rel @p0 .LBB2_67-.Ltmp32, $4  }
0x3a1: {  	v11 =	vadd.s32 s14, v0;
	s14 =	sadd.s32 $0x5, s12;
	v3 =	vld.idx.msk [tilespmem:v7+s30+$0x0], $0xffff;
	[tilespmem:s11+$0x80] =	vst v2  }
0x3a2: {  	v8 =	vadd.s32 s14, v0;
	s14 =	sadd.s32 $0x6, s12;
	v1 =	vld.idx.msk [tilespmem:v12+s30+$0x0], $0xffff;
	[tilespmem:s11+$0x100] =	vst v6  }
0x3a3: {  	v9 =	vadd.s32 s14, v0;
	v2 =	vld.idx.msk [tilespmem:v14+s30+$0x0], $0xffff;
	[tilespmem:s11+$0x180] =	vst v13  }
0x3a4: {  	v7 =	vadd.s32 s12, v0;
	s12 =	smov.u32 s13;
	s14 =	sadd.s32 $0x7, s13;
	s13 =	sadd.s32 $0x8, s13;
	v6 =	vld.idx.msk [tilespmem:v16+s30+$0x0], $0xffff;
	[tilespmem:s11+$0x200] =	vst v15  }
0x3a5: {  	_ =	sdelay $0x2  }
0x3a6: {  	[tilespmem:s11+$0x280] =	vst v5  }
0x3a7: {  	v55 =	vadd.s32 s14, v0;
	v10 =	vld.idx.msk [tilespmem:v10+s30+$0x0], $0xffff;
	[tilespmem:s11+$0x300] =	vst v4  }
0x3a8: {  	s13 =	sadd.s32 $0x1, s12;
	v11 =	vld.idx.msk [tilespmem:v11+s30+$0x0], $0xffff;
	v62 =	vadd.s32 s12, v0;
	[tilespmem:s11+$0x0] =	vst v3;
	s11 =	sadd.s32 $0x800, s11  }
0x3a9: {  	s15 =	sadd.s32 $0x2, s12;
	v8 =	vld.idx.msk [tilespmem:v8+s30+$0x0], $0xffff;
	v56 =	vadd.s32 s13, v0;
	[tilespmem:s11+$0x380] =	vst v1  }
0x3aa: {  	s14 =	sadd.s32 $0x3, s12;
	v9 =	vld.idx.msk [tilespmem:v9+s30+$0x0], $0xffff;
	v57 =	vadd.s32 s15, v0;
	[tilespmem:s11+$0x80] =	vst v2  }
0x3ab: {  	v7 =	vld.idx.msk [tilespmem:v7+s30+$0x0], $0xffff;
	v58 =	vadd.s32 s14, v0;
	s15 =	sadd.s32 $0x4, s12;
	[tilespmem:s11+$0x100] =	vst v6  }
0x3ac: {  	s14 =	sadd.s32 $0x5, s12;
	v59 =	vadd.s32 s15, v0;
	s15 =	sadd.s32 $0x6, s12;
	v5 =	vld.idx.msk [tilespmem:v55+s30+$0x0], $0xffff;
	[tilespmem:s11+$0x180] =	vst v10  }
0x3ad: {  	v60 =	vadd.s32 s14, v0;
	v61 =	vadd.s32 s15, v0;
	[tilespmem:s11+$0x200] =	vst v11;
	v0 =	vld.idx.msk [tilespmem:v62+s30+$0x0], $0xffff  }
0x3ae: {  	[tilespmem:s11+$0x280] =	vst v8;
	v4 =	vld.idx.msk [tilespmem:v56+s30+$0x0], $0xffff  }
0x3af: {  	[tilespmem:s11+$0x300] =	vst v9;
	v3 =	vld.idx.msk [tilespmem:v57+s30+$0x0], $0xffff  }
0x3b0: {  	[tilespmem:s11+$0x0] =	vst v7;
	s11 =	sadd.s32 $0x800, s11;
	v1 =	vld.idx.msk [tilespmem:v58+s30+$0x0], $0xffff  }
0x3b1: {  	v2 =	vld.idx.msk [tilespmem:v59+s30+$0x0], $0xffff;
	[tilespmem:s11+$0x380] =	vst v5  }
0x3b2: {  	s10 =	sadd.s32 $0x1, s10;
	v6 =	vld.idx.msk [tilespmem:v60+s30+$0x0], $0xffff;
	[tilespmem:s11+$0x0] =	vst v0  }
0x3b3: {  	p0 =	sne.s32 s10, $0x10;
	v63 =	vld.idx.msk [tilespmem:v61+s30+$0x0], $0xffff;
	[tilespmem:s11+$0x80] =	vst v4  }
.Ltmp33:
0x3b4: {  	[tilespmem:s11+$0x100] =	vst v3;
	(pc) =	sbr.rel @p0 .LBB2_66-.Ltmp33, $4  }
0x3b5: {  	[tilespmem:s11+$0x180] =	vst v1  }
0x3b6: {  	[tilespmem:s11+$0x200] =	vst v2  }
0x3b7: {  	[tilespmem:s11+$0x280] =	vst v6  }
0x3b8: {  	s9 =	sadd.s32 $0x80, s9;
	s8 =	sadd.s32 $0x1, s8;
	[tilespmem:s11+$0x300] =	vst v63  }
0x3b9: {  	[hbm4b:s21+s31] =	stream.strided.scatter [tilespmem:s1], [sflag:$0x2], $0x4000, s28, s31, $0x38;
	[tilespmem:$0x1DE00] =	vst v63  }
0x3ba: {  	_ =	swait.ge [sflag:s5], $0x4000  }
0x3bb: {  	s7 =	simm.s32 $0x0;
	s8 =	simm.s32 $0x0;
	[sflag:s5] =	ssyncset.done $0x0  }
0x3bc: {  	s9 =	simm.s32 $0x0;
	s10 =	simm.s32 $0x0;
	[sflag:s5] =	ssyncadd.s32 $0xFFFFC000  }
.LBB2_70:
0x3bd: {  	s11 =	sshll.u32 s10, $0x4;
	s12 =	sshll.u32 s10, $0x7  }
0x3be: {  	s11 =	sand.u32 $0x70, s11;
	s12 =	sand.u32 $0x400, s12  }
0x3bf: {  	s11 =	sor.u32 s11, s12  }
0x3c0: {  	v0 =	vld [tilespmem:s11+$0x1800];
	_ =	sdelay $0x4  }
0x3c1: {  	v0 =	vmul.u32 $0x41, v0  }
0x3c2: {  	s12 =	simm.s32 $0x7  }
0x3c3: {  	s13 =	simm.s32 $0x1;
	v1 =	vadd.s32 s12, v0  }
0x3c4: {  	s14 =	simm.s32 $0x2;
	v2 =	vadd.s32 s13, v0  }
0x3c5: {  	s15 =	simm.s32 $0x3;
	v3 =	vadd.s32 s14, v0  }
0x3c6: {  	v4 =	vadd.s32 s15, v0;
	s12 =	simm.s32 $0x4  }
0x3c7: {  	s13 =	simm.s32 $0x5;
	v5 =	vadd.s32 s12, v0  }
0x3c8: {  	s14 =	simm.s32 $0x6;
	v6 =	vadd.s32 s13, v0;
	v1 =	vld.idx.msk [tilespmem:v1+s30+$0x0], $0xffff  }
0x3c9: {  	s15 =	sshll.u32 s9, $0x2;
	s13 =	sand.u32 $0x7, s8;
	v7 =	vadd.s32 s14, v0;
	s14 =	simm.s32 $0xF;
	v2 =	vld.idx.msk [tilespmem:v2+s30+$0x0], $0xffff  }
0x3ca: {  	s12 =	sand.u32 $0xFFFFF000, s15;
	s13 =	sshll.u32 s13, $0x6;
	v11 =	vadd.s32 s14, v0;
	v9 =	vld.idx.msk [tilespmem:v3+s30+$0x0], $0xffff  }
0x3cb: {  	v8 =	vadd.s32 s7, v0;
	s14 =	simm.s32 $0xA;
	s11 =	sor.u32 s13, s12;
	v12 =	vld.idx.msk [tilespmem:v4+s30+$0x0], $0xffff  }
0x3cc: {  	s15 =	simm.s32 $0x9;
	v15 =	vadd.s32 s14, v0;
	s11 =	sshrl.u32 s11, $0x2;
	v14 =	vld.idx.msk [tilespmem:v5+s30+$0x0], $0xffff  }
0x3cd: {  	v13 =	vadd.s32 s15, v0;
	s15 =	simm.s32 $0xB;
	s11 =	sadd.s32 $0x19E00, s11;
	v5 =	vld.idx.msk [tilespmem:v6+s30+$0x0], $0xffff  }
0x3ce: {  	v10 =	vadd.s32 s15, v0;
	s13 =	simm.s32 $0xC;
	v4 =	vld.idx.msk [tilespmem:v7+s30+$0x0], $0xffff;
	[tilespmem:s11+$0x380] =	vst v1  }
0x3cf: {  	s14 =	simm.s32 $0xD;
	[tilespmem:s11+$0x80] =	vst v2;
	v1 =	vld.idx.msk [tilespmem:v11+s30+$0x0], $0xffff;
	v11 =	vadd.s32 s13, v0  }
0x3d0: {  	v3 =	vld.idx.msk [tilespmem:v8+s30+$0x0], $0xffff;
	v8 =	vadd.s32 s14, v0;
	s14 =	simm.s32 $0xE;
	[tilespmem:s11+$0x100] =	vst v9  }
0x3d1: {  	s15 =	simm.s32 $0x8;
	v6 =	vld.idx.msk [tilespmem:v15+s30+$0x0], $0xffff;
	[tilespmem:s11+$0x180] =	vst v12;
	v9 =	vadd.s32 s14, v0  }
0x3d2: {  	s12 =	simm.s32 $0x10;
	v7 =	vadd.s32 s15, v0;
	v2 =	vld.idx.msk [tilespmem:v13+s30+$0x0], $0xffff;
	s14 =	simm.s32 $0x17;
	s13 =	simm.s32 $0x18;
	[tilespmem:s11+$0x200] =	vst v14  }
.LBB2_71:
0x3d3: {  	p0 =	slt.u32 s13, $0x38;
	s15 =	sadd.s32 $0x1, s12;
	v12 =	vadd.s32 s14, v0;
	v13 =	vld.idx.msk [tilespmem:v10+s30+$0x0], $0xffff;
	[tilespmem:s11+$0x280] =	vst v5  }
0x3d4: {  	s14 =	sadd.s32 $0x2, s12;
	v14 =	vadd.s32 s15, v0;
	v15 =	vld.idx.msk [tilespmem:v11+s30+$0x0], $0xffff;
	[tilespmem:s11+$0x300] =	vst v4  }
0x3d5: {  	v16 =	vadd.s32 s14, v0;
	s14 =	sadd.s32 $0x3, s12;
	v5 =	vld.idx.msk [tilespmem:v8+s30+$0x0], $0xffff;
	[tilespmem:s11+$0x0] =	vst v3;
	s11 =	sadd.s32 $0x800, s11  }
.Ltmp34:
0x3d6: {  	v10 =	vadd.s32 s14, v0;
	s14 =	sadd.s32 $0x4, s12;
	v4 =	vld.idx.msk [tilespmem:v9+s30+$0x0], $0xffff;
	[tilespmem:s11+$0x380] =	vst v1;
	(pc) =	sbr.rel @p0 .LBB2_71-.Ltmp34, $4  }
0x3d7: {  	v11 =	vadd.s32 s14, v0;
	s14 =	sadd.s32 $0x5, s12;
	v3 =	vld.idx.msk [tilespmem:v7+s30+$0x0], $0xffff;
	[tilespmem:s11+$0x80] =	vst v2  }
0x3d8: {  	v8 =	vadd.s32 s14, v0;
	s14 =	sadd.s32 $0x6, s12;
	v1 =	vld.idx.msk [tilespmem:v12+s30+$0x0], $0xffff;
	[tilespmem:s11+$0x100] =	vst v6  }
0x3d9: {  	v9 =	vadd.s32 s14, v0;
	v2 =	vld.idx.msk [tilespmem:v14+s30+$0x0], $0xffff;
	[tilespmem:s11+$0x180] =	vst v13  }
0x3da: {  	v7 =	vadd.s32 s12, v0;
	s12 =	smov.u32 s13;
	s14 =	sadd.s32 $0x7, s13;
	s13 =	sadd.s32 $0x8, s13;
	v6 =	vld.idx.msk [tilespmem:v16+s30+$0x0], $0xffff;
	[tilespmem:s11+$0x200] =	vst v15  }
0x3db: {  	_ =	sdelay $0x2  }
0x3dc: {  	[tilespmem:s11+$0x280] =	vst v5  }
0x3dd: {  	v55 =	vadd.s32 s14, v0;
	v10 =	vld.idx.msk [tilespmem:v10+s30+$0x0], $0xffff;
	[tilespmem:s11+$0x300] =	vst v4  }
0x3de: {  	s13 =	sadd.s32 $0x1, s12;
	v11 =	vld.idx.msk [tilespmem:v11+s30+$0x0], $0xffff;
	v62 =	vadd.s32 s12, v0;
	[tilespmem:s11+$0x0] =	vst v3;
	s11 =	sadd.s32 $0x800, s11  }
0x3df: {  	s15 =	sadd.s32 $0x2, s12;
	v8 =	vld.idx.msk [tilespmem:v8+s30+$0x0], $0xffff;
	v56 =	vadd.s32 s13, v0;
	[tilespmem:s11+$0x380] =	vst v1  }
0x3e0: {  	s14 =	sadd.s32 $0x3, s12;
	v9 =	vld.idx.msk [tilespmem:v9+s30+$0x0], $0xffff;
	v57 =	vadd.s32 s15, v0;
	[tilespmem:s11+$0x80] =	vst v2  }
0x3e1: {  	v7 =	vld.idx.msk [tilespmem:v7+s30+$0x0], $0xffff;
	v58 =	vadd.s32 s14, v0;
	s15 =	sadd.s32 $0x4, s12;
	[tilespmem:s11+$0x100] =	vst v6  }
0x3e2: {  	s14 =	sadd.s32 $0x5, s12;
	v59 =	vadd.s32 s15, v0;
	s15 =	sadd.s32 $0x6, s12;
	v5 =	vld.idx.msk [tilespmem:v55+s30+$0x0], $0xffff;
	[tilespmem:s11+$0x180] =	vst v10  }
0x3e3: {  	v60 =	vadd.s32 s14, v0;
	v61 =	vadd.s32 s15, v0;
	[tilespmem:s11+$0x200] =	vst v11;
	v0 =	vld.idx.msk [tilespmem:v62+s30+$0x0], $0xffff  }
0x3e4: {  	[tilespmem:s11+$0x280] =	vst v8;
	v4 =	vld.idx.msk [tilespmem:v56+s30+$0x0], $0xffff  }
0x3e5: {  	[tilespmem:s11+$0x300] =	vst v9;
	v3 =	vld.idx.msk [tilespmem:v57+s30+$0x0], $0xffff  }
0x3e6: {  	[tilespmem:s11+$0x0] =	vst v7;
	s11 =	sadd.s32 $0x800, s11;
	v1 =	vld.idx.msk [tilespmem:v58+s30+$0x0], $0xffff  }
0x3e7: {  	v2 =	vld.idx.msk [tilespmem:v59+s30+$0x0], $0xffff;
	[tilespmem:s11+$0x380] =	vst v5  }
0x3e8: {  	s10 =	sadd.s32 $0x1, s10;
	v6 =	vld.idx.msk [tilespmem:v60+s30+$0x0], $0xffff;
	[tilespmem:s11+$0x0] =	vst v0  }
0x3e9: {  	p0 =	sne.s32 s10, $0x10;
	v63 =	vld.idx.msk [tilespmem:v61+s30+$0x0], $0xffff;
	[tilespmem:s11+$0x80] =	vst v4  }
.Ltmp35:
0x3ea: {  	[tilespmem:s11+$0x100] =	vst v3;
	(pc) =	sbr.rel @p0 .LBB2_70-.Ltmp35, $4  }
0x3eb: {  	[tilespmem:s11+$0x180] =	vst v1  }
0x3ec: {  	[tilespmem:s11+$0x200] =	vst v2  }
0x3ed: {  	[tilespmem:s11+$0x280] =	vst v6  }
0x3ee: {  	s9 =	sadd.s32 $0x80, s9;
	s8 =	sadd.s32 $0x1, s8;
	[tilespmem:s11+$0x300] =	vst v63  }
0x3ef: {  	[hbm4b:s22+s31] =	stream.strided.scatter [tilespmem:s26], [sflag:$0x3], $0x4000, s28, s31, $0x38;
	[tilespmem:$0x1DE00] =	vst v63  }
0x3f0: {  	_ =	swait.ge [sflag:s2], $0x4000  }
0x3f1: {  	s7 =	simm.s32 $0x0;
	s8 =	simm.s32 $0x0;
	[sflag:s2] =	ssyncset.done $0x0  }
0x3f2: {  	s9 =	simm.s32 $0x0;
	s10 =	simm.s32 $0x0;
	[sflag:s2] =	ssyncadd.s32 $0xFFFFC000  }
.LBB2_74:
0x3f3: {  	s11 =	sshll.u32 s10, $0x4;
	s12 =	sshll.u32 s10, $0x7  }
0x3f4: {  	s11 =	sand.u32 $0x70, s11;
	s12 =	sand.u32 $0x400, s12  }
0x3f5: {  	s11 =	sor.u32 s11, s12  }
0x3f6: {  	v0 =	vld [tilespmem:s11+$0x1080];
	_ =	sdelay $0x4  }
0x3f7: {  	v0 =	vmul.u32 $0x41, v0  }
0x3f8: {  	s12 =	simm.s32 $0x7  }
0x3f9: {  	s13 =	simm.s32 $0x1;
	v1 =	vadd.s32 s12, v0  }
0x3fa: {  	s14 =	simm.s32 $0x2;
	v2 =	vadd.s32 s13, v0  }
0x3fb: {  	s15 =	simm.s32 $0x3;
	v3 =	vadd.s32 s14, v0  }
0x3fc: {  	v4 =	vadd.s32 s15, v0;
	s12 =	simm.s32 $0x4  }
0x3fd: {  	s13 =	simm.s32 $0x5;
	v5 =	vadd.s32 s12, v0  }
0x3fe: {  	s14 =	simm.s32 $0x6;
	v6 =	vadd.s32 s13, v0;
	v1 =	vld.idx.msk [tilespmem:v1+s30+$0x0], $0xffff  }
0x3ff: {  	s15 =	sshll.u32 s9, $0x2;
	s13 =	sand.u32 $0x7, s8;
	v7 =	vadd.s32 s14, v0;
	s14 =	simm.s32 $0xF;
	v2 =	vld.idx.msk [tilespmem:v2+s30+$0x0], $0xffff  }
0x400: {  	s12 =	sand.u32 $0xFFFFF000, s15;
	s13 =	sshll.u32 s13, $0x6;
	v11 =	vadd.s32 s14, v0;
	v9 =	vld.idx.msk [tilespmem:v3+s30+$0x0], $0xffff  }
0x401: {  	v8 =	vadd.s32 s7, v0;
	s14 =	simm.s32 $0xA;
	s11 =	sor.u32 s13, s12;
	v12 =	vld.idx.msk [tilespmem:v4+s30+$0x0], $0xffff  }
0x402: {  	s15 =	simm.s32 $0x9;
	v15 =	vadd.s32 s14, v0;
	s11 =	sshrl.u32 s11, $0x2;
	v14 =	vld.idx.msk [tilespmem:v5+s30+$0x0], $0xffff  }
0x403: {  	v13 =	vadd.s32 s15, v0;
	s15 =	simm.s32 $0xB;
	s11 =	sadd.s32 $0x12000, s11;
	v5 =	vld.idx.msk [tilespmem:v6+s30+$0x0], $0xffff  }
0x404: {  	v10 =	vadd.s32 s15, v0;
	s13 =	simm.s32 $0xC;
	v4 =	vld.idx.msk [tilespmem:v7+s30+$0x0], $0xffff;
	[tilespmem:s11+$0x180] =	vst v1  }
0x405: {  	s14 =	simm.s32 $0xD;
	[tilespmem:s11+$0xFFFFFE80] =	vst v2;
	v1 =	vld.idx.msk [tilespmem:v11+s30+$0x0], $0xffff;
	v11 =	vadd.s32 s13, v0  }
0x406: {  	v3 =	vld.idx.msk [tilespmem:v8+s30+$0x0], $0xffff;
	v8 =	vadd.s32 s14, v0;
	s14 =	simm.s32 $0xE;
	[tilespmem:s11+$0xFFFFFF00] =	vst v9  }
0x407: {  	s15 =	simm.s32 $0x8;
	v6 =	vld.idx.msk [tilespmem:v15+s30+$0x0], $0xffff;
	[tilespmem:s11+$0xFFFFFF80] =	vst v12;
	v9 =	vadd.s32 s14, v0  }
0x408: {  	s12 =	simm.s32 $0x10;
	v7 =	vadd.s32 s15, v0;
	v2 =	vld.idx.msk [tilespmem:v13+s30+$0x0], $0xffff;
	s14 =	simm.s32 $0x17;
	s13 =	simm.s32 $0x18;
	[tilespmem:s11+$0x0] =	vst v14  }
.LBB2_75:
0x409: {  	p0 =	slt.u32 s13, $0x38;
	s15 =	sadd.s32 $0x1, s12;
	v12 =	vadd.s32 s14, v0;
	v13 =	vld.idx.msk [tilespmem:v10+s30+$0x0], $0xffff;
	[tilespmem:s11+$0x80] =	vst v5  }
0x40a: {  	s14 =	sadd.s32 $0x2, s12;
	v14 =	vadd.s32 s15, v0;
	v15 =	vld.idx.msk [tilespmem:v11+s30+$0x0], $0xffff;
	[tilespmem:s11+$0x100] =	vst v4  }
0x40b: {  	v16 =	vadd.s32 s14, v0;
	s14 =	sadd.s32 $0x3, s12;
	v5 =	vld.idx.msk [tilespmem:v8+s30+$0x0], $0xffff;
	[tilespmem:s11+$0xFFFFFE00] =	vst v3;
	s11 =	sadd.s32 $0x800, s11  }
.Ltmp36:
0x40c: {  	v10 =	vadd.s32 s14, v0;
	s14 =	sadd.s32 $0x4, s12;
	v4 =	vld.idx.msk [tilespmem:v9+s30+$0x0], $0xffff;
	[tilespmem:s11+$0x180] =	vst v1;
	(pc) =	sbr.rel @p0 .LBB2_75-.Ltmp36, $4  }
0x40d: {  	v11 =	vadd.s32 s14, v0;
	s14 =	sadd.s32 $0x5, s12;
	v3 =	vld.idx.msk [tilespmem:v7+s30+$0x0], $0xffff;
	[tilespmem:s11+$0xFFFFFE80] =	vst v2  }
0x40e: {  	v8 =	vadd.s32 s14, v0;
	s14 =	sadd.s32 $0x6, s12;
	v1 =	vld.idx.msk [tilespmem:v12+s30+$0x0], $0xffff;
	[tilespmem:s11+$0xFFFFFF00] =	vst v6  }
0x40f: {  	v9 =	vadd.s32 s14, v0;
	v2 =	vld.idx.msk [tilespmem:v14+s30+$0x0], $0xffff;
	[tilespmem:s11+$0xFFFFFF80] =	vst v13  }
0x410: {  	v7 =	vadd.s32 s12, v0;
	s12 =	smov.u32 s13;
	s14 =	sadd.s32 $0x7, s13;
	s13 =	sadd.s32 $0x8, s13;
	v6 =	vld.idx.msk [tilespmem:v16+s30+$0x0], $0xffff;
	[tilespmem:s11+$0x0] =	vst v15  }
0x411: {  	_ =	sdelay $0x2  }
0x412: {  	[tilespmem:s11+$0x80] =	vst v5  }
0x413: {  	v55 =	vadd.s32 s14, v0;
	v10 =	vld.idx.msk [tilespmem:v10+s30+$0x0], $0xffff;
	[tilespmem:s11+$0x100] =	vst v4  }
0x414: {  	s13 =	sadd.s32 $0x1, s12;
	v11 =	vld.idx.msk [tilespmem:v11+s30+$0x0], $0xffff;
	v62 =	vadd.s32 s12, v0;
	[tilespmem:s11+$0xFFFFFE00] =	vst v3;
	s11 =	sadd.s32 $0x800, s11  }
0x415: {  	s15 =	sadd.s32 $0x2, s12;
	v8 =	vld.idx.msk [tilespmem:v8+s30+$0x0], $0xffff;
	v56 =	vadd.s32 s13, v0;
	[tilespmem:s11+$0x180] =	vst v1  }
0x416: {  	s14 =	sadd.s32 $0x3, s12;
	v9 =	vld.idx.msk [tilespmem:v9+s30+$0x0], $0xffff;
	v57 =	vadd.s32 s15, v0;
	[tilespmem:s11+$0xFFFFFE80] =	vst v2  }
0x417: {  	v7 =	vld.idx.msk [tilespmem:v7+s30+$0x0], $0xffff;
	v58 =	vadd.s32 s14, v0;
	s15 =	sadd.s32 $0x4, s12;
	[tilespmem:s11+$0xFFFFFF00] =	vst v6  }
0x418: {  	s14 =	sadd.s32 $0x5, s12;
	v59 =	vadd.s32 s15, v0;
	s15 =	sadd.s32 $0x6, s12;
	v5 =	vld.idx.msk [tilespmem:v55+s30+$0x0], $0xffff;
	[tilespmem:s11+$0xFFFFFF80] =	vst v10  }
0x419: {  	v60 =	vadd.s32 s14, v0;
	v61 =	vadd.s32 s15, v0;
	[tilespmem:s11+$0x0] =	vst v11;
	v0 =	vld.idx.msk [tilespmem:v62+s30+$0x0], $0xffff  }
0x41a: {  	[tilespmem:s11+$0x80] =	vst v8;
	v4 =	vld.idx.msk [tilespmem:v56+s30+$0x0], $0xffff  }
0x41b: {  	[tilespmem:s11+$0x100] =	vst v9;
	v3 =	vld.idx.msk [tilespmem:v57+s30+$0x0], $0xffff  }
0x41c: {  	[tilespmem:s11+$0xFFFFFE00] =	vst v7;
	s11 =	sadd.s32 $0x800, s11;
	v1 =	vld.idx.msk [tilespmem:v58+s30+$0x0], $0xffff  }
0x41d: {  	v2 =	vld.idx.msk [tilespmem:v59+s30+$0x0], $0xffff;
	[tilespmem:s11+$0x180] =	vst v5  }
0x41e: {  	s10 =	sadd.s32 $0x1, s10;
	v6 =	vld.idx.msk [tilespmem:v60+s30+$0x0], $0xffff;
	[tilespmem:s11+$0xFFFFFE00] =	vst v0  }
0x41f: {  	p0 =	sne.s32 s10, $0x10;
	v63 =	vld.idx.msk [tilespmem:v61+s30+$0x0], $0xffff;
	[tilespmem:s11+$0xFFFFFE80] =	vst v4  }
.Ltmp37:
0x420: {  	[tilespmem:s11+$0xFFFFFF00] =	vst v3;
	(pc) =	sbr.rel @p0 .LBB2_74-.Ltmp37, $4  }
0x421: {  	[tilespmem:s11+$0xFFFFFF80] =	vst v1  }
0x422: {  	[tilespmem:s11+$0x0] =	vst v2  }
0x423: {  	[tilespmem:s11+$0x80] =	vst v6  }
0x424: {  	s9 =	sadd.s32 $0x80, s9;
	s8 =	sadd.s32 $0x1, s8;
	[tilespmem:s11+$0x100] =	vst v63  }
0x425: {  	[hbm4b:s23+s31] =	stream.strided.scatter [tilespmem:s0], [sflag:$0x1], $0x4000, s28, s31, $0x38;
	[tilespmem:$0x1DE00] =	vst v63  }
0x426: {  	_ =	swait.ge [sflag:s3], $0x4000  }
0x427: {  	s7 =	simm.s32 $0x0;
	s8 =	simm.s32 $0x0;
	[sflag:s3] =	ssyncset.done $0x0  }
0x428: {  	s9 =	simm.s32 $0x0;
	s10 =	simm.s32 $0x0;
	[sflag:s3] =	ssyncadd.s32 $0xFFFFC000  }
.LBB2_78:
0x429: {  	s11 =	sshll.u32 s10, $0x4;
	s12 =	sshll.u32 s10, $0x7  }
0x42a: {  	s11 =	sand.u32 $0x70, s11;
	s12 =	sand.u32 $0x400, s12  }
0x42b: {  	s11 =	sor.u32 s11, s12  }
0x42c: {  	v0 =	vld [tilespmem:s11+$0x1880];
	_ =	sdelay $0x4  }
0x42d: {  	v0 =	vmul.u32 $0x41, v0  }
0x42e: {  	s12 =	simm.s32 $0x7  }
0x42f: {  	s13 =	simm.s32 $0x1;
	v1 =	vadd.s32 s12, v0  }
0x430: {  	s14 =	simm.s32 $0x2;
	v2 =	vadd.s32 s13, v0  }
0x431: {  	s15 =	simm.s32 $0x3;
	v3 =	vadd.s32 s14, v0  }
0x432: {  	v4 =	vadd.s32 s15, v0;
	s12 =	simm.s32 $0x4  }
0x433: {  	s13 =	simm.s32 $0x5;
	v5 =	vadd.s32 s12, v0  }
0x434: {  	s14 =	simm.s32 $0x6;
	v6 =	vadd.s32 s13, v0;
	v1 =	vld.idx.msk [tilespmem:v1+s30+$0x0], $0xffff  }
0x435: {  	s15 =	sshll.u32 s9, $0x2;
	s13 =	sand.u32 $0x7, s8;
	v7 =	vadd.s32 s14, v0;
	s14 =	simm.s32 $0xF;
	v2 =	vld.idx.msk [tilespmem:v2+s30+$0x0], $0xffff  }
0x436: {  	s12 =	sand.u32 $0xFFFFF000, s15;
	s13 =	sshll.u32 s13, $0x6;
	v11 =	vadd.s32 s14, v0;
	v9 =	vld.idx.msk [tilespmem:v3+s30+$0x0], $0xffff  }
0x437: {  	v8 =	vadd.s32 s7, v0;
	s14 =	simm.s32 $0xA;
	s11 =	sor.u32 s13, s12;
	v12 =	vld.idx.msk [tilespmem:v4+s30+$0x0], $0xffff  }
0x438: {  	s15 =	simm.s32 $0x9;
	v15 =	vadd.s32 s14, v0;
	s11 =	sshrl.u32 s11, $0x2;
	v14 =	vld.idx.msk [tilespmem:v5+s30+$0x0], $0xffff  }
0x439: {  	v13 =	vadd.s32 s15, v0;
	s15 =	simm.s32 $0xB;
	s11 =	sadd.s32 $0x15E00, s11;
	v5 =	vld.idx.msk [tilespmem:v6+s30+$0x0], $0xffff  }
0x43a: {  	v10 =	vadd.s32 s15, v0;
	s13 =	simm.s32 $0xC;
	v4 =	vld.idx.msk [tilespmem:v7+s30+$0x0], $0xffff;
	[tilespmem:s11+$0x380] =	vst v1  }
0x43b: {  	s14 =	simm.s32 $0xD;
	[tilespmem:s11+$0x80] =	vst v2;
	v1 =	vld.idx.msk [tilespmem:v11+s30+$0x0], $0xffff;
	v11 =	vadd.s32 s13, v0  }
0x43c: {  	v3 =	vld.idx.msk [tilespmem:v8+s30+$0x0], $0xffff;
	v8 =	vadd.s32 s14, v0;
	s14 =	simm.s32 $0xE;
	[tilespmem:s11+$0x100] =	vst v9  }
0x43d: {  	s15 =	simm.s32 $0x8;
	v6 =	vld.idx.msk [tilespmem:v15+s30+$0x0], $0xffff;
	[tilespmem:s11+$0x180] =	vst v12;
	v9 =	vadd.s32 s14, v0  }
0x43e: {  	s12 =	simm.s32 $0x10;
	v7 =	vadd.s32 s15, v0;
	v2 =	vld.idx.msk [tilespmem:v13+s30+$0x0], $0xffff;
	s14 =	simm.s32 $0x17;
	s13 =	simm.s32 $0x18;
	[tilespmem:s11+$0x200] =	vst v14  }
.LBB2_79:
0x43f: {  	p0 =	slt.u32 s13, $0x38;
	s15 =	sadd.s32 $0x1, s12;
	v12 =	vadd.s32 s14, v0;
	v13 =	vld.idx.msk [tilespmem:v10+s30+$0x0], $0xffff;
	[tilespmem:s11+$0x280] =	vst v5  }
0x440: {  	s14 =	sadd.s32 $0x2, s12;
	v14 =	vadd.s32 s15, v0;
	v15 =	vld.idx.msk [tilespmem:v11+s30+$0x0], $0xffff;
	[tilespmem:s11+$0x300] =	vst v4  }
0x441: {  	v16 =	vadd.s32 s14, v0;
	s14 =	sadd.s32 $0x3, s12;
	v5 =	vld.idx.msk [tilespmem:v8+s30+$0x0], $0xffff;
	[tilespmem:s11+$0x0] =	vst v3;
	s11 =	sadd.s32 $0x800, s11  }
.Ltmp38:
0x442: {  	v10 =	vadd.s32 s14, v0;
	s14 =	sadd.s32 $0x4, s12;
	v4 =	vld.idx.msk [tilespmem:v9+s30+$0x0], $0xffff;
	[tilespmem:s11+$0x380] =	vst v1;
	(pc) =	sbr.rel @p0 .LBB2_79-.Ltmp38, $4  }
0x443: {  	v11 =	vadd.s32 s14, v0;
	s14 =	sadd.s32 $0x5, s12;
	v3 =	vld.idx.msk [tilespmem:v7+s30+$0x0], $0xffff;
	[tilespmem:s11+$0x80] =	vst v2  }
0x444: {  	v8 =	vadd.s32 s14, v0;
	s14 =	sadd.s32 $0x6, s12;
	v1 =	vld.idx.msk [tilespmem:v12+s30+$0x0], $0xffff;
	[tilespmem:s11+$0x100] =	vst v6  }
0x445: {  	v9 =	vadd.s32 s14, v0;
	v2 =	vld.idx.msk [tilespmem:v14+s30+$0x0], $0xffff;
	[tilespmem:s11+$0x180] =	vst v13  }
0x446: {  	v7 =	vadd.s32 s12, v0;
	s12 =	smov.u32 s13;
	s14 =	sadd.s32 $0x7, s13;
	s13 =	sadd.s32 $0x8, s13;
	v6 =	vld.idx.msk [tilespmem:v16+s30+$0x0], $0xffff;
	[tilespmem:s11+$0x200] =	vst v15  }
0x447: {  	_ =	sdelay $0x2  }
0x448: {  	[tilespmem:s11+$0x280] =	vst v5  }
0x449: {  	v55 =	vadd.s32 s14, v0;
	v10 =	vld.idx.msk [tilespmem:v10+s30+$0x0], $0xffff;
	[tilespmem:s11+$0x300] =	vst v4  }
0x44a: {  	s13 =	sadd.s32 $0x1, s12;
	v11 =	vld.idx.msk [tilespmem:v11+s30+$0x0], $0xffff;
	v62 =	vadd.s32 s12, v0;
	[tilespmem:s11+$0x0] =	vst v3;
	s11 =	sadd.s32 $0x800, s11  }
0x44b: {  	s15 =	sadd.s32 $0x2, s12;
	v8 =	vld.idx.msk [tilespmem:v8+s30+$0x0], $0xffff;
	v56 =	vadd.s32 s13, v0;
	[tilespmem:s11+$0x380] =	vst v1  }
0x44c: {  	s14 =	sadd.s32 $0x3, s12;
	v9 =	vld.idx.msk [tilespmem:v9+s30+$0x0], $0xffff;
	v57 =	vadd.s32 s15, v0;
	[tilespmem:s11+$0x80] =	vst v2  }
0x44d: {  	v7 =	vld.idx.msk [tilespmem:v7+s30+$0x0], $0xffff;
	v58 =	vadd.s32 s14, v0;
	s15 =	sadd.s32 $0x4, s12;
	[tilespmem:s11+$0x100] =	vst v6  }
0x44e: {  	s14 =	sadd.s32 $0x5, s12;
	v59 =	vadd.s32 s15, v0;
	s15 =	sadd.s32 $0x6, s12;
	v5 =	vld.idx.msk [tilespmem:v55+s30+$0x0], $0xffff;
	[tilespmem:s11+$0x180] =	vst v10  }
0x44f: {  	v60 =	vadd.s32 s14, v0;
	v61 =	vadd.s32 s15, v0;
	[tilespmem:s11+$0x200] =	vst v11;
	v0 =	vld.idx.msk [tilespmem:v62+s30+$0x0], $0xffff  }
0x450: {  	[tilespmem:s11+$0x280] =	vst v8;
	v4 =	vld.idx.msk [tilespmem:v56+s30+$0x0], $0xffff  }
0x451: {  	[tilespmem:s11+$0x300] =	vst v9;
	v3 =	vld.idx.msk [tilespmem:v57+s30+$0x0], $0xffff  }
0x452: {  	[tilespmem:s11+$0x0] =	vst v7;
	s11 =	sadd.s32 $0x800, s11;
	v1 =	vld.idx.msk [tilespmem:v58+s30+$0x0], $0xffff  }
0x453: {  	v2 =	vld.idx.msk [tilespmem:v59+s30+$0x0], $0xffff;
	[tilespmem:s11+$0x380] =	vst v5  }
0x454: {  	s10 =	sadd.s32 $0x1, s10;
	v6 =	vld.idx.msk [tilespmem:v60+s30+$0x0], $0xffff;
	[tilespmem:s11+$0x0] =	vst v0  }
0x455: {  	p0 =	sne.s32 s10, $0x10;
	v63 =	vld.idx.msk [tilespmem:v61+s30+$0x0], $0xffff;
	[tilespmem:s11+$0x80] =	vst v4  }
.Ltmp39:
0x456: {  	[tilespmem:s11+$0x100] =	vst v3;
	(pc) =	sbr.rel @p0 .LBB2_78-.Ltmp39, $4  }
0x457: {  	[tilespmem:s11+$0x180] =	vst v1  }
0x458: {  	[tilespmem:s11+$0x200] =	vst v2  }
0x459: {  	[tilespmem:s11+$0x280] =	vst v6  }
0x45a: {  	s9 =	sadd.s32 $0x80, s9;
	s8 =	sadd.s32 $0x1, s8;
	[tilespmem:s11+$0x300] =	vst v63  }
0x45b: {  	[hbm4b:s24+s31] =	stream.strided.scatter [tilespmem:s1], [sflag:$0x2], $0x4000, s28, s31, $0x38;
	[tilespmem:$0x1DE00] =	vst v63  }
0x45c: {  	_ =	swait.ge [sflag:s5], $0x4000  }
0x45d: {  	[sflag:s5] =	ssyncset.done $0x0  }
0x45e: {  	s6 =	sadd.s32 $0x1, s6;
	[sflag:s5] =	ssyncadd.s32 $0xFFFFC000  }
0x45f: {  	p0 =	sne.s32 s6, s25;
	_ =	swait.ge [sflag:s2], $0x4000  }
.Ltmp40:
0x460: {  	[sflag:s2] =	ssyncset.done $0x0;
	(pc) =	sbr.rel @p0 .LBB2_1-.Ltmp40, $4  }
0x461: {  	[sflag:s2] =	ssyncadd.s32 $0xFFFFC000  }
0x462: {  	_ =	swait.ge [sflag:s3], $0x4000  }
0x463: {  	[sflag:s3] =	ssyncset.done $0x0  }
0x464: {  	[sflag:s3] =	ssyncadd.s32 $0xFFFFC000  }
0x465: {  	_ =	sfence.sel $0x180000  }
0x466: {  	[bflag:$0x0] =	sbarrier.arrive $0xFFFF  }
0x467: {  	_ =	strace $0x90000047  }
0x468: {  	s0 =	stileid.u32;
	[bflag:$0x2] =	sbarrier.arrive $0xFFFF  }
0x469: {  	p0 =	sne.s32 s0, $0x0;
	s0 =	rddreg [dreg:$0x3]  }
0x46a: {  	s0 =	sadd.s32 @!p0 $0x100000, s0  }
0x46b: {  	[sflag:s0] =	ssyncadd.tile.s32 @!p0 $0x1;
	_ =	shalt  }
.Lfunc_end2:
_tile_overlayer_lowered:
.L_overlay_start_2:
0x46c: {  	(tag) =	ssettag $0x2  }
0x46d: {  	s0 =	rddreg [dreg:$0x0];
	s2 =	stileid.u32  }
0x46e: {  	s1 =	rddreg [dreg:$0x1];
	p0 =	sne.s32 s2, $0x0  }
0x46f: {  	s3 =	rddreg [dreg:$0x2];
	[bflag:$0x3] =	sbarrier.arrive $0xFFFF;
	s2 =	simm.s32 @!p0 $0x1C04  }
0x470: {  	[timem:s3], [sflag:s2] =	dma.local @!p0 [hbm:s0], s1  }
0x471: {  	s0 =	simm.s32 @!p0 $0x4  }
0x472: {  	_ =	swait.ge @!p0 [sflag:s0], s1  }
0x473: {  	s1 =	ssub.s32 @!p0 $0x0, s1;
	[sflag:s0] =	ssyncset.done @!p0 $0x0  }
0x474: {  	[sflag:s0] =	ssyncadd.s32 @!p0 s1  }
0x475: {  	[bflag:$0x3] =	sbarrier.arrive $0xFFFF  }
0x476: {  	_ =	shalt  }

</sc_bundles>
